<compile_context>
chip_gen: v7x
topology: tpu7x:2x2x1
jax: 0.10.2.dev20260603
libtpu: 0.0.44.dev20260713+nightly
codegen_flags: <defaults>
</compile_context>

<pallas_src>
import jax
import jax.numpy as jnp
from jax import lax
from jax.experimental import pallas as pl
from jax.experimental.pallas import tpu as pltpu
from jax.experimental.pallas import tpu_sc as plsc

N = 10000
E = 320000
F_IN = 128
H = 128
C = 40

NC = 2
NS = 16
NW = NC * NS
EPW = E // NW
K = 80
NCHUNK = EPW // K
G = 5
NB = NCHUNK // G
NPAD = 10240
RPT = NPAD // NS
ZR = RPT // 5
NP_CNT = 10240
CPT = NP_CNT // NS


def _make_seg_sum(D, with_count):
    mesh = plsc.VectorSubcoreMesh(
        core_axis_name="c", subcore_axis_name="s",
        num_cores=NC, num_subcores=NS)
    out_type = [jax.ShapeDtypeStruct((NC, NPAD, D), jnp.float32)]
    scratch = [
        pltpu.VMEM_SHARED((NPAD, D), jnp.float32),
        pltpu.VMEM((NCHUNK, K), jnp.int32),
        pltpu.VMEM((NCHUNK, K), jnp.int32),
        pltpu.VMEM((G, K, D), jnp.float32),
        pltpu.VMEM((ZR, D), jnp.float32),
        pltpu.SemaphoreType.DMA,
    ]
    if with_count:
        out_type.append(jax.ShapeDtypeStruct((NC, NP_CNT), jnp.float32))
        scratch += [
            pltpu.VMEM_SHARED((NP_CNT,), jnp.float32),
            pltpu.VMEM((CPT,), jnp.float32),
            pltpu.VMEM((K,), jnp.float32),
        ]

    def body(table, srcw, dstw, *refs):
        if with_count:
            (out, cnt_out, acc, src_v, dst_v, rows_v, zbuf, sem,
             cnt_acc, zc, ones_v) = refs
        else:
            out, acc, src_v, dst_v, rows_v, zbuf, sem = refs
        c = lax.axis_index("c")
        s = lax.axis_index("s")
        wid = c * NS + s

        cpl = D // 16

        def zfill(k, _):
            zbuf[k // cpl, pl.ds((k % cpl) * 16, 16)] = jnp.zeros(
                (16,), jnp.float32)
            return 0

        lax.fori_loop(0, ZR * cpl, zfill, 0)
        for t in range(5):
            pltpu.sync_copy(zbuf, acc.at[pl.ds(s * RPT + t * ZR, ZR)])
        if with_count:
            def zc_fill(k, _):
                zc[pl.ds(k * 16, 16)] = jnp.zeros((16,), jnp.float32)
                return 0

            lax.fori_loop(0, CPT // 16, zc_fill, 0)
            pltpu.sync_copy(zc, cnt_acc.at[pl.ds(s * CPT, CPT)])

            def ones_fill(k, _):
                ones_v[pl.ds(k * 16, 16)] = jnp.ones((16,), jnp.float32)
                return 0

            lax.fori_loop(0, K // 16, ones_fill, 0)

        pltpu.sync_copy(srcw.at[wid], src_v)
        pltpu.sync_copy(dstw.at[wid], dst_v)
        plsc.subcore_barrier()

        def batch(t, _):
            base = t * G
            for g in range(G):
                pltpu.async_copy(table.at[src_v.at[base + g]],
                                 rows_v.at[g], sem)
            for g in range(G):
                pltpu.make_async_copy(table.at[src_v.at[base + g]],
                                      rows_v.at[g], sem).wait()
            for g in range(G):
                pltpu.sync_copy(rows_v.at[g], acc.at[dst_v.at[base + g]],
                                add=True)
                if with_count:
                    pltpu.sync_copy(ones_v, cnt_acc.at[dst_v.at[base + g]],
                                    add=True)
            return 0

        lax.fori_loop(0, NB, batch, 0)
        plsc.subcore_barrier()

        pltpu.sync_copy(acc.at[pl.ds(s * RPT, RPT)],
                        out.at[c, pl.ds(s * RPT, RPT)])
        if with_count:
            pltpu.sync_copy(cnt_acc.at[pl.ds(s * CPT, CPT)],
                            cnt_out.at[c, pl.ds(s * CPT, CPT)])

    return pl.kernel(body, out_type=out_type, mesh=mesh,
                     scratch_types=scratch,
                     compiler_params=pltpu.CompilerParams(
                         use_tc_tiling_on_sc=False),
                     name=f"sc_seg_sum_d{D}" + ("_cnt" if with_count else ""))


HD = F_IN // 2
_seg_sum_cnt_64 = _make_seg_sum(HD, True)
_seg_sum_64 = _make_seg_sum(HD, False)
_seg_sum_40 = _make_seg_sum(C, False)


BR = 1000


def _tc_a_body(aggpa, aggpb, cntp, x, w1l, w1r, b1, w2l, w2r, b2,
               p2_o, r2b_o, invc_o, dinv_o):
    agg = jnp.concatenate([aggpa[0] + aggpa[1], aggpb[0] + aggpb[1]], axis=1)
    cnt = cntp[0, 0] + cntp[0, 1]
    invc = (1.0 / jnp.maximum(cnt, 1.0))[:, None]
    dinv = lax.rsqrt(cnt + 1.0)[:, None]
    mean = agg * invc
    h1 = jnp.dot(mean, w1l[...], preferred_element_type=jnp.float32)
    h1 = h1 + jnp.dot(x[...], w1r[...], preferred_element_type=jnp.float32)
    h1 = jnp.maximum(h1 + b1[...], 0.0)
    p2_o[...] = jnp.dot(h1, w2l[...], preferred_element_type=jnp.float32)
    r2b_o[...] = jnp.dot(h1, w2r[...],
                         preferred_element_type=jnp.float32) + b2[...]
    invc_o[...] = invc
    dinv_o[...] = dinv


def _tc_b_body(aggp, invc, r2b, wc, dinv, y_o):
    h2 = (aggp[0] + aggp[1]) * invc[...] + r2b[...]
    xw = jnp.dot(h2, wc[...], preferred_element_type=jnp.float32)
    y_o[...] = xw * dinv[...]


def _tc_c_body(aggp, y, dinv, bc, out_o):
    out_o[...] = dinv[...] * (aggp[0] + aggp[1] + y[...]) + bc[...]


def _row_spec(d):
    return pl.BlockSpec((BR, d), lambda i: (i, 0))


def _part_spec(d):
    return pl.BlockSpec((NC, BR, d), lambda i: (0, i, 0))


def _full_spec(a, b):
    return pl.BlockSpec((a, b), lambda i: (0, 0))


_tc_a = pl.pallas_call(
    _tc_a_body,
    grid=(N // BR,),
    in_specs=[
        _part_spec(HD),
        _part_spec(HD),
        pl.BlockSpec((1, NC, BR), lambda i: (i, 0, 0)),
        _row_spec(F_IN),
        _full_spec(F_IN, H), _full_spec(F_IN, H), _full_spec(1, H),
        _full_spec(H, C), _full_spec(H, C), _full_spec(1, C),
    ],
    out_specs=[_row_spec(C), _row_spec(C), _row_spec(1), _row_spec(1)],
    out_shape=[
        jax.ShapeDtypeStruct((N, C), jnp.float32),
        jax.ShapeDtypeStruct((N, C), jnp.float32),
        jax.ShapeDtypeStruct((N, 1), jnp.float32),
        jax.ShapeDtypeStruct((N, 1), jnp.float32),
    ],
    name="tc_dense_a",
)

_tc_b = pl.pallas_call(
    _tc_b_body,
    grid=(N // BR,),
    in_specs=[_part_spec(C), _row_spec(1), _row_spec(C),
              _full_spec(C, C), _row_spec(1)],
    out_specs=[_row_spec(C)],
    out_shape=[jax.ShapeDtypeStruct((N, C), jnp.float32)],
    name="tc_dense_b",
)

_tc_c = pl.pallas_call(
    _tc_c_body,
    grid=(N // BR,),
    in_specs=[_part_spec(C), _row_spec(C), _row_spec(1), _full_spec(1, C)],
    out_specs=[_row_spec(C)],
    out_shape=[jax.ShapeDtypeStruct((N, C), jnp.float32)],
    name="tc_dense_c",
)


@jax.jit
def kernel(x, edge_index, W1l, W1r, b1, W2l, W2r, b2, Wc, bc):
    src3 = edge_index[0].reshape(NW, NCHUNK, K)
    dst3 = edge_index[1].reshape(NW, NCHUNK, K)
    b1r = b1.reshape(1, H)
    b2r = b2.reshape(1, C)
    bcr = bc.reshape(1, C)

    xa = x[:, :HD]
    xb = x[:, HD:]
    agg1pa, cntp_pad = _seg_sum_cnt_64(xa, src3, dst3)
    (agg1pb,) = _seg_sum_64(xb, src3, dst3)
    cntp = cntp_pad[:, :N].reshape(NC, N // BR, BR).transpose(1, 0, 2)
    p2, r2b, invc, dinv = _tc_a(agg1pa, agg1pb, cntp, x, W1l, W1r, b1r,
                                W2l, W2r, b2r)
    (agg2p,) = _seg_sum_40(p2, src3, dst3)
    (y,) = _tc_b(agg2p, invc, r2b, Wc, dinv)
    (agg3p,) = _seg_sum_40(y, src3, dst3)
    (out,) = _tc_c(agg3p, y, dinv, bcr)
    return out

# --- scband reference (transcript-rebuilt; emitter-appended) ---
"""Pipeline reference for scband-iadsage-7232724927268 (READ-ONLY COPY).

The authoritative reference and input builder live on the scoring server;
editing this copy changes nothing except your own understanding.
"""

import jax, jax.numpy as jnp
import numpy as np

N = 10000
E = 320000
F_IN = 128
H = 128
C = 40


def setup_inputs(seed: int = 0) -> dict:
    key = jax.random.key(seed)
    ks = jax.random.split(key, 12)
    x = jax.random.normal(ks[0], (N, F_IN), dtype=jnp.float32)
    edge_index = jax.random.randint(ks[1], (2, E), 0, N, dtype=jnp.int32)
    # SAGEConv layer 1 (F_IN -> H): lin_l (applied to aggregated neighbors, with bias), lin_r (root, no bias)
    W1l = jax.random.normal(ks[2], (F_IN, H), dtype=jnp.float32) / np.sqrt(F_IN)
    W1r = jax.random.normal(ks[3], (F_IN, H), dtype=jnp.float32) / np.sqrt(F_IN)
    b1 = jnp.zeros((H,), dtype=jnp.float32)
    # SAGEConv layer 2 (H -> C)
    W2l = jax.random.normal(ks[4], (H, C), dtype=jnp.float32) / np.sqrt(H)
    W2r = jax.random.normal(ks[5], (H, C), dtype=jnp.float32) / np.sqrt(H)
    b2 = jnp.zeros((C,), dtype=jnp.float32)
    # IConv (C -> C): GCN-style conv with added self-loops + symmetric normalization
    Wc = jax.random.normal(ks[6], (C, C), dtype=jnp.float32) / np.sqrt(C)
    bc = jnp.zeros((C,), dtype=jnp.float32)
    return {"x": x, "edge_index": edge_index, "W1l": W1l, "W1r": W1r, "b1": b1,
            "W2l": W2l, "W2r": W2r, "b2": b2, "Wc": Wc, "bc": bc}


def _sage_conv(x, src, dst, Wl, Wr, b):
    # PyG SAGEConv with mean aggregation: out = lin_l(mean_j x_j) + lin_r(x_i)
    msgs = jnp.take(x, src, axis=0)
    agg = jax.ops.segment_sum(msgs, dst, num_segments=N)
    cnt = jax.ops.segment_sum(jnp.ones((src.shape[0],), dtype=x.dtype), dst, num_segments=N)
    mean = agg / jnp.maximum(cnt, 1.0)[:, None]
    return mean @ Wl + b + x @ Wr


def _iconv(x, src, dst, W, b):
    # GCN-style propagation with self-loops and symmetric normalization
    loop = jnp.arange(N, dtype=src.dtype)
    src2 = jnp.concatenate([src, loop])
    dst2 = jnp.concatenate([dst, loop])
    deg = jax.ops.segment_sum(jnp.ones((src2.shape[0],), dtype=x.dtype), dst2, num_segments=N)
    dinv = 1.0 / jnp.sqrt(jnp.maximum(deg, 1.0))
    norm = dinv[src2] * dinv[dst2]
    xw = x @ W
    out = jax.ops.segment_sum(jnp.take(xw, src2, axis=0) * norm[:, None], dst2, num_segments=N)
    return out + b


def reference(x, edge_index, W1l, W1r, b1, W2l, W2r, b2, Wc, bc):
    src = edge_index[0]
    dst = edge_index[1]
    h = _sage_conv(x, src, dst, W1l, W1r, b1)
    h = jax.nn.relu(h)
    # F.dropout in eval mode -> identity (deterministic reference)
    h = _sage_conv(h, src, dst, W2l, W2r, b2)
    out = _iconv(h, src, dst, Wc, bc)
    return out

if __name__ == "__main__":
    import jax
    _d = setup_inputs()
    print(jax.jit(kernel)(*tuple(_d.values())))

</pallas_src>

<mosaic_0001>
#map = affine_map<(d0, d1) -> (0, 0)>
#map1 = affine_map<(d0, d1) -> (0, 0, 0)>
module attributes {stable_mosaic.version = 14 : i64} {
  func.func @sc_seg_sum_d40(%arg0: i32, %arg1: i32, %arg2: memref<10000x40xf32, #tpu.memory_space<hbm>>, %arg3: memref<32x125x80xi32, #tpu.memory_space<hbm>>, %arg4: memref<32x125x80xi32, #tpu.memory_space<hbm>>, %arg5: memref<2x10240x40xf32, #tpu.memory_space<hbm>>, %arg6: memref<10240x40xf32, #tpu.memory_space<vmem_shared>>, %arg7: memref<125x80xi32, #tpu.memory_space<vmem>>, %arg8: memref<125x80xi32, #tpu.memory_space<vmem>>, %arg9: memref<5x80x40xf32, #tpu.memory_space<vmem>>, %arg10: memref<128x40xf32, #tpu.memory_space<vmem>>, %arg11: memref<!tpu.dma_semaphore, #tpu.memory_space<semaphore_mem>>) attributes {dimension_semantics = [#tpu.dimension_semantics<core_parallel>, #tpu.dimension_semantics<subcore_parallel>], iteration_bounds = array<i64: 2, 16>, scalar_prefetch = 0 : i64, scratch_operands = 6 : i64, tpu.core_type = #tpu.core_type<sc_vector_subcore>, window_params = [{transform_indices = #map}, {transform_indices = #map1}, {transform_indices = #map1}, {transform_indices = #map1}]} {
    %mul3A = arith.constant 16 : i32
    %mul3A_0 = arith.muli %arg0, %mul3A : i32
    %add3A = arith.addi %mul3A_0, %arg1 : i32
    %scan3A = arith.constant 0 : i32
    %scan3A_1 = arith.constant 0 : i32
    %scan3A_2 = arith.constant 256 : i32
    %scan3A_3 = arith.addi %scan3A_1, %scan3A_2 : i32
    %scan3A_4 = arith.constant 1 : i32
    %scan3A_5 = scf.for %scan3A_39 = %scan3A_1 to %scan3A_3 step %scan3A_4 iter_args(%scan3A_40 = %scan3A) -> (i32)  : i32 {
      %broadcast_in_dim3A = arith.constant 0.000000e+00 : f32
      %broadcast_in_dim3A_41 = vector.broadcast %broadcast_in_dim3A : f32 to vector<16xf32>
      %jit3A = arith.constant 2 : i32
      %div3A = arith.divsi %scan3A_39, %jit3A : i32
      %sign3A = arith.constant 0 : i32
      %sign3A_42 = arith.cmpi sgt, %scan3A_39, %sign3A : i32
      %sign3A_43 = arith.extui %sign3A_42 : i1 to i32
      %sign3A_44 = arith.constant 0 : i32
      %sign3A_45 = arith.cmpi slt, %scan3A_39, %sign3A_44 : i32
      %sign3A_46 = arith.extui %sign3A_45 : i1 to i32
      %sign3A_47 = arith.subi %sign3A_43, %sign3A_46 : i32
      %sign3A_48 = arith.constant 0 : i32
      %sign3A_49 = arith.cmpi sgt, %jit3A, %sign3A_48 : i32
      %sign3A_50 = arith.extui %sign3A_49 : i1 to i32
      %sign3A_51 = arith.constant 0 : i32
      %sign3A_52 = arith.cmpi slt, %jit3A, %sign3A_51 : i32
      %sign3A_53 = arith.extui %sign3A_52 : i1 to i32
      %sign3A_54 = arith.subi %sign3A_50, %sign3A_53 : i32
      %ne3A = arith.cmpi ne, %sign3A_47, %sign3A_54 : i32
      %rem3A = arith.remsi %scan3A_39, %jit3A : i32
      %ne3A_55 = arith.constant 0 : i32
      %ne3A_56 = arith.cmpi ne, %rem3A, %ne3A_55 : i32
      %and3A = arith.andi %ne3A, %ne3A_56 : i1
      %sub3A = arith.constant 1 : i32
      %sub3A_57 = arith.subi %div3A, %sub3A : i32
      %select_n3A = arith.select %and3A, %sub3A_57, %div3A : i32
      %jit3A_58 = arith.constant 2 : i32
      %eq3A = arith.constant 0 : i32
      %eq3A_59 = arith.cmpi eq, %jit3A_58, %eq3A : i32
      %jit3A_60 = arith.constant 1 : i32
      %select_n3A_61 = arith.select %eq3A_59, %jit3A_60, %jit3A_58 : i32
      %rem3A_62 = arith.remsi %scan3A_39, %select_n3A_61 : i32
      %ne3A_63 = arith.constant 0 : i32
      %ne3A_64 = arith.cmpi ne, %rem3A_62, %ne3A_63 : i32
      %lt3A = arith.constant 0 : i32
      %lt3A_65 = arith.cmpi slt, %rem3A_62, %lt3A : i32
      %lt3A_66 = arith.constant 0 : i32
      %lt3A_67 = arith.cmpi slt, %select_n3A_61, %lt3A_66 : i32
      %ne3A_68 = arith.xori %lt3A_65, %lt3A_67 : i1
      %and3A_69 = arith.andi %ne3A_68, %ne3A_64 : i1
      %add3A_70 = arith.addi %rem3A_62, %select_n3A_61 : i32
      %select_n3A_71 = arith.select %and3A_69, %add3A_70, %rem3A_62 : i32
      %mul3A_72 = arith.constant 16 : i32
      %mul3A_73 = arith.muli %select_n3A_71, %mul3A_72 : i32
      %swap3A = arith.index_cast %select_n3A : i32 to index
      %swap3A_74 = arith.index_cast %mul3A_73 : i32 to index
      %swap3A_75 = tpu.vector_load %arg10[%swap3A, %swap3A_74] {strides = array<i32>} : memref<128x40xf32, #tpu.memory_space<vmem>>, vector<1x16xf32>,
      %swap3A_76 = vector.shape_cast %swap3A_75 : vector<1x16xf32> to vector<16xf32>
      %swap3A_77 = vector.shape_cast %broadcast_in_dim3A_41 : vector<16xf32> to vector<1x16xf32>
      tpu.vector_store %arg10[%swap3A, %swap3A_74], %swap3A_77 {strides = array<i32>} : memref<128x40xf32, #tpu.memory_space<vmem>>, vector<1x16xf32>,
      %scan3A_78 = arith.constant 0 : i32
      scf.yield %scan3A_78 : i32
    }
    %scan3A_6 = arith.constant 256 : i32
    %mul3A_7 = arith.constant 640 : i32
    %mul3A_8 = arith.muli %arg1, %mul3A_7 : i32
    %add3A_9 = arith.constant 0 : i32
    %add3A_10 = arith.addi %mul3A_8, %add3A_9 : i32
    "tpu.region"() ({
      %run_scoped3A = tpu.sem_alloc : memref<!tpu.dma_semaphore, #tpu.memory_space<semaphore_mem>>
      %dma_start3A = arith.constant 0 : i32
      %dma_start3A_39 = tpu.memref_slice %arg6[%add3A_10, %dma_start3A] : memref<10240x40xf32, #tpu.memory_space<vmem_shared>> -> memref<128x40xf32, #tpu.memory_space<vmem_shared>>
      %dma_start3A_40 = arith.constant 0 : i32
      %dma_start3A_41 = tpu.memref_slice %arg6[%add3A_10, %dma_start3A_40] : memref<10240x40xf32, #tpu.memory_space<vmem_shared>> -> memref<128x40xf32, #tpu.memory_space<vmem_shared>>
      tpu.enqueue_dma source(%arg10 : memref<128x40xf32, #tpu.memory_space<vmem>>) target(%dma_start3A_41 : memref<128x40xf32, #tpu.memory_space<vmem_shared>>) target_semaphore(%run_scoped3A : memref<!tpu.dma_semaphore, #tpu.memory_space<semaphore_mem>>)
      %dma_wait3A = arith.constant 0 : i32
      %dma_wait3A_42 = tpu.memref_slice %arg6[%add3A_10, %dma_wait3A] : memref<10240x40xf32, #tpu.memory_space<vmem_shared>> -> memref<128x40xf32, #tpu.memory_space<vmem_shared>>
      %dma_wait3A_43 = arith.constant 0 : i32
      %dma_wait3A_44 = tpu.memref_slice %arg6[%add3A_10, %dma_wait3A_43] : memref<10240x40xf32, #tpu.memory_space<vmem_shared>> -> memref<128x40xf32, #tpu.memory_space<vmem_shared>>
      tpu.wait_dma2 semaphore(%run_scoped3A : memref<!tpu.dma_semaphore, #tpu.memory_space<semaphore_mem>>) src(%arg10 : memref<128x40xf32, #tpu.memory_space<vmem>>) dst(%dma_wait3A_44 : memref<128x40xf32, #tpu.memory_space<vmem_shared>>)
      tpu.yield
    }) : () -> ()
    %mul3A_11 = arith.constant 640 : i32
    %mul3A_12 = arith.muli %arg1, %mul3A_11 : i32
    %add3A_13 = arith.constant 128 : i32
    %add3A_14 = arith.addi %mul3A_12, %add3A_13 : i32
    "tpu.region"() ({
      %run_scoped3A = tpu.sem_alloc : memref<!tpu.dma_semaphore, #tpu.memory_space<semaphore_mem>>
      %dma_start3A = arith.constant 0 : i32
      %dma_start3A_39 = tpu.memref_slice %arg6[%add3A_14, %dma_start3A] : memref<10240x40xf32, #tpu.memory_space<vmem_shared>> -> memref<128x40xf32, #tpu.memory_space<vmem_shared>>
      %dma_start3A_40 = arith.constant 0 : i32
      %dma_start3A_41 = tpu.memref_slice %arg6[%add3A_14, %dma_start3A_40] : memref<10240x40xf32, #tpu.memory_space<vmem_shared>> -> memref<128x40xf32, #tpu.memory_space<vmem_shared>>
      tpu.enqueue_dma source(%arg10 : memref<128x40xf32, #tpu.memory_space<vmem>>) target(%dma_start3A_41 : memref<128x40xf32, #tpu.memory_space<vmem_shared>>) target_semaphore(%run_scoped3A : memref<!tpu.dma_semaphore, #tpu.memory_space<semaphore_mem>>)
      %dma_wait3A = arith.constant 0 : i32
      %dma_wait3A_42 = tpu.memref_slice %arg6[%add3A_14, %dma_wait3A] : memref<10240x40xf32, #tpu.memory_space<vmem_shared>> -> memref<128x40xf32, #tpu.memory_space<vmem_shared>>
      %dma_wait3A_43 = arith.constant 0 : i32
      %dma_wait3A_44 = tpu.memref_slice %arg6[%add3A_14, %dma_wait3A_43] : memref<10240x40xf32, #tpu.memory_space<vmem_shared>> -> memref<128x40xf32, #tpu.memory_space<vmem_shared>>
      tpu.wait_dma2 semaphore(%run_scoped3A : memref<!tpu.dma_semaphore, #tpu.memory_space<semaphore_mem>>) src(%arg10 : memref<128x40xf32, #tpu.memory_space<vmem>>) dst(%dma_wait3A_44 : memref<128x40xf32, #tpu.memory_space<vmem_shared>>)
      tpu.yield
    }) : () -> ()
    %mul3A_15 = arith.constant 640 : i32
    %mul3A_16 = arith.muli %arg1, %mul3A_15 : i32
    %add3A_17 = arith.constant 256 : i32
    %add3A_18 = arith.addi %mul3A_16, %add3A_17 : i32
    "tpu.region"() ({
      %run_scoped3A = tpu.sem_alloc : memref<!tpu.dma_semaphore, #tpu.memory_space<semaphore_mem>>
      %dma_start3A = arith.constant 0 : i32
      %dma_start3A_39 = tpu.memref_slice %arg6[%add3A_18, %dma_start3A] : memref<10240x40xf32, #tpu.memory_space<vmem_shared>> -> memref<128x40xf32, #tpu.memory_space<vmem_shared>>
      %dma_start3A_40 = arith.constant 0 : i32
      %dma_start3A_41 = tpu.memref_slice %arg6[%add3A_18, %dma_start3A_40] : memref<10240x40xf32, #tpu.memory_space<vmem_shared>> -> memref<128x40xf32, #tpu.memory_space<vmem_shared>>
      tpu.enqueue_dma source(%arg10 : memref<128x40xf32, #tpu.memory_space<vmem>>) target(%dma_start3A_41 : memref<128x40xf32, #tpu.memory_space<vmem_shared>>) target_semaphore(%run_scoped3A : memref<!tpu.dma_semaphore, #tpu.memory_space<semaphore_mem>>)
      %dma_wait3A = arith.constant 0 : i32
      %dma_wait3A_42 = tpu.memref_slice %arg6[%add3A_18, %dma_wait3A] : memref<10240x40xf32, #tpu.memory_space<vmem_shared>> -> memref<128x40xf32, #tpu.memory_space<vmem_shared>>
      %dma_wait3A_43 = arith.constant 0 : i32
      %dma_wait3A_44 = tpu.memref_slice %arg6[%add3A_18, %dma_wait3A_43] : memref<10240x40xf32, #tpu.memory_space<vmem_shared>> -> memref<128x40xf32, #tpu.memory_space<vmem_shared>>
      tpu.wait_dma2 semaphore(%run_scoped3A : memref<!tpu.dma_semaphore, #tpu.memory_space<semaphore_mem>>) src(%arg10 : memref<128x40xf32, #tpu.memory_space<vmem>>) dst(%dma_wait3A_44 : memref<128x40xf32, #tpu.memory_space<vmem_shared>>)
      tpu.yield
    }) : () -> ()
    %mul3A_19 = arith.constant 640 : i32
    %mul3A_20 = arith.muli %arg1, %mul3A_19 : i32
    %add3A_21 = arith.constant 384 : i32
    %add3A_22 = arith.addi %mul3A_20, %add3A_21 : i32
    "tpu.region"() ({
      %run_scoped3A = tpu.sem_alloc : memref<!tpu.dma_semaphore, #tpu.memory_space<semaphore_mem>>
      %dma_start3A = arith.constant 0 : i32
      %dma_start3A_39 = tpu.memref_slice %arg6[%add3A_22, %dma_start3A] : memref<10240x40xf32, #tpu.memory_space<vmem_shared>> -> memref<128x40xf32, #tpu.memory_space<vmem_shared>>
      %dma_start3A_40 = arith.constant 0 : i32
      %dma_start3A_41 = tpu.memref_slice %arg6[%add3A_22, %dma_start3A_40] : memref<10240x40xf32, #tpu.memory_space<vmem_shared>> -> memref<128x40xf32, #tpu.memory_space<vmem_shared>>
      tpu.enqueue_dma source(%arg10 : memref<128x40xf32, #tpu.memory_space<vmem>>) target(%dma_start3A_41 : memref<128x40xf32, #tpu.memory_space<vmem_shared>>) target_semaphore(%run_scoped3A : memref<!tpu.dma_semaphore, #tpu.memory_space<semaphore_mem>>)
      %dma_wait3A = arith.constant 0 : i32
      %dma_wait3A_42 = tpu.memref_slice %arg6[%add3A_22, %dma_wait3A] : memref<10240x40xf32, #tpu.memory_space<vmem_shared>> -> memref<128x40xf32, #tpu.memory_space<vmem_shared>>
      %dma_wait3A_43 = arith.constant 0 : i32
      %dma_wait3A_44 = tpu.memref_slice %arg6[%add3A_22, %dma_wait3A_43] : memref<10240x40xf32, #tpu.memory_space<vmem_shared>> -> memref<128x40xf32, #tpu.memory_space<vmem_shared>>
      tpu.wait_dma2 semaphore(%run_scoped3A : memref<!tpu.dma_semaphore, #tpu.memory_space<semaphore_mem>>) src(%arg10 : memref<128x40xf32, #tpu.memory_space<vmem>>) dst(%dma_wait3A_44 : memref<128x40xf32, #tpu.memory_space<vmem_shared>>)
      tpu.yield
    }) : () -> ()
    %mul3A_23 = arith.constant 640 : i32
    %mul3A_24 = arith.muli %arg1, %mul3A_23 : i32
    %add3A_25 = arith.constant 512 : i32
    %add3A_26 = arith.addi %mul3A_24, %add3A_25 : i32
    "tpu.region"() ({
      %run_scoped3A = tpu.sem_alloc : memref<!tpu.dma_semaphore, #tpu.memory_space<semaphore_mem>>
      %dma_start3A = arith.constant 0 : i32
      %dma_start3A_39 = tpu.memref_slice %arg6[%add3A_26, %dma_start3A] : memref<10240x40xf32, #tpu.memory_space<vmem_shared>> -> memref<128x40xf32, #tpu.memory_space<vmem_shared>>
      %dma_start3A_40 = arith.constant 0 : i32
      %dma_start3A_41 = tpu.memref_slice %arg6[%add3A_26, %dma_start3A_40] : memref<10240x40xf32, #tpu.memory_space<vmem_shared>> -> memref<128x40xf32, #tpu.memory_space<vmem_shared>>
      tpu.enqueue_dma source(%arg10 : memref<128x40xf32, #tpu.memory_space<vmem>>) target(%dma_start3A_41 : memref<128x40xf32, #tpu.memory_space<vmem_shared>>) target_semaphore(%run_scoped3A : memref<!tpu.dma_semaphore, #tpu.memory_space<semaphore_mem>>)
      %dma_wait3A = arith.constant 0 : i32
      %dma_wait3A_42 = tpu.memref_slice %arg6[%add3A_26, %dma_wait3A] : memref<10240x40xf32, #tpu.memory_space<vmem_shared>> -> memref<128x40xf32, #tpu.memory_space<vmem_shared>>
      %dma_wait3A_43 = arith.constant 0 : i32
      %dma_wait3A_44 = tpu.memref_slice %arg6[%add3A_26, %dma_wait3A_43] : memref<10240x40xf32, #tpu.memory_space<vmem_shared>> -> memref<128x40xf32, #tpu.memory_space<vmem_shared>>
      tpu.wait_dma2 semaphore(%run_scoped3A : memref<!tpu.dma_semaphore, #tpu.memory_space<semaphore_mem>>) src(%arg10 : memref<128x40xf32, #tpu.memory_space<vmem>>) dst(%dma_wait3A_44 : memref<128x40xf32, #tpu.memory_space<vmem_shared>>)
      tpu.yield
    }) : () -> ()
    "tpu.region"() ({
      %run_scoped3A = tpu.sem_alloc : memref<!tpu.dma_semaphore, #tpu.memory_space<semaphore_mem>>
      %dma_start3A = arith.constant 0 : i32
      %dma_start3A_39 = arith.constant 0 : i32
      %dma_start3A_40 = tpu.memref_slice %arg3[%add3A, %dma_start3A, %dma_start3A_39] : memref<32x125x80xi32, #tpu.memory_space<hbm>> -> memref<1x125x80xi32, #tpu.memory_space<hbm>>
      %dma_start3A_41 = tpu.memref_squeeze %dma_start3A_40 : memref<1x125x80xi32, #tpu.memory_space<hbm>> -> memref<125x80xi32, #tpu.memory_space<hbm>>
      %dma_start3A_42 = arith.constant 0 : i32
      %dma_start3A_43 = arith.constant 0 : i32
      %dma_start3A_44 = tpu.memref_slice %arg3[%add3A, %dma_start3A_42, %dma_start3A_43] : memref<32x125x80xi32, #tpu.memory_space<hbm>> -> memref<1x125x80xi32, #tpu.memory_space<hbm>>
      %dma_start3A_45 = tpu.memref_squeeze %dma_start3A_44 : memref<1x125x80xi32, #tpu.memory_space<hbm>> -> memref<125x80xi32, #tpu.memory_space<hbm>>
      tpu.enqueue_dma source(%dma_start3A_45 : memref<125x80xi32, #tpu.memory_space<hbm>>) target(%arg7 : memref<125x80xi32, #tpu.memory_space<vmem>>) target_semaphore(%run_scoped3A : memref<!tpu.dma_semaphore, #tpu.memory_space<semaphore_mem>>)
      %dma_wait3A = arith.constant 0 : i32
      %dma_wait3A_46 = arith.constant 0 : i32
      %dma_wait3A_47 = tpu.memref_slice %arg3[%add3A, %dma_wait3A, %dma_wait3A_46] : memref<32x125x80xi32, #tpu.memory_space<hbm>> -> memref<1x125x80xi32, #tpu.memory_space<hbm>>
      %dma_wait3A_48 = tpu.memref_squeeze %dma_wait3A_47 : memref<1x125x80xi32, #tpu.memory_space<hbm>> -> memref<125x80xi32, #tpu.memory_space<hbm>>
      %dma_wait3A_49 = arith.constant 0 : i32
      %dma_wait3A_50 = arith.constant 0 : i32
      %dma_wait3A_51 = tpu.memref_slice %arg3[%add3A, %dma_wait3A_49, %dma_wait3A_50] : memref<32x125x80xi32, #tpu.memory_space<hbm>> -> memref<1x125x80xi32, #tpu.memory_space<hbm>>
      %dma_wait3A_52 = tpu.memref_squeeze %dma_wait3A_51 : memref<1x125x80xi32, #tpu.memory_space<hbm>> -> memref<125x80xi32, #tpu.memory_space<hbm>>
      tpu.wait_dma2 semaphore(%run_scoped3A : memref<!tpu.dma_semaphore, #tpu.memory_space<semaphore_mem>>) src(%dma_wait3A_52 : memref<125x80xi32, #tpu.memory_space<hbm>>) dst(%arg7 : memref<125x80xi32, #tpu.memory_space<vmem>>)
      tpu.yield
    }) : () -> ()
    "tpu.region"() ({
      %run_scoped3A = tpu.sem_alloc : memref<!tpu.dma_semaphore, #tpu.memory_space<semaphore_mem>>
      %dma_start3A = arith.constant 0 : i32
      %dma_start3A_39 = arith.constant 0 : i32
      %dma_start3A_40 = tpu.memref_slice %arg4[%add3A, %dma_start3A, %dma_start3A_39] : memref<32x125x80xi32, #tpu.memory_space<hbm>> -> memref<1x125x80xi32, #tpu.memory_space<hbm>>
      %dma_start3A_41 = tpu.memref_squeeze %dma_start3A_40 : memref<1x125x80xi32, #tpu.memory_space<hbm>> -> memref<125x80xi32, #tpu.memory_space<hbm>>
      %dma_start3A_42 = arith.constant 0 : i32
      %dma_start3A_43 = arith.constant 0 : i32
      %dma_start3A_44 = tpu.memref_slice %arg4[%add3A, %dma_start3A_42, %dma_start3A_43] : memref<32x125x80xi32, #tpu.memory_space<hbm>> -> memref<1x125x80xi32, #tpu.memory_space<hbm>>
      %dma_start3A_45 = tpu.memref_squeeze %dma_start3A_44 : memref<1x125x80xi32, #tpu.memory_space<hbm>> -> memref<125x80xi32, #tpu.memory_space<hbm>>
      tpu.enqueue_dma source(%dma_start3A_45 : memref<125x80xi32, #tpu.memory_space<hbm>>) target(%arg8 : memref<125x80xi32, #tpu.memory_space<vmem>>) target_semaphore(%run_scoped3A : memref<!tpu.dma_semaphore, #tpu.memory_space<semaphore_mem>>)
      %dma_wait3A = arith.constant 0 : i32
      %dma_wait3A_46 = arith.constant 0 : i32
      %dma_wait3A_47 = tpu.memref_slice %arg4[%add3A, %dma_wait3A, %dma_wait3A_46] : memref<32x125x80xi32, #tpu.memory_space<hbm>> -> memref<1x125x80xi32, #tpu.memory_space<hbm>>
      %dma_wait3A_48 = tpu.memref_squeeze %dma_wait3A_47 : memref<1x125x80xi32, #tpu.memory_space<hbm>> -> memref<125x80xi32, #tpu.memory_space<hbm>>
      %dma_wait3A_49 = arith.constant 0 : i32
      %dma_wait3A_50 = arith.constant 0 : i32
      %dma_wait3A_51 = tpu.memref_slice %arg4[%add3A, %dma_wait3A_49, %dma_wait3A_50] : memref<32x125x80xi32, #tpu.memory_space<hbm>> -> memref<1x125x80xi32, #tpu.memory_space<hbm>>
      %dma_wait3A_52 = tpu.memref_squeeze %dma_wait3A_51 : memref<1x125x80xi32, #tpu.memory_space<hbm>> -> memref<125x80xi32, #tpu.memory_space<hbm>>
      tpu.wait_dma2 semaphore(%run_scoped3A : memref<!tpu.dma_semaphore, #tpu.memory_space<semaphore_mem>>) src(%dma_wait3A_52 : memref<125x80xi32, #tpu.memory_space<hbm>>) dst(%arg8 : memref<125x80xi32, #tpu.memory_space<vmem>>)
      tpu.yield
    }) : () -> ()
    %barrier3A = arith.constant 0 : index
    tpu.barrier barrier_id(%barrier3A)
    %scan3A_27 = arith.constant 0 : i32
    %scan3A_28 = arith.constant 0 : i32
    %scan3A_29 = arith.constant 25 : i32
    %scan3A_30 = arith.addi %scan3A_28, %scan3A_29 : i32
    %scan3A_31 = arith.constant 1 : i32
    %scan3A_32 = scf.for %scan3A_39 = %scan3A_28 to %scan3A_30 step %scan3A_31 iter_args(%scan3A_40 = %scan3A_27) -> (i32)  : i32 {
      %mul3A_41 = arith.constant 5 : i32
      %mul3A_42 = arith.muli %scan3A_39, %mul3A_41 : i32
      %add3A_43 = arith.constant 0 : i32
      %add3A_44 = arith.addi %mul3A_42, %add3A_43 : i32
      %dma_start3A = arith.constant 0 : i32
      %dma_start3A_45 = arith.constant 0 : i32
      %dma_start3A_46 = arith.constant 0 : i32
      %dma_start3A_47 = tpu.memref_slice %arg9[%dma_start3A, %dma_start3A_45, %dma_start3A_46] : memref<5x80x40xf32, #tpu.memory_space<vmem>> -> memref<1x80x40xf32, #tpu.memory_space<vmem>>
      %dma_start3A_48 = tpu.memref_squeeze %dma_start3A_47 : memref<1x80x40xf32, #tpu.memory_space<vmem>> -> memref<80x40xf32, #tpu.memory_space<vmem>>
      %dma_start3A_49 = arith.constant 0 : i32
      %dma_start3A_50 = tpu.memref_slice %arg7[%add3A_44, %dma_start3A_49] : memref<125x80xi32, #tpu.memory_space<vmem>> -> memref<1x80xi32, #tpu.memory_space<vmem>>
      %dma_start3A_51 = tpu.memref_squeeze %dma_start3A_50 : memref<1x80xi32, #tpu.memory_space<vmem>> -> memref<80xi32, #tpu.memory_space<vmem>>
      %dma_start3A_52 = arith.constant 0 : i32
      %dma_start3A_53 = arith.constant 0 : i32
      %dma_start3A_54 = tpu.memref_slice %arg2[%dma_start3A_52, %dma_start3A_53] : memref<10000x40xf32, #tpu.memory_space<hbm>> -> memref<10000x40xf32, #tpu.memory_space<hbm>>
      tpu.enqueue_indirect_dma source(%dma_start3A_54 : memref<10000x40xf32, #tpu.memory_space<hbm>>) target(%dma_start3A_48 : memref<80x40xf32, #tpu.memory_space<vmem>>) offsets(%dma_start3A_51 : memref<80xi32, #tpu.memory_space<vmem>>) semaphore(%arg11 : memref<!tpu.dma_semaphore, #tpu.memory_space<semaphore_mem>>)
      %add3A_55 = arith.constant 1 : i32
      %add3A_56 = arith.addi %mul3A_42, %add3A_55 : i32
      %dma_start3A_57 = arith.constant 1 : i32
      %dma_start3A_58 = arith.constant 0 : i32
      %dma_start3A_59 = arith.constant 0 : i32
      %dma_start3A_60 = tpu.memref_slice %arg9[%dma_start3A_57, %dma_start3A_58, %dma_start3A_59] : memref<5x80x40xf32, #tpu.memory_space<vmem>> -> memref<1x80x40xf32, #tpu.memory_space<vmem>>
      %dma_start3A_61 = tpu.memref_squeeze %dma_start3A_60 : memref<1x80x40xf32, #tpu.memory_space<vmem>> -> memref<80x40xf32, #tpu.memory_space<vmem>>
      %dma_start3A_62 = arith.constant 0 : i32
      %dma_start3A_63 = tpu.memref_slice %arg7[%add3A_56, %dma_start3A_62] : memref<125x80xi32, #tpu.memory_space<vmem>> -> memref<1x80xi32, #tpu.memory_space<vmem>>
      %dma_start3A_64 = tpu.memref_squeeze %dma_start3A_63 : memref<1x80xi32, #tpu.memory_space<vmem>> -> memref<80xi32, #tpu.memory_space<vmem>>
      %dma_start3A_65 = arith.constant 0 : i32
      %dma_start3A_66 = arith.constant 0 : i32
      %dma_start3A_67 = tpu.memref_slice %arg2[%dma_start3A_65, %dma_start3A_66] : memref<10000x40xf32, #tpu.memory_space<hbm>> -> memref<10000x40xf32, #tpu.memory_space<hbm>>
      tpu.enqueue_indirect_dma source(%dma_start3A_67 : memref<10000x40xf32, #tpu.memory_space<hbm>>) target(%dma_start3A_61 : memref<80x40xf32, #tpu.memory_space<vmem>>) offsets(%dma_start3A_64 : memref<80xi32, #tpu.memory_space<vmem>>) semaphore(%arg11 : memref<!tpu.dma_semaphore, #tpu.memory_space<semaphore_mem>>)
      %add3A_68 = arith.constant 2 : i32
      %add3A_69 = arith.addi %mul3A_42, %add3A_68 : i32
      %dma_start3A_70 = arith.constant 2 : i32
      %dma_start3A_71 = arith.constant 0 : i32
      %dma_start3A_72 = arith.constant 0 : i32
      %dma_start3A_73 = tpu.memref_slice %arg9[%dma_start3A_70, %dma_start3A_71, %dma_start3A_72] : memref<5x80x40xf32, #tpu.memory_space<vmem>> -> memref<1x80x40xf32, #tpu.memory_space<vmem>>
      %dma_start3A_74 = tpu.memref_squeeze %dma_start3A_73 : memref<1x80x40xf32, #tpu.memory_space<vmem>> -> memref<80x40xf32, #tpu.memory_space<vmem>>
      %dma_start3A_75 = arith.constant 0 : i32
      %dma_start3A_76 = tpu.memref_slice %arg7[%add3A_69, %dma_start3A_75] : memref<125x80xi32, #tpu.memory_space<vmem>> -> memref<1x80xi32, #tpu.memory_space<vmem>>
      %dma_start3A_77 = tpu.memref_squeeze %dma_start3A_76 : memref<1x80xi32, #tpu.memory_space<vmem>> -> memref<80xi32, #tpu.memory_space<vmem>>
      %dma_start3A_78 = arith.constant 0 : i32
      %dma_start3A_79 = arith.constant 0 : i32
      %dma_start3A_80 = tpu.memref_slice %arg2[%dma_start3A_78, %dma_start3A_79] : memref<10000x40xf32, #tpu.memory_space<hbm>> -> memref<10000x40xf32, #tpu.memory_space<hbm>>
      tpu.enqueue_indirect_dma source(%dma_start3A_80 : memref<10000x40xf32, #tpu.memory_space<hbm>>) target(%dma_start3A_74 : memref<80x40xf32, #tpu.memory_space<vmem>>) offsets(%dma_start3A_77 : memref<80xi32, #tpu.memory_space<vmem>>) semaphore(%arg11 : memref<!tpu.dma_semaphore, #tpu.memory_space<semaphore_mem>>)
      %add3A_81 = arith.constant 3 : i32
      %add3A_82 = arith.addi %mul3A_42, %add3A_81 : i32
      %dma_start3A_83 = arith.constant 3 : i32
      %dma_start3A_84 = arith.constant 0 : i32
      %dma_start3A_85 = arith.constant 0 : i32
      %dma_start3A_86 = tpu.memref_slice %arg9[%dma_start3A_83, %dma_start3A_84, %dma_start3A_85] : memref<5x80x40xf32, #tpu.memory_space<vmem>> -> memref<1x80x40xf32, #tpu.memory_space<vmem>>
      %dma_start3A_87 = tpu.memref_squeeze %dma_start3A_86 : memref<1x80x40xf32, #tpu.memory_space<vmem>> -> memref<80x40xf32, #tpu.memory_space<vmem>>
      %dma_start3A_88 = arith.constant 0 : i32
      %dma_start3A_89 = tpu.memref_slice %arg7[%add3A_82, %dma_start3A_88] : memref<125x80xi32, #tpu.memory_space<vmem>> -> memref<1x80xi32, #tpu.memory_space<vmem>>
      %dma_start3A_90 = tpu.memref_squeeze %dma_start3A_89 : memref<1x80xi32, #tpu.memory_space<vmem>> -> memref<80xi32, #tpu.memory_space<vmem>>
      %dma_start3A_91 = arith.constant 0 : i32
      %dma_start3A_92 = arith.constant 0 : i32
      %dma_start3A_93 = tpu.memref_slice %arg2[%dma_start3A_91, %dma_start3A_92] : memref<10000x40xf32, #tpu.memory_space<hbm>> -> memref<10000x40xf32, #tpu.memory_space<hbm>>
      tpu.enqueue_indirect_dma source(%dma_start3A_93 : memref<10000x40xf32, #tpu.memory_space<hbm>>) target(%dma_start3A_87 : memref<80x40xf32, #tpu.memory_space<vmem>>) offsets(%dma_start3A_90 : memref<80xi32, #tpu.memory_space<vmem>>) semaphore(%arg11 : memref<!tpu.dma_semaphore, #tpu.memory_space<semaphore_mem>>)
      %add3A_94 = arith.constant 4 : i32
      %add3A_95 = arith.addi %mul3A_42, %add3A_94 : i32
      %dma_start3A_96 = arith.constant 4 : i32
      %dma_start3A_97 = arith.constant 0 : i32
      %dma_start3A_98 = arith.constant 0 : i32
      %dma_start3A_99 = tpu.memref_slice %arg9[%dma_start3A_96, %dma_start3A_97, %dma_start3A_98] : memref<5x80x40xf32, #tpu.memory_space<vmem>> -> memref<1x80x40xf32, #tpu.memory_space<vmem>>
      %dma_start3A_100 = tpu.memref_squeeze %dma_start3A_99 : memref<1x80x40xf32, #tpu.memory_space<vmem>> -> memref<80x40xf32, #tpu.memory_space<vmem>>
      %dma_start3A_101 = arith.constant 0 : i32
      %dma_start3A_102 = tpu.memref_slice %arg7[%add3A_95, %dma_start3A_101] : memref<125x80xi32, #tpu.memory_space<vmem>> -> memref<1x80xi32, #tpu.memory_space<vmem>>
      %dma_start3A_103 = tpu.memref_squeeze %dma_start3A_102 : memref<1x80xi32, #tpu.memory_space<vmem>> -> memref<80xi32, #tpu.memory_space<vmem>>
      %dma_start3A_104 = arith.constant 0 : i32
      %dma_start3A_105 = arith.constant 0 : i32
      %dma_start3A_106 = tpu.memref_slice %arg2[%dma_start3A_104, %dma_start3A_105] : memref<10000x40xf32, #tpu.memory_space<hbm>> -> memref<10000x40xf32, #tpu.memory_space<hbm>>
      tpu.enqueue_indirect_dma source(%dma_start3A_106 : memref<10000x40xf32, #tpu.memory_space<hbm>>) target(%dma_start3A_100 : memref<80x40xf32, #tpu.memory_space<vmem>>) offsets(%dma_start3A_103 : memref<80xi32, #tpu.memory_space<vmem>>) semaphore(%arg11 : memref<!tpu.dma_semaphore, #tpu.memory_space<semaphore_mem>>)
      %add3A_107 = arith.constant 0 : i32
      %add3A_108 = arith.addi %mul3A_42, %add3A_107 : i32
      %dma_wait3A = arith.constant 0 : i32
      %dma_wait3A_109 = arith.constant 0 : i32
      %dma_wait3A_110 = arith.constant 0 : i32
      %dma_wait3A_111 = tpu.memref_slice %arg9[%dma_wait3A, %dma_wait3A_109, %dma_wait3A_110] : memref<5x80x40xf32, #tpu.memory_space<vmem>> -> memref<1x80x40xf32, #tpu.memory_space<vmem>>
      %dma_wait3A_112 = tpu.memref_squeeze %dma_wait3A_111 : memref<1x80x40xf32, #tpu.memory_space<vmem>> -> memref<80x40xf32, #tpu.memory_space<vmem>>
      %dma_wait3A_113 = arith.constant 0 : i32
      %dma_wait3A_114 = tpu.memref_slice %arg7[%add3A_108, %dma_wait3A_113] : memref<125x80xi32, #tpu.memory_space<vmem>> -> memref<1x80xi32, #tpu.memory_space<vmem>>
      %dma_wait3A_115 = tpu.memref_squeeze %dma_wait3A_114 : memref<1x80xi32, #tpu.memory_space<vmem>> -> memref<80xi32, #tpu.memory_space<vmem>>
      %dma_wait3A_116 = arith.constant 0 : i32
      %dma_wait3A_117 = arith.constant 0 : i32
      %dma_wait3A_118 = tpu.memref_slice %arg2[%dma_wait3A_116, %dma_wait3A_117] : memref<10000x40xf32, #tpu.memory_space<hbm>> -> memref<10000x40xf32, #tpu.memory_space<hbm>>
      tpu.wait_indirect_dma semaphore(%arg11 : memref<!tpu.dma_semaphore, #tpu.memory_space<semaphore_mem>>) src(%dma_wait3A_118 : memref<10000x40xf32, #tpu.memory_space<hbm>>) dst(%dma_wait3A_112 : memref<80x40xf32, #tpu.memory_space<vmem>>)
      %add3A_119 = arith.constant 1 : i32
      %add3A_120 = arith.addi %mul3A_42, %add3A_119 : i32
      %dma_wait3A_121 = arith.constant 1 : i32
      %dma_wait3A_122 = arith.constant 0 : i32
      %dma_wait3A_123 = arith.constant 0 : i32
      %dma_wait3A_124 = tpu.memref_slice %arg9[%dma_wait3A_121, %dma_wait3A_122, %dma_wait3A_123] : memref<5x80x40xf32, #tpu.memory_space<vmem>> -> memref<1x80x40xf32, #tpu.memory_space<vmem>>
      %dma_wait3A_125 = tpu.memref_squeeze %dma_wait3A_124 : memref<1x80x40xf32, #tpu.memory_space<vmem>> -> memref<80x40xf32, #tpu.memory_space<vmem>>
      %dma_wait3A_126 = arith.constant 0 : i32
      %dma_wait3A_127 = tpu.memref_slice %arg7[%add3A_120, %dma_wait3A_126] : memref<125x80xi32, #tpu.memory_space<vmem>> -> memref<1x80xi32, #tpu.memory_space<vmem>>
      %dma_wait3A_128 = tpu.memref_squeeze %dma_wait3A_127 : memref<1x80xi32, #tpu.memory_space<vmem>> -> memref<80xi32, #tpu.memory_space<vmem>>
      %dma_wait3A_129 = arith.constant 0 : i32
      %dma_wait3A_130 = arith.constant 0 : i32
      %dma_wait3A_131 = tpu.memref_slice %arg2[%dma_wait3A_129, %dma_wait3A_130] : memref<10000x40xf32, #tpu.memory_space<hbm>> -> memref<10000x40xf32, #tpu.memory_space<hbm>>
      tpu.wait_indirect_dma semaphore(%arg11 : memref<!tpu.dma_semaphore, #tpu.memory_space<semaphore_mem>>) src(%dma_wait3A_131 : memref<10000x40xf32, #tpu.memory_space<hbm>>) dst(%dma_wait3A_125 : memref<80x40xf32, #tpu.memory_space<vmem>>)
      %add3A_132 = arith.constant 2 : i32
      %add3A_133 = arith.addi %mul3A_42, %add3A_132 : i32
      %dma_wait3A_134 = arith.constant 2 : i32
      %dma_wait3A_135 = arith.constant 0 : i32
      %dma_wait3A_136 = arith.constant 0 : i32
      %dma_wait3A_137 = tpu.memref_slice %arg9[%dma_wait3A_134, %dma_wait3A_135, %dma_wait3A_136] : memref<5x80x40xf32, #tpu.memory_space<vmem>> -> memref<1x80x40xf32, #tpu.memory_space<vmem>>
      %dma_wait3A_138 = tpu.memref_squeeze %dma_wait3A_137 : memref<1x80x40xf32, #tpu.memory_space<vmem>> -> memref<80x40xf32, #tpu.memory_space<vmem>>
      %dma_wait3A_139 = arith.constant 0 : i32
      %dma_wait3A_140 = tpu.memref_slice %arg7[%add3A_133, %dma_wait3A_139] : memref<125x80xi32, #tpu.memory_space<vmem>> -> memref<1x80xi32, #tpu.memory_space<vmem>>
      %dma_wait3A_141 = tpu.memref_squeeze %dma_wait3A_140 : memref<1x80xi32, #tpu.memory_space<vmem>> -> memref<80xi32, #tpu.memory_space<vmem>>
      %dma_wait3A_142 = arith.constant 0 : i32
      %dma_wait3A_143 = arith.constant 0 : i32
      %dma_wait3A_144 = tpu.memref_slice %arg2[%dma_wait3A_142, %dma_wait3A_143] : memref<10000x40xf32, #tpu.memory_space<hbm>> -> memref<10000x40xf32, #tpu.memory_space<hbm>>
      tpu.wait_indirect_dma semaphore(%arg11 : memref<!tpu.dma_semaphore, #tpu.memory_space<semaphore_mem>>) src(%dma_wait3A_144 : memref<10000x40xf32, #tpu.memory_space<hbm>>) dst(%dma_wait3A_138 : memref<80x40xf32, #tpu.memory_space<vmem>>)
      %add3A_145 = arith.constant 3 : i32
      %add3A_146 = arith.addi %mul3A_42, %add3A_145 : i32
      %dma_wait3A_147 = arith.constant 3 : i32
      %dma_wait3A_148 = arith.constant 0 : i32
      %dma_wait3A_149 = arith.constant 0 : i32
      %dma_wait3A_150 = tpu.memref_slice %arg9[%dma_wait3A_147, %dma_wait3A_148, %dma_wait3A_149] : memref<5x80x40xf32, #tpu.memory_space<vmem>> -> memref<1x80x40xf32, #tpu.memory_space<vmem>>
      %dma_wait3A_151 = tpu.memref_squeeze %dma_wait3A_150 : memref<1x80x40xf32, #tpu.memory_space<vmem>> -> memref<80x40xf32, #tpu.memory_space<vmem>>
      %dma_wait3A_152 = arith.constant 0 : i32
      %dma_wait3A_153 = tpu.memref_slice %arg7[%add3A_146, %dma_wait3A_152] : memref<125x80xi32, #tpu.memory_space<vmem>> -> memref<1x80xi32, #tpu.memory_space<vmem>>
      %dma_wait3A_154 = tpu.memref_squeeze %dma_wait3A_153 : memref<1x80xi32, #tpu.memory_space<vmem>> -> memref<80xi32, #tpu.memory_space<vmem>>
      %dma_wait3A_155 = arith.constant 0 : i32
      %dma_wait3A_156 = arith.constant 0 : i32
      %dma_wait3A_157 = tpu.memref_slice %arg2[%dma_wait3A_155, %dma_wait3A_156] : memref<10000x40xf32, #tpu.memory_space<hbm>> -> memref<10000x40xf32, #tpu.memory_space<hbm>>
      tpu.wait_indirect_dma semaphore(%arg11 : memref<!tpu.dma_semaphore, #tpu.memory_space<semaphore_mem>>) src(%dma_wait3A_157 : memref<10000x40xf32, #tpu.memory_space<hbm>>) dst(%dma_wait3A_151 : memref<80x40xf32, #tpu.memory_space<vmem>>)
      %add3A_158 = arith.constant 4 : i32
      %add3A_159 = arith.addi %mul3A_42, %add3A_158 : i32
      %dma_wait3A_160 = arith.constant 4 : i32
      %dma_wait3A_161 = arith.constant 0 : i32
      %dma_wait3A_162 = arith.constant 0 : i32
      %dma_wait3A_163 = tpu.memref_slice %arg9[%dma_wait3A_160, %dma_wait3A_161, %dma_wait3A_162] : memref<5x80x40xf32, #tpu.memory_space<vmem>> -> memref<1x80x40xf32, #tpu.memory_space<vmem>>
      %dma_wait3A_164 = tpu.memref_squeeze %dma_wait3A_163 : memref<1x80x40xf32, #tpu.memory_space<vmem>> -> memref<80x40xf32, #tpu.memory_space<vmem>>
      %dma_wait3A_165 = arith.constant 0 : i32
      %dma_wait3A_166 = tpu.memref_slice %arg7[%add3A_159, %dma_wait3A_165] : memref<125x80xi32, #tpu.memory_space<vmem>> -> memref<1x80xi32, #tpu.memory_space<vmem>>
      %dma_wait3A_167 = tpu.memref_squeeze %dma_wait3A_166 : memref<1x80xi32, #tpu.memory_space<vmem>> -> memref<80xi32, #tpu.memory_space<vmem>>
      %dma_wait3A_168 = arith.constant 0 : i32
      %dma_wait3A_169 = arith.constant 0 : i32
      %dma_wait3A_170 = tpu.memref_slice %arg2[%dma_wait3A_168, %dma_wait3A_169] : memref<10000x40xf32, #tpu.memory_space<hbm>> -> memref<10000x40xf32, #tpu.memory_space<hbm>>
      tpu.wait_indirect_dma semaphore(%arg11 : memref<!tpu.dma_semaphore, #tpu.memory_space<semaphore_mem>>) src(%dma_wait3A_170 : memref<10000x40xf32, #tpu.memory_space<hbm>>) dst(%dma_wait3A_164 : memref<80x40xf32, #tpu.memory_space<vmem>>)
      %add3A_171 = arith.constant 0 : i32
      %add3A_172 = arith.addi %mul3A_42, %add3A_171 : i32
      %run_scoped3A = arith.constant 0 : i32
      "tpu.region"() ({
        %run_scoped3A_186 = tpu.sem_alloc : memref<!tpu.dma_semaphore, #tpu.memory_space<semaphore_mem>>
        %dma_start3A_187 = arith.constant 0 : i32
        %dma_start3A_188 = arith.constant 0 : i32
        %dma_start3A_189 = tpu.memref_slice %arg9[%run_scoped3A, %dma_start3A_187, %dma_start3A_188] : memref<5x80x40xf32, #tpu.memory_space<vmem>> -> memref<1x80x40xf32, #tpu.memory_space<vmem>>
        %dma_start3A_190 = tpu.memref_squeeze %dma_start3A_189 : memref<1x80x40xf32, #tpu.memory_space<vmem>> -> memref<80x40xf32, #tpu.memory_space<vmem>>
        %dma_start3A_191 = arith.constant 0 : i32
        %dma_start3A_192 = tpu.memref_slice %arg8[%add3A_172, %dma_start3A_191] : memref<125x80xi32, #tpu.memory_space<vmem>> -> memref<1x80xi32, #tpu.memory_space<vmem>>
        %dma_start3A_193 = tpu.memref_squeeze %dma_start3A_192 : memref<1x80xi32, #tpu.memory_space<vmem>> -> memref<80xi32, #tpu.memory_space<vmem>>
        %dma_start3A_194 = arith.constant 0 : i32
        %dma_start3A_195 = arith.constant 0 : i32
        %dma_start3A_196 = tpu.memref_slice %arg6[%dma_start3A_194, %dma_start3A_195] : memref<10240x40xf32, #tpu.memory_space<vmem_shared>> -> memref<10240x40xf32, #tpu.memory_space<vmem_shared>>
        tpu.enqueue_indirect_dma source(%dma_start3A_190 : memref<80x40xf32, #tpu.memory_space<vmem>>) target(%dma_start3A_196 : memref<10240x40xf32, #tpu.memory_space<vmem_shared>>) offsets(%dma_start3A_193 : memref<80xi32, #tpu.memory_space<vmem>>) semaphore(%run_scoped3A_186 : memref<!tpu.dma_semaphore, #tpu.memory_space<semaphore_mem>>) {add = true}
        %dma_wait3A_197 = arith.constant 0 : i32
        %dma_wait3A_198 = arith.constant 0 : i32
        %dma_wait3A_199 = tpu.memref_slice %arg9[%run_scoped3A, %dma_wait3A_197, %dma_wait3A_198] : memref<5x80x40xf32, #tpu.memory_space<vmem>> -> memref<1x80x40xf32, #tpu.memory_space<vmem>>
        %dma_wait3A_200 = tpu.memref_squeeze %dma_wait3A_199 : memref<1x80x40xf32, #tpu.memory_space<vmem>> -> memref<80x40xf32, #tpu.memory_space<vmem>>
        %dma_wait3A_201 = arith.constant 0 : i32
        %dma_wait3A_202 = tpu.memref_slice %arg8[%add3A_172, %dma_wait3A_201] : memref<125x80xi32, #tpu.memory_space<vmem>> -> memref<1x80xi32, #tpu.memory_space<vmem>>
        %dma_wait3A_203 = tpu.memref_squeeze %dma_wait3A_202 : memref<1x80xi32, #tpu.memory_space<vmem>> -> memref<80xi32, #tpu.memory_space<vmem>>
        %dma_wait3A_204 = arith.constant 0 : i32
        %dma_wait3A_205 = arith.constant 0 : i32
        %dma_wait3A_206 = tpu.memref_slice %arg6[%dma_wait3A_204, %dma_wait3A_205] : memref<10240x40xf32, #tpu.memory_space<vmem_shared>> -> memref<10240x40xf32, #tpu.memory_space<vmem_shared>>
        tpu.wait_indirect_dma semaphore(%run_scoped3A_186 : memref<!tpu.dma_semaphore, #tpu.memory_space<semaphore_mem>>) src(%dma_wait3A_200 : memref<80x40xf32, #tpu.memory_space<vmem>>) dst(%dma_wait3A_206 : memref<10240x40xf32, #tpu.memory_space<vmem_shared>>)
        tpu.yield
      }) : () -> ()
      %add3A_173 = arith.constant 1 : i32
      %add3A_174 = arith.addi %mul3A_42, %add3A_173 : i32
      %run_scoped3A_175 = arith.constant 1 : i32
      "tpu.region"() ({
        %run_scoped3A_186 = tpu.sem_alloc : memref<!tpu.dma_semaphore, #tpu.memory_space<semaphore_mem>>
        %dma_start3A_187 = arith.constant 0 : i32
        %dma_start3A_188 = arith.constant 0 : i32
        %dma_start3A_189 = tpu.memref_slice %arg9[%run_scoped3A_175, %dma_start3A_187, %dma_start3A_188] : memref<5x80x40xf32, #tpu.memory_space<vmem>> -> memref<1x80x40xf32, #tpu.memory_space<vmem>>
        %dma_start3A_190 = tpu.memref_squeeze %dma_start3A_189 : memref<1x80x40xf32, #tpu.memory_space<vmem>> -> memref<80x40xf32, #tpu.memory_space<vmem>>
        %dma_start3A_191 = arith.constant 0 : i32
        %dma_start3A_192 = tpu.memref_slice %arg8[%add3A_174, %dma_start3A_191] : memref<125x80xi32, #tpu.memory_space<vmem>> -> memref<1x80xi32, #tpu.memory_space<vmem>>
        %dma_start3A_193 = tpu.memref_squeeze %dma_start3A_192 : memref<1x80xi32, #tpu.memory_space<vmem>> -> memref<80xi32, #tpu.memory_space<vmem>>
        %dma_start3A_194 = arith.constant 0 : i32
        %dma_start3A_195 = arith.constant 0 : i32
        %dma_start3A_196 = tpu.memref_slice %arg6[%dma_start3A_194, %dma_start3A_195] : memref<10240x40xf32, #tpu.memory_space<vmem_shared>> -> memref<10240x40xf32, #tpu.memory_space<vmem_shared>>
        tpu.enqueue_indirect_dma source(%dma_start3A_190 : memref<80x40xf32, #tpu.memory_space<vmem>>) target(%dma_start3A_196 : memref<10240x40xf32, #tpu.memory_space<vmem_shared>>) offsets(%dma_start3A_193 : memref<80xi32, #tpu.memory_space<vmem>>) semaphore(%run_scoped3A_186 : memref<!tpu.dma_semaphore, #tpu.memory_space<semaphore_mem>>) {add = true}
        %dma_wait3A_197 = arith.constant 0 : i32
        %dma_wait3A_198 = arith.constant 0 : i32
        %dma_wait3A_199 = tpu.memref_slice %arg9[%run_scoped3A_175, %dma_wait3A_197, %dma_wait3A_198] : memref<5x80x40xf32, #tpu.memory_space<vmem>> -> memref<1x80x40xf32, #tpu.memory_space<vmem>>
        %dma_wait3A_200 = tpu.memref_squeeze %dma_wait3A_199 : memref<1x80x40xf32, #tpu.memory_space<vmem>> -> memref<80x40xf32, #tpu.memory_space<vmem>>
        %dma_wait3A_201 = arith.constant 0 : i32
        %dma_wait3A_202 = tpu.memref_slice %arg8[%add3A_174, %dma_wait3A_201] : memref<125x80xi32, #tpu.memory_space<vmem>> -> memref<1x80xi32, #tpu.memory_space<vmem>>
        %dma_wait3A_203 = tpu.memref_squeeze %dma_wait3A_202 : memref<1x80xi32, #tpu.memory_space<vmem>> -> memref<80xi32, #tpu.memory_space<vmem>>
        %dma_wait3A_204 = arith.constant 0 : i32
        %dma_wait3A_205 = arith.constant 0 : i32
        %dma_wait3A_206 = tpu.memref_slice %arg6[%dma_wait3A_204, %dma_wait3A_205] : memref<10240x40xf32, #tpu.memory_space<vmem_shared>> -> memref<10240x40xf32, #tpu.memory_space<vmem_shared>>
        tpu.wait_indirect_dma semaphore(%run_scoped3A_186 : memref<!tpu.dma_semaphore, #tpu.memory_space<semaphore_mem>>) src(%dma_wait3A_200 : memref<80x40xf32, #tpu.memory_space<vmem>>) dst(%dma_wait3A_206 : memref<10240x40xf32, #tpu.memory_space<vmem_shared>>)
        tpu.yield
      }) : () -> ()
      %add3A_176 = arith.constant 2 : i32
      %add3A_177 = arith.addi %mul3A_42, %add3A_176 : i32
      %run_scoped3A_178 = arith.constant 2 : i32
      "tpu.region"() ({
        %run_scoped3A_186 = tpu.sem_alloc : memref<!tpu.dma_semaphore, #tpu.memory_space<semaphore_mem>>
        %dma_start3A_187 = arith.constant 0 : i32
        %dma_start3A_188 = arith.constant 0 : i32
        %dma_start3A_189 = tpu.memref_slice %arg9[%run_scoped3A_178, %dma_start3A_187, %dma_start3A_188] : memref<5x80x40xf32, #tpu.memory_space<vmem>> -> memref<1x80x40xf32, #tpu.memory_space<vmem>>
        %dma_start3A_190 = tpu.memref_squeeze %dma_start3A_189 : memref<1x80x40xf32, #tpu.memory_space<vmem>> -> memref<80x40xf32, #tpu.memory_space<vmem>>
        %dma_start3A_191 = arith.constant 0 : i32
        %dma_start3A_192 = tpu.memref_slice %arg8[%add3A_177, %dma_start3A_191] : memref<125x80xi32, #tpu.memory_space<vmem>> -> memref<1x80xi32, #tpu.memory_space<vmem>>
        %dma_start3A_193 = tpu.memref_squeeze %dma_start3A_192 : memref<1x80xi32, #tpu.memory_space<vmem>> -> memref<80xi32, #tpu.memory_space<vmem>>
        %dma_start3A_194 = arith.constant 0 : i32
        %dma_start3A_195 = arith.constant 0 : i32
        %dma_start3A_196 = tpu.memref_slice %arg6[%dma_start3A_194, %dma_start3A_195] : memref<10240x40xf32, #tpu.memory_space<vmem_shared>> -> memref<10240x40xf32, #tpu.memory_space<vmem_shared>>
        tpu.enqueue_indirect_dma source(%dma_start3A_190 : memref<80x40xf32, #tpu.memory_space<vmem>>) target(%dma_start3A_196 : memref<10240x40xf32, #tpu.memory_space<vmem_shared>>) offsets(%dma_start3A_193 : memref<80xi32, #tpu.memory_space<vmem>>) semaphore(%run_scoped3A_186 : memref<!tpu.dma_semaphore, #tpu.memory_space<semaphore_mem>>) {add = true}
        %dma_wait3A_197 = arith.constant 0 : i32
        %dma_wait3A_198 = arith.constant 0 : i32
        %dma_wait3A_199 = tpu.memref_slice %arg9[%run_scoped3A_178, %dma_wait3A_197, %dma_wait3A_198] : memref<5x80x40xf32, #tpu.memory_space<vmem>> -> memref<1x80x40xf32, #tpu.memory_space<vmem>>
        %dma_wait3A_200 = tpu.memref_squeeze %dma_wait3A_199 : memref<1x80x40xf32, #tpu.memory_space<vmem>> -> memref<80x40xf32, #tpu.memory_space<vmem>>
        %dma_wait3A_201 = arith.constant 0 : i32
        %dma_wait3A_202 = tpu.memref_slice %arg8[%add3A_177, %dma_wait3A_201] : memref<125x80xi32, #tpu.memory_space<vmem>> -> memref<1x80xi32, #tpu.memory_space<vmem>>
        %dma_wait3A_203 = tpu.memref_squeeze %dma_wait3A_202 : memref<1x80xi32, #tpu.memory_space<vmem>> -> memref<80xi32, #tpu.memory_space<vmem>>
        %dma_wait3A_204 = arith.constant 0 : i32
        %dma_wait3A_205 = arith.constant 0 : i32
        %dma_wait3A_206 = tpu.memref_slice %arg6[%dma_wait3A_204, %dma_wait3A_205] : memref<10240x40xf32, #tpu.memory_space<vmem_shared>> -> memref<10240x40xf32, #tpu.memory_space<vmem_shared>>
        tpu.wait_indirect_dma semaphore(%run_scoped3A_186 : memref<!tpu.dma_semaphore, #tpu.memory_space<semaphore_mem>>) src(%dma_wait3A_200 : memref<80x40xf32, #tpu.memory_space<vmem>>) dst(%dma_wait3A_206 : memref<10240x40xf32, #tpu.memory_space<vmem_shared>>)
        tpu.yield
      }) : () -> ()
      %add3A_179 = arith.constant 3 : i32
      %add3A_180 = arith.addi %mul3A_42, %add3A_179 : i32
      %run_scoped3A_181 = arith.constant 3 : i32
      "tpu.region"() ({
        %run_scoped3A_186 = tpu.sem_alloc : memref<!tpu.dma_semaphore, #tpu.memory_space<semaphore_mem>>
        %dma_start3A_187 = arith.constant 0 : i32
        %dma_start3A_188 = arith.constant 0 : i32
        %dma_start3A_189 = tpu.memref_slice %arg9[%run_scoped3A_181, %dma_start3A_187, %dma_start3A_188] : memref<5x80x40xf32, #tpu.memory_space<vmem>> -> memref<1x80x40xf32, #tpu.memory_space<vmem>>
        %dma_start3A_190 = tpu.memref_squeeze %dma_start3A_189 : memref<1x80x40xf32, #tpu.memory_space<vmem>> -> memref<80x40xf32, #tpu.memory_space<vmem>>
        %dma_start3A_191 = arith.constant 0 : i32
        %dma_start3A_192 = tpu.memref_slice %arg8[%add3A_180, %dma_start3A_191] : memref<125x80xi32, #tpu.memory_space<vmem>> -> memref<1x80xi32, #tpu.memory_space<vmem>>
        %dma_start3A_193 = tpu.memref_squeeze %dma_start3A_192 : memref<1x80xi32, #tpu.memory_space<vmem>> -> memref<80xi32, #tpu.memory_space<vmem>>
        %dma_start3A_194 = arith.constant 0 : i32
        %dma_start3A_195 = arith.constant 0 : i32
        %dma_start3A_196 = tpu.memref_slice %arg6[%dma_start3A_194, %dma_start3A_195] : memref<10240x40xf32, #tpu.memory_space<vmem_shared>> -> memref<10240x40xf32, #tpu.memory_space<vmem_shared>>
        tpu.enqueue_indirect_dma source(%dma_start3A_190 : memref<80x40xf32, #tpu.memory_space<vmem>>) target(%dma_start3A_196 : memref<10240x40xf32, #tpu.memory_space<vmem_shared>>) offsets(%dma_start3A_193 : memref<80xi32, #tpu.memory_space<vmem>>) semaphore(%run_scoped3A_186 : memref<!tpu.dma_semaphore, #tpu.memory_space<semaphore_mem>>) {add = true}
        %dma_wait3A_197 = arith.constant 0 : i32
        %dma_wait3A_198 = arith.constant 0 : i32
        %dma_wait3A_199 = tpu.memref_slice %arg9[%run_scoped3A_181, %dma_wait3A_197, %dma_wait3A_198] : memref<5x80x40xf32, #tpu.memory_space<vmem>> -> memref<1x80x40xf32, #tpu.memory_space<vmem>>
        %dma_wait3A_200 = tpu.memref_squeeze %dma_wait3A_199 : memref<1x80x40xf32, #tpu.memory_space<vmem>> -> memref<80x40xf32, #tpu.memory_space<vmem>>
        %dma_wait3A_201 = arith.constant 0 : i32
        %dma_wait3A_202 = tpu.memref_slice %arg8[%add3A_180, %dma_wait3A_201] : memref<125x80xi32, #tpu.memory_space<vmem>> -> memref<1x80xi32, #tpu.memory_space<vmem>>
        %dma_wait3A_203 = tpu.memref_squeeze %dma_wait3A_202 : memref<1x80xi32, #tpu.memory_space<vmem>> -> memref<80xi32, #tpu.memory_space<vmem>>
        %dma_wait3A_204 = arith.constant 0 : i32
        %dma_wait3A_205 = arith.constant 0 : i32
        %dma_wait3A_206 = tpu.memref_slice %arg6[%dma_wait3A_204, %dma_wait3A_205] : memref<10240x40xf32, #tpu.memory_space<vmem_shared>> -> memref<10240x40xf32, #tpu.memory_space<vmem_shared>>
        tpu.wait_indirect_dma semaphore(%run_scoped3A_186 : memref<!tpu.dma_semaphore, #tpu.memory_space<semaphore_mem>>) src(%dma_wait3A_200 : memref<80x40xf32, #tpu.memory_space<vmem>>) dst(%dma_wait3A_206 : memref<10240x40xf32, #tpu.memory_space<vmem_shared>>)
        tpu.yield
      }) : () -> ()
      %add3A_182 = arith.constant 4 : i32
      %add3A_183 = arith.addi %mul3A_42, %add3A_182 : i32
      %run_scoped3A_184 = arith.constant 4 : i32
      "tpu.region"() ({
        %run_scoped3A_186 = tpu.sem_alloc : memref<!tpu.dma_semaphore, #tpu.memory_space<semaphore_mem>>
        %dma_start3A_187 = arith.constant 0 : i32
        %dma_start3A_188 = arith.constant 0 : i32
        %dma_start3A_189 = tpu.memref_slice %arg9[%run_scoped3A_184, %dma_start3A_187, %dma_start3A_188] : memref<5x80x40xf32, #tpu.memory_space<vmem>> -> memref<1x80x40xf32, #tpu.memory_space<vmem>>
        %dma_start3A_190 = tpu.memref_squeeze %dma_start3A_189 : memref<1x80x40xf32, #tpu.memory_space<vmem>> -> memref<80x40xf32, #tpu.memory_space<vmem>>
        %dma_start3A_191 = arith.constant 0 : i32
        %dma_start3A_192 = tpu.memref_slice %arg8[%add3A_183, %dma_start3A_191] : memref<125x80xi32, #tpu.memory_space<vmem>> -> memref<1x80xi32, #tpu.memory_space<vmem>>
        %dma_start3A_193 = tpu.memref_squeeze %dma_start3A_192 : memref<1x80xi32, #tpu.memory_space<vmem>> -> memref<80xi32, #tpu.memory_space<vmem>>
        %dma_start3A_194 = arith.constant 0 : i32
        %dma_start3A_195 = arith.constant 0 : i32
        %dma_start3A_196 = tpu.memref_slice %arg6[%dma_start3A_194, %dma_start3A_195] : memref<10240x40xf32, #tpu.memory_space<vmem_shared>> -> memref<10240x40xf32, #tpu.memory_space<vmem_shared>>
        tpu.enqueue_indirect_dma source(%dma_start3A_190 : memref<80x40xf32, #tpu.memory_space<vmem>>) target(%dma_start3A_196 : memref<10240x40xf32, #tpu.memory_space<vmem_shared>>) offsets(%dma_start3A_193 : memref<80xi32, #tpu.memory_space<vmem>>) semaphore(%run_scoped3A_186 : memref<!tpu.dma_semaphore, #tpu.memory_space<semaphore_mem>>) {add = true}
        %dma_wait3A_197 = arith.constant 0 : i32
        %dma_wait3A_198 = arith.constant 0 : i32
        %dma_wait3A_199 = tpu.memref_slice %arg9[%run_scoped3A_184, %dma_wait3A_197, %dma_wait3A_198] : memref<5x80x40xf32, #tpu.memory_space<vmem>> -> memref<1x80x40xf32, #tpu.memory_space<vmem>>
        %dma_wait3A_200 = tpu.memref_squeeze %dma_wait3A_199 : memref<1x80x40xf32, #tpu.memory_space<vmem>> -> memref<80x40xf32, #tpu.memory_space<vmem>>
        %dma_wait3A_201 = arith.constant 0 : i32
        %dma_wait3A_202 = tpu.memref_slice %arg8[%add3A_183, %dma_wait3A_201] : memref<125x80xi32, #tpu.memory_space<vmem>> -> memref<1x80xi32, #tpu.memory_space<vmem>>
        %dma_wait3A_203 = tpu.memref_squeeze %dma_wait3A_202 : memref<1x80xi32, #tpu.memory_space<vmem>> -> memref<80xi32, #tpu.memory_space<vmem>>
        %dma_wait3A_204 = arith.constant 0 : i32
        %dma_wait3A_205 = arith.constant 0 : i32
        %dma_wait3A_206 = tpu.memref_slice %arg6[%dma_wait3A_204, %dma_wait3A_205] : memref<10240x40xf32, #tpu.memory_space<vmem_shared>> -> memref<10240x40xf32, #tpu.memory_space<vmem_shared>>
        tpu.wait_indirect_dma semaphore(%run_scoped3A_186 : memref<!tpu.dma_semaphore, #tpu.memory_space<semaphore_mem>>) src(%dma_wait3A_200 : memref<80x40xf32, #tpu.memory_space<vmem>>) dst(%dma_wait3A_206 : memref<10240x40xf32, #tpu.memory_space<vmem_shared>>)
        tpu.yield
      }) : () -> ()
      %scan3A_185 = arith.constant 0 : i32
      scf.yield %scan3A_185 : i32
    }
    %scan3A_33 = arith.constant 25 : i32
    %barrier3A_34 = arith.constant 0 : index
    tpu.barrier barrier_id(%barrier3A_34)
    %mul3A_35 = arith.constant 640 : i32
    %mul3A_36 = arith.muli %arg1, %mul3A_35 : i32
    %mul3A_37 = arith.constant 640 : i32
    %mul3A_38 = arith.muli %arg1, %mul3A_37 : i32
    "tpu.region"() ({
      %run_scoped3A = tpu.sem_alloc : memref<!tpu.dma_semaphore, #tpu.memory_space<semaphore_mem>>
      %dma_start3A = arith.constant 0 : i32
      %dma_start3A_39 = tpu.memref_slice %arg5[%arg0, %mul3A_38, %dma_start3A] : memref<2x10240x40xf32, #tpu.memory_space<hbm>> -> memref<1x640x40xf32, #tpu.memory_space<hbm>>
      %dma_start3A_40 = tpu.memref_squeeze %dma_start3A_39 : memref<1x640x40xf32, #tpu.memory_space<hbm>> -> memref<640x40xf32, #tpu.memory_space<hbm>>
      %dma_start3A_41 = arith.constant 0 : i32
      %dma_start3A_42 = tpu.memref_slice %arg6[%mul3A_36, %dma_start3A_41] : memref<10240x40xf32, #tpu.memory_space<vmem_shared>> -> memref<640x40xf32, #tpu.memory_space<vmem_shared>>
      tpu.enqueue_dma source(%dma_start3A_42 : memref<640x40xf32, #tpu.memory_space<vmem_shared>>) target(%dma_start3A_40 : memref<640x40xf32, #tpu.memory_space<hbm>>) target_semaphore(%run_scoped3A : memref<!tpu.dma_semaphore, #tpu.memory_space<semaphore_mem>>)
      %dma_wait3A = arith.constant 0 : i32
      %dma_wait3A_43 = tpu.memref_slice %arg5[%arg0, %mul3A_38, %dma_wait3A] : memref<2x10240x40xf32, #tpu.memory_space<hbm>> -> memref<1x640x40xf32, #tpu.memory_space<hbm>>
      %dma_wait3A_44 = tpu.memref_squeeze %dma_wait3A_43 : memref<1x640x40xf32, #tpu.memory_space<hbm>> -> memref<640x40xf32, #tpu.memory_space<hbm>>
      %dma_wait3A_45 = arith.constant 0 : i32
      %dma_wait3A_46 = tpu.memref_slice %arg6[%mul3A_36, %dma_wait3A_45] : memref<10240x40xf32, #tpu.memory_space<vmem_shared>> -> memref<640x40xf32, #tpu.memory_space<vmem_shared>>
      tpu.wait_dma2 semaphore(%run_scoped3A : memref<!tpu.dma_semaphore, #tpu.memory_space<semaphore_mem>>) src(%dma_wait3A_46 : memref<640x40xf32, #tpu.memory_space<vmem_shared>>) dst(%dma_wait3A_44 : memref<640x40xf32, #tpu.memory_space<hbm>>)
      tpu.yield
    }) : () -> ()
    return
  }
}

#map = affine_map<(d0, d1) -> (0, 0)>
#map1 = affine_map<(d0, d1) -> (0, 0, 0)>
module attributes {stable_mosaic.version = 14 : i64} {
  func.func @sc_seg_sum_d64_cnt(%arg0: i32, %arg1: i32, %arg2: memref<10000x64xf32, #tpu.memory_space<hbm>>, %arg3: memref<32x125x80xi32, #tpu.memory_space<hbm>>, %arg4: memref<32x125x80xi32, #tpu.memory_space<hbm>>, %arg5: memref<2x10240x64xf32, #tpu.memory_space<hbm>>, %arg6: memref<2x10240xf32, #tpu.memory_space<hbm>>, %arg7: memref<10240x64xf32, #tpu.memory_space<vmem_shared>>, %arg8: memref<125x80xi32, #tpu.memory_space<vmem>>, %arg9: memref<125x80xi32, #tpu.memory_space<vmem>>, %arg10: memref<5x80x64xf32, #tpu.memory_space<vmem>>, %arg11: memref<128x64xf32, #tpu.memory_space<vmem>>, %arg12: memref<!tpu.dma_semaphore, #tpu.memory_space<semaphore_mem>>, %arg13: memref<10240xf32, #tpu.memory_space<vmem_shared>>, %arg14: memref<640xf32, #tpu.memory_space<vmem>>, %arg15: memref<80xf32, #tpu.memory_space<vmem>>) attributes {dimension_semantics = [#tpu.dimension_semantics<core_parallel>, #tpu.dimension_semantics<subcore_parallel>], iteration_bounds = array<i64: 2, 16>, scalar_prefetch = 0 : i64, scratch_operands = 9 : i64, tpu.core_type = #tpu.core_type<sc_vector_subcore>, window_params = [{transform_indices = #map}, {transform_indices = #map1}, {transform_indices = #map1}, {transform_indices = #map1}, {transform_indices = #map}]} {
    %mul3A = arith.constant 16 : i32
    %mul3A_0 = arith.muli %arg0, %mul3A : i32
    %add3A = arith.addi %mul3A_0, %arg1 : i32
    %scan3A = arith.constant 0 : i32
    %scan3A_1 = arith.constant 0 : i32
    %scan3A_2 = arith.constant 512 : i32
    %scan3A_3 = arith.addi %scan3A_1, %scan3A_2 : i32
    %scan3A_4 = arith.constant 1 : i32
    %scan3A_5 = scf.for %scan3A_59 = %scan3A_1 to %scan3A_3 step %scan3A_4 iter_args(%scan3A_60 = %scan3A) -> (i32)  : i32 {
      %broadcast_in_dim3A = arith.constant 0.000000e+00 : f32
      %broadcast_in_dim3A_61 = vector.broadcast %broadcast_in_dim3A : f32 to vector<16xf32>
      %jit3A = arith.constant 4 : i32
      %div3A = arith.divsi %scan3A_59, %jit3A : i32
      %sign3A = arith.constant 0 : i32
      %sign3A_62 = arith.cmpi sgt, %scan3A_59, %sign3A : i32
      %sign3A_63 = arith.extui %sign3A_62 : i1 to i32
      %sign3A_64 = arith.constant 0 : i32
      %sign3A_65 = arith.cmpi slt, %scan3A_59, %sign3A_64 : i32
      %sign3A_66 = arith.extui %sign3A_65 : i1 to i32
      %sign3A_67 = arith.subi %sign3A_63, %sign3A_66 : i32
      %sign3A_68 = arith.constant 0 : i32
      %sign3A_69 = arith.cmpi sgt, %jit3A, %sign3A_68 : i32
      %sign3A_70 = arith.extui %sign3A_69 : i1 to i32
      %sign3A_71 = arith.constant 0 : i32
      %sign3A_72 = arith.cmpi slt, %jit3A, %sign3A_71 : i32
      %sign3A_73 = arith.extui %sign3A_72 : i1 to i32
      %sign3A_74 = arith.subi %sign3A_70, %sign3A_73 : i32
      %ne3A = arith.cmpi ne, %sign3A_67, %sign3A_74 : i32
      %rem3A = arith.remsi %scan3A_59, %jit3A : i32
      %ne3A_75 = arith.constant 0 : i32
      %ne3A_76 = arith.cmpi ne, %rem3A, %ne3A_75 : i32
      %and3A = arith.andi %ne3A, %ne3A_76 : i1
      %sub3A = arith.constant 1 : i32
      %sub3A_77 = arith.subi %div3A, %sub3A : i32
      %select_n3A = arith.select %and3A, %sub3A_77, %div3A : i32
      %jit3A_78 = arith.constant 4 : i32
      %eq3A = arith.constant 0 : i32
      %eq3A_79 = arith.cmpi eq, %jit3A_78, %eq3A : i32
      %jit3A_80 = arith.constant 1 : i32
      %select_n3A_81 = arith.select %eq3A_79, %jit3A_80, %jit3A_78 : i32
      %rem3A_82 = arith.remsi %scan3A_59, %select_n3A_81 : i32
      %ne3A_83 = arith.constant 0 : i32
      %ne3A_84 = arith.cmpi ne, %rem3A_82, %ne3A_83 : i32
      %lt3A = arith.constant 0 : i32
      %lt3A_85 = arith.cmpi slt, %rem3A_82, %lt3A : i32
      %lt3A_86 = arith.constant 0 : i32
      %lt3A_87 = arith.cmpi slt, %select_n3A_81, %lt3A_86 : i32
      %ne3A_88 = arith.xori %lt3A_85, %lt3A_87 : i1
      %and3A_89 = arith.andi %ne3A_88, %ne3A_84 : i1
      %add3A_90 = arith.addi %rem3A_82, %select_n3A_81 : i32
      %select_n3A_91 = arith.select %and3A_89, %add3A_90, %rem3A_82 : i32
      %mul3A_92 = arith.constant 16 : i32
      %mul3A_93 = arith.muli %select_n3A_91, %mul3A_92 : i32
      %swap3A = arith.index_cast %select_n3A : i32 to index
      %swap3A_94 = arith.index_cast %mul3A_93 : i32 to index
      %swap3A_95 = tpu.vector_load %arg11[%swap3A, %swap3A_94] {strides = array<i32>} : memref<128x64xf32, #tpu.memory_space<vmem>>, vector<1x16xf32>,
      %swap3A_96 = vector.shape_cast %swap3A_95 : vector<1x16xf32> to vector<16xf32>
      %swap3A_97 = vector.shape_cast %broadcast_in_dim3A_61 : vector<16xf32> to vector<1x16xf32>
      tpu.vector_store %arg11[%swap3A, %swap3A_94], %swap3A_97 {strides = array<i32>} : memref<128x64xf32, #tpu.memory_space<vmem>>, vector<1x16xf32>,
      %scan3A_98 = arith.constant 0 : i32
      scf.yield %scan3A_98 : i32
    }
    %scan3A_6 = arith.constant 512 : i32
    %mul3A_7 = arith.constant 640 : i32
    %mul3A_8 = arith.muli %arg1, %mul3A_7 : i32
    %add3A_9 = arith.constant 0 : i32
    %add3A_10 = arith.addi %mul3A_8, %add3A_9 : i32
    "tpu.region"() ({
      %run_scoped3A = tpu.sem_alloc : memref<!tpu.dma_semaphore, #tpu.memory_space<semaphore_mem>>
      %dma_start3A = arith.constant 0 : i32
      %dma_start3A_59 = tpu.memref_slice %arg7[%add3A_10, %dma_start3A] : memref<10240x64xf32, #tpu.memory_space<vmem_shared>> -> memref<128x64xf32, #tpu.memory_space<vmem_shared>>
      %dma_start3A_60 = arith.constant 0 : i32
      %dma_start3A_61 = tpu.memref_slice %arg7[%add3A_10, %dma_start3A_60] : memref<10240x64xf32, #tpu.memory_space<vmem_shared>> -> memref<128x64xf32, #tpu.memory_space<vmem_shared>>
      tpu.enqueue_dma source(%arg11 : memref<128x64xf32, #tpu.memory_space<vmem>>) target(%dma_start3A_61 : memref<128x64xf32, #tpu.memory_space<vmem_shared>>) target_semaphore(%run_scoped3A : memref<!tpu.dma_semaphore, #tpu.memory_space<semaphore_mem>>)
      %dma_wait3A = arith.constant 0 : i32
      %dma_wait3A_62 = tpu.memref_slice %arg7[%add3A_10, %dma_wait3A] : memref<10240x64xf32, #tpu.memory_space<vmem_shared>> -> memref<128x64xf32, #tpu.memory_space<vmem_shared>>
      %dma_wait3A_63 = arith.constant 0 : i32
      %dma_wait3A_64 = tpu.memref_slice %arg7[%add3A_10, %dma_wait3A_63] : memref<10240x64xf32, #tpu.memory_space<vmem_shared>> -> memref<128x64xf32, #tpu.memory_space<vmem_shared>>
      tpu.wait_dma2 semaphore(%run_scoped3A : memref<!tpu.dma_semaphore, #tpu.memory_space<semaphore_mem>>) src(%arg11 : memref<128x64xf32, #tpu.memory_space<vmem>>) dst(%dma_wait3A_64 : memref<128x64xf32, #tpu.memory_space<vmem_shared>>)
      tpu.yield
    }) : () -> ()
    %mul3A_11 = arith.constant 640 : i32
    %mul3A_12 = arith.muli %arg1, %mul3A_11 : i32
    %add3A_13 = arith.constant 128 : i32
    %add3A_14 = arith.addi %mul3A_12, %add3A_13 : i32
    "tpu.region"() ({
      %run_scoped3A = tpu.sem_alloc : memref<!tpu.dma_semaphore, #tpu.memory_space<semaphore_mem>>
      %dma_start3A = arith.constant 0 : i32
      %dma_start3A_59 = tpu.memref_slice %arg7[%add3A_14, %dma_start3A] : memref<10240x64xf32, #tpu.memory_space<vmem_shared>> -> memref<128x64xf32, #tpu.memory_space<vmem_shared>>
      %dma_start3A_60 = arith.constant 0 : i32
      %dma_start3A_61 = tpu.memref_slice %arg7[%add3A_14, %dma_start3A_60] : memref<10240x64xf32, #tpu.memory_space<vmem_shared>> -> memref<128x64xf32, #tpu.memory_space<vmem_shared>>
      tpu.enqueue_dma source(%arg11 : memref<128x64xf32, #tpu.memory_space<vmem>>) target(%dma_start3A_61 : memref<128x64xf32, #tpu.memory_space<vmem_shared>>) target_semaphore(%run_scoped3A : memref<!tpu.dma_semaphore, #tpu.memory_space<semaphore_mem>>)
      %dma_wait3A = arith.constant 0 : i32
      %dma_wait3A_62 = tpu.memref_slice %arg7[%add3A_14, %dma_wait3A] : memref<10240x64xf32, #tpu.memory_space<vmem_shared>> -> memref<128x64xf32, #tpu.memory_space<vmem_shared>>
      %dma_wait3A_63 = arith.constant 0 : i32
      %dma_wait3A_64 = tpu.memref_slice %arg7[%add3A_14, %dma_wait3A_63] : memref<10240x64xf32, #tpu.memory_space<vmem_shared>> -> memref<128x64xf32, #tpu.memory_space<vmem_shared>>
      tpu.wait_dma2 semaphore(%run_scoped3A : memref<!tpu.dma_semaphore, #tpu.memory_space<semaphore_mem>>) src(%arg11 : memref<128x64xf32, #tpu.memory_space<vmem>>) dst(%dma_wait3A_64 : memref<128x64xf32, #tpu.memory_space<vmem_shared>>)
      tpu.yield
    }) : () -> ()
    %mul3A_15 = arith.constant 640 : i32
    %mul3A_16 = arith.muli %arg1, %mul3A_15 : i32
    %add3A_17 = arith.constant 256 : i32
    %add3A_18 = arith.addi %mul3A_16, %add3A_17 : i32
    "tpu.region"() ({
      %run_scoped3A = tpu.sem_alloc : memref<!tpu.dma_semaphore, #tpu.memory_space<semaphore_mem>>
      %dma_start3A = arith.constant 0 : i32
      %dma_start3A_59 = tpu.memref_slice %arg7[%add3A_18, %dma_start3A] : memref<10240x64xf32, #tpu.memory_space<vmem_shared>> -> memref<128x64xf32, #tpu.memory_space<vmem_shared>>
      %dma_start3A_60 = arith.constant 0 : i32
      %dma_start3A_61 = tpu.memref_slice %arg7[%add3A_18, %dma_start3A_60] : memref<10240x64xf32, #tpu.memory_space<vmem_shared>> -> memref<128x64xf32, #tpu.memory_space<vmem_shared>>
      tpu.enqueue_dma source(%arg11 : memref<128x64xf32, #tpu.memory_space<vmem>>) target(%dma_start3A_61 : memref<128x64xf32, #tpu.memory_space<vmem_shared>>) target_semaphore(%run_scoped3A : memref<!tpu.dma_semaphore, #tpu.memory_space<semaphore_mem>>)
      %dma_wait3A = arith.constant 0 : i32
      %dma_wait3A_62 = tpu.memref_slice %arg7[%add3A_18, %dma_wait3A] : memref<10240x64xf32, #tpu.memory_space<vmem_shared>> -> memref<128x64xf32, #tpu.memory_space<vmem_shared>>
      %dma_wait3A_63 = arith.constant 0 : i32
      %dma_wait3A_64 = tpu.memref_slice %arg7[%add3A_18, %dma_wait3A_63] : memref<10240x64xf32, #tpu.memory_space<vmem_shared>> -> memref<128x64xf32, #tpu.memory_space<vmem_shared>>
      tpu.wait_dma2 semaphore(%run_scoped3A : memref<!tpu.dma_semaphore, #tpu.memory_space<semaphore_mem>>) src(%arg11 : memref<128x64xf32, #tpu.memory_space<vmem>>) dst(%dma_wait3A_64 : memref<128x64xf32, #tpu.memory_space<vmem_shared>>)
      tpu.yield
    }) : () -> ()
    %mul3A_19 = arith.constant 640 : i32
    %mul3A_20 = arith.muli %arg1, %mul3A_19 : i32
    %add3A_21 = arith.constant 384 : i32
    %add3A_22 = arith.addi %mul3A_20, %add3A_21 : i32
    "tpu.region"() ({
      %run_scoped3A = tpu.sem_alloc : memref<!tpu.dma_semaphore, #tpu.memory_space<semaphore_mem>>
      %dma_start3A = arith.constant 0 : i32
      %dma_start3A_59 = tpu.memref_slice %arg7[%add3A_22, %dma_start3A] : memref<10240x64xf32, #tpu.memory_space<vmem_shared>> -> memref<128x64xf32, #tpu.memory_space<vmem_shared>>
      %dma_start3A_60 = arith.constant 0 : i32
      %dma_start3A_61 = tpu.memref_slice %arg7[%add3A_22, %dma_start3A_60] : memref<10240x64xf32, #tpu.memory_space<vmem_shared>> -> memref<128x64xf32, #tpu.memory_space<vmem_shared>>
      tpu.enqueue_dma source(%arg11 : memref<128x64xf32, #tpu.memory_space<vmem>>) target(%dma_start3A_61 : memref<128x64xf32, #tpu.memory_space<vmem_shared>>) target_semaphore(%run_scoped3A : memref<!tpu.dma_semaphore, #tpu.memory_space<semaphore_mem>>)
      %dma_wait3A = arith.constant 0 : i32
      %dma_wait3A_62 = tpu.memref_slice %arg7[%add3A_22, %dma_wait3A] : memref<10240x64xf32, #tpu.memory_space<vmem_shared>> -> memref<128x64xf32, #tpu.memory_space<vmem_shared>>
      %dma_wait3A_63 = arith.constant 0 : i32
      %dma_wait3A_64 = tpu.memref_slice %arg7[%add3A_22, %dma_wait3A_63] : memref<10240x64xf32, #tpu.memory_space<vmem_shared>> -> memref<128x64xf32, #tpu.memory_space<vmem_shared>>
      tpu.wait_dma2 semaphore(%run_scoped3A : memref<!tpu.dma_semaphore, #tpu.memory_space<semaphore_mem>>) src(%arg11 : memref<128x64xf32, #tpu.memory_space<vmem>>) dst(%dma_wait3A_64 : memref<128x64xf32, #tpu.memory_space<vmem_shared>>)
      tpu.yield
    }) : () -> ()
    %mul3A_23 = arith.constant 640 : i32
    %mul3A_24 = arith.muli %arg1, %mul3A_23 : i32
    %add3A_25 = arith.constant 512 : i32
    %add3A_26 = arith.addi %mul3A_24, %add3A_25 : i32
    "tpu.region"() ({
      %run_scoped3A = tpu.sem_alloc : memref<!tpu.dma_semaphore, #tpu.memory_space<semaphore_mem>>
      %dma_start3A = arith.constant 0 : i32
      %dma_start3A_59 = tpu.memref_slice %arg7[%add3A_26, %dma_start3A] : memref<10240x64xf32, #tpu.memory_space<vmem_shared>> -> memref<128x64xf32, #tpu.memory_space<vmem_shared>>
      %dma_start3A_60 = arith.constant 0 : i32
      %dma_start3A_61 = tpu.memref_slice %arg7[%add3A_26, %dma_start3A_60] : memref<10240x64xf32, #tpu.memory_space<vmem_shared>> -> memref<128x64xf32, #tpu.memory_space<vmem_shared>>
      tpu.enqueue_dma source(%arg11 : memref<128x64xf32, #tpu.memory_space<vmem>>) target(%dma_start3A_61 : memref<128x64xf32, #tpu.memory_space<vmem_shared>>) target_semaphore(%run_scoped3A : memref<!tpu.dma_semaphore, #tpu.memory_space<semaphore_mem>>)
      %dma_wait3A = arith.constant 0 : i32
      %dma_wait3A_62 = tpu.memref_slice %arg7[%add3A_26, %dma_wait3A] : memref<10240x64xf32, #tpu.memory_space<vmem_shared>> -> memref<128x64xf32, #tpu.memory_space<vmem_shared>>
      %dma_wait3A_63 = arith.constant 0 : i32
      %dma_wait3A_64 = tpu.memref_slice %arg7[%add3A_26, %dma_wait3A_63] : memref<10240x64xf32, #tpu.memory_space<vmem_shared>> -> memref<128x64xf32, #tpu.memory_space<vmem_shared>>
      tpu.wait_dma2 semaphore(%run_scoped3A : memref<!tpu.dma_semaphore, #tpu.memory_space<semaphore_mem>>) src(%arg11 : memref<128x64xf32, #tpu.memory_space<vmem>>) dst(%dma_wait3A_64 : memref<128x64xf32, #tpu.memory_space<vmem_shared>>)
      tpu.yield
    }) : () -> ()
    %scan3A_27 = arith.constant 0 : i32
    %scan3A_28 = arith.constant 0 : i32
    %scan3A_29 = arith.constant 40 : i32
    %scan3A_30 = arith.addi %scan3A_28, %scan3A_29 : i32
    %scan3A_31 = arith.constant 1 : i32
    %scan3A_32 = scf.for %scan3A_59 = %scan3A_28 to %scan3A_30 step %scan3A_31 iter_args(%scan3A_60 = %scan3A_27) -> (i32)  : i32 {
      %broadcast_in_dim3A = arith.constant 0.000000e+00 : f32
      %broadcast_in_dim3A_61 = vector.broadcast %broadcast_in_dim3A : f32 to vector<16xf32>
      %mul3A_62 = arith.constant 16 : i32
      %mul3A_63 = arith.muli %scan3A_59, %mul3A_62 : i32
      %swap3A = arith.index_cast %mul3A_63 : i32 to index
      %swap3A_64 = tpu.vector_load %arg14[%swap3A] {strides = array<i32>} : memref<640xf32, #tpu.memory_space<vmem>>, vector<16xf32>,
      %swap3A_65 = vector.shape_cast %swap3A_64 : vector<16xf32> to vector<16xf32>
      %swap3A_66 = vector.shape_cast %broadcast_in_dim3A_61 : vector<16xf32> to vector<16xf32>
      tpu.vector_store %arg14[%swap3A], %swap3A_66 {strides = array<i32>} : memref<640xf32, #tpu.memory_space<vmem>>, vector<16xf32>,
      %scan3A_67 = arith.constant 0 : i32
      scf.yield %scan3A_67 : i32
    }
    %scan3A_33 = arith.constant 40 : i32
    %mul3A_34 = arith.constant 640 : i32
    %mul3A_35 = arith.muli %arg1, %mul3A_34 : i32
    "tpu.region"() ({
      %run_scoped3A = tpu.sem_alloc : memref<!tpu.dma_semaphore, #tpu.memory_space<semaphore_mem>>
      %dma_start3A = tpu.memref_slice %arg13[%mul3A_35] : memref<10240xf32, #tpu.memory_space<vmem_shared>> -> memref<640xf32, #tpu.memory_space<vmem_shared>>
      %dma_start3A_59 = tpu.memref_slice %arg13[%mul3A_35] : memref<10240xf32, #tpu.memory_space<vmem_shared>> -> memref<640xf32, #tpu.memory_space<vmem_shared>>
      tpu.enqueue_dma source(%arg14 : memref<640xf32, #tpu.memory_space<vmem>>) target(%dma_start3A_59 : memref<640xf32, #tpu.memory_space<vmem_shared>>) target_semaphore(%run_scoped3A : memref<!tpu.dma_semaphore, #tpu.memory_space<semaphore_mem>>)
      %dma_wait3A = tpu.memref_slice %arg13[%mul3A_35] : memref<10240xf32, #tpu.memory_space<vmem_shared>> -> memref<640xf32, #tpu.memory_space<vmem_shared>>
      %dma_wait3A_60 = tpu.memref_slice %arg13[%mul3A_35] : memref<10240xf32, #tpu.memory_space<vmem_shared>> -> memref<640xf32, #tpu.memory_space<vmem_shared>>
      tpu.wait_dma2 semaphore(%run_scoped3A : memref<!tpu.dma_semaphore, #tpu.memory_space<semaphore_mem>>) src(%arg14 : memref<640xf32, #tpu.memory_space<vmem>>) dst(%dma_wait3A_60 : memref<640xf32, #tpu.memory_space<vmem_shared>>)
      tpu.yield
    }) : () -> ()
    %scan3A_36 = arith.constant 0 : i32
    %scan3A_37 = arith.constant 0 : i32
    %scan3A_38 = arith.constant 5 : i32
    %scan3A_39 = arith.addi %scan3A_37, %scan3A_38 : i32
    %scan3A_40 = arith.constant 1 : i32
    %scan3A_41 = scf.for %scan3A_59 = %scan3A_37 to %scan3A_39 step %scan3A_40 iter_args(%scan3A_60 = %scan3A_36) -> (i32)  : i32 {
      %broadcast_in_dim3A = arith.constant 1.000000e+00 : f32
      %broadcast_in_dim3A_61 = vector.broadcast %broadcast_in_dim3A : f32 to vector<16xf32>
      %mul3A_62 = arith.constant 16 : i32
      %mul3A_63 = arith.muli %scan3A_59, %mul3A_62 : i32
      %swap3A = arith.index_cast %mul3A_63 : i32 to index
      %swap3A_64 = tpu.vector_load %arg15[%swap3A] {strides = array<i32>} : memref<80xf32, #tpu.memory_space<vmem>>, vector<16xf32>,
      %swap3A_65 = vector.shape_cast %swap3A_64 : vector<16xf32> to vector<16xf32>
      %swap3A_66 = vector.shape_cast %broadcast_in_dim3A_61 : vector<16xf32> to vector<16xf32>
      tpu.vector_store %arg15[%swap3A], %swap3A_66 {strides = array<i32>} : memref<80xf32, #tpu.memory_space<vmem>>, vector<16xf32>,
      %scan3A_67 = arith.constant 0 : i32
      scf.yield %scan3A_67 : i32
    }
    %scan3A_42 = arith.constant 5 : i32
    "tpu.region"() ({
      %run_scoped3A = tpu.sem_alloc : memref<!tpu.dma_semaphore, #tpu.memory_space<semaphore_mem>>
      %dma_start3A = arith.constant 0 : i32
      %dma_start3A_59 = arith.constant 0 : i32
      %dma_start3A_60 = tpu.memref_slice %arg3[%add3A, %dma_start3A, %dma_start3A_59] : memref<32x125x80xi32, #tpu.memory_space<hbm>> -> memref<1x125x80xi32, #tpu.memory_space<hbm>>
      %dma_start3A_61 = tpu.memref_squeeze %dma_start3A_60 : memref<1x125x80xi32, #tpu.memory_space<hbm>> -> memref<125x80xi32, #tpu.memory_space<hbm>>
      %dma_start3A_62 = arith.constant 0 : i32
      %dma_start3A_63 = arith.constant 0 : i32
      %dma_start3A_64 = tpu.memref_slice %arg3[%add3A, %dma_start3A_62, %dma_start3A_63] : memref<32x125x80xi32, #tpu.memory_space<hbm>> -> memref<1x125x80xi32, #tpu.memory_space<hbm>>
      %dma_start3A_65 = tpu.memref_squeeze %dma_start3A_64 : memref<1x125x80xi32, #tpu.memory_space<hbm>> -> memref<125x80xi32, #tpu.memory_space<hbm>>
      tpu.enqueue_dma source(%dma_start3A_65 : memref<125x80xi32, #tpu.memory_space<hbm>>) target(%arg8 : memref<125x80xi32, #tpu.memory_space<vmem>>) target_semaphore(%run_scoped3A : memref<!tpu.dma_semaphore, #tpu.memory_space<semaphore_mem>>)
      %dma_wait3A = arith.constant 0 : i32
      %dma_wait3A_66 = arith.constant 0 : i32
      %dma_wait3A_67 = tpu.memref_slice %arg3[%add3A, %dma_wait3A, %dma_wait3A_66] : memref<32x125x80xi32, #tpu.memory_space<hbm>> -> memref<1x125x80xi32, #tpu.memory_space<hbm>>
      %dma_wait3A_68 = tpu.memref_squeeze %dma_wait3A_67 : memref<1x125x80xi32, #tpu.memory_space<hbm>> -> memref<125x80xi32, #tpu.memory_space<hbm>>
      %dma_wait3A_69 = arith.constant 0 : i32
      %dma_wait3A_70 = arith.constant 0 : i32
      %dma_wait3A_71 = tpu.memref_slice %arg3[%add3A, %dma_wait3A_69, %dma_wait3A_70] : memref<32x125x80xi32, #tpu.memory_space<hbm>> -> memref<1x125x80xi32, #tpu.memory_space<hbm>>
      %dma_wait3A_72 = tpu.memref_squeeze %dma_wait3A_71 : memref<1x125x80xi32, #tpu.memory_space<hbm>> -> memref<125x80xi32, #tpu.memory_space<hbm>>
      tpu.wait_dma2 semaphore(%run_scoped3A : memref<!tpu.dma_semaphore, #tpu.memory_space<semaphore_mem>>) src(%dma_wait3A_72 : memref<125x80xi32, #tpu.memory_space<hbm>>) dst(%arg8 : memref<125x80xi32, #tpu.memory_space<vmem>>)
      tpu.yield
    }) : () -> ()
    "tpu.region"() ({
      %run_scoped3A = tpu.sem_alloc : memref<!tpu.dma_semaphore, #tpu.memory_space<semaphore_mem>>
      %dma_start3A = arith.constant 0 : i32
      %dma_start3A_59 = arith.constant 0 : i32
      %dma_start3A_60 = tpu.memref_slice %arg4[%add3A, %dma_start3A, %dma_start3A_59] : memref<32x125x80xi32, #tpu.memory_space<hbm>> -> memref<1x125x80xi32, #tpu.memory_space<hbm>>
      %dma_start3A_61 = tpu.memref_squeeze %dma_start3A_60 : memref<1x125x80xi32, #tpu.memory_space<hbm>> -> memref<125x80xi32, #tpu.memory_space<hbm>>
      %dma_start3A_62 = arith.constant 0 : i32
      %dma_start3A_63 = arith.constant 0 : i32
      %dma_start3A_64 = tpu.memref_slice %arg4[%add3A, %dma_start3A_62, %dma_start3A_63] : memref<32x125x80xi32, #tpu.memory_space<hbm>> -> memref<1x125x80xi32, #tpu.memory_space<hbm>>
      %dma_start3A_65 = tpu.memref_squeeze %dma_start3A_64 : memref<1x125x80xi32, #tpu.memory_space<hbm>> -> memref<125x80xi32, #tpu.memory_space<hbm>>
      tpu.enqueue_dma source(%dma_start3A_65 : memref<125x80xi32, #tpu.memory_space<hbm>>) target(%arg9 : memref<125x80xi32, #tpu.memory_space<vmem>>) target_semaphore(%run_scoped3A : memref<!tpu.dma_semaphore, #tpu.memory_space<semaphore_mem>>)
      %dma_wait3A = arith.constant 0 : i32
      %dma_wait3A_66 = arith.constant 0 : i32
      %dma_wait3A_67 = tpu.memref_slice %arg4[%add3A, %dma_wait3A, %dma_wait3A_66] : memref<32x125x80xi32, #tpu.memory_space<hbm>> -> memref<1x125x80xi32, #tpu.memory_space<hbm>>
      %dma_wait3A_68 = tpu.memref_squeeze %dma_wait3A_67 : memref<1x125x80xi32, #tpu.memory_space<hbm>> -> memref<125x80xi32, #tpu.memory_space<hbm>>
      %dma_wait3A_69 = arith.constant 0 : i32
      %dma_wait3A_70 = arith.constant 0 : i32
      %dma_wait3A_71 = tpu.memref_slice %arg4[%add3A, %dma_wait3A_69, %dma_wait3A_70] : memref<32x125x80xi32, #tpu.memory_space<hbm>> -> memref<1x125x80xi32, #tpu.memory_space<hbm>>
      %dma_wait3A_72 = tpu.memref_squeeze %dma_wait3A_71 : memref<1x125x80xi32, #tpu.memory_space<hbm>> -> memref<125x80xi32, #tpu.memory_space<hbm>>
      tpu.wait_dma2 semaphore(%run_scoped3A : memref<!tpu.dma_semaphore, #tpu.memory_space<semaphore_mem>>) src(%dma_wait3A_72 : memref<125x80xi32, #tpu.memory_space<hbm>>) dst(%arg9 : memref<125x80xi32, #tpu.memory_space<vmem>>)
      tpu.yield
    }) : () -> ()
    %barrier3A = arith.constant 0 : index
    tpu.barrier barrier_id(%barrier3A)
    %scan3A_43 = arith.constant 0 : i32
    %scan3A_44 = arith.constant 0 : i32
    %scan3A_45 = arith.constant 25 : i32
    %scan3A_46 = arith.addi %scan3A_44, %scan3A_45 : i32
    %scan3A_47 = arith.constant 1 : i32
    %scan3A_48 = scf.for %scan3A_59 = %scan3A_44 to %scan3A_46 step %scan3A_47 iter_args(%scan3A_60 = %scan3A_43) -> (i32)  : i32 {
      %mul3A_61 = arith.constant 5 : i32
      %mul3A_62 = arith.muli %scan3A_59, %mul3A_61 : i32
      %add3A_63 = arith.constant 0 : i32
      %add3A_64 = arith.addi %mul3A_62, %add3A_63 : i32
      %dma_start3A = arith.constant 0 : i32
      %dma_start3A_65 = arith.constant 0 : i32
      %dma_start3A_66 = arith.constant 0 : i32
      %dma_start3A_67 = tpu.memref_slice %arg10[%dma_start3A, %dma_start3A_65, %dma_start3A_66] : memref<5x80x64xf32, #tpu.memory_space<vmem>> -> memref<1x80x64xf32, #tpu.memory_space<vmem>>
      %dma_start3A_68 = tpu.memref_squeeze %dma_start3A_67 : memref<1x80x64xf32, #tpu.memory_space<vmem>> -> memref<80x64xf32, #tpu.memory_space<vmem>>
      %dma_start3A_69 = arith.constant 0 : i32
      %dma_start3A_70 = tpu.memref_slice %arg8[%add3A_64, %dma_start3A_69] : memref<125x80xi32, #tpu.memory_space<vmem>> -> memref<1x80xi32, #tpu.memory_space<vmem>>
      %dma_start3A_71 = tpu.memref_squeeze %dma_start3A_70 : memref<1x80xi32, #tpu.memory_space<vmem>> -> memref<80xi32, #tpu.memory_space<vmem>>
      %dma_start3A_72 = arith.constant 0 : i32
      %dma_start3A_73 = arith.constant 0 : i32
      %dma_start3A_74 = tpu.memref_slice %arg2[%dma_start3A_72, %dma_start3A_73] : memref<10000x64xf32, #tpu.memory_space<hbm>> -> memref<10000x64xf32, #tpu.memory_space<hbm>>
      tpu.enqueue_indirect_dma source(%dma_start3A_74 : memref<10000x64xf32, #tpu.memory_space<hbm>>) target(%dma_start3A_68 : memref<80x64xf32, #tpu.memory_space<vmem>>) offsets(%dma_start3A_71 : memref<80xi32, #tpu.memory_space<vmem>>) semaphore(%arg12 : memref<!tpu.dma_semaphore, #tpu.memory_space<semaphore_mem>>)
      %add3A_75 = arith.constant 1 : i32
      %add3A_76 = arith.addi %mul3A_62, %add3A_75 : i32
      %dma_start3A_77 = arith.constant 1 : i32
      %dma_start3A_78 = arith.constant 0 : i32
      %dma_start3A_79 = arith.constant 0 : i32
      %dma_start3A_80 = tpu.memref_slice %arg10[%dma_start3A_77, %dma_start3A_78, %dma_start3A_79] : memref<5x80x64xf32, #tpu.memory_space<vmem>> -> memref<1x80x64xf32, #tpu.memory_space<vmem>>
      %dma_start3A_81 = tpu.memref_squeeze %dma_start3A_80 : memref<1x80x64xf32, #tpu.memory_space<vmem>> -> memref<80x64xf32, #tpu.memory_space<vmem>>
      %dma_start3A_82 = arith.constant 0 : i32
      %dma_start3A_83 = tpu.memref_slice %arg8[%add3A_76, %dma_start3A_82] : memref<125x80xi32, #tpu.memory_space<vmem>> -> memref<1x80xi32, #tpu.memory_space<vmem>>
      %dma_start3A_84 = tpu.memref_squeeze %dma_start3A_83 : memref<1x80xi32, #tpu.memory_space<vmem>> -> memref<80xi32, #tpu.memory_space<vmem>>
      %dma_start3A_85 = arith.constant 0 : i32
      %dma_start3A_86 = arith.constant 0 : i32
      %dma_start3A_87 = tpu.memref_slice %arg2[%dma_start3A_85, %dma_start3A_86] : memref<10000x64xf32, #tpu.memory_space<hbm>> -> memref<10000x64xf32, #tpu.memory_space<hbm>>
      tpu.enqueue_indirect_dma source(%dma_start3A_87 : memref<10000x64xf32, #tpu.memory_space<hbm>>) target(%dma_start3A_81 : memref<80x64xf32, #tpu.memory_space<vmem>>) offsets(%dma_start3A_84 : memref<80xi32, #tpu.memory_space<vmem>>) semaphore(%arg12 : memref<!tpu.dma_semaphore, #tpu.memory_space<semaphore_mem>>)
      %add3A_88 = arith.constant 2 : i32
      %add3A_89 = arith.addi %mul3A_62, %add3A_88 : i32
      %dma_start3A_90 = arith.constant 2 : i32
      %dma_start3A_91 = arith.constant 0 : i32
      %dma_start3A_92 = arith.constant 0 : i32
      %dma_start3A_93 = tpu.memref_slice %arg10[%dma_start3A_90, %dma_start3A_91, %dma_start3A_92] : memref<5x80x64xf32, #tpu.memory_space<vmem>> -> memref<1x80x64xf32, #tpu.memory_space<vmem>>
      %dma_start3A_94 = tpu.memref_squeeze %dma_start3A_93 : memref<1x80x64xf32, #tpu.memory_space<vmem>> -> memref<80x64xf32, #tpu.memory_space<vmem>>
      %dma_start3A_95 = arith.constant 0 : i32
      %dma_start3A_96 = tpu.memref_slice %arg8[%add3A_89, %dma_start3A_95] : memref<125x80xi32, #tpu.memory_space<vmem>> -> memref<1x80xi32, #tpu.memory_space<vmem>>
      %dma_start3A_97 = tpu.memref_squeeze %dma_start3A_96 : memref<1x80xi32, #tpu.memory_space<vmem>> -> memref<80xi32, #tpu.memory_space<vmem>>
      %dma_start3A_98 = arith.constant 0 : i32
      %dma_start3A_99 = arith.constant 0 : i32
      %dma_start3A_100 = tpu.memref_slice %arg2[%dma_start3A_98, %dma_start3A_99] : memref<10000x64xf32, #tpu.memory_space<hbm>> -> memref<10000x64xf32, #tpu.memory_space<hbm>>
      tpu.enqueue_indirect_dma source(%dma_start3A_100 : memref<10000x64xf32, #tpu.memory_space<hbm>>) target(%dma_start3A_94 : memref<80x64xf32, #tpu.memory_space<vmem>>) offsets(%dma_start3A_97 : memref<80xi32, #tpu.memory_space<vmem>>) semaphore(%arg12 : memref<!tpu.dma_semaphore, #tpu.memory_space<semaphore_mem>>)
      %add3A_101 = arith.constant 3 : i32
      %add3A_102 = arith.addi %mul3A_62, %add3A_101 : i32
      %dma_start3A_103 = arith.constant 3 : i32
      %dma_start3A_104 = arith.constant 0 : i32
      %dma_start3A_105 = arith.constant 0 : i32
      %dma_start3A_106 = tpu.memref_slice %arg10[%dma_start3A_103, %dma_start3A_104, %dma_start3A_105] : memref<5x80x64xf32, #tpu.memory_space<vmem>> -> memref<1x80x64xf32, #tpu.memory_space<vmem>>
      %dma_start3A_107 = tpu.memref_squeeze %dma_start3A_106 : memref<1x80x64xf32, #tpu.memory_space<vmem>> -> memref<80x64xf32, #tpu.memory_space<vmem>>
      %dma_start3A_108 = arith.constant 0 : i32
      %dma_start3A_109 = tpu.memref_slice %arg8[%add3A_102, %dma_start3A_108] : memref<125x80xi32, #tpu.memory_space<vmem>> -> memref<1x80xi32, #tpu.memory_space<vmem>>
      %dma_start3A_110 = tpu.memref_squeeze %dma_start3A_109 : memref<1x80xi32, #tpu.memory_space<vmem>> -> memref<80xi32, #tpu.memory_space<vmem>>
      %dma_start3A_111 = arith.constant 0 : i32
      %dma_start3A_112 = arith.constant 0 : i32
      %dma_start3A_113 = tpu.memref_slice %arg2[%dma_start3A_111, %dma_start3A_112] : memref<10000x64xf32, #tpu.memory_space<hbm>> -> memref<10000x64xf32, #tpu.memory_space<hbm>>
      tpu.enqueue_indirect_dma source(%dma_start3A_113 : memref<10000x64xf32, #tpu.memory_space<hbm>>) target(%dma_start3A_107 : memref<80x64xf32, #tpu.memory_space<vmem>>) offsets(%dma_start3A_110 : memref<80xi32, #tpu.memory_space<vmem>>) semaphore(%arg12 : memref<!tpu.dma_semaphore, #tpu.memory_space<semaphore_mem>>)
      %add3A_114 = arith.constant 4 : i32
      %add3A_115 = arith.addi %mul3A_62, %add3A_114 : i32
      %dma_start3A_116 = arith.constant 4 : i32
      %dma_start3A_117 = arith.constant 0 : i32
      %dma_start3A_118 = arith.constant 0 : i32
      %dma_start3A_119 = tpu.memref_slice %arg10[%dma_start3A_116, %dma_start3A_117, %dma_start3A_118] : memref<5x80x64xf32, #tpu.memory_space<vmem>> -> memref<1x80x64xf32, #tpu.memory_space<vmem>>
      %dma_start3A_120 = tpu.memref_squeeze %dma_start3A_119 : memref<1x80x64xf32, #tpu.memory_space<vmem>> -> memref<80x64xf32, #tpu.memory_space<vmem>>
      %dma_start3A_121 = arith.constant 0 : i32
      %dma_start3A_122 = tpu.memref_slice %arg8[%add3A_115, %dma_start3A_121] : memref<125x80xi32, #tpu.memory_space<vmem>> -> memref<1x80xi32, #tpu.memory_space<vmem>>
      %dma_start3A_123 = tpu.memref_squeeze %dma_start3A_122 : memref<1x80xi32, #tpu.memory_space<vmem>> -> memref<80xi32, #tpu.memory_space<vmem>>
      %dma_start3A_124 = arith.constant 0 : i32
      %dma_start3A_125 = arith.constant 0 : i32
      %dma_start3A_126 = tpu.memref_slice %arg2[%dma_start3A_124, %dma_start3A_125] : memref<10000x64xf32, #tpu.memory_space<hbm>> -> memref<10000x64xf32, #tpu.memory_space<hbm>>
      tpu.enqueue_indirect_dma source(%dma_start3A_126 : memref<10000x64xf32, #tpu.memory_space<hbm>>) target(%dma_start3A_120 : memref<80x64xf32, #tpu.memory_space<vmem>>) offsets(%dma_start3A_123 : memref<80xi32, #tpu.memory_space<vmem>>) semaphore(%arg12 : memref<!tpu.dma_semaphore, #tpu.memory_space<semaphore_mem>>)
      %add3A_127 = arith.constant 0 : i32
      %add3A_128 = arith.addi %mul3A_62, %add3A_127 : i32
      %dma_wait3A = arith.constant 0 : i32
      %dma_wait3A_129 = arith.constant 0 : i32
      %dma_wait3A_130 = arith.constant 0 : i32
      %dma_wait3A_131 = tpu.memref_slice %arg10[%dma_wait3A, %dma_wait3A_129, %dma_wait3A_130] : memref<5x80x64xf32, #tpu.memory_space<vmem>> -> memref<1x80x64xf32, #tpu.memory_space<vmem>>
      %dma_wait3A_132 = tpu.memref_squeeze %dma_wait3A_131 : memref<1x80x64xf32, #tpu.memory_space<vmem>> -> memref<80x64xf32, #tpu.memory_space<vmem>>
      %dma_wait3A_133 = arith.constant 0 : i32
      %dma_wait3A_134 = tpu.memref_slice %arg8[%add3A_128, %dma_wait3A_133] : memref<125x80xi32, #tpu.memory_space<vmem>> -> memref<1x80xi32, #tpu.memory_space<vmem>>
      %dma_wait3A_135 = tpu.memref_squeeze %dma_wait3A_134 : memref<1x80xi32, #tpu.memory_space<vmem>> -> memref<80xi32, #tpu.memory_space<vmem>>
      %dma_wait3A_136 = arith.constant 0 : i32
      %dma_wait3A_137 = arith.constant 0 : i32
      %dma_wait3A_138 = tpu.memref_slice %arg2[%dma_wait3A_136, %dma_wait3A_137] : memref<10000x64xf32, #tpu.memory_space<hbm>> -> memref<10000x64xf32, #tpu.memory_space<hbm>>
      tpu.wait_indirect_dma semaphore(%arg12 : memref<!tpu.dma_semaphore, #tpu.memory_space<semaphore_mem>>) src(%dma_wait3A_138 : memref<10000x64xf32, #tpu.memory_space<hbm>>) dst(%dma_wait3A_132 : memref<80x64xf32, #tpu.memory_space<vmem>>)
      %add3A_139 = arith.constant 1 : i32
      %add3A_140 = arith.addi %mul3A_62, %add3A_139 : i32
      %dma_wait3A_141 = arith.constant 1 : i32
      %dma_wait3A_142 = arith.constant 0 : i32
      %dma_wait3A_143 = arith.constant 0 : i32
      %dma_wait3A_144 = tpu.memref_slice %arg10[%dma_wait3A_141, %dma_wait3A_142, %dma_wait3A_143] : memref<5x80x64xf32, #tpu.memory_space<vmem>> -> memref<1x80x64xf32, #tpu.memory_space<vmem>>
      %dma_wait3A_145 = tpu.memref_squeeze %dma_wait3A_144 : memref<1x80x64xf32, #tpu.memory_space<vmem>> -> memref<80x64xf32, #tpu.memory_space<vmem>>
      %dma_wait3A_146 = arith.constant 0 : i32
      %dma_wait3A_147 = tpu.memref_slice %arg8[%add3A_140, %dma_wait3A_146] : memref<125x80xi32, #tpu.memory_space<vmem>> -> memref<1x80xi32, #tpu.memory_space<vmem>>
      %dma_wait3A_148 = tpu.memref_squeeze %dma_wait3A_147 : memref<1x80xi32, #tpu.memory_space<vmem>> -> memref<80xi32, #tpu.memory_space<vmem>>
      %dma_wait3A_149 = arith.constant 0 : i32
      %dma_wait3A_150 = arith.constant 0 : i32
      %dma_wait3A_151 = tpu.memref_slice %arg2[%dma_wait3A_149, %dma_wait3A_150] : memref<10000x64xf32, #tpu.memory_space<hbm>> -> memref<10000x64xf32, #tpu.memory_space<hbm>>
      tpu.wait_indirect_dma semaphore(%arg12 : memref<!tpu.dma_semaphore, #tpu.memory_space<semaphore_mem>>) src(%dma_wait3A_151 : memref<10000x64xf32, #tpu.memory_space<hbm>>) dst(%dma_wait3A_145 : memref<80x64xf32, #tpu.memory_space<vmem>>)
      %add3A_152 = arith.constant 2 : i32
      %add3A_153 = arith.addi %mul3A_62, %add3A_152 : i32
      %dma_wait3A_154 = arith.constant 2 : i32
      %dma_wait3A_155 = arith.constant 0 : i32
      %dma_wait3A_156 = arith.constant 0 : i32
      %dma_wait3A_157 = tpu.memref_slice %arg10[%dma_wait3A_154, %dma_wait3A_155, %dma_wait3A_156] : memref<5x80x64xf32, #tpu.memory_space<vmem>> -> memref<1x80x64xf32, #tpu.memory_space<vmem>>
      %dma_wait3A_158 = tpu.memref_squeeze %dma_wait3A_157 : memref<1x80x64xf32, #tpu.memory_space<vmem>> -> memref<80x64xf32, #tpu.memory_space<vmem>>
      %dma_wait3A_159 = arith.constant 0 : i32
      %dma_wait3A_160 = tpu.memref_slice %arg8[%add3A_153, %dma_wait3A_159] : memref<125x80xi32, #tpu.memory_space<vmem>> -> memref<1x80xi32, #tpu.memory_space<vmem>>
      %dma_wait3A_161 = tpu.memref_squeeze %dma_wait3A_160 : memref<1x80xi32, #tpu.memory_space<vmem>> -> memref<80xi32, #tpu.memory_space<vmem>>
      %dma_wait3A_162 = arith.constant 0 : i32
      %dma_wait3A_163 = arith.constant 0 : i32
      %dma_wait3A_164 = tpu.memref_slice %arg2[%dma_wait3A_162, %dma_wait3A_163] : memref<10000x64xf32, #tpu.memory_space<hbm>> -> memref<10000x64xf32, #tpu.memory_space<hbm>>
      tpu.wait_indirect_dma semaphore(%arg12 : memref<!tpu.dma_semaphore, #tpu.memory_space<semaphore_mem>>) src(%dma_wait3A_164 : memref<10000x64xf32, #tpu.memory_space<hbm>>) dst(%dma_wait3A_158 : memref<80x64xf32, #tpu.memory_space<vmem>>)
      %add3A_165 = arith.constant 3 : i32
      %add3A_166 = arith.addi %mul3A_62, %add3A_165 : i32
      %dma_wait3A_167 = arith.constant 3 : i32
      %dma_wait3A_168 = arith.constant 0 : i32
      %dma_wait3A_169 = arith.constant 0 : i32
      %dma_wait3A_170 = tpu.memref_slice %arg10[%dma_wait3A_167, %dma_wait3A_168, %dma_wait3A_169] : memref<5x80x64xf32, #tpu.memory_space<vmem>> -> memref<1x80x64xf32, #tpu.memory_space<vmem>>
      %dma_wait3A_171 = tpu.memref_squeeze %dma_wait3A_170 : memref<1x80x64xf32, #tpu.memory_space<vmem>> -> memref<80x64xf32, #tpu.memory_space<vmem>>
      %dma_wait3A_172 = arith.constant 0 : i32
      %dma_wait3A_173 = tpu.memref_slice %arg8[%add3A_166, %dma_wait3A_172] : memref<125x80xi32, #tpu.memory_space<vmem>> -> memref<1x80xi32, #tpu.memory_space<vmem>>
      %dma_wait3A_174 = tpu.memref_squeeze %dma_wait3A_173 : memref<1x80xi32, #tpu.memory_space<vmem>> -> memref<80xi32, #tpu.memory_space<vmem>>
      %dma_wait3A_175 = arith.constant 0 : i32
      %dma_wait3A_176 = arith.constant 0 : i32
      %dma_wait3A_177 = tpu.memref_slice %arg2[%dma_wait3A_175, %dma_wait3A_176] : memref<10000x64xf32, #tpu.memory_space<hbm>> -> memref<10000x64xf32, #tpu.memory_space<hbm>>
      tpu.wait_indirect_dma semaphore(%arg12 : memref<!tpu.dma_semaphore, #tpu.memory_space<semaphore_mem>>) src(%dma_wait3A_177 : memref<10000x64xf32, #tpu.memory_space<hbm>>) dst(%dma_wait3A_171 : memref<80x64xf32, #tpu.memory_space<vmem>>)
      %add3A_178 = arith.constant 4 : i32
      %add3A_179 = arith.addi %mul3A_62, %add3A_178 : i32
      %dma_wait3A_180 = arith.constant 4 : i32
      %dma_wait3A_181 = arith.constant 0 : i32
      %dma_wait3A_182 = arith.constant 0 : i32
      %dma_wait3A_183 = tpu.memref_slice %arg10[%dma_wait3A_180, %dma_wait3A_181, %dma_wait3A_182] : memref<5x80x64xf32, #tpu.memory_space<vmem>> -> memref<1x80x64xf32, #tpu.memory_space<vmem>>
      %dma_wait3A_184 = tpu.memref_squeeze %dma_wait3A_183 : memref<1x80x64xf32, #tpu.memory_space<vmem>> -> memref<80x64xf32, #tpu.memory_space<vmem>>
      %dma_wait3A_185 = arith.constant 0 : i32
      %dma_wait3A_186 = tpu.memref_slice %arg8[%add3A_179, %dma_wait3A_185] : memref<125x80xi32, #tpu.memory_space<vmem>> -> memref<1x80xi32, #tpu.memory_space<vmem>>
      %dma_wait3A_187 = tpu.memref_squeeze %dma_wait3A_186 : memref<1x80xi32, #tpu.memory_space<vmem>> -> memref<80xi32, #tpu.memory_space<vmem>>
      %dma_wait3A_188 = arith.constant 0 : i32
      %dma_wait3A_189 = arith.constant 0 : i32
      %dma_wait3A_190 = tpu.memref_slice %arg2[%dma_wait3A_188, %dma_wait3A_189] : memref<10000x64xf32, #tpu.memory_space<hbm>> -> memref<10000x64xf32, #tpu.memory_space<hbm>>
      tpu.wait_indirect_dma semaphore(%arg12 : memref<!tpu.dma_semaphore, #tpu.memory_space<semaphore_mem>>) src(%dma_wait3A_190 : memref<10000x64xf32, #tpu.memory_space<hbm>>) dst(%dma_wait3A_184 : memref<80x64xf32, #tpu.memory_space<vmem>>)
      %add3A_191 = arith.constant 0 : i32
      %add3A_192 = arith.addi %mul3A_62, %add3A_191 : i32
      %run_scoped3A = arith.constant 0 : i32
      "tpu.region"() ({
        %run_scoped3A_216 = tpu.sem_alloc : memref<!tpu.dma_semaphore, #tpu.memory_space<semaphore_mem>>
        %dma_start3A_217 = arith.constant 0 : i32
        %dma_start3A_218 = arith.constant 0 : i32
        %dma_start3A_219 = tpu.memref_slice %arg10[%run_scoped3A, %dma_start3A_217, %dma_start3A_218] : memref<5x80x64xf32, #tpu.memory_space<vmem>> -> memref<1x80x64xf32, #tpu.memory_space<vmem>>
        %dma_start3A_220 = tpu.memref_squeeze %dma_start3A_219 : memref<1x80x64xf32, #tpu.memory_space<vmem>> -> memref<80x64xf32, #tpu.memory_space<vmem>>
        %dma_start3A_221 = arith.constant 0 : i32
        %dma_start3A_222 = tpu.memref_slice %arg9[%add3A_192, %dma_start3A_221] : memref<125x80xi32, #tpu.memory_space<vmem>> -> memref<1x80xi32, #tpu.memory_space<vmem>>
        %dma_start3A_223 = tpu.memref_squeeze %dma_start3A_222 : memref<1x80xi32, #tpu.memory_space<vmem>> -> memref<80xi32, #tpu.memory_space<vmem>>
        %dma_start3A_224 = arith.constant 0 : i32
        %dma_start3A_225 = arith.constant 0 : i32
        %dma_start3A_226 = tpu.memref_slice %arg7[%dma_start3A_224, %dma_start3A_225] : memref<10240x64xf32, #tpu.memory_space<vmem_shared>> -> memref<10240x64xf32, #tpu.memory_space<vmem_shared>>
        tpu.enqueue_indirect_dma source(%dma_start3A_220 : memref<80x64xf32, #tpu.memory_space<vmem>>) target(%dma_start3A_226 : memref<10240x64xf32, #tpu.memory_space<vmem_shared>>) offsets(%dma_start3A_223 : memref<80xi32, #tpu.memory_space<vmem>>) semaphore(%run_scoped3A_216 : memref<!tpu.dma_semaphore, #tpu.memory_space<semaphore_mem>>) {add = true}
        %dma_wait3A_227 = arith.constant 0 : i32
        %dma_wait3A_228 = arith.constant 0 : i32
        %dma_wait3A_229 = tpu.memref_slice %arg10[%run_scoped3A, %dma_wait3A_227, %dma_wait3A_228] : memref<5x80x64xf32, #tpu.memory_space<vmem>> -> memref<1x80x64xf32, #tpu.memory_space<vmem>>
        %dma_wait3A_230 = tpu.memref_squeeze %dma_wait3A_229 : memref<1x80x64xf32, #tpu.memory_space<vmem>> -> memref<80x64xf32, #tpu.memory_space<vmem>>
        %dma_wait3A_231 = arith.constant 0 : i32
        %dma_wait3A_232 = tpu.memref_slice %arg9[%add3A_192, %dma_wait3A_231] : memref<125x80xi32, #tpu.memory_space<vmem>> -> memref<1x80xi32, #tpu.memory_space<vmem>>
        %dma_wait3A_233 = tpu.memref_squeeze %dma_wait3A_232 : memref<1x80xi32, #tpu.memory_space<vmem>> -> memref<80xi32, #tpu.memory_space<vmem>>
        %dma_wait3A_234 = arith.constant 0 : i32
        %dma_wait3A_235 = arith.constant 0 : i32
        %dma_wait3A_236 = tpu.memref_slice %arg7[%dma_wait3A_234, %dma_wait3A_235] : memref<10240x64xf32, #tpu.memory_space<vmem_shared>> -> memref<10240x64xf32, #tpu.memory_space<vmem_shared>>
        tpu.wait_indirect_dma semaphore(%run_scoped3A_216 : memref<!tpu.dma_semaphore, #tpu.memory_space<semaphore_mem>>) src(%dma_wait3A_230 : memref<80x64xf32, #tpu.memory_space<vmem>>) dst(%dma_wait3A_236 : memref<10240x64xf32, #tpu.memory_space<vmem_shared>>)
        tpu.yield
      }) : () -> ()
      %add3A_193 = arith.constant 0 : i32
      %add3A_194 = arith.addi %mul3A_62, %add3A_193 : i32
      "tpu.region"() ({
        %run_scoped3A_216 = tpu.sem_alloc : memref<!tpu.dma_semaphore, #tpu.memory_space<semaphore_mem>>
        %dma_start3A_217 = arith.constant 0 : i32
        %dma_start3A_218 = tpu.memref_slice %arg9[%add3A_194, %dma_start3A_217] : memref<125x80xi32, #tpu.memory_space<vmem>> -> memref<1x80xi32, #tpu.memory_space<vmem>>
        %dma_start3A_219 = tpu.memref_squeeze %dma_start3A_218 : memref<1x80xi32, #tpu.memory_space<vmem>> -> memref<80xi32, #tpu.memory_space<vmem>>
        %dma_start3A_220 = arith.constant 0 : i32
        %dma_start3A_221 = tpu.memref_slice %arg13[%dma_start3A_220] : memref<10240xf32, #tpu.memory_space<vmem_shared>> -> memref<10240xf32, #tpu.memory_space<vmem_shared>>
        tpu.enqueue_indirect_dma source(%arg15 : memref<80xf32, #tpu.memory_space<vmem>>) target(%dma_start3A_221 : memref<10240xf32, #tpu.memory_space<vmem_shared>>) offsets(%dma_start3A_219 : memref<80xi32, #tpu.memory_space<vmem>>) semaphore(%run_scoped3A_216 : memref<!tpu.dma_semaphore, #tpu.memory_space<semaphore_mem>>) {add = true}
        %dma_wait3A_222 = arith.constant 0 : i32
        %dma_wait3A_223 = tpu.memref_slice %arg9[%add3A_194, %dma_wait3A_222] : memref<125x80xi32, #tpu.memory_space<vmem>> -> memref<1x80xi32, #tpu.memory_space<vmem>>
        %dma_wait3A_224 = tpu.memref_squeeze %dma_wait3A_223 : memref<1x80xi32, #tpu.memory_space<vmem>> -> memref<80xi32, #tpu.memory_space<vmem>>
        %dma_wait3A_225 = arith.constant 0 : i32
        %dma_wait3A_226 = tpu.memref_slice %arg13[%dma_wait3A_225] : memref<10240xf32, #tpu.memory_space<vmem_shared>> -> memref<10240xf32, #tpu.memory_space<vmem_shared>>
        tpu.wait_indirect_dma semaphore(%run_scoped3A_216 : memref<!tpu.dma_semaphore, #tpu.memory_space<semaphore_mem>>) src(%arg15 : memref<80xf32, #tpu.memory_space<vmem>>) dst(%dma_wait3A_226 : memref<10240xf32, #tpu.memory_space<vmem_shared>>)
        tpu.yield
      }) : () -> ()
      %add3A_195 = arith.constant 1 : i32
      %add3A_196 = arith.addi %mul3A_62, %add3A_195 : i32
      %run_scoped3A_197 = arith.constant 1 : i32
      "tpu.region"() ({
        %run_scoped3A_216 = tpu.sem_alloc : memref<!tpu.dma_semaphore, #tpu.memory_space<semaphore_mem>>
        %dma_start3A_217 = arith.constant 0 : i32
        %dma_start3A_218 = arith.constant 0 : i32
        %dma_start3A_219 = tpu.memref_slice %arg10[%run_scoped3A_197, %dma_start3A_217, %dma_start3A_218] : memref<5x80x64xf32, #tpu.memory_space<vmem>> -> memref<1x80x64xf32, #tpu.memory_space<vmem>>
        %dma_start3A_220 = tpu.memref_squeeze %dma_start3A_219 : memref<1x80x64xf32, #tpu.memory_space<vmem>> -> memref<80x64xf32, #tpu.memory_space<vmem>>
        %dma_start3A_221 = arith.constant 0 : i32
        %dma_start3A_222 = tpu.memref_slice %arg9[%add3A_196, %dma_start3A_221] : memref<125x80xi32, #tpu.memory_space<vmem>> -> memref<1x80xi32, #tpu.memory_space<vmem>>
        %dma_start3A_223 = tpu.memref_squeeze %dma_start3A_222 : memref<1x80xi32, #tpu.memory_space<vmem>> -> memref<80xi32, #tpu.memory_space<vmem>>
        %dma_start3A_224 = arith.constant 0 : i32
        %dma_start3A_225 = arith.constant 0 : i32
        %dma_start3A_226 = tpu.memref_slice %arg7[%dma_start3A_224, %dma_start3A_225] : memref<10240x64xf32, #tpu.memory_space<vmem_shared>> -> memref<10240x64xf32, #tpu.memory_space<vmem_shared>>
        tpu.enqueue_indirect_dma source(%dma_start3A_220 : memref<80x64xf32, #tpu.memory_space<vmem>>) target(%dma_start3A_226 : memref<10240x64xf32, #tpu.memory_space<vmem_shared>>) offsets(%dma_start3A_223 : memref<80xi32, #tpu.memory_space<vmem>>) semaphore(%run_scoped3A_216 : memref<!tpu.dma_semaphore, #tpu.memory_space<semaphore_mem>>) {add = true}
        %dma_wait3A_227 = arith.constant 0 : i32
        %dma_wait3A_228 = arith.constant 0 : i32
        %dma_wait3A_229 = tpu.memref_slice %arg10[%run_scoped3A_197, %dma_wait3A_227, %dma_wait3A_228] : memref<5x80x64xf32, #tpu.memory_space<vmem>> -> memref<1x80x64xf32, #tpu.memory_space<vmem>>
        %dma_wait3A_230 = tpu.memref_squeeze %dma_wait3A_229 : memref<1x80x64xf32, #tpu.memory_space<vmem>> -> memref<80x64xf32, #tpu.memory_space<vmem>>
        %dma_wait3A_231 = arith.constant 0 : i32
        %dma_wait3A_232 = tpu.memref_slice %arg9[%add3A_196, %dma_wait3A_231] : memref<125x80xi32, #tpu.memory_space<vmem>> -> memref<1x80xi32, #tpu.memory_space<vmem>>
        %dma_wait3A_233 = tpu.memref_squeeze %dma_wait3A_232 : memref<1x80xi32, #tpu.memory_space<vmem>> -> memref<80xi32, #tpu.memory_space<vmem>>
        %dma_wait3A_234 = arith.constant 0 : i32
        %dma_wait3A_235 = arith.constant 0 : i32
        %dma_wait3A_236 = tpu.memref_slice %arg7[%dma_wait3A_234, %dma_wait3A_235] : memref<10240x64xf32, #tpu.memory_space<vmem_shared>> -> memref<10240x64xf32, #tpu.memory_space<vmem_shared>>
        tpu.wait_indirect_dma semaphore(%run_scoped3A_216 : memref<!tpu.dma_semaphore, #tpu.memory_space<semaphore_mem>>) src(%dma_wait3A_230 : memref<80x64xf32, #tpu.memory_space<vmem>>) dst(%dma_wait3A_236 : memref<10240x64xf32, #tpu.memory_space<vmem_shared>>)
        tpu.yield
      }) : () -> ()
      %add3A_198 = arith.constant 1 : i32
      %add3A_199 = arith.addi %mul3A_62, %add3A_198 : i32
      "tpu.region"() ({
        %run_scoped3A_216 = tpu.sem_alloc : memref<!tpu.dma_semaphore, #tpu.memory_space<semaphore_mem>>
        %dma_start3A_217 = arith.constant 0 : i32
        %dma_start3A_218 = tpu.memref_slice %arg9[%add3A_199, %dma_start3A_217] : memref<125x80xi32, #tpu.memory_space<vmem>> -> memref<1x80xi32, #tpu.memory_space<vmem>>
        %dma_start3A_219 = tpu.memref_squeeze %dma_start3A_218 : memref<1x80xi32, #tpu.memory_space<vmem>> -> memref<80xi32, #tpu.memory_space<vmem>>
        %dma_start3A_220 = arith.constant 0 : i32
        %dma_start3A_221 = tpu.memref_slice %arg13[%dma_start3A_220] : memref<10240xf32, #tpu.memory_space<vmem_shared>> -> memref<10240xf32, #tpu.memory_space<vmem_shared>>
        tpu.enqueue_indirect_dma source(%arg15 : memref<80xf32, #tpu.memory_space<vmem>>) target(%dma_start3A_221 : memref<10240xf32, #tpu.memory_space<vmem_shared>>) offsets(%dma_start3A_219 : memref<80xi32, #tpu.memory_space<vmem>>) semaphore(%run_scoped3A_216 : memref<!tpu.dma_semaphore, #tpu.memory_space<semaphore_mem>>) {add = true}
        %dma_wait3A_222 = arith.constant 0 : i32
        %dma_wait3A_223 = tpu.memref_slice %arg9[%add3A_199, %dma_wait3A_222] : memref<125x80xi32, #tpu.memory_space<vmem>> -> memref<1x80xi32, #tpu.memory_space<vmem>>
        %dma_wait3A_224 = tpu.memref_squeeze %dma_wait3A_223 : memref<1x80xi32, #tpu.memory_space<vmem>> -> memref<80xi32, #tpu.memory_space<vmem>>
        %dma_wait3A_225 = arith.constant 0 : i32
        %dma_wait3A_226 = tpu.memref_slice %arg13[%dma_wait3A_225] : memref<10240xf32, #tpu.memory_space<vmem_shared>> -> memref<10240xf32, #tpu.memory_space<vmem_shared>>
        tpu.wait_indirect_dma semaphore(%run_scoped3A_216 : memref<!tpu.dma_semaphore, #tpu.memory_space<semaphore_mem>>) src(%arg15 : memref<80xf32, #tpu.memory_space<vmem>>) dst(%dma_wait3A_226 : memref<10240xf32, #tpu.memory_space<vmem_shared>>)
        tpu.yield
      }) : () -> ()
      %add3A_200 = arith.constant 2 : i32
      %add3A_201 = arith.addi %mul3A_62, %add3A_200 : i32
      %run_scoped3A_202 = arith.constant 2 : i32
      "tpu.region"() ({
        %run_scoped3A_216 = tpu.sem_alloc : memref<!tpu.dma_semaphore, #tpu.memory_space<semaphore_mem>>
        %dma_start3A_217 = arith.constant 0 : i32
        %dma_start3A_218 = arith.constant 0 : i32
        %dma_start3A_219 = tpu.memref_slice %arg10[%run_scoped3A_202, %dma_start3A_217, %dma_start3A_218] : memref<5x80x64xf32, #tpu.memory_space<vmem>> -> memref<1x80x64xf32, #tpu.memory_space<vmem>>
        %dma_start3A_220 = tpu.memref_squeeze %dma_start3A_219 : memref<1x80x64xf32, #tpu.memory_space<vmem>> -> memref<80x64xf32, #tpu.memory_space<vmem>>
        %dma_start3A_221 = arith.constant 0 : i32
        %dma_start3A_222 = tpu.memref_slice %arg9[%add3A_201, %dma_start3A_221] : memref<125x80xi32, #tpu.memory_space<vmem>> -> memref<1x80xi32, #tpu.memory_space<vmem>>
        %dma_start3A_223 = tpu.memref_squeeze %dma_start3A_222 : memref<1x80xi32, #tpu.memory_space<vmem>> -> memref<80xi32, #tpu.memory_space<vmem>>
        %dma_start3A_224 = arith.constant 0 : i32
        %dma_start3A_225 = arith.constant 0 : i32
        %dma_start3A_226 = tpu.memref_slice %arg7[%dma_start3A_224, %dma_start3A_225] : memref<10240x64xf32, #tpu.memory_space<vmem_shared>> -> memref<10240x64xf32, #tpu.memory_space<vmem_shared>>
        tpu.enqueue_indirect_dma source(%dma_start3A_220 : memref<80x64xf32, #tpu.memory_space<vmem>>) target(%dma_start3A_226 : memref<10240x64xf32, #tpu.memory_space<vmem_shared>>) offsets(%dma_start3A_223 : memref<80xi32, #tpu.memory_space<vmem>>) semaphore(%run_scoped3A_216 : memref<!tpu.dma_semaphore, #tpu.memory_space<semaphore_mem>>) {add = true}
        %dma_wait3A_227 = arith.constant 0 : i32
        %dma_wait3A_228 = arith.constant 0 : i32
        %dma_wait3A_229 = tpu.memref_slice %arg10[%run_scoped3A_202, %dma_wait3A_227, %dma_wait3A_228] : memref<5x80x64xf32, #tpu.memory_space<vmem>> -> memref<1x80x64xf32, #tpu.memory_space<vmem>>
        %dma_wait3A_230 = tpu.memref_squeeze %dma_wait3A_229 : memref<1x80x64xf32, #tpu.memory_space<vmem>> -> memref<80x64xf32, #tpu.memory_space<vmem>>
        %dma_wait3A_231 = arith.constant 0 : i32
        %dma_wait3A_232 = tpu.memref_slice %arg9[%add3A_201, %dma_wait3A_231] : memref<125x80xi32, #tpu.memory_space<vmem>> -> memref<1x80xi32, #tpu.memory_space<vmem>>
        %dma_wait3A_233 = tpu.memref_squeeze %dma_wait3A_232 : memref<1x80xi32, #tpu.memory_space<vmem>> -> memref<80xi32, #tpu.memory_space<vmem>>
        %dma_wait3A_234 = arith.constant 0 : i32
        %dma_wait3A_235 = arith.constant 0 : i32
        %dma_wait3A_236 = tpu.memref_slice %arg7[%dma_wait3A_234, %dma_wait3A_235] : memref<10240x64xf32, #tpu.memory_space<vmem_shared>> -> memref<10240x64xf32, #tpu.memory_space<vmem_shared>>
        tpu.wait_indirect_dma semaphore(%run_scoped3A_216 : memref<!tpu.dma_semaphore, #tpu.memory_space<semaphore_mem>>) src(%dma_wait3A_230 : memref<80x64xf32, #tpu.memory_space<vmem>>) dst(%dma_wait3A_236 : memref<10240x64xf32, #tpu.memory_space<vmem_shared>>)
        tpu.yield
      }) : () -> ()
      %add3A_203 = arith.constant 2 : i32
      %add3A_204 = arith.addi %mul3A_62, %add3A_203 : i32
      "tpu.region"() ({
        %run_scoped3A_216 = tpu.sem_alloc : memref<!tpu.dma_semaphore, #tpu.memory_space<semaphore_mem>>
        %dma_start3A_217 = arith.constant 0 : i32
        %dma_start3A_218 = tpu.memref_slice %arg9[%add3A_204, %dma_start3A_217] : memref<125x80xi32, #tpu.memory_space<vmem>> -> memref<1x80xi32, #tpu.memory_space<vmem>>
        %dma_start3A_219 = tpu.memref_squeeze %dma_start3A_218 : memref<1x80xi32, #tpu.memory_space<vmem>> -> memref<80xi32, #tpu.memory_space<vmem>>
        %dma_start3A_220 = arith.constant 0 : i32
        %dma_start3A_221 = tpu.memref_slice %arg13[%dma_start3A_220] : memref<10240xf32, #tpu.memory_space<vmem_shared>> -> memref<10240xf32, #tpu.memory_space<vmem_shared>>
        tpu.enqueue_indirect_dma source(%arg15 : memref<80xf32, #tpu.memory_space<vmem>>) target(%dma_start3A_221 : memref<10240xf32, #tpu.memory_space<vmem_shared>>) offsets(%dma_start3A_219 : memref<80xi32, #tpu.memory_space<vmem>>) semaphore(%run_scoped3A_216 : memref<!tpu.dma_semaphore, #tpu.memory_space<semaphore_mem>>) {add = true}
        %dma_wait3A_222 = arith.constant 0 : i32
        %dma_wait3A_223 = tpu.memref_slice %arg9[%add3A_204, %dma_wait3A_222] : memref<125x80xi32, #tpu.memory_space<vmem>> -> memref<1x80xi32, #tpu.memory_space<vmem>>
        %dma_wait3A_224 = tpu.memref_squeeze %dma_wait3A_223 : memref<1x80xi32, #tpu.memory_space<vmem>> -> memref<80xi32, #tpu.memory_space<vmem>>
        %dma_wait3A_225 = arith.constant 0 : i32
        %dma_wait3A_226 = tpu.memref_slice %arg13[%dma_wait3A_225] : memref<10240xf32, #tpu.memory_space<vmem_shared>> -> memref<10240xf32, #tpu.memory_space<vmem_shared>>
        tpu.wait_indirect_dma semaphore(%run_scoped3A_216 : memref<!tpu.dma_semaphore, #tpu.memory_space<semaphore_mem>>) src(%arg15 : memref<80xf32, #tpu.memory_space<vmem>>) dst(%dma_wait3A_226 : memref<10240xf32, #tpu.memory_space<vmem_shared>>)
        tpu.yield
      }) : () -> ()
      %add3A_205 = arith.constant 3 : i32
      %add3A_206 = arith.addi %mul3A_62, %add3A_205 : i32
      %run_scoped3A_207 = arith.constant 3 : i32
      "tpu.region"() ({
        %run_scoped3A_216 = tpu.sem_alloc : memref<!tpu.dma_semaphore, #tpu.memory_space<semaphore_mem>>
        %dma_start3A_217 = arith.constant 0 : i32
        %dma_start3A_218 = arith.constant 0 : i32
        %dma_start3A_219 = tpu.memref_slice %arg10[%run_scoped3A_207, %dma_start3A_217, %dma_start3A_218] : memref<5x80x64xf32, #tpu.memory_space<vmem>> -> memref<1x80x64xf32, #tpu.memory_space<vmem>>
        %dma_start3A_220 = tpu.memref_squeeze %dma_start3A_219 : memref<1x80x64xf32, #tpu.memory_space<vmem>> -> memref<80x64xf32, #tpu.memory_space<vmem>>
        %dma_start3A_221 = arith.constant 0 : i32
        %dma_start3A_222 = tpu.memref_slice %arg9[%add3A_206, %dma_start3A_221] : memref<125x80xi32, #tpu.memory_space<vmem>> -> memref<1x80xi32, #tpu.memory_space<vmem>>
        %dma_start3A_223 = tpu.memref_squeeze %dma_start3A_222 : memref<1x80xi32, #tpu.memory_space<vmem>> -> memref<80xi32, #tpu.memory_space<vmem>>
        %dma_start3A_224 = arith.constant 0 : i32
        %dma_start3A_225 = arith.constant 0 : i32
        %dma_start3A_226 = tpu.memref_slice %arg7[%dma_start3A_224, %dma_start3A_225] : memref<10240x64xf32, #tpu.memory_space<vmem_shared>> -> memref<10240x64xf32, #tpu.memory_space<vmem_shared>>
        tpu.enqueue_indirect_dma source(%dma_start3A_220 : memref<80x64xf32, #tpu.memory_space<vmem>>) target(%dma_start3A_226 : memref<10240x64xf32, #tpu.memory_space<vmem_shared>>) offsets(%dma_start3A_223 : memref<80xi32, #tpu.memory_space<vmem>>) semaphore(%run_scoped3A_216 : memref<!tpu.dma_semaphore, #tpu.memory_space<semaphore_mem>>) {add = true}
        %dma_wait3A_227 = arith.constant 0 : i32
        %dma_wait3A_228 = arith.constant 0 : i32
        %dma_wait3A_229 = tpu.memref_slice %arg10[%run_scoped3A_207, %dma_wait3A_227, %dma_wait3A_228] : memref<5x80x64xf32, #tpu.memory_space<vmem>> -> memref<1x80x64xf32, #tpu.memory_space<vmem>>
        %dma_wait3A_230 = tpu.memref_squeeze %dma_wait3A_229 : memref<1x80x64xf32, #tpu.memory_space<vmem>> -> memref<80x64xf32, #tpu.memory_space<vmem>>
        %dma_wait3A_231 = arith.constant 0 : i32
        %dma_wait3A_232 = tpu.memref_slice %arg9[%add3A_206, %dma_wait3A_231] : memref<125x80xi32, #tpu.memory_space<vmem>> -> memref<1x80xi32, #tpu.memory_space<vmem>>
        %dma_wait3A_233 = tpu.memref_squeeze %dma_wait3A_232 : memref<1x80xi32, #tpu.memory_space<vmem>> -> memref<80xi32, #tpu.memory_space<vmem>>
        %dma_wait3A_234 = arith.constant 0 : i32
        %dma_wait3A_235 = arith.constant 0 : i32
        %dma_wait3A_236 = tpu.memref_slice %arg7[%dma_wait3A_234, %dma_wait3A_235] : memref<10240x64xf32, #tpu.memory_space<vmem_shared>> -> memref<10240x64xf32, #tpu.memory_space<vmem_shared>>
        tpu.wait_indirect_dma semaphore(%run_scoped3A_216 : memref<!tpu.dma_semaphore, #tpu.memory_space<semaphore_mem>>) src(%dma_wait3A_230 : memref<80x64xf32, #tpu.memory_space<vmem>>) dst(%dma_wait3A_236 : memref<10240x64xf32, #tpu.memory_space<vmem_shared>>)
        tpu.yield
      }) : () -> ()
      %add3A_208 = arith.constant 3 : i32
      %add3A_209 = arith.addi %mul3A_62, %add3A_208 : i32
      "tpu.region"() ({
        %run_scoped3A_216 = tpu.sem_alloc : memref<!tpu.dma_semaphore, #tpu.memory_space<semaphore_mem>>
        %dma_start3A_217 = arith.constant 0 : i32
        %dma_start3A_218 = tpu.memref_slice %arg9[%add3A_209, %dma_start3A_217] : memref<125x80xi32, #tpu.memory_space<vmem>> -> memref<1x80xi32, #tpu.memory_space<vmem>>
        %dma_start3A_219 = tpu.memref_squeeze %dma_start3A_218 : memref<1x80xi32, #tpu.memory_space<vmem>> -> memref<80xi32, #tpu.memory_space<vmem>>
        %dma_start3A_220 = arith.constant 0 : i32
        %dma_start3A_221 = tpu.memref_slice %arg13[%dma_start3A_220] : memref<10240xf32, #tpu.memory_space<vmem_shared>> -> memref<10240xf32, #tpu.memory_space<vmem_shared>>
        tpu.enqueue_indirect_dma source(%arg15 : memref<80xf32, #tpu.memory_space<vmem>>) target(%dma_start3A_221 : memref<10240xf32, #tpu.memory_space<vmem_shared>>) offsets(%dma_start3A_219 : memref<80xi32, #tpu.memory_space<vmem>>) semaphore(%run_scoped3A_216 : memref<!tpu.dma_semaphore, #tpu.memory_space<semaphore_mem>>) {add = true}
        %dma_wait3A_222 = arith.constant 0 : i32
        %dma_wait3A_223 = tpu.memref_slice %arg9[%add3A_209, %dma_wait3A_222] : memref<125x80xi32, #tpu.memory_space<vmem>> -> memref<1x80xi32, #tpu.memory_space<vmem>>
        %dma_wait3A_224 = tpu.memref_squeeze %dma_wait3A_223 : memref<1x80xi32, #tpu.memory_space<vmem>> -> memref<80xi32, #tpu.memory_space<vmem>>
        %dma_wait3A_225 = arith.constant 0 : i32
        %dma_wait3A_226 = tpu.memref_slice %arg13[%dma_wait3A_225] : memref<10240xf32, #tpu.memory_space<vmem_shared>> -> memref<10240xf32, #tpu.memory_space<vmem_shared>>
        tpu.wait_indirect_dma semaphore(%run_scoped3A_216 : memref<!tpu.dma_semaphore, #tpu.memory_space<semaphore_mem>>) src(%arg15 : memref<80xf32, #tpu.memory_space<vmem>>) dst(%dma_wait3A_226 : memref<10240xf32, #tpu.memory_space<vmem_shared>>)
        tpu.yield
      }) : () -> ()
      %add3A_210 = arith.constant 4 : i32
      %add3A_211 = arith.addi %mul3A_62, %add3A_210 : i32
      %run_scoped3A_212 = arith.constant 4 : i32
      "tpu.region"() ({
        %run_scoped3A_216 = tpu.sem_alloc : memref<!tpu.dma_semaphore, #tpu.memory_space<semaphore_mem>>
        %dma_start3A_217 = arith.constant 0 : i32
        %dma_start3A_218 = arith.constant 0 : i32
        %dma_start3A_219 = tpu.memref_slice %arg10[%run_scoped3A_212, %dma_start3A_217, %dma_start3A_218] : memref<5x80x64xf32, #tpu.memory_space<vmem>> -> memref<1x80x64xf32, #tpu.memory_space<vmem>>
        %dma_start3A_220 = tpu.memref_squeeze %dma_start3A_219 : memref<1x80x64xf32, #tpu.memory_space<vmem>> -> memref<80x64xf32, #tpu.memory_space<vmem>>
        %dma_start3A_221 = arith.constant 0 : i32
        %dma_start3A_222 = tpu.memref_slice %arg9[%add3A_211, %dma_start3A_221] : memref<125x80xi32, #tpu.memory_space<vmem>> -> memref<1x80xi32, #tpu.memory_space<vmem>>
        %dma_start3A_223 = tpu.memref_squeeze %dma_start3A_222 : memref<1x80xi32, #tpu.memory_space<vmem>> -> memref<80xi32, #tpu.memory_space<vmem>>
        %dma_start3A_224 = arith.constant 0 : i32
        %dma_start3A_225 = arith.constant 0 : i32
        %dma_start3A_226 = tpu.memref_slice %arg7[%dma_start3A_224, %dma_start3A_225] : memref<10240x64xf32, #tpu.memory_space<vmem_shared>> -> memref<10240x64xf32, #tpu.memory_space<vmem_shared>>
        tpu.enqueue_indirect_dma source(%dma_start3A_220 : memref<80x64xf32, #tpu.memory_space<vmem>>) target(%dma_start3A_226 : memref<10240x64xf32, #tpu.memory_space<vmem_shared>>) offsets(%dma_start3A_223 : memref<80xi32, #tpu.memory_space<vmem>>) semaphore(%run_scoped3A_216 : memref<!tpu.dma_semaphore, #tpu.memory_space<semaphore_mem>>) {add = true}
        %dma_wait3A_227 = arith.constant 0 : i32
        %dma_wait3A_228 = arith.constant 0 : i32
        %dma_wait3A_229 = tpu.memref_slice %arg10[%run_scoped3A_212, %dma_wait3A_227, %dma_wait3A_228] : memref<5x80x64xf32, #tpu.memory_space<vmem>> -> memref<1x80x64xf32, #tpu.memory_space<vmem>>
        %dma_wait3A_230 = tpu.memref_squeeze %dma_wait3A_229 : memref<1x80x64xf32, #tpu.memory_space<vmem>> -> memref<80x64xf32, #tpu.memory_space<vmem>>
        %dma_wait3A_231 = arith.constant 0 : i32
        %dma_wait3A_232 = tpu.memref_slice %arg9[%add3A_211, %dma_wait3A_231] : memref<125x80xi32, #tpu.memory_space<vmem>> -> memref<1x80xi32, #tpu.memory_space<vmem>>
        %dma_wait3A_233 = tpu.memref_squeeze %dma_wait3A_232 : memref<1x80xi32, #tpu.memory_space<vmem>> -> memref<80xi32, #tpu.memory_space<vmem>>
        %dma_wait3A_234 = arith.constant 0 : i32
        %dma_wait3A_235 = arith.constant 0 : i32
        %dma_wait3A_236 = tpu.memref_slice %arg7[%dma_wait3A_234, %dma_wait3A_235] : memref<10240x64xf32, #tpu.memory_space<vmem_shared>> -> memref<10240x64xf32, #tpu.memory_space<vmem_shared>>
        tpu.wait_indirect_dma semaphore(%run_scoped3A_216 : memref<!tpu.dma_semaphore, #tpu.memory_space<semaphore_mem>>) src(%dma_wait3A_230 : memref<80x64xf32, #tpu.memory_space<vmem>>) dst(%dma_wait3A_236 : memref<10240x64xf32, #tpu.memory_space<vmem_shared>>)
        tpu.yield
      }) : () -> ()
      %add3A_213 = arith.constant 4 : i32
      %add3A_214 = arith.addi %mul3A_62, %add3A_213 : i32
      "tpu.region"() ({
        %run_scoped3A_216 = tpu.sem_alloc : memref<!tpu.dma_semaphore, #tpu.memory_space<semaphore_mem>>
        %dma_start3A_217 = arith.constant 0 : i32
        %dma_start3A_218 = tpu.memref_slice %arg9[%add3A_214, %dma_start3A_217] : memref<125x80xi32, #tpu.memory_space<vmem>> -> memref<1x80xi32, #tpu.memory_space<vmem>>
        %dma_start3A_219 = tpu.memref_squeeze %dma_start3A_218 : memref<1x80xi32, #tpu.memory_space<vmem>> -> memref<80xi32, #tpu.memory_space<vmem>>
        %dma_start3A_220 = arith.constant 0 : i32
        %dma_start3A_221 = tpu.memref_slice %arg13[%dma_start3A_220] : memref<10240xf32, #tpu.memory_space<vmem_shared>> -> memref<10240xf32, #tpu.memory_space<vmem_shared>>
        tpu.enqueue_indirect_dma source(%arg15 : memref<80xf32, #tpu.memory_space<vmem>>) target(%dma_start3A_221 : memref<10240xf32, #tpu.memory_space<vmem_shared>>) offsets(%dma_start3A_219 : memref<80xi32, #tpu.memory_space<vmem>>) semaphore(%run_scoped3A_216 : memref<!tpu.dma_semaphore, #tpu.memory_space<semaphore_mem>>) {add = true}
        %dma_wait3A_222 = arith.constant 0 : i32
        %dma_wait3A_223 = tpu.memref_slice %arg9[%add3A_214, %dma_wait3A_222] : memref<125x80xi32, #tpu.memory_space<vmem>> -> memref<1x80xi32, #tpu.memory_space<vmem>>
        %dma_wait3A_224 = tpu.memref_squeeze %dma_wait3A_223 : memref<1x80xi32, #tpu.memory_space<vmem>> -> memref<80xi32, #tpu.memory_space<vmem>>
        %dma_wait3A_225 = arith.constant 0 : i32
        %dma_wait3A_226 = tpu.memref_slice %arg13[%dma_wait3A_225] : memref<10240xf32, #tpu.memory_space<vmem_shared>> -> memref<10240xf32, #tpu.memory_space<vmem_shared>>
        tpu.wait_indirect_dma semaphore(%run_scoped3A_216 : memref<!tpu.dma_semaphore, #tpu.memory_space<semaphore_mem>>) src(%arg15 : memref<80xf32, #tpu.memory_space<vmem>>) dst(%dma_wait3A_226 : memref<10240xf32, #tpu.memory_space<vmem_shared>>)
        tpu.yield
      }) : () -> ()
      %scan3A_215 = arith.constant 0 : i32
      scf.yield %scan3A_215 : i32
    }
    %scan3A_49 = arith.constant 25 : i32
    %barrier3A_50 = arith.constant 0 : index
    tpu.barrier barrier_id(%barrier3A_50)
    %mul3A_51 = arith.constant 640 : i32
    %mul3A_52 = arith.muli %arg1, %mul3A_51 : i32
    %mul3A_53 = arith.constant 640 : i32
    %mul3A_54 = arith.muli %arg1, %mul3A_53 : i32
    "tpu.region"() ({
      %run_scoped3A = tpu.sem_alloc : memref<!tpu.dma_semaphore, #tpu.memory_space<semaphore_mem>>
      %dma_start3A = arith.constant 0 : i32
      %dma_start3A_59 = tpu.memref_slice %arg5[%arg0, %mul3A_54, %dma_start3A] : memref<2x10240x64xf32, #tpu.memory_space<hbm>> -> memref<1x640x64xf32, #tpu.memory_space<hbm>>
      %dma_start3A_60 = tpu.memref_squeeze %dma_start3A_59 : memref<1x640x64xf32, #tpu.memory_space<hbm>> -> memref<640x64xf32, #tpu.memory_space<hbm>>
      %dma_start3A_61 = arith.constant 0 : i32
      %dma_start3A_62 = tpu.memref_slice %arg7[%mul3A_52, %dma_start3A_61] : memref<10240x64xf32, #tpu.memory_space<vmem_shared>> -> memref<640x64xf32, #tpu.memory_space<vmem_shared>>
      tpu.enqueue_dma source(%dma_start3A_62 : memref<640x64xf32, #tpu.memory_space<vmem_shared>>) target(%dma_start3A_60 : memref<640x64xf32, #tpu.memory_space<hbm>>) target_semaphore(%run_scoped3A : memref<!tpu.dma_semaphore, #tpu.memory_space<semaphore_mem>>)
      %dma_wait3A = arith.constant 0 : i32
      %dma_wait3A_63 = tpu.memref_slice %arg5[%arg0, %mul3A_54, %dma_wait3A] : memref<2x10240x64xf32, #tpu.memory_space<hbm>> -> memref<1x640x64xf32, #tpu.memory_space<hbm>>
      %dma_wait3A_64 = tpu.memref_squeeze %dma_wait3A_63 : memref<1x640x64xf32, #tpu.memory_space<hbm>> -> memref<640x64xf32, #tpu.memory_space<hbm>>
      %dma_wait3A_65 = arith.constant 0 : i32
      %dma_wait3A_66 = tpu.memref_slice %arg7[%mul3A_52, %dma_wait3A_65] : memref<10240x64xf32, #tpu.memory_space<vmem_shared>> -> memref<640x64xf32, #tpu.memory_space<vmem_shared>>
      tpu.wait_dma2 semaphore(%run_scoped3A : memref<!tpu.dma_semaphore, #tpu.memory_space<semaphore_mem>>) src(%dma_wait3A_66 : memref<640x64xf32, #tpu.memory_space<vmem_shared>>) dst(%dma_wait3A_64 : memref<640x64xf32, #tpu.memory_space<hbm>>)
      tpu.yield
    }) : () -> ()
    %mul3A_55 = arith.constant 640 : i32
    %mul3A_56 = arith.muli %arg1, %mul3A_55 : i32
    %mul3A_57 = arith.constant 640 : i32
    %mul3A_58 = arith.muli %arg1, %mul3A_57 : i32
    "tpu.region"() ({
      %run_scoped3A = tpu.sem_alloc : memref<!tpu.dma_semaphore, #tpu.memory_space<semaphore_mem>>
      %dma_start3A = tpu.memref_slice %arg6[%arg0, %mul3A_58] : memref<2x10240xf32, #tpu.memory_space<hbm>> -> memref<1x640xf32, #tpu.memory_space<hbm>>
      %dma_start3A_59 = tpu.memref_squeeze %dma_start3A : memref<1x640xf32, #tpu.memory_space<hbm>> -> memref<640xf32, #tpu.memory_space<hbm>>
      %dma_start3A_60 = tpu.memref_slice %arg13[%mul3A_56] : memref<10240xf32, #tpu.memory_space<vmem_shared>> -> memref<640xf32, #tpu.memory_space<vmem_shared>>
      tpu.enqueue_dma source(%dma_start3A_60 : memref<640xf32, #tpu.memory_space<vmem_shared>>) target(%dma_start3A_59 : memref<640xf32, #tpu.memory_space<hbm>>) target_semaphore(%run_scoped3A : memref<!tpu.dma_semaphore, #tpu.memory_space<semaphore_mem>>)
      %dma_wait3A = tpu.memref_slice %arg6[%arg0, %mul3A_58] : memref<2x10240xf32, #tpu.memory_space<hbm>> -> memref<1x640xf32, #tpu.memory_space<hbm>>
      %dma_wait3A_61 = tpu.memref_squeeze %dma_wait3A : memref<1x640xf32, #tpu.memory_space<hbm>> -> memref<640xf32, #tpu.memory_space<hbm>>
      %dma_wait3A_62 = tpu.memref_slice %arg13[%mul3A_56] : memref<10240xf32, #tpu.memory_space<vmem_shared>> -> memref<640xf32, #tpu.memory_space<vmem_shared>>
      tpu.wait_dma2 semaphore(%run_scoped3A : memref<!tpu.dma_semaphore, #tpu.memory_space<semaphore_mem>>) src(%dma_wait3A_62 : memref<640xf32, #tpu.memory_space<vmem_shared>>) dst(%dma_wait3A_61 : memref<640xf32, #tpu.memory_space<hbm>>)
      tpu.yield
    }) : () -> ()
    return
  }
}

#map = affine_map<(d0, d1) -> (0, 0)>
#map1 = affine_map<(d0, d1) -> (0, 0, 0)>
module attributes {stable_mosaic.version = 14 : i64} {
  func.func @sc_seg_sum_d64(%arg0: i32, %arg1: i32, %arg2: memref<10000x64xf32, #tpu.memory_space<hbm>>, %arg3: memref<32x125x80xi32, #tpu.memory_space<hbm>>, %arg4: memref<32x125x80xi32, #tpu.memory_space<hbm>>, %arg5: memref<2x10240x64xf32, #tpu.memory_space<hbm>>, %arg6: memref<10240x64xf32, #tpu.memory_space<vmem_shared>>, %arg7: memref<125x80xi32, #tpu.memory_space<vmem>>, %arg8: memref<125x80xi32, #tpu.memory_space<vmem>>, %arg9: memref<5x80x64xf32, #tpu.memory_space<vmem>>, %arg10: memref<128x64xf32, #tpu.memory_space<vmem>>, %arg11: memref<!tpu.dma_semaphore, #tpu.memory_space<semaphore_mem>>) attributes {dimension_semantics = [#tpu.dimension_semantics<core_parallel>, #tpu.dimension_semantics<subcore_parallel>], iteration_bounds = array<i64: 2, 16>, scalar_prefetch = 0 : i64, scratch_operands = 6 : i64, tpu.core_type = #tpu.core_type<sc_vector_subcore>, window_params = [{transform_indices = #map}, {transform_indices = #map1}, {transform_indices = #map1}, {transform_indices = #map1}]} {
    %mul3A = arith.constant 16 : i32
    %mul3A_0 = arith.muli %arg0, %mul3A : i32
    %add3A = arith.addi %mul3A_0, %arg1 : i32
    %scan3A = arith.constant 0 : i32
    %scan3A_1 = arith.constant 0 : i32
    %scan3A_2 = arith.constant 512 : i32
    %scan3A_3 = arith.addi %scan3A_1, %scan3A_2 : i32
    %scan3A_4 = arith.constant 1 : i32
    %scan3A_5 = scf.for %scan3A_39 = %scan3A_1 to %scan3A_3 step %scan3A_4 iter_args(%scan3A_40 = %scan3A) -> (i32)  : i32 {
      %broadcast_in_dim3A = arith.constant 0.000000e+00 : f32
      %broadcast_in_dim3A_41 = vector.broadcast %broadcast_in_dim3A : f32 to vector<16xf32>
      %jit3A = arith.constant 4 : i32
      %div3A = arith.divsi %scan3A_39, %jit3A : i32
      %sign3A = arith.constant 0 : i32
      %sign3A_42 = arith.cmpi sgt, %scan3A_39, %sign3A : i32
      %sign3A_43 = arith.extui %sign3A_42 : i1 to i32
      %sign3A_44 = arith.constant 0 : i32
      %sign3A_45 = arith.cmpi slt, %scan3A_39, %sign3A_44 : i32
      %sign3A_46 = arith.extui %sign3A_45 : i1 to i32
      %sign3A_47 = arith.subi %sign3A_43, %sign3A_46 : i32
      %sign3A_48 = arith.constant 0 : i32
      %sign3A_49 = arith.cmpi sgt, %jit3A, %sign3A_48 : i32
      %sign3A_50 = arith.extui %sign3A_49 : i1 to i32
      %sign3A_51 = arith.constant 0 : i32
      %sign3A_52 = arith.cmpi slt, %jit3A, %sign3A_51 : i32
      %sign3A_53 = arith.extui %sign3A_52 : i1 to i32
      %sign3A_54 = arith.subi %sign3A_50, %sign3A_53 : i32
      %ne3A = arith.cmpi ne, %sign3A_47, %sign3A_54 : i32
      %rem3A = arith.remsi %scan3A_39, %jit3A : i32
      %ne3A_55 = arith.constant 0 : i32
      %ne3A_56 = arith.cmpi ne, %rem3A, %ne3A_55 : i32
      %and3A = arith.andi %ne3A, %ne3A_56 : i1
      %sub3A = arith.constant 1 : i32
      %sub3A_57 = arith.subi %div3A, %sub3A : i32
      %select_n3A = arith.select %and3A, %sub3A_57, %div3A : i32
      %jit3A_58 = arith.constant 4 : i32
      %eq3A = arith.constant 0 : i32
      %eq3A_59 = arith.cmpi eq, %jit3A_58, %eq3A : i32
      %jit3A_60 = arith.constant 1 : i32
      %select_n3A_61 = arith.select %eq3A_59, %jit3A_60, %jit3A_58 : i32
      %rem3A_62 = arith.remsi %scan3A_39, %select_n3A_61 : i32
      %ne3A_63 = arith.constant 0 : i32
      %ne3A_64 = arith.cmpi ne, %rem3A_62, %ne3A_63 : i32
      %lt3A = arith.constant 0 : i32
      %lt3A_65 = arith.cmpi slt, %rem3A_62, %lt3A : i32
      %lt3A_66 = arith.constant 0 : i32
      %lt3A_67 = arith.cmpi slt, %select_n3A_61, %lt3A_66 : i32
      %ne3A_68 = arith.xori %lt3A_65, %lt3A_67 : i1
      %and3A_69 = arith.andi %ne3A_68, %ne3A_64 : i1
      %add3A_70 = arith.addi %rem3A_62, %select_n3A_61 : i32
      %select_n3A_71 = arith.select %and3A_69, %add3A_70, %rem3A_62 : i32
      %mul3A_72 = arith.constant 16 : i32
      %mul3A_73 = arith.muli %select_n3A_71, %mul3A_72 : i32
      %swap3A = arith.index_cast %select_n3A : i32 to index
      %swap3A_74 = arith.index_cast %mul3A_73 : i32 to index
      %swap3A_75 = tpu.vector_load %arg10[%swap3A, %swap3A_74] {strides = array<i32>} : memref<128x64xf32, #tpu.memory_space<vmem>>, vector<1x16xf32>,
      %swap3A_76 = vector.shape_cast %swap3A_75 : vector<1x16xf32> to vector<16xf32>
      %swap3A_77 = vector.shape_cast %broadcast_in_dim3A_41 : vector<16xf32> to vector<1x16xf32>
      tpu.vector_store %arg10[%swap3A, %swap3A_74], %swap3A_77 {strides = array<i32>} : memref<128x64xf32, #tpu.memory_space<vmem>>, vector<1x16xf32>,
      %scan3A_78 = arith.constant 0 : i32
      scf.yield %scan3A_78 : i32
    }
    %scan3A_6 = arith.constant 512 : i32
    %mul3A_7 = arith.constant 640 : i32
    %mul3A_8 = arith.muli %arg1, %mul3A_7 : i32
    %add3A_9 = arith.constant 0 : i32
    %add3A_10 = arith.addi %mul3A_8, %add3A_9 : i32
    "tpu.region"() ({
      %run_scoped3A = tpu.sem_alloc : memref<!tpu.dma_semaphore, #tpu.memory_space<semaphore_mem>>
      %dma_start3A = arith.constant 0 : i32
      %dma_start3A_39 = tpu.memref_slice %arg6[%add3A_10, %dma_start3A] : memref<10240x64xf32, #tpu.memory_space<vmem_shared>> -> memref<128x64xf32, #tpu.memory_space<vmem_shared>>
      %dma_start3A_40 = arith.constant 0 : i32
      %dma_start3A_41 = tpu.memref_slice %arg6[%add3A_10, %dma_start3A_40] : memref<10240x64xf32, #tpu.memory_space<vmem_shared>> -> memref<128x64xf32, #tpu.memory_space<vmem_shared>>
      tpu.enqueue_dma source(%arg10 : memref<128x64xf32, #tpu.memory_space<vmem>>) target(%dma_start3A_41 : memref<128x64xf32, #tpu.memory_space<vmem_shared>>) target_semaphore(%run_scoped3A : memref<!tpu.dma_semaphore, #tpu.memory_space<semaphore_mem>>)
      %dma_wait3A = arith.constant 0 : i32
      %dma_wait3A_42 = tpu.memref_slice %arg6[%add3A_10, %dma_wait3A] : memref<10240x64xf32, #tpu.memory_space<vmem_shared>> -> memref<128x64xf32, #tpu.memory_space<vmem_shared>>
      %dma_wait3A_43 = arith.constant 0 : i32
      %dma_wait3A_44 = tpu.memref_slice %arg6[%add3A_10, %dma_wait3A_43] : memref<10240x64xf32, #tpu.memory_space<vmem_shared>> -> memref<128x64xf32, #tpu.memory_space<vmem_shared>>
      tpu.wait_dma2 semaphore(%run_scoped3A : memref<!tpu.dma_semaphore, #tpu.memory_space<semaphore_mem>>) src(%arg10 : memref<128x64xf32, #tpu.memory_space<vmem>>) dst(%dma_wait3A_44 : memref<128x64xf32, #tpu.memory_space<vmem_shared>>)
      tpu.yield
    }) : () -> ()
    %mul3A_11 = arith.constant 640 : i32
    %mul3A_12 = arith.muli %arg1, %mul3A_11 : i32
    %add3A_13 = arith.constant 128 : i32
    %add3A_14 = arith.addi %mul3A_12, %add3A_13 : i32
    "tpu.region"() ({
      %run_scoped3A = tpu.sem_alloc : memref<!tpu.dma_semaphore, #tpu.memory_space<semaphore_mem>>
      %dma_start3A = arith.constant 0 : i32
      %dma_start3A_39 = tpu.memref_slice %arg6[%add3A_14, %dma_start3A] : memref<10240x64xf32, #tpu.memory_space<vmem_shared>> -> memref<128x64xf32, #tpu.memory_space<vmem_shared>>
      %dma_start3A_40 = arith.constant 0 : i32
      %dma_start3A_41 = tpu.memref_slice %arg6[%add3A_14, %dma_start3A_40] : memref<10240x64xf32, #tpu.memory_space<vmem_shared>> -> memref<128x64xf32, #tpu.memory_space<vmem_shared>>
      tpu.enqueue_dma source(%arg10 : memref<128x64xf32, #tpu.memory_space<vmem>>) target(%dma_start3A_41 : memref<128x64xf32, #tpu.memory_space<vmem_shared>>) target_semaphore(%run_scoped3A : memref<!tpu.dma_semaphore, #tpu.memory_space<semaphore_mem>>)
      %dma_wait3A = arith.constant 0 : i32
      %dma_wait3A_42 = tpu.memref_slice %arg6[%add3A_14, %dma_wait3A] : memref<10240x64xf32, #tpu.memory_space<vmem_shared>> -> memref<128x64xf32, #tpu.memory_space<vmem_shared>>
      %dma_wait3A_43 = arith.constant 0 : i32
      %dma_wait3A_44 = tpu.memref_slice %arg6[%add3A_14, %dma_wait3A_43] : memref<10240x64xf32, #tpu.memory_space<vmem_shared>> -> memref<128x64xf32, #tpu.memory_space<vmem_shared>>
      tpu.wait_dma2 semaphore(%run_scoped3A : memref<!tpu.dma_semaphore, #tpu.memory_space<semaphore_mem>>) src(%arg10 : memref<128x64xf32, #tpu.memory_space<vmem>>) dst(%dma_wait3A_44 : memref<128x64xf32, #tpu.memory_space<vmem_shared>>)
      tpu.yield
    }) : () -> ()
    %mul3A_15 = arith.constant 640 : i32
    %mul3A_16 = arith.muli %arg1, %mul3A_15 : i32
    %add3A_17 = arith.constant 256 : i32
    %add3A_18 = arith.addi %mul3A_16, %add3A_17 : i32
    "tpu.region"() ({
      %run_scoped3A = tpu.sem_alloc : memref<!tpu.dma_semaphore, #tpu.memory_space<semaphore_mem>>
      %dma_start3A = arith.constant 0 : i32
      %dma_start3A_39 = tpu.memref_slice %arg6[%add3A_18, %dma_start3A] : memref<10240x64xf32, #tpu.memory_space<vmem_shared>> -> memref<128x64xf32, #tpu.memory_space<vmem_shared>>
      %dma_start3A_40 = arith.constant 0 : i32
      %dma_start3A_41 = tpu.memref_slice %arg6[%add3A_18, %dma_start3A_40] : memref<10240x64xf32, #tpu.memory_space<vmem_shared>> -> memref<128x64xf32, #tpu.memory_space<vmem_shared>>
      tpu.enqueue_dma source(%arg10 : memref<128x64xf32, #tpu.memory_space<vmem>>) target(%dma_start3A_41 : memref<128x64xf32, #tpu.memory_space<vmem_shared>>) target_semaphore(%run_scoped3A : memref<!tpu.dma_semaphore, #tpu.memory_space<semaphore_mem>>)
      %dma_wait3A = arith.constant 0 : i32
      %dma_wait3A_42 = tpu.memref_slice %arg6[%add3A_18, %dma_wait3A] : memref<10240x64xf32, #tpu.memory_space<vmem_shared>> -> memref<128x64xf32, #tpu.memory_space<vmem_shared>>
      %dma_wait3A_43 = arith.constant 0 : i32
      %dma_wait3A_44 = tpu.memref_slice %arg6[%add3A_18, %dma_wait3A_43] : memref<10240x64xf32, #tpu.memory_space<vmem_shared>> -> memref<128x64xf32, #tpu.memory_space<vmem_shared>>
      tpu.wait_dma2 semaphore(%run_scoped3A : memref<!tpu.dma_semaphore, #tpu.memory_space<semaphore_mem>>) src(%arg10 : memref<128x64xf32, #tpu.memory_space<vmem>>) dst(%dma_wait3A_44 : memref<128x64xf32, #tpu.memory_space<vmem_shared>>)
      tpu.yield
    }) : () -> ()
    %mul3A_19 = arith.constant 640 : i32
    %mul3A_20 = arith.muli %arg1, %mul3A_19 : i32
    %add3A_21 = arith.constant 384 : i32
    %add3A_22 = arith.addi %mul3A_20, %add3A_21 : i32
    "tpu.region"() ({
      %run_scoped3A = tpu.sem_alloc : memref<!tpu.dma_semaphore, #tpu.memory_space<semaphore_mem>>
      %dma_start3A = arith.constant 0 : i32
      %dma_start3A_39 = tpu.memref_slice %arg6[%add3A_22, %dma_start3A] : memref<10240x64xf32, #tpu.memory_space<vmem_shared>> -> memref<128x64xf32, #tpu.memory_space<vmem_shared>>
      %dma_start3A_40 = arith.constant 0 : i32
      %dma_start3A_41 = tpu.memref_slice %arg6[%add3A_22, %dma_start3A_40] : memref<10240x64xf32, #tpu.memory_space<vmem_shared>> -> memref<128x64xf32, #tpu.memory_space<vmem_shared>>
      tpu.enqueue_dma source(%arg10 : memref<128x64xf32, #tpu.memory_space<vmem>>) target(%dma_start3A_41 : memref<128x64xf32, #tpu.memory_space<vmem_shared>>) target_semaphore(%run_scoped3A : memref<!tpu.dma_semaphore, #tpu.memory_space<semaphore_mem>>)
      %dma_wait3A = arith.constant 0 : i32
      %dma_wait3A_42 = tpu.memref_slice %arg6[%add3A_22, %dma_wait3A] : memref<10240x64xf32, #tpu.memory_space<vmem_shared>> -> memref<128x64xf32, #tpu.memory_space<vmem_shared>>
      %dma_wait3A_43 = arith.constant 0 : i32
      %dma_wait3A_44 = tpu.memref_slice %arg6[%add3A_22, %dma_wait3A_43] : memref<10240x64xf32, #tpu.memory_space<vmem_shared>> -> memref<128x64xf32, #tpu.memory_space<vmem_shared>>
      tpu.wait_dma2 semaphore(%run_scoped3A : memref<!tpu.dma_semaphore, #tpu.memory_space<semaphore_mem>>) src(%arg10 : memref<128x64xf32, #tpu.memory_space<vmem>>) dst(%dma_wait3A_44 : memref<128x64xf32, #tpu.memory_space<vmem_shared>>)
      tpu.yield
    }) : () -> ()
    %mul3A_23 = arith.constant 640 : i32
    %mul3A_24 = arith.muli %arg1, %mul3A_23 : i32
    %add3A_25 = arith.constant 512 : i32
    %add3A_26 = arith.addi %mul3A_24, %add3A_25 : i32
    "tpu.region"() ({
      %run_scoped3A = tpu.sem_alloc : memref<!tpu.dma_semaphore, #tpu.memory_space<semaphore_mem>>
      %dma_start3A = arith.constant 0 : i32
      %dma_start3A_39 = tpu.memref_slice %arg6[%add3A_26, %dma_start3A] : memref<10240x64xf32, #tpu.memory_space<vmem_shared>> -> memref<128x64xf32, #tpu.memory_space<vmem_shared>>
      %dma_start3A_40 = arith.constant 0 : i32
      %dma_start3A_41 = tpu.memref_slice %arg6[%add3A_26, %dma_start3A_40] : memref<10240x64xf32, #tpu.memory_space<vmem_shared>> -> memref<128x64xf32, #tpu.memory_space<vmem_shared>>
      tpu.enqueue_dma source(%arg10 : memref<128x64xf32, #tpu.memory_space<vmem>>) target(%dma_start3A_41 : memref<128x64xf32, #tpu.memory_space<vmem_shared>>) target_semaphore(%run_scoped3A : memref<!tpu.dma_semaphore, #tpu.memory_space<semaphore_mem>>)
      %dma_wait3A = arith.constant 0 : i32
      %dma_wait3A_42 = tpu.memref_slice %arg6[%add3A_26, %dma_wait3A] : memref<10240x64xf32, #tpu.memory_space<vmem_shared>> -> memref<128x64xf32, #tpu.memory_space<vmem_shared>>
      %dma_wait3A_43 = arith.constant 0 : i32
      %dma_wait3A_44 = tpu.memref_slice %arg6[%add3A_26, %dma_wait3A_43] : memref<10240x64xf32, #tpu.memory_space<vmem_shared>> -> memref<128x64xf32, #tpu.memory_space<vmem_shared>>
      tpu.wait_dma2 semaphore(%run_scoped3A : memref<!tpu.dma_semaphore, #tpu.memory_space<semaphore_mem>>) src(%arg10 : memref<128x64xf32, #tpu.memory_space<vmem>>) dst(%dma_wait3A_44 : memref<128x64xf32, #tpu.memory_space<vmem_shared>>)
      tpu.yield
    }) : () -> ()
    "tpu.region"() ({
      %run_scoped3A = tpu.sem_alloc : memref<!tpu.dma_semaphore, #tpu.memory_space<semaphore_mem>>
      %dma_start3A = arith.constant 0 : i32
      %dma_start3A_39 = arith.constant 0 : i32
      %dma_start3A_40 = tpu.memref_slice %arg3[%add3A, %dma_start3A, %dma_start3A_39] : memref<32x125x80xi32, #tpu.memory_space<hbm>> -> memref<1x125x80xi32, #tpu.memory_space<hbm>>
      %dma_start3A_41 = tpu.memref_squeeze %dma_start3A_40 : memref<1x125x80xi32, #tpu.memory_space<hbm>> -> memref<125x80xi32, #tpu.memory_space<hbm>>
      %dma_start3A_42 = arith.constant 0 : i32
      %dma_start3A_43 = arith.constant 0 : i32
      %dma_start3A_44 = tpu.memref_slice %arg3[%add3A, %dma_start3A_42, %dma_start3A_43] : memref<32x125x80xi32, #tpu.memory_space<hbm>> -> memref<1x125x80xi32, #tpu.memory_space<hbm>>
      %dma_start3A_45 = tpu.memref_squeeze %dma_start3A_44 : memref<1x125x80xi32, #tpu.memory_space<hbm>> -> memref<125x80xi32, #tpu.memory_space<hbm>>
      tpu.enqueue_dma source(%dma_start3A_45 : memref<125x80xi32, #tpu.memory_space<hbm>>) target(%arg7 : memref<125x80xi32, #tpu.memory_space<vmem>>) target_semaphore(%run_scoped3A : memref<!tpu.dma_semaphore, #tpu.memory_space<semaphore_mem>>)
      %dma_wait3A = arith.constant 0 : i32
      %dma_wait3A_46 = arith.constant 0 : i32
      %dma_wait3A_47 = tpu.memref_slice %arg3[%add3A, %dma_wait3A, %dma_wait3A_46] : memref<32x125x80xi32, #tpu.memory_space<hbm>> -> memref<1x125x80xi32, #tpu.memory_space<hbm>>
      %dma_wait3A_48 = tpu.memref_squeeze %dma_wait3A_47 : memref<1x125x80xi32, #tpu.memory_space<hbm>> -> memref<125x80xi32, #tpu.memory_space<hbm>>
      %dma_wait3A_49 = arith.constant 0 : i32
      %dma_wait3A_50 = arith.constant 0 : i32
      %dma_wait3A_51 = tpu.memref_slice %arg3[%add3A, %dma_wait3A_49, %dma_wait3A_50] : memref<32x125x80xi32, #tpu.memory_space<hbm>> -> memref<1x125x80xi32, #tpu.memory_space<hbm>>
      %dma_wait3A_52 = tpu.memref_squeeze %dma_wait3A_51 : memref<1x125x80xi32, #tpu.memory_space<hbm>> -> memref<125x80xi32, #tpu.memory_space<hbm>>
      tpu.wait_dma2 semaphore(%run_scoped3A : memref<!tpu.dma_semaphore, #tpu.memory_space<semaphore_mem>>) src(%dma_wait3A_52 : memref<125x80xi32, #tpu.memory_space<hbm>>) dst(%arg7 : memref<125x80xi32, #tpu.memory_space<vmem>>)
      tpu.yield
    }) : () -> ()
    "tpu.region"() ({
      %run_scoped3A = tpu.sem_alloc : memref<!tpu.dma_semaphore, #tpu.memory_space<semaphore_mem>>
      %dma_start3A = arith.constant 0 : i32
      %dma_start3A_39 = arith.constant 0 : i32
      %dma_start3A_40 = tpu.memref_slice %arg4[%add3A, %dma_start3A, %dma_start3A_39] : memref<32x125x80xi32, #tpu.memory_space<hbm>> -> memref<1x125x80xi32, #tpu.memory_space<hbm>>
      %dma_start3A_41 = tpu.memref_squeeze %dma_start3A_40 : memref<1x125x80xi32, #tpu.memory_space<hbm>> -> memref<125x80xi32, #tpu.memory_space<hbm>>
      %dma_start3A_42 = arith.constant 0 : i32
      %dma_start3A_43 = arith.constant 0 : i32
      %dma_start3A_44 = tpu.memref_slice %arg4[%add3A, %dma_start3A_42, %dma_start3A_43] : memref<32x125x80xi32, #tpu.memory_space<hbm>> -> memref<1x125x80xi32, #tpu.memory_space<hbm>>
      %dma_start3A_45 = tpu.memref_squeeze %dma_start3A_44 : memref<1x125x80xi32, #tpu.memory_space<hbm>> -> memref<125x80xi32, #tpu.memory_space<hbm>>
      tpu.enqueue_dma source(%dma_start3A_45 : memref<125x80xi32, #tpu.memory_space<hbm>>) target(%arg8 : memref<125x80xi32, #tpu.memory_space<vmem>>) target_semaphore(%run_scoped3A : memref<!tpu.dma_semaphore, #tpu.memory_space<semaphore_mem>>)
      %dma_wait3A = arith.constant 0 : i32
      %dma_wait3A_46 = arith.constant 0 : i32
      %dma_wait3A_47 = tpu.memref_slice %arg4[%add3A, %dma_wait3A, %dma_wait3A_46] : memref<32x125x80xi32, #tpu.memory_space<hbm>> -> memref<1x125x80xi32, #tpu.memory_space<hbm>>
      %dma_wait3A_48 = tpu.memref_squeeze %dma_wait3A_47 : memref<1x125x80xi32, #tpu.memory_space<hbm>> -> memref<125x80xi32, #tpu.memory_space<hbm>>
      %dma_wait3A_49 = arith.constant 0 : i32
      %dma_wait3A_50 = arith.constant 0 : i32
      %dma_wait3A_51 = tpu.memref_slice %arg4[%add3A, %dma_wait3A_49, %dma_wait3A_50] : memref<32x125x80xi32, #tpu.memory_space<hbm>> -> memref<1x125x80xi32, #tpu.memory_space<hbm>>
      %dma_wait3A_52 = tpu.memref_squeeze %dma_wait3A_51 : memref<1x125x80xi32, #tpu.memory_space<hbm>> -> memref<125x80xi32, #tpu.memory_space<hbm>>
      tpu.wait_dma2 semaphore(%run_scoped3A : memref<!tpu.dma_semaphore, #tpu.memory_space<semaphore_mem>>) src(%dma_wait3A_52 : memref<125x80xi32, #tpu.memory_space<hbm>>) dst(%arg8 : memref<125x80xi32, #tpu.memory_space<vmem>>)
      tpu.yield
    }) : () -> ()
    %barrier3A = arith.constant 0 : index
    tpu.barrier barrier_id(%barrier3A)
    %scan3A_27 = arith.constant 0 : i32
    %scan3A_28 = arith.constant 0 : i32
    %scan3A_29 = arith.constant 25 : i32
    %scan3A_30 = arith.addi %scan3A_28, %scan3A_29 : i32
    %scan3A_31 = arith.constant 1 : i32
    %scan3A_32 = scf.for %scan3A_39 = %scan3A_28 to %scan3A_30 step %scan3A_31 iter_args(%scan3A_40 = %scan3A_27) -> (i32)  : i32 {
      %mul3A_41 = arith.constant 5 : i32
      %mul3A_42 = arith.muli %scan3A_39, %mul3A_41 : i32
      %add3A_43 = arith.constant 0 : i32
      %add3A_44 = arith.addi %mul3A_42, %add3A_43 : i32
      %dma_start3A = arith.constant 0 : i32
      %dma_start3A_45 = arith.constant 0 : i32
      %dma_start3A_46 = arith.constant 0 : i32
      %dma_start3A_47 = tpu.memref_slice %arg9[%dma_start3A, %dma_start3A_45, %dma_start3A_46] : memref<5x80x64xf32, #tpu.memory_space<vmem>> -> memref<1x80x64xf32, #tpu.memory_space<vmem>>
      %dma_start3A_48 = tpu.memref_squeeze %dma_start3A_47 : memref<1x80x64xf32, #tpu.memory_space<vmem>> -> memref<80x64xf32, #tpu.memory_space<vmem>>
      %dma_start3A_49 = arith.constant 0 : i32
      %dma_start3A_50 = tpu.memref_slice %arg7[%add3A_44, %dma_start3A_49] : memref<125x80xi32, #tpu.memory_space<vmem>> -> memref<1x80xi32, #tpu.memory_space<vmem>>
      %dma_start3A_51 = tpu.memref_squeeze %dma_start3A_50 : memref<1x80xi32, #tpu.memory_space<vmem>> -> memref<80xi32, #tpu.memory_space<vmem>>
      %dma_start3A_52 = arith.constant 0 : i32
      %dma_start3A_53 = arith.constant 0 : i32
      %dma_start3A_54 = tpu.memref_slice %arg2[%dma_start3A_52, %dma_start3A_53] : memref<10000x64xf32, #tpu.memory_space<hbm>> -> memref<10000x64xf32, #tpu.memory_space<hbm>>
      tpu.enqueue_indirect_dma source(%dma_start3A_54 : memref<10000x64xf32, #tpu.memory_space<hbm>>) target(%dma_start3A_48 : memref<80x64xf32, #tpu.memory_space<vmem>>) offsets(%dma_start3A_51 : memref<80xi32, #tpu.memory_space<vmem>>) semaphore(%arg11 : memref<!tpu.dma_semaphore, #tpu.memory_space<semaphore_mem>>)
      %add3A_55 = arith.constant 1 : i32
      %add3A_56 = arith.addi %mul3A_42, %add3A_55 : i32
      %dma_start3A_57 = arith.constant 1 : i32
      %dma_start3A_58 = arith.constant 0 : i32
      %dma_start3A_59 = arith.constant 0 : i32
      %dma_start3A_60 = tpu.memref_slice %arg9[%dma_start3A_57, %dma_start3A_58, %dma_start3A_59] : memref<5x80x64xf32, #tpu.memory_space<vmem>> -> memref<1x80x64xf32, #tpu.memory_space<vmem>>
      %dma_start3A_61 = tpu.memref_squeeze %dma_start3A_60 : memref<1x80x64xf32, #tpu.memory_space<vmem>> -> memref<80x64xf32, #tpu.memory_space<vmem>>
      %dma_start3A_62 = arith.constant 0 : i32
      %dma_start3A_63 = tpu.memref_slice %arg7[%add3A_56, %dma_start3A_62] : memref<125x80xi32, #tpu.memory_space<vmem>> -> memref<1x80xi32, #tpu.memory_space<vmem>>
      %dma_start3A_64 = tpu.memref_squeeze %dma_start3A_63 : memref<1x80xi32, #tpu.memory_space<vmem>> -> memref<80xi32, #tpu.memory_space<vmem>>
      %dma_start3A_65 = arith.constant 0 : i32
      %dma_start3A_66 = arith.constant 0 : i32
      %dma_start3A_67 = tpu.memref_slice %arg2[%dma_start3A_65, %dma_start3A_66] : memref<10000x64xf32, #tpu.memory_space<hbm>> -> memref<10000x64xf32, #tpu.memory_space<hbm>>
      tpu.enqueue_indirect_dma source(%dma_start3A_67 : memref<10000x64xf32, #tpu.memory_space<hbm>>) target(%dma_start3A_61 : memref<80x64xf32, #tpu.memory_space<vmem>>) offsets(%dma_start3A_64 : memref<80xi32, #tpu.memory_space<vmem>>) semaphore(%arg11 : memref<!tpu.dma_semaphore, #tpu.memory_space<semaphore_mem>>)
      %add3A_68 = arith.constant 2 : i32
      %add3A_69 = arith.addi %mul3A_42, %add3A_68 : i32
      %dma_start3A_70 = arith.constant 2 : i32
      %dma_start3A_71 = arith.constant 0 : i32
      %dma_start3A_72 = arith.constant 0 : i32
      %dma_start3A_73 = tpu.memref_slice %arg9[%dma_start3A_70, %dma_start3A_71, %dma_start3A_72] : memref<5x80x64xf32, #tpu.memory_space<vmem>> -> memref<1x80x64xf32, #tpu.memory_space<vmem>>
      %dma_start3A_74 = tpu.memref_squeeze %dma_start3A_73 : memref<1x80x64xf32, #tpu.memory_space<vmem>> -> memref<80x64xf32, #tpu.memory_space<vmem>>
      %dma_start3A_75 = arith.constant 0 : i32
      %dma_start3A_76 = tpu.memref_slice %arg7[%add3A_69, %dma_start3A_75] : memref<125x80xi32, #tpu.memory_space<vmem>> -> memref<1x80xi32, #tpu.memory_space<vmem>>
      %dma_start3A_77 = tpu.memref_squeeze %dma_start3A_76 : memref<1x80xi32, #tpu.memory_space<vmem>> -> memref<80xi32, #tpu.memory_space<vmem>>
      %dma_start3A_78 = arith.constant 0 : i32
      %dma_start3A_79 = arith.constant 0 : i32
      %dma_start3A_80 = tpu.memref_slice %arg2[%dma_start3A_78, %dma_start3A_79] : memref<10000x64xf32, #tpu.memory_space<hbm>> -> memref<10000x64xf32, #tpu.memory_space<hbm>>
      tpu.enqueue_indirect_dma source(%dma_start3A_80 : memref<10000x64xf32, #tpu.memory_space<hbm>>) target(%dma_start3A_74 : memref<80x64xf32, #tpu.memory_space<vmem>>) offsets(%dma_start3A_77 : memref<80xi32, #tpu.memory_space<vmem>>) semaphore(%arg11 : memref<!tpu.dma_semaphore, #tpu.memory_space<semaphore_mem>>)
      %add3A_81 = arith.constant 3 : i32
      %add3A_82 = arith.addi %mul3A_42, %add3A_81 : i32
      %dma_start3A_83 = arith.constant 3 : i32
      %dma_start3A_84 = arith.constant 0 : i32
      %dma_start3A_85 = arith.constant 0 : i32
      %dma_start3A_86 = tpu.memref_slice %arg9[%dma_start3A_83, %dma_start3A_84, %dma_start3A_85] : memref<5x80x64xf32, #tpu.memory_space<vmem>> -> memref<1x80x64xf32, #tpu.memory_space<vmem>>
      %dma_start3A_87 = tpu.memref_squeeze %dma_start3A_86 : memref<1x80x64xf32, #tpu.memory_space<vmem>> -> memref<80x64xf32, #tpu.memory_space<vmem>>
      %dma_start3A_88 = arith.constant 0 : i32
      %dma_start3A_89 = tpu.memref_slice %arg7[%add3A_82, %dma_start3A_88] : memref<125x80xi32, #tpu.memory_space<vmem>> -> memref<1x80xi32, #tpu.memory_space<vmem>>
      %dma_start3A_90 = tpu.memref_squeeze %dma_start3A_89 : memref<1x80xi32, #tpu.memory_space<vmem>> -> memref<80xi32, #tpu.memory_space<vmem>>
      %dma_start3A_91 = arith.constant 0 : i32
      %dma_start3A_92 = arith.constant 0 : i32
      %dma_start3A_93 = tpu.memref_slice %arg2[%dma_start3A_91, %dma_start3A_92] : memref<10000x64xf32, #tpu.memory_space<hbm>> -> memref<10000x64xf32, #tpu.memory_space<hbm>>
      tpu.enqueue_indirect_dma source(%dma_start3A_93 : memref<10000x64xf32, #tpu.memory_space<hbm>>) target(%dma_start3A_87 : memref<80x64xf32, #tpu.memory_space<vmem>>) offsets(%dma_start3A_90 : memref<80xi32, #tpu.memory_space<vmem>>) semaphore(%arg11 : memref<!tpu.dma_semaphore, #tpu.memory_space<semaphore_mem>>)
      %add3A_94 = arith.constant 4 : i32
      %add3A_95 = arith.addi %mul3A_42, %add3A_94 : i32
      %dma_start3A_96 = arith.constant 4 : i32
      %dma_start3A_97 = arith.constant 0 : i32
      %dma_start3A_98 = arith.constant 0 : i32
      %dma_start3A_99 = tpu.memref_slice %arg9[%dma_start3A_96, %dma_start3A_97, %dma_start3A_98] : memref<5x80x64xf32, #tpu.memory_space<vmem>> -> memref<1x80x64xf32, #tpu.memory_space<vmem>>
      %dma_start3A_100 = tpu.memref_squeeze %dma_start3A_99 : memref<1x80x64xf32, #tpu.memory_space<vmem>> -> memref<80x64xf32, #tpu.memory_space<vmem>>
      %dma_start3A_101 = arith.constant 0 : i32
      %dma_start3A_102 = tpu.memref_slice %arg7[%add3A_95, %dma_start3A_101] : memref<125x80xi32, #tpu.memory_space<vmem>> -> memref<1x80xi32, #tpu.memory_space<vmem>>
      %dma_start3A_103 = tpu.memref_squeeze %dma_start3A_102 : memref<1x80xi32, #tpu.memory_space<vmem>> -> memref<80xi32, #tpu.memory_space<vmem>>
      %dma_start3A_104 = arith.constant 0 : i32
      %dma_start3A_105 = arith.constant 0 : i32
      %dma_start3A_106 = tpu.memref_slice %arg2[%dma_start3A_104, %dma_start3A_105] : memref<10000x64xf32, #tpu.memory_space<hbm>> -> memref<10000x64xf32, #tpu.memory_space<hbm>>
      tpu.enqueue_indirect_dma source(%dma_start3A_106 : memref<10000x64xf32, #tpu.memory_space<hbm>>) target(%dma_start3A_100 : memref<80x64xf32, #tpu.memory_space<vmem>>) offsets(%dma_start3A_103 : memref<80xi32, #tpu.memory_space<vmem>>) semaphore(%arg11 : memref<!tpu.dma_semaphore, #tpu.memory_space<semaphore_mem>>)
      %add3A_107 = arith.constant 0 : i32
      %add3A_108 = arith.addi %mul3A_42, %add3A_107 : i32
      %dma_wait3A = arith.constant 0 : i32
      %dma_wait3A_109 = arith.constant 0 : i32
      %dma_wait3A_110 = arith.constant 0 : i32
      %dma_wait3A_111 = tpu.memref_slice %arg9[%dma_wait3A, %dma_wait3A_109, %dma_wait3A_110] : memref<5x80x64xf32, #tpu.memory_space<vmem>> -> memref<1x80x64xf32, #tpu.memory_space<vmem>>
      %dma_wait3A_112 = tpu.memref_squeeze %dma_wait3A_111 : memref<1x80x64xf32, #tpu.memory_space<vmem>> -> memref<80x64xf32, #tpu.memory_space<vmem>>
      %dma_wait3A_113 = arith.constant 0 : i32
      %dma_wait3A_114 = tpu.memref_slice %arg7[%add3A_108, %dma_wait3A_113] : memref<125x80xi32, #tpu.memory_space<vmem>> -> memref<1x80xi32, #tpu.memory_space<vmem>>
      %dma_wait3A_115 = tpu.memref_squeeze %dma_wait3A_114 : memref<1x80xi32, #tpu.memory_space<vmem>> -> memref<80xi32, #tpu.memory_space<vmem>>
      %dma_wait3A_116 = arith.constant 0 : i32
      %dma_wait3A_117 = arith.constant 0 : i32
      %dma_wait3A_118 = tpu.memref_slice %arg2[%dma_wait3A_116, %dma_wait3A_117] : memref<10000x64xf32, #tpu.memory_space<hbm>> -> memref<10000x64xf32, #tpu.memory_space<hbm>>
      tpu.wait_indirect_dma semaphore(%arg11 : memref<!tpu.dma_semaphore, #tpu.memory_space<semaphore_mem>>) src(%dma_wait3A_118 : memref<10000x64xf32, #tpu.memory_space<hbm>>) dst(%dma_wait3A_112 : memref<80x64xf32, #tpu.memory_space<vmem>>)
      %add3A_119 = arith.constant 1 : i32
      %add3A_120 = arith.addi %mul3A_42, %add3A_119 : i32
      %dma_wait3A_121 = arith.constant 1 : i32
      %dma_wait3A_122 = arith.constant 0 : i32
      %dma_wait3A_123 = arith.constant 0 : i32
      %dma_wait3A_124 = tpu.memref_slice %arg9[%dma_wait3A_121, %dma_wait3A_122, %dma_wait3A_123] : memref<5x80x64xf32, #tpu.memory_space<vmem>> -> memref<1x80x64xf32, #tpu.memory_space<vmem>>
      %dma_wait3A_125 = tpu.memref_squeeze %dma_wait3A_124 : memref<1x80x64xf32, #tpu.memory_space<vmem>> -> memref<80x64xf32, #tpu.memory_space<vmem>>
      %dma_wait3A_126 = arith.constant 0 : i32
      %dma_wait3A_127 = tpu.memref_slice %arg7[%add3A_120, %dma_wait3A_126] : memref<125x80xi32, #tpu.memory_space<vmem>> -> memref<1x80xi32, #tpu.memory_space<vmem>>
      %dma_wait3A_128 = tpu.memref_squeeze %dma_wait3A_127 : memref<1x80xi32, #tpu.memory_space<vmem>> -> memref<80xi32, #tpu.memory_space<vmem>>
      %dma_wait3A_129 = arith.constant 0 : i32
      %dma_wait3A_130 = arith.constant 0 : i32
      %dma_wait3A_131 = tpu.memref_slice %arg2[%dma_wait3A_129, %dma_wait3A_130] : memref<10000x64xf32, #tpu.memory_space<hbm>> -> memref<10000x64xf32, #tpu.memory_space<hbm>>
      tpu.wait_indirect_dma semaphore(%arg11 : memref<!tpu.dma_semaphore, #tpu.memory_space<semaphore_mem>>) src(%dma_wait3A_131 : memref<10000x64xf32, #tpu.memory_space<hbm>>) dst(%dma_wait3A_125 : memref<80x64xf32, #tpu.memory_space<vmem>>)
      %add3A_132 = arith.constant 2 : i32
      %add3A_133 = arith.addi %mul3A_42, %add3A_132 : i32
      %dma_wait3A_134 = arith.constant 2 : i32
      %dma_wait3A_135 = arith.constant 0 : i32
      %dma_wait3A_136 = arith.constant 0 : i32
      %dma_wait3A_137 = tpu.memref_slice %arg9[%dma_wait3A_134, %dma_wait3A_135, %dma_wait3A_136] : memref<5x80x64xf32, #tpu.memory_space<vmem>> -> memref<1x80x64xf32, #tpu.memory_space<vmem>>
      %dma_wait3A_138 = tpu.memref_squeeze %dma_wait3A_137 : memref<1x80x64xf32, #tpu.memory_space<vmem>> -> memref<80x64xf32, #tpu.memory_space<vmem>>
      %dma_wait3A_139 = arith.constant 0 : i32
      %dma_wait3A_140 = tpu.memref_slice %arg7[%add3A_133, %dma_wait3A_139] : memref<125x80xi32, #tpu.memory_space<vmem>> -> memref<1x80xi32, #tpu.memory_space<vmem>>
      %dma_wait3A_141 = tpu.memref_squeeze %dma_wait3A_140 : memref<1x80xi32, #tpu.memory_space<vmem>> -> memref<80xi32, #tpu.memory_space<vmem>>
      %dma_wait3A_142 = arith.constant 0 : i32
      %dma_wait3A_143 = arith.constant 0 : i32
      %dma_wait3A_144 = tpu.memref_slice %arg2[%dma_wait3A_142, %dma_wait3A_143] : memref<10000x64xf32, #tpu.memory_space<hbm>> -> memref<10000x64xf32, #tpu.memory_space<hbm>>
      tpu.wait_indirect_dma semaphore(%arg11 : memref<!tpu.dma_semaphore, #tpu.memory_space<semaphore_mem>>) src(%dma_wait3A_144 : memref<10000x64xf32, #tpu.memory_space<hbm>>) dst(%dma_wait3A_138 : memref<80x64xf32, #tpu.memory_space<vmem>>)
      %add3A_145 = arith.constant 3 : i32
      %add3A_146 = arith.addi %mul3A_42, %add3A_145 : i32
      %dma_wait3A_147 = arith.constant 3 : i32
      %dma_wait3A_148 = arith.constant 0 : i32
      %dma_wait3A_149 = arith.constant 0 : i32
      %dma_wait3A_150 = tpu.memref_slice %arg9[%dma_wait3A_147, %dma_wait3A_148, %dma_wait3A_149] : memref<5x80x64xf32, #tpu.memory_space<vmem>> -> memref<1x80x64xf32, #tpu.memory_space<vmem>>
      %dma_wait3A_151 = tpu.memref_squeeze %dma_wait3A_150 : memref<1x80x64xf32, #tpu.memory_space<vmem>> -> memref<80x64xf32, #tpu.memory_space<vmem>>
      %dma_wait3A_152 = arith.constant 0 : i32
      %dma_wait3A_153 = tpu.memref_slice %arg7[%add3A_146, %dma_wait3A_152] : memref<125x80xi32, #tpu.memory_space<vmem>> -> memref<1x80xi32, #tpu.memory_space<vmem>>
      %dma_wait3A_154 = tpu.memref_squeeze %dma_wait3A_153 : memref<1x80xi32, #tpu.memory_space<vmem>> -> memref<80xi32, #tpu.memory_space<vmem>>
      %dma_wait3A_155 = arith.constant 0 : i32
      %dma_wait3A_156 = arith.constant 0 : i32
      %dma_wait3A_157 = tpu.memref_slice %arg2[%dma_wait3A_155, %dma_wait3A_156] : memref<10000x64xf32, #tpu.memory_space<hbm>> -> memref<10000x64xf32, #tpu.memory_space<hbm>>
      tpu.wait_indirect_dma semaphore(%arg11 : memref<!tpu.dma_semaphore, #tpu.memory_space<semaphore_mem>>) src(%dma_wait3A_157 : memref<10000x64xf32, #tpu.memory_space<hbm>>) dst(%dma_wait3A_151 : memref<80x64xf32, #tpu.memory_space<vmem>>)
      %add3A_158 = arith.constant 4 : i32
      %add3A_159 = arith.addi %mul3A_42, %add3A_158 : i32
      %dma_wait3A_160 = arith.constant 4 : i32
      %dma_wait3A_161 = arith.constant 0 : i32
      %dma_wait3A_162 = arith.constant 0 : i32
      %dma_wait3A_163 = tpu.memref_slice %arg9[%dma_wait3A_160, %dma_wait3A_161, %dma_wait3A_162] : memref<5x80x64xf32, #tpu.memory_space<vmem>> -> memref<1x80x64xf32, #tpu.memory_space<vmem>>
      %dma_wait3A_164 = tpu.memref_squeeze %dma_wait3A_163 : memref<1x80x64xf32, #tpu.memory_space<vmem>> -> memref<80x64xf32, #tpu.memory_space<vmem>>
      %dma_wait3A_165 = arith.constant 0 : i32
      %dma_wait3A_166 = tpu.memref_slice %arg7[%add3A_159, %dma_wait3A_165] : memref<125x80xi32, #tpu.memory_space<vmem>> -> memref<1x80xi32, #tpu.memory_space<vmem>>
      %dma_wait3A_167 = tpu.memref_squeeze %dma_wait3A_166 : memref<1x80xi32, #tpu.memory_space<vmem>> -> memref<80xi32, #tpu.memory_space<vmem>>
      %dma_wait3A_168 = arith.constant 0 : i32
      %dma_wait3A_169 = arith.constant 0 : i32
      %dma_wait3A_170 = tpu.memref_slice %arg2[%dma_wait3A_168, %dma_wait3A_169] : memref<10000x64xf32, #tpu.memory_space<hbm>> -> memref<10000x64xf32, #tpu.memory_space<hbm>>
      tpu.wait_indirect_dma semaphore(%arg11 : memref<!tpu.dma_semaphore, #tpu.memory_space<semaphore_mem>>) src(%dma_wait3A_170 : memref<10000x64xf32, #tpu.memory_space<hbm>>) dst(%dma_wait3A_164 : memref<80x64xf32, #tpu.memory_space<vmem>>)
      %add3A_171 = arith.constant 0 : i32
      %add3A_172 = arith.addi %mul3A_42, %add3A_171 : i32
      %run_scoped3A = arith.constant 0 : i32
      "tpu.region"() ({
        %run_scoped3A_186 = tpu.sem_alloc : memref<!tpu.dma_semaphore, #tpu.memory_space<semaphore_mem>>
        %dma_start3A_187 = arith.constant 0 : i32
        %dma_start3A_188 = arith.constant 0 : i32
        %dma_start3A_189 = tpu.memref_slice %arg9[%run_scoped3A, %dma_start3A_187, %dma_start3A_188] : memref<5x80x64xf32, #tpu.memory_space<vmem>> -> memref<1x80x64xf32, #tpu.memory_space<vmem>>
        %dma_start3A_190 = tpu.memref_squeeze %dma_start3A_189 : memref<1x80x64xf32, #tpu.memory_space<vmem>> -> memref<80x64xf32, #tpu.memory_space<vmem>>
        %dma_start3A_191 = arith.constant 0 : i32
        %dma_start3A_192 = tpu.memref_slice %arg8[%add3A_172, %dma_start3A_191] : memref<125x80xi32, #tpu.memory_space<vmem>> -> memref<1x80xi32, #tpu.memory_space<vmem>>
        %dma_start3A_193 = tpu.memref_squeeze %dma_start3A_192 : memref<1x80xi32, #tpu.memory_space<vmem>> -> memref<80xi32, #tpu.memory_space<vmem>>
        %dma_start3A_194 = arith.constant 0 : i32
        %dma_start3A_195 = arith.constant 0 : i32
        %dma_start3A_196 = tpu.memref_slice %arg6[%dma_start3A_194, %dma_start3A_195] : memref<10240x64xf32, #tpu.memory_space<vmem_shared>> -> memref<10240x64xf32, #tpu.memory_space<vmem_shared>>
        tpu.enqueue_indirect_dma source(%dma_start3A_190 : memref<80x64xf32, #tpu.memory_space<vmem>>) target(%dma_start3A_196 : memref<10240x64xf32, #tpu.memory_space<vmem_shared>>) offsets(%dma_start3A_193 : memref<80xi32, #tpu.memory_space<vmem>>) semaphore(%run_scoped3A_186 : memref<!tpu.dma_semaphore, #tpu.memory_space<semaphore_mem>>) {add = true}
        %dma_wait3A_197 = arith.constant 0 : i32
        %dma_wait3A_198 = arith.constant 0 : i32
        %dma_wait3A_199 = tpu.memref_slice %arg9[%run_scoped3A, %dma_wait3A_197, %dma_wait3A_198] : memref<5x80x64xf32, #tpu.memory_space<vmem>> -> memref<1x80x64xf32, #tpu.memory_space<vmem>>
        %dma_wait3A_200 = tpu.memref_squeeze %dma_wait3A_199 : memref<1x80x64xf32, #tpu.memory_space<vmem>> -> memref<80x64xf32, #tpu.memory_space<vmem>>
        %dma_wait3A_201 = arith.constant 0 : i32
        %dma_wait3A_202 = tpu.memref_slice %arg8[%add3A_172, %dma_wait3A_201] : memref<125x80xi32, #tpu.memory_space<vmem>> -> memref<1x80xi32, #tpu.memory_space<vmem>>
        %dma_wait3A_203 = tpu.memref_squeeze %dma_wait3A_202 : memref<1x80xi32, #tpu.memory_space<vmem>> -> memref<80xi32, #tpu.memory_space<vmem>>
        %dma_wait3A_204 = arith.constant 0 : i32
        %dma_wait3A_205 = arith.constant 0 : i32
        %dma_wait3A_206 = tpu.memref_slice %arg6[%dma_wait3A_204, %dma_wait3A_205] : memref<10240x64xf32, #tpu.memory_space<vmem_shared>> -> memref<10240x64xf32, #tpu.memory_space<vmem_shared>>
        tpu.wait_indirect_dma semaphore(%run_scoped3A_186 : memref<!tpu.dma_semaphore, #tpu.memory_space<semaphore_mem>>) src(%dma_wait3A_200 : memref<80x64xf32, #tpu.memory_space<vmem>>) dst(%dma_wait3A_206 : memref<10240x64xf32, #tpu.memory_space<vmem_shared>>)
        tpu.yield
      }) : () -> ()
      %add3A_173 = arith.constant 1 : i32
      %add3A_174 = arith.addi %mul3A_42, %add3A_173 : i32
      %run_scoped3A_175 = arith.constant 1 : i32
      "tpu.region"() ({
        %run_scoped3A_186 = tpu.sem_alloc : memref<!tpu.dma_semaphore, #tpu.memory_space<semaphore_mem>>
        %dma_start3A_187 = arith.constant 0 : i32
        %dma_start3A_188 = arith.constant 0 : i32
        %dma_start3A_189 = tpu.memref_slice %arg9[%run_scoped3A_175, %dma_start3A_187, %dma_start3A_188] : memref<5x80x64xf32, #tpu.memory_space<vmem>> -> memref<1x80x64xf32, #tpu.memory_space<vmem>>
        %dma_start3A_190 = tpu.memref_squeeze %dma_start3A_189 : memref<1x80x64xf32, #tpu.memory_space<vmem>> -> memref<80x64xf32, #tpu.memory_space<vmem>>
        %dma_start3A_191 = arith.constant 0 : i32
        %dma_start3A_192 = tpu.memref_slice %arg8[%add3A_174, %dma_start3A_191] : memref<125x80xi32, #tpu.memory_space<vmem>> -> memref<1x80xi32, #tpu.memory_space<vmem>>
        %dma_start3A_193 = tpu.memref_squeeze %dma_start3A_192 : memref<1x80xi32, #tpu.memory_space<vmem>> -> memref<80xi32, #tpu.memory_space<vmem>>
        %dma_start3A_194 = arith.constant 0 : i32
        %dma_start3A_195 = arith.constant 0 : i32
        %dma_start3A_196 = tpu.memref_slice %arg6[%dma_start3A_194, %dma_start3A_195] : memref<10240x64xf32, #tpu.memory_space<vmem_shared>> -> memref<10240x64xf32, #tpu.memory_space<vmem_shared>>
        tpu.enqueue_indirect_dma source(%dma_start3A_190 : memref<80x64xf32, #tpu.memory_space<vmem>>) target(%dma_start3A_196 : memref<10240x64xf32, #tpu.memory_space<vmem_shared>>) offsets(%dma_start3A_193 : memref<80xi32, #tpu.memory_space<vmem>>) semaphore(%run_scoped3A_186 : memref<!tpu.dma_semaphore, #tpu.memory_space<semaphore_mem>>) {add = true}
        %dma_wait3A_197 = arith.constant 0 : i32
        %dma_wait3A_198 = arith.constant 0 : i32
        %dma_wait3A_199 = tpu.memref_slice %arg9[%run_scoped3A_175, %dma_wait3A_197, %dma_wait3A_198] : memref<5x80x64xf32, #tpu.memory_space<vmem>> -> memref<1x80x64xf32, #tpu.memory_space<vmem>>
        %dma_wait3A_200 = tpu.memref_squeeze %dma_wait3A_199 : memref<1x80x64xf32, #tpu.memory_space<vmem>> -> memref<80x64xf32, #tpu.memory_space<vmem>>
        %dma_wait3A_201 = arith.constant 0 : i32
        %dma_wait3A_202 = tpu.memref_slice %arg8[%add3A_174, %dma_wait3A_201] : memref<125x80xi32, #tpu.memory_space<vmem>> -> memref<1x80xi32, #tpu.memory_space<vmem>>
        %dma_wait3A_203 = tpu.memref_squeeze %dma_wait3A_202 : memref<1x80xi32, #tpu.memory_space<vmem>> -> memref<80xi32, #tpu.memory_space<vmem>>
        %dma_wait3A_204 = arith.constant 0 : i32
        %dma_wait3A_205 = arith.constant 0 : i32
        %dma_wait3A_206 = tpu.memref_slice %arg6[%dma_wait3A_204, %dma_wait3A_205] : memref<10240x64xf32, #tpu.memory_space<vmem_shared>> -> memref<10240x64xf32, #tpu.memory_space<vmem_shared>>
        tpu.wait_indirect_dma semaphore(%run_scoped3A_186 : memref<!tpu.dma_semaphore, #tpu.memory_space<semaphore_mem>>) src(%dma_wait3A_200 : memref<80x64xf32, #tpu.memory_space<vmem>>) dst(%dma_wait3A_206 : memref<10240x64xf32, #tpu.memory_space<vmem_shared>>)
        tpu.yield
      }) : () -> ()
      %add3A_176 = arith.constant 2 : i32
      %add3A_177 = arith.addi %mul3A_42, %add3A_176 : i32
      %run_scoped3A_178 = arith.constant 2 : i32
      "tpu.region"() ({
        %run_scoped3A_186 = tpu.sem_alloc : memref<!tpu.dma_semaphore, #tpu.memory_space<semaphore_mem>>
        %dma_start3A_187 = arith.constant 0 : i32
        %dma_start3A_188 = arith.constant 0 : i32
        %dma_start3A_189 = tpu.memref_slice %arg9[%run_scoped3A_178, %dma_start3A_187, %dma_start3A_188] : memref<5x80x64xf32, #tpu.memory_space<vmem>> -> memref<1x80x64xf32, #tpu.memory_space<vmem>>
        %dma_start3A_190 = tpu.memref_squeeze %dma_start3A_189 : memref<1x80x64xf32, #tpu.memory_space<vmem>> -> memref<80x64xf32, #tpu.memory_space<vmem>>
        %dma_start3A_191 = arith.constant 0 : i32
        %dma_start3A_192 = tpu.memref_slice %arg8[%add3A_177, %dma_start3A_191] : memref<125x80xi32, #tpu.memory_space<vmem>> -> memref<1x80xi32, #tpu.memory_space<vmem>>
        %dma_start3A_193 = tpu.memref_squeeze %dma_start3A_192 : memref<1x80xi32, #tpu.memory_space<vmem>> -> memref<80xi32, #tpu.memory_space<vmem>>
        %dma_start3A_194 = arith.constant 0 : i32
        %dma_start3A_195 = arith.constant 0 : i32
        %dma_start3A_196 = tpu.memref_slice %arg6[%dma_start3A_194, %dma_start3A_195] : memref<10240x64xf32, #tpu.memory_space<vmem_shared>> -> memref<10240x64xf32, #tpu.memory_space<vmem_shared>>
        tpu.enqueue_indirect_dma source(%dma_start3A_190 : memref<80x64xf32, #tpu.memory_space<vmem>>) target(%dma_start3A_196 : memref<10240x64xf32, #tpu.memory_space<vmem_shared>>) offsets(%dma_start3A_193 : memref<80xi32, #tpu.memory_space<vmem>>) semaphore(%run_scoped3A_186 : memref<!tpu.dma_semaphore, #tpu.memory_space<semaphore_mem>>) {add = true}
        %dma_wait3A_197 = arith.constant 0 : i32
        %dma_wait3A_198 = arith.constant 0 : i32
        %dma_wait3A_199 = tpu.memref_slice %arg9[%run_scoped3A_178, %dma_wait3A_197, %dma_wait3A_198] : memref<5x80x64xf32, #tpu.memory_space<vmem>> -> memref<1x80x64xf32, #tpu.memory_space<vmem>>
        %dma_wait3A_200 = tpu.memref_squeeze %dma_wait3A_199 : memref<1x80x64xf32, #tpu.memory_space<vmem>> -> memref<80x64xf32, #tpu.memory_space<vmem>>
        %dma_wait3A_201 = arith.constant 0 : i32
        %dma_wait3A_202 = tpu.memref_slice %arg8[%add3A_177, %dma_wait3A_201] : memref<125x80xi32, #tpu.memory_space<vmem>> -> memref<1x80xi32, #tpu.memory_space<vmem>>
        %dma_wait3A_203 = tpu.memref_squeeze %dma_wait3A_202 : memref<1x80xi32, #tpu.memory_space<vmem>> -> memref<80xi32, #tpu.memory_space<vmem>>
        %dma_wait3A_204 = arith.constant 0 : i32
        %dma_wait3A_205 = arith.constant 0 : i32
        %dma_wait3A_206 = tpu.memref_slice %arg6[%dma_wait3A_204, %dma_wait3A_205] : memref<10240x64xf32, #tpu.memory_space<vmem_shared>> -> memref<10240x64xf32, #tpu.memory_space<vmem_shared>>
        tpu.wait_indirect_dma semaphore(%run_scoped3A_186 : memref<!tpu.dma_semaphore, #tpu.memory_space<semaphore_mem>>) src(%dma_wait3A_200 : memref<80x64xf32, #tpu.memory_space<vmem>>) dst(%dma_wait3A_206 : memref<10240x64xf32, #tpu.memory_space<vmem_shared>>)
        tpu.yield
      }) : () -> ()
      %add3A_179 = arith.constant 3 : i32
      %add3A_180 = arith.addi %mul3A_42, %add3A_179 : i32
      %run_scoped3A_181 = arith.constant 3 : i32
      "tpu.region"() ({
        %run_scoped3A_186 = tpu.sem_alloc : memref<!tpu.dma_semaphore, #tpu.memory_space<semaphore_mem>>
        %dma_start3A_187 = arith.constant 0 : i32
        %dma_start3A_188 = arith.constant 0 : i32
        %dma_start3A_189 = tpu.memref_slice %arg9[%run_scoped3A_181, %dma_start3A_187, %dma_start3A_188] : memref<5x80x64xf32, #tpu.memory_space<vmem>> -> memref<1x80x64xf32, #tpu.memory_space<vmem>>
        %dma_start3A_190 = tpu.memref_squeeze %dma_start3A_189 : memref<1x80x64xf32, #tpu.memory_space<vmem>> -> memref<80x64xf32, #tpu.memory_space<vmem>>
        %dma_start3A_191 = arith.constant 0 : i32
        %dma_start3A_192 = tpu.memref_slice %arg8[%add3A_180, %dma_start3A_191] : memref<125x80xi32, #tpu.memory_space<vmem>> -> memref<1x80xi32, #tpu.memory_space<vmem>>
        %dma_start3A_193 = tpu.memref_squeeze %dma_start3A_192 : memref<1x80xi32, #tpu.memory_space<vmem>> -> memref<80xi32, #tpu.memory_space<vmem>>
        %dma_start3A_194 = arith.constant 0 : i32
        %dma_start3A_195 = arith.constant 0 : i32
        %dma_start3A_196 = tpu.memref_slice %arg6[%dma_start3A_194, %dma_start3A_195] : memref<10240x64xf32, #tpu.memory_space<vmem_shared>> -> memref<10240x64xf32, #tpu.memory_space<vmem_shared>>
        tpu.enqueue_indirect_dma source(%dma_start3A_190 : memref<80x64xf32, #tpu.memory_space<vmem>>) target(%dma_start3A_196 : memref<10240x64xf32, #tpu.memory_space<vmem_shared>>) offsets(%dma_start3A_193 : memref<80xi32, #tpu.memory_space<vmem>>) semaphore(%run_scoped3A_186 : memref<!tpu.dma_semaphore, #tpu.memory_space<semaphore_mem>>) {add = true}
        %dma_wait3A_197 = arith.constant 0 : i32
        %dma_wait3A_198 = arith.constant 0 : i32
        %dma_wait3A_199 = tpu.memref_slice %arg9[%run_scoped3A_181, %dma_wait3A_197, %dma_wait3A_198] : memref<5x80x64xf32, #tpu.memory_space<vmem>> -> memref<1x80x64xf32, #tpu.memory_space<vmem>>
        %dma_wait3A_200 = tpu.memref_squeeze %dma_wait3A_199 : memref<1x80x64xf32, #tpu.memory_space<vmem>> -> memref<80x64xf32, #tpu.memory_space<vmem>>
        %dma_wait3A_201 = arith.constant 0 : i32
        %dma_wait3A_202 = tpu.memref_slice %arg8[%add3A_180, %dma_wait3A_201] : memref<125x80xi32, #tpu.memory_space<vmem>> -> memref<1x80xi32, #tpu.memory_space<vmem>>
        %dma_wait3A_203 = tpu.memref_squeeze %dma_wait3A_202 : memref<1x80xi32, #tpu.memory_space<vmem>> -> memref<80xi32, #tpu.memory_space<vmem>>
        %dma_wait3A_204 = arith.constant 0 : i32
        %dma_wait3A_205 = arith.constant 0 : i32
        %dma_wait3A_206 = tpu.memref_slice %arg6[%dma_wait3A_204, %dma_wait3A_205] : memref<10240x64xf32, #tpu.memory_space<vmem_shared>> -> memref<10240x64xf32, #tpu.memory_space<vmem_shared>>
        tpu.wait_indirect_dma semaphore(%run_scoped3A_186 : memref<!tpu.dma_semaphore, #tpu.memory_space<semaphore_mem>>) src(%dma_wait3A_200 : memref<80x64xf32, #tpu.memory_space<vmem>>) dst(%dma_wait3A_206 : memref<10240x64xf32, #tpu.memory_space<vmem_shared>>)
        tpu.yield
      }) : () -> ()
      %add3A_182 = arith.constant 4 : i32
      %add3A_183 = arith.addi %mul3A_42, %add3A_182 : i32
      %run_scoped3A_184 = arith.constant 4 : i32
      "tpu.region"() ({
        %run_scoped3A_186 = tpu.sem_alloc : memref<!tpu.dma_semaphore, #tpu.memory_space<semaphore_mem>>
        %dma_start3A_187 = arith.constant 0 : i32
        %dma_start3A_188 = arith.constant 0 : i32
        %dma_start3A_189 = tpu.memref_slice %arg9[%run_scoped3A_184, %dma_start3A_187, %dma_start3A_188] : memref<5x80x64xf32, #tpu.memory_space<vmem>> -> memref<1x80x64xf32, #tpu.memory_space<vmem>>
        %dma_start3A_190 = tpu.memref_squeeze %dma_start3A_189 : memref<1x80x64xf32, #tpu.memory_space<vmem>> -> memref<80x64xf32, #tpu.memory_space<vmem>>
        %dma_start3A_191 = arith.constant 0 : i32
        %dma_start3A_192 = tpu.memref_slice %arg8[%add3A_183, %dma_start3A_191] : memref<125x80xi32, #tpu.memory_space<vmem>> -> memref<1x80xi32, #tpu.memory_space<vmem>>
        %dma_start3A_193 = tpu.memref_squeeze %dma_start3A_192 : memref<1x80xi32, #tpu.memory_space<vmem>> -> memref<80xi32, #tpu.memory_space<vmem>>
        %dma_start3A_194 = arith.constant 0 : i32
        %dma_start3A_195 = arith.constant 0 : i32
        %dma_start3A_196 = tpu.memref_slice %arg6[%dma_start3A_194, %dma_start3A_195] : memref<10240x64xf32, #tpu.memory_space<vmem_shared>> -> memref<10240x64xf32, #tpu.memory_space<vmem_shared>>
        tpu.enqueue_indirect_dma source(%dma_start3A_190 : memref<80x64xf32, #tpu.memory_space<vmem>>) target(%dma_start3A_196 : memref<10240x64xf32, #tpu.memory_space<vmem_shared>>) offsets(%dma_start3A_193 : memref<80xi32, #tpu.memory_space<vmem>>) semaphore(%run_scoped3A_186 : memref<!tpu.dma_semaphore, #tpu.memory_space<semaphore_mem>>) {add = true}
        %dma_wait3A_197 = arith.constant 0 : i32
        %dma_wait3A_198 = arith.constant 0 : i32
        %dma_wait3A_199 = tpu.memref_slice %arg9[%run_scoped3A_184, %dma_wait3A_197, %dma_wait3A_198] : memref<5x80x64xf32, #tpu.memory_space<vmem>> -> memref<1x80x64xf32, #tpu.memory_space<vmem>>
        %dma_wait3A_200 = tpu.memref_squeeze %dma_wait3A_199 : memref<1x80x64xf32, #tpu.memory_space<vmem>> -> memref<80x64xf32, #tpu.memory_space<vmem>>
        %dma_wait3A_201 = arith.constant 0 : i32
        %dma_wait3A_202 = tpu.memref_slice %arg8[%add3A_183, %dma_wait3A_201] : memref<125x80xi32, #tpu.memory_space<vmem>> -> memref<1x80xi32, #tpu.memory_space<vmem>>
        %dma_wait3A_203 = tpu.memref_squeeze %dma_wait3A_202 : memref<1x80xi32, #tpu.memory_space<vmem>> -> memref<80xi32, #tpu.memory_space<vmem>>
        %dma_wait3A_204 = arith.constant 0 : i32
        %dma_wait3A_205 = arith.constant 0 : i32
        %dma_wait3A_206 = tpu.memref_slice %arg6[%dma_wait3A_204, %dma_wait3A_205] : memref<10240x64xf32, #tpu.memory_space<vmem_shared>> -> memref<10240x64xf32, #tpu.memory_space<vmem_shared>>
        tpu.wait_indirect_dma semaphore(%run_scoped3A_186 : memref<!tpu.dma_semaphore, #tpu.memory_space<semaphore_mem>>) src(%dma_wait3A_200 : memref<80x64xf32, #tpu.memory_space<vmem>>) dst(%dma_wait3A_206 : memref<10240x64xf32, #tpu.memory_space<vmem_shared>>)
        tpu.yield
      }) : () -> ()
      %scan3A_185 = arith.constant 0 : i32
      scf.yield %scan3A_185 : i32
    }
    %scan3A_33 = arith.constant 25 : i32
    %barrier3A_34 = arith.constant 0 : index
    tpu.barrier barrier_id(%barrier3A_34)
    %mul3A_35 = arith.constant 640 : i32
    %mul3A_36 = arith.muli %arg1, %mul3A_35 : i32
    %mul3A_37 = arith.constant 640 : i32
    %mul3A_38 = arith.muli %arg1, %mul3A_37 : i32
    "tpu.region"() ({
      %run_scoped3A = tpu.sem_alloc : memref<!tpu.dma_semaphore, #tpu.memory_space<semaphore_mem>>
      %dma_start3A = arith.constant 0 : i32
      %dma_start3A_39 = tpu.memref_slice %arg5[%arg0, %mul3A_38, %dma_start3A] : memref<2x10240x64xf32, #tpu.memory_space<hbm>> -> memref<1x640x64xf32, #tpu.memory_space<hbm>>
      %dma_start3A_40 = tpu.memref_squeeze %dma_start3A_39 : memref<1x640x64xf32, #tpu.memory_space<hbm>> -> memref<640x64xf32, #tpu.memory_space<hbm>>
      %dma_start3A_41 = arith.constant 0 : i32
      %dma_start3A_42 = tpu.memref_slice %arg6[%mul3A_36, %dma_start3A_41] : memref<10240x64xf32, #tpu.memory_space<vmem_shared>> -> memref<640x64xf32, #tpu.memory_space<vmem_shared>>
      tpu.enqueue_dma source(%dma_start3A_42 : memref<640x64xf32, #tpu.memory_space<vmem_shared>>) target(%dma_start3A_40 : memref<640x64xf32, #tpu.memory_space<hbm>>) target_semaphore(%run_scoped3A : memref<!tpu.dma_semaphore, #tpu.memory_space<semaphore_mem>>)
      %dma_wait3A = arith.constant 0 : i32
      %dma_wait3A_43 = tpu.memref_slice %arg5[%arg0, %mul3A_38, %dma_wait3A] : memref<2x10240x64xf32, #tpu.memory_space<hbm>> -> memref<1x640x64xf32, #tpu.memory_space<hbm>>
      %dma_wait3A_44 = tpu.memref_squeeze %dma_wait3A_43 : memref<1x640x64xf32, #tpu.memory_space<hbm>> -> memref<640x64xf32, #tpu.memory_space<hbm>>
      %dma_wait3A_45 = arith.constant 0 : i32
      %dma_wait3A_46 = tpu.memref_slice %arg6[%mul3A_36, %dma_wait3A_45] : memref<10240x64xf32, #tpu.memory_space<vmem_shared>> -> memref<640x64xf32, #tpu.memory_space<vmem_shared>>
      tpu.wait_dma2 semaphore(%run_scoped3A : memref<!tpu.dma_semaphore, #tpu.memory_space<semaphore_mem>>) src(%dma_wait3A_46 : memref<640x64xf32, #tpu.memory_space<vmem_shared>>) dst(%dma_wait3A_44 : memref<640x64xf32, #tpu.memory_space<hbm>>)
      tpu.yield
    }) : () -> ()
    return
  }
}

#map = affine_map<(d0, d1) -> (0, 0)>
#map1 = affine_map<(d0, d1) -> (0, 0, 0)>
module attributes {stable_mosaic.version = 14 : i64} {
  func.func @sc_seg_sum_d40(%arg0: i32, %arg1: i32, %arg2: memref<10000x40xf32, #tpu.memory_space<hbm>>, %arg3: memref<32x125x80xi32, #tpu.memory_space<hbm>>, %arg4: memref<32x125x80xi32, #tpu.memory_space<hbm>>, %arg5: memref<2x10240x40xf32, #tpu.memory_space<hbm>>, %arg6: memref<10240x40xf32, #tpu.memory_space<vmem_shared>>, %arg7: memref<125x80xi32, #tpu.memory_space<vmem>>, %arg8: memref<125x80xi32, #tpu.memory_space<vmem>>, %arg9: memref<5x80x40xf32, #tpu.memory_space<vmem>>, %arg10: memref<128x40xf32, #tpu.memory_space<vmem>>, %arg11: memref<!tpu.dma_semaphore, #tpu.memory_space<semaphore_mem>>) attributes {dimension_semantics = [#tpu.dimension_semantics<core_parallel>, #tpu.dimension_semantics<subcore_parallel>], iteration_bounds = array<i64: 2, 16>, scalar_prefetch = 0 : i64, scratch_operands = 6 : i64, tpu.core_type = #tpu.core_type<sc_vector_subcore>, window_params = [{transform_indices = #map}, {transform_indices = #map1}, {transform_indices = #map1}, {transform_indices = #map1}]} {
    %mul3A = arith.constant 16 : i32
    %mul3A_0 = arith.muli %arg0, %mul3A : i32
    %add3A = arith.addi %mul3A_0, %arg1 : i32
    %scan3A = arith.constant 0 : i32
    %scan3A_1 = arith.constant 0 : i32
    %scan3A_2 = arith.constant 256 : i32
    %scan3A_3 = arith.addi %scan3A_1, %scan3A_2 : i32
    %scan3A_4 = arith.constant 1 : i32
    %scan3A_5 = scf.for %scan3A_39 = %scan3A_1 to %scan3A_3 step %scan3A_4 iter_args(%scan3A_40 = %scan3A) -> (i32)  : i32 {
      %broadcast_in_dim3A = arith.constant 0.000000e+00 : f32
      %broadcast_in_dim3A_41 = vector.broadcast %broadcast_in_dim3A : f32 to vector<16xf32>
      %jit3A = arith.constant 2 : i32
      %div3A = arith.divsi %scan3A_39, %jit3A : i32
      %sign3A = arith.constant 0 : i32
      %sign3A_42 = arith.cmpi sgt, %scan3A_39, %sign3A : i32
      %sign3A_43 = arith.extui %sign3A_42 : i1 to i32
      %sign3A_44 = arith.constant 0 : i32
      %sign3A_45 = arith.cmpi slt, %scan3A_39, %sign3A_44 : i32
      %sign3A_46 = arith.extui %sign3A_45 : i1 to i32
      %sign3A_47 = arith.subi %sign3A_43, %sign3A_46 : i32
      %sign3A_48 = arith.constant 0 : i32
      %sign3A_49 = arith.cmpi sgt, %jit3A, %sign3A_48 : i32
      %sign3A_50 = arith.extui %sign3A_49 : i1 to i32
      %sign3A_51 = arith.constant 0 : i32
      %sign3A_52 = arith.cmpi slt, %jit3A, %sign3A_51 : i32
      %sign3A_53 = arith.extui %sign3A_52 : i1 to i32
      %sign3A_54 = arith.subi %sign3A_50, %sign3A_53 : i32
      %ne3A = arith.cmpi ne, %sign3A_47, %sign3A_54 : i32
      %rem3A = arith.remsi %scan3A_39, %jit3A : i32
      %ne3A_55 = arith.constant 0 : i32
      %ne3A_56 = arith.cmpi ne, %rem3A, %ne3A_55 : i32
      %and3A = arith.andi %ne3A, %ne3A_56 : i1
      %sub3A = arith.constant 1 : i32
      %sub3A_57 = arith.subi %div3A, %sub3A : i32
      %select_n3A = arith.select %and3A, %sub3A_57, %div3A : i32
      %jit3A_58 = arith.constant 2 : i32
      %eq3A = arith.constant 0 : i32
      %eq3A_59 = arith.cmpi eq, %jit3A_58, %eq3A : i32
      %jit3A_60 = arith.constant 1 : i32
      %select_n3A_61 = arith.select %eq3A_59, %jit3A_60, %jit3A_58 : i32
      %rem3A_62 = arith.remsi %scan3A_39, %select_n3A_61 : i32
      %ne3A_63 = arith.constant 0 : i32
      %ne3A_64 = arith.cmpi ne, %rem3A_62, %ne3A_63 : i32
      %lt3A = arith.constant 0 : i32
      %lt3A_65 = arith.cmpi slt, %rem3A_62, %lt3A : i32
      %lt3A_66 = arith.constant 0 : i32
      %lt3A_67 = arith.cmpi slt, %select_n3A_61, %lt3A_66 : i32
      %ne3A_68 = arith.xori %lt3A_65, %lt3A_67 : i1
      %and3A_69 = arith.andi %ne3A_68, %ne3A_64 : i1
      %add3A_70 = arith.addi %rem3A_62, %select_n3A_61 : i32
      %select_n3A_71 = arith.select %and3A_69, %add3A_70, %rem3A_62 : i32
      %mul3A_72 = arith.constant 16 : i32
      %mul3A_73 = arith.muli %select_n3A_71, %mul3A_72 : i32
      %swap3A = arith.index_cast %select_n3A : i32 to index
      %swap3A_74 = arith.index_cast %mul3A_73 : i32 to index
      %swap3A_75 = tpu.vector_load %arg10[%swap3A, %swap3A_74] {strides = array<i32>} : memref<128x40xf32, #tpu.memory_space<vmem>>, vector<1x16xf32>,
      %swap3A_76 = vector.shape_cast %swap3A_75 : vector<1x16xf32> to vector<16xf32>
      %swap3A_77 = vector.shape_cast %broadcast_in_dim3A_41 : vector<16xf32> to vector<1x16xf32>
      tpu.vector_store %arg10[%swap3A, %swap3A_74], %swap3A_77 {strides = array<i32>} : memref<128x40xf32, #tpu.memory_space<vmem>>, vector<1x16xf32>,
      %scan3A_78 = arith.constant 0 : i32
      scf.yield %scan3A_78 : i32
    }
    %scan3A_6 = arith.constant 256 : i32
    %mul3A_7 = arith.constant 640 : i32
    %mul3A_8 = arith.muli %arg1, %mul3A_7 : i32
    %add3A_9 = arith.constant 0 : i32
    %add3A_10 = arith.addi %mul3A_8, %add3A_9 : i32
    "tpu.region"() ({
      %run_scoped3A = tpu.sem_alloc : memref<!tpu.dma_semaphore, #tpu.memory_space<semaphore_mem>>
      %dma_start3A = arith.constant 0 : i32
      %dma_start3A_39 = tpu.memref_slice %arg6[%add3A_10, %dma_start3A] : memref<10240x40xf32, #tpu.memory_space<vmem_shared>> -> memref<128x40xf32, #tpu.memory_space<vmem_shared>>
      %dma_start3A_40 = arith.constant 0 : i32
      %dma_start3A_41 = tpu.memref_slice %arg6[%add3A_10, %dma_start3A_40] : memref<10240x40xf32, #tpu.memory_space<vmem_shared>> -> memref<128x40xf32, #tpu.memory_space<vmem_shared>>
      tpu.enqueue_dma source(%arg10 : memref<128x40xf32, #tpu.memory_space<vmem>>) target(%dma_start3A_41 : memref<128x40xf32, #tpu.memory_space<vmem_shared>>) target_semaphore(%run_scoped3A : memref<!tpu.dma_semaphore, #tpu.memory_space<semaphore_mem>>)
      %dma_wait3A = arith.constant 0 : i32
      %dma_wait3A_42 = tpu.memref_slice %arg6[%add3A_10, %dma_wait3A] : memref<10240x40xf32, #tpu.memory_space<vmem_shared>> -> memref<128x40xf32, #tpu.memory_space<vmem_shared>>
      %dma_wait3A_43 = arith.constant 0 : i32
      %dma_wait3A_44 = tpu.memref_slice %arg6[%add3A_10, %dma_wait3A_43] : memref<10240x40xf32, #tpu.memory_space<vmem_shared>> -> memref<128x40xf32, #tpu.memory_space<vmem_shared>>
      tpu.wait_dma2 semaphore(%run_scoped3A : memref<!tpu.dma_semaphore, #tpu.memory_space<semaphore_mem>>) src(%arg10 : memref<128x40xf32, #tpu.memory_space<vmem>>) dst(%dma_wait3A_44 : memref<128x40xf32, #tpu.memory_space<vmem_shared>>)
      tpu.yield
    }) : () -> ()
    %mul3A_11 = arith.constant 640 : i32
    %mul3A_12 = arith.muli %arg1, %mul3A_11 : i32
    %add3A_13 = arith.constant 128 : i32
    %add3A_14 = arith.addi %mul3A_12, %add3A_13 : i32
    "tpu.region"() ({
      %run_scoped3A = tpu.sem_alloc : memref<!tpu.dma_semaphore, #tpu.memory_space<semaphore_mem>>
      %dma_start3A = arith.constant 0 : i32
      %dma_start3A_39 = tpu.memref_slice %arg6[%add3A_14, %dma_start3A] : memref<10240x40xf32, #tpu.memory_space<vmem_shared>> -> memref<128x40xf32, #tpu.memory_space<vmem_shared>>
      %dma_start3A_40 = arith.constant 0 : i32
      %dma_start3A_41 = tpu.memref_slice %arg6[%add3A_14, %dma_start3A_40] : memref<10240x40xf32, #tpu.memory_space<vmem_shared>> -> memref<128x40xf32, #tpu.memory_space<vmem_shared>>
      tpu.enqueue_dma source(%arg10 : memref<128x40xf32, #tpu.memory_space<vmem>>) target(%dma_start3A_41 : memref<128x40xf32, #tpu.memory_space<vmem_shared>>) target_semaphore(%run_scoped3A : memref<!tpu.dma_semaphore, #tpu.memory_space<semaphore_mem>>)
      %dma_wait3A = arith.constant 0 : i32
      %dma_wait3A_42 = tpu.memref_slice %arg6[%add3A_14, %dma_wait3A] : memref<10240x40xf32, #tpu.memory_space<vmem_shared>> -> memref<128x40xf32, #tpu.memory_space<vmem_shared>>
      %dma_wait3A_43 = arith.constant 0 : i32
      %dma_wait3A_44 = tpu.memref_slice %arg6[%add3A_14, %dma_wait3A_43] : memref<10240x40xf32, #tpu.memory_space<vmem_shared>> -> memref<128x40xf32, #tpu.memory_space<vmem_shared>>
      tpu.wait_dma2 semaphore(%run_scoped3A : memref<!tpu.dma_semaphore, #tpu.memory_space<semaphore_mem>>) src(%arg10 : memref<128x40xf32, #tpu.memory_space<vmem>>) dst(%dma_wait3A_44 : memref<128x40xf32, #tpu.memory_space<vmem_shared>>)
      tpu.yield
    }) : () -> ()
    %mul3A_15 = arith.constant 640 : i32
    %mul3A_16 = arith.muli %arg1, %mul3A_15 : i32
    %add3A_17 = arith.constant 256 : i32
    %add3A_18 = arith.addi %mul3A_16, %add3A_17 : i32
    "tpu.region"() ({
      %run_scoped3A = tpu.sem_alloc : memref<!tpu.dma_semaphore, #tpu.memory_space<semaphore_mem>>
      %dma_start3A = arith.constant 0 : i32
      %dma_start3A_39 = tpu.memref_slice %arg6[%add3A_18, %dma_start3A] : memref<10240x40xf32, #tpu.memory_space<vmem_shared>> -> memref<128x40xf32, #tpu.memory_space<vmem_shared>>
      %dma_start3A_40 = arith.constant 0 : i32
      %dma_start3A_41 = tpu.memref_slice %arg6[%add3A_18, %dma_start3A_40] : memref<10240x40xf32, #tpu.memory_space<vmem_shared>> -> memref<128x40xf32, #tpu.memory_space<vmem_shared>>
      tpu.enqueue_dma source(%arg10 : memref<128x40xf32, #tpu.memory_space<vmem>>) target(%dma_start3A_41 : memref<128x40xf32, #tpu.memory_space<vmem_shared>>) target_semaphore(%run_scoped3A : memref<!tpu.dma_semaphore, #tpu.memory_space<semaphore_mem>>)
      %dma_wait3A = arith.constant 0 : i32
      %dma_wait3A_42 = tpu.memref_slice %arg6[%add3A_18, %dma_wait3A] : memref<10240x40xf32, #tpu.memory_space<vmem_shared>> -> memref<128x40xf32, #tpu.memory_space<vmem_shared>>
      %dma_wait3A_43 = arith.constant 0 : i32
      %dma_wait3A_44 = tpu.memref_slice %arg6[%add3A_18, %dma_wait3A_43] : memref<10240x40xf32, #tpu.memory_space<vmem_shared>> -> memref<128x40xf32, #tpu.memory_space<vmem_shared>>
      tpu.wait_dma2 semaphore(%run_scoped3A : memref<!tpu.dma_semaphore, #tpu.memory_space<semaphore_mem>>) src(%arg10 : memref<128x40xf32, #tpu.memory_space<vmem>>) dst(%dma_wait3A_44 : memref<128x40xf32, #tpu.memory_space<vmem_shared>>)
      tpu.yield
    }) : () -> ()
    %mul3A_19 = arith.constant 640 : i32
    %mul3A_20 = arith.muli %arg1, %mul3A_19 : i32
    %add3A_21 = arith.constant 384 : i32
    %add3A_22 = arith.addi %mul3A_20, %add3A_21 : i32
    "tpu.region"() ({
      %run_scoped3A = tpu.sem_alloc : memref<!tpu.dma_semaphore, #tpu.memory_space<semaphore_mem>>
      %dma_start3A = arith.constant 0 : i32
      %dma_start3A_39 = tpu.memref_slice %arg6[%add3A_22, %dma_start3A] : memref<10240x40xf32, #tpu.memory_space<vmem_shared>> -> memref<128x40xf32, #tpu.memory_space<vmem_shared>>
      %dma_start3A_40 = arith.constant 0 : i32
      %dma_start3A_41 = tpu.memref_slice %arg6[%add3A_22, %dma_start3A_40] : memref<10240x40xf32, #tpu.memory_space<vmem_shared>> -> memref<128x40xf32, #tpu.memory_space<vmem_shared>>
      tpu.enqueue_dma source(%arg10 : memref<128x40xf32, #tpu.memory_space<vmem>>) target(%dma_start3A_41 : memref<128x40xf32, #tpu.memory_space<vmem_shared>>) target_semaphore(%run_scoped3A : memref<!tpu.dma_semaphore, #tpu.memory_space<semaphore_mem>>)
      %dma_wait3A = arith.constant 0 : i32
      %dma_wait3A_42 = tpu.memref_slice %arg6[%add3A_22, %dma_wait3A] : memref<10240x40xf32, #tpu.memory_space<vmem_shared>> -> memref<128x40xf32, #tpu.memory_space<vmem_shared>>
      %dma_wait3A_43 = arith.constant 0 : i32
      %dma_wait3A_44 = tpu.memref_slice %arg6[%add3A_22, %dma_wait3A_43] : memref<10240x40xf32, #tpu.memory_space<vmem_shared>> -> memref<128x40xf32, #tpu.memory_space<vmem_shared>>
      tpu.wait_dma2 semaphore(%run_scoped3A : memref<!tpu.dma_semaphore, #tpu.memory_space<semaphore_mem>>) src(%arg10 : memref<128x40xf32, #tpu.memory_space<vmem>>) dst(%dma_wait3A_44 : memref<128x40xf32, #tpu.memory_space<vmem_shared>>)
      tpu.yield
    }) : () -> ()
    %mul3A_23 = arith.constant 640 : i32
    %mul3A_24 = arith.muli %arg1, %mul3A_23 : i32
    %add3A_25 = arith.constant 512 : i32
    %add3A_26 = arith.addi %mul3A_24, %add3A_25 : i32
    "tpu.region"() ({
      %run_scoped3A = tpu.sem_alloc : memref<!tpu.dma_semaphore, #tpu.memory_space<semaphore_mem>>
      %dma_start3A = arith.constant 0 : i32
      %dma_start3A_39 = tpu.memref_slice %arg6[%add3A_26, %dma_start3A] : memref<10240x40xf32, #tpu.memory_space<vmem_shared>> -> memref<128x40xf32, #tpu.memory_space<vmem_shared>>
      %dma_start3A_40 = arith.constant 0 : i32
      %dma_start3A_41 = tpu.memref_slice %arg6[%add3A_26, %dma_start3A_40] : memref<10240x40xf32, #tpu.memory_space<vmem_shared>> -> memref<128x40xf32, #tpu.memory_space<vmem_shared>>
      tpu.enqueue_dma source(%arg10 : memref<128x40xf32, #tpu.memory_space<vmem>>) target(%dma_start3A_41 : memref<128x40xf32, #tpu.memory_space<vmem_shared>>) target_semaphore(%run_scoped3A : memref<!tpu.dma_semaphore, #tpu.memory_space<semaphore_mem>>)
      %dma_wait3A = arith.constant 0 : i32
      %dma_wait3A_42 = tpu.memref_slice %arg6[%add3A_26, %dma_wait3A] : memref<10240x40xf32, #tpu.memory_space<vmem_shared>> -> memref<128x40xf32, #tpu.memory_space<vmem_shared>>
      %dma_wait3A_43 = arith.constant 0 : i32
      %dma_wait3A_44 = tpu.memref_slice %arg6[%add3A_26, %dma_wait3A_43] : memref<10240x40xf32, #tpu.memory_space<vmem_shared>> -> memref<128x40xf32, #tpu.memory_space<vmem_shared>>
      tpu.wait_dma2 semaphore(%run_scoped3A : memref<!tpu.dma_semaphore, #tpu.memory_space<semaphore_mem>>) src(%arg10 : memref<128x40xf32, #tpu.memory_space<vmem>>) dst(%dma_wait3A_44 : memref<128x40xf32, #tpu.memory_space<vmem_shared>>)
      tpu.yield
    }) : () -> ()
    "tpu.region"() ({
      %run_scoped3A = tpu.sem_alloc : memref<!tpu.dma_semaphore, #tpu.memory_space<semaphore_mem>>
      %dma_start3A = arith.constant 0 : i32
      %dma_start3A_39 = arith.constant 0 : i32
      %dma_start3A_40 = tpu.memref_slice %arg3[%add3A, %dma_start3A, %dma_start3A_39] : memref<32x125x80xi32, #tpu.memory_space<hbm>> -> memref<1x125x80xi32, #tpu.memory_space<hbm>>
      %dma_start3A_41 = tpu.memref_squeeze %dma_start3A_40 : memref<1x125x80xi32, #tpu.memory_space<hbm>> -> memref<125x80xi32, #tpu.memory_space<hbm>>
      %dma_start3A_42 = arith.constant 0 : i32
      %dma_start3A_43 = arith.constant 0 : i32
      %dma_start3A_44 = tpu.memref_slice %arg3[%add3A, %dma_start3A_42, %dma_start3A_43] : memref<32x125x80xi32, #tpu.memory_space<hbm>> -> memref<1x125x80xi32, #tpu.memory_space<hbm>>
      %dma_start3A_45 = tpu.memref_squeeze %dma_start3A_44 : memref<1x125x80xi32, #tpu.memory_space<hbm>> -> memref<125x80xi32, #tpu.memory_space<hbm>>
      tpu.enqueue_dma source(%dma_start3A_45 : memref<125x80xi32, #tpu.memory_space<hbm>>) target(%arg7 : memref<125x80xi32, #tpu.memory_space<vmem>>) target_semaphore(%run_scoped3A : memref<!tpu.dma_semaphore, #tpu.memory_space<semaphore_mem>>)
      %dma_wait3A = arith.constant 0 : i32
      %dma_wait3A_46 = arith.constant 0 : i32
      %dma_wait3A_47 = tpu.memref_slice %arg3[%add3A, %dma_wait3A, %dma_wait3A_46] : memref<32x125x80xi32, #tpu.memory_space<hbm>> -> memref<1x125x80xi32, #tpu.memory_space<hbm>>
      %dma_wait3A_48 = tpu.memref_squeeze %dma_wait3A_47 : memref<1x125x80xi32, #tpu.memory_space<hbm>> -> memref<125x80xi32, #tpu.memory_space<hbm>>
      %dma_wait3A_49 = arith.constant 0 : i32
      %dma_wait3A_50 = arith.constant 0 : i32
      %dma_wait3A_51 = tpu.memref_slice %arg3[%add3A, %dma_wait3A_49, %dma_wait3A_50] : memref<32x125x80xi32, #tpu.memory_space<hbm>> -> memref<1x125x80xi32, #tpu.memory_space<hbm>>
      %dma_wait3A_52 = tpu.memref_squeeze %dma_wait3A_51 : memref<1x125x80xi32, #tpu.memory_space<hbm>> -> memref<125x80xi32, #tpu.memory_space<hbm>>
      tpu.wait_dma2 semaphore(%run_scoped3A : memref<!tpu.dma_semaphore, #tpu.memory_space<semaphore_mem>>) src(%dma_wait3A_52 : memref<125x80xi32, #tpu.memory_space<hbm>>) dst(%arg7 : memref<125x80xi32, #tpu.memory_space<vmem>>)
      tpu.yield
    }) : () -> ()
    "tpu.region"() ({
      %run_scoped3A = tpu.sem_alloc : memref<!tpu.dma_semaphore, #tpu.memory_space<semaphore_mem>>
      %dma_start3A = arith.constant 0 : i32
      %dma_start3A_39 = arith.constant 0 : i32
      %dma_start3A_40 = tpu.memref_slice %arg4[%add3A, %dma_start3A, %dma_start3A_39] : memref<32x125x80xi32, #tpu.memory_space<hbm>> -> memref<1x125x80xi32, #tpu.memory_space<hbm>>
      %dma_start3A_41 = tpu.memref_squeeze %dma_start3A_40 : memref<1x125x80xi32, #tpu.memory_space<hbm>> -> memref<125x80xi32, #tpu.memory_space<hbm>>
      %dma_start3A_42 = arith.constant 0 : i32
      %dma_start3A_43 = arith.constant 0 : i32
      %dma_start3A_44 = tpu.memref_slice %arg4[%add3A, %dma_start3A_42, %dma_start3A_43] : memref<32x125x80xi32, #tpu.memory_space<hbm>> -> memref<1x125x80xi32, #tpu.memory_space<hbm>>
      %dma_start3A_45 = tpu.memref_squeeze %dma_start3A_44 : memref<1x125x80xi32, #tpu.memory_space<hbm>> -> memref<125x80xi32, #tpu.memory_space<hbm>>
      tpu.enqueue_dma source(%dma_start3A_45 : memref<125x80xi32, #tpu.memory_space<hbm>>) target(%arg8 : memref<125x80xi32, #tpu.memory_space<vmem>>) target_semaphore(%run_scoped3A : memref<!tpu.dma_semaphore, #tpu.memory_space<semaphore_mem>>)
      %dma_wait3A = arith.constant 0 : i32
      %dma_wait3A_46 = arith.constant 0 : i32
      %dma_wait3A_47 = tpu.memref_slice %arg4[%add3A, %dma_wait3A, %dma_wait3A_46] : memref<32x125x80xi32, #tpu.memory_space<hbm>> -> memref<1x125x80xi32, #tpu.memory_space<hbm>>
      %dma_wait3A_48 = tpu.memref_squeeze %dma_wait3A_47 : memref<1x125x80xi32, #tpu.memory_space<hbm>> -> memref<125x80xi32, #tpu.memory_space<hbm>>
      %dma_wait3A_49 = arith.constant 0 : i32
      %dma_wait3A_50 = arith.constant 0 : i32
      %dma_wait3A_51 = tpu.memref_slice %arg4[%add3A, %dma_wait3A_49, %dma_wait3A_50] : memref<32x125x80xi32, #tpu.memory_space<hbm>> -> memref<1x125x80xi32, #tpu.memory_space<hbm>>
      %dma_wait3A_52 = tpu.memref_squeeze %dma_wait3A_51 : memref<1x125x80xi32, #tpu.memory_space<hbm>> -> memref<125x80xi32, #tpu.memory_space<hbm>>
      tpu.wait_dma2 semaphore(%run_scoped3A : memref<!tpu.dma_semaphore, #tpu.memory_space<semaphore_mem>>) src(%dma_wait3A_52 : memref<125x80xi32, #tpu.memory_space<hbm>>) dst(%arg8 : memref<125x80xi32, #tpu.memory_space<vmem>>)
      tpu.yield
    }) : () -> ()
    %barrier3A = arith.constant 0 : index
    tpu.barrier barrier_id(%barrier3A)
    %scan3A_27 = arith.constant 0 : i32
    %scan3A_28 = arith.constant 0 : i32
    %scan3A_29 = arith.constant 25 : i32
    %scan3A_30 = arith.addi %scan3A_28, %scan3A_29 : i32
    %scan3A_31 = arith.constant 1 : i32
    %scan3A_32 = scf.for %scan3A_39 = %scan3A_28 to %scan3A_30 step %scan3A_31 iter_args(%scan3A_40 = %scan3A_27) -> (i32)  : i32 {
      %mul3A_41 = arith.constant 5 : i32
      %mul3A_42 = arith.muli %scan3A_39, %mul3A_41 : i32
      %add3A_43 = arith.constant 0 : i32
      %add3A_44 = arith.addi %mul3A_42, %add3A_43 : i32
      %dma_start3A = arith.constant 0 : i32
      %dma_start3A_45 = arith.constant 0 : i32
      %dma_start3A_46 = arith.constant 0 : i32
      %dma_start3A_47 = tpu.memref_slice %arg9[%dma_start3A, %dma_start3A_45, %dma_start3A_46] : memref<5x80x40xf32, #tpu.memory_space<vmem>> -> memref<1x80x40xf32, #tpu.memory_space<vmem>>
      %dma_start3A_48 = tpu.memref_squeeze %dma_start3A_47 : memref<1x80x40xf32, #tpu.memory_space<vmem>> -> memref<80x40xf32, #tpu.memory_space<vmem>>
      %dma_start3A_49 = arith.constant 0 : i32
      %dma_start3A_50 = tpu.memref_slice %arg7[%add3A_44, %dma_start3A_49] : memref<125x80xi32, #tpu.memory_space<vmem>> -> memref<1x80xi32, #tpu.memory_space<vmem>>
      %dma_start3A_51 = tpu.memref_squeeze %dma_start3A_50 : memref<1x80xi32, #tpu.memory_space<vmem>> -> memref<80xi32, #tpu.memory_space<vmem>>
      %dma_start3A_52 = arith.constant 0 : i32
      %dma_start3A_53 = arith.constant 0 : i32
      %dma_start3A_54 = tpu.memref_slice %arg2[%dma_start3A_52, %dma_start3A_53] : memref<10000x40xf32, #tpu.memory_space<hbm>> -> memref<10000x40xf32, #tpu.memory_space<hbm>>
      tpu.enqueue_indirect_dma source(%dma_start3A_54 : memref<10000x40xf32, #tpu.memory_space<hbm>>) target(%dma_start3A_48 : memref<80x40xf32, #tpu.memory_space<vmem>>) offsets(%dma_start3A_51 : memref<80xi32, #tpu.memory_space<vmem>>) semaphore(%arg11 : memref<!tpu.dma_semaphore, #tpu.memory_space<semaphore_mem>>)
      %add3A_55 = arith.constant 1 : i32
      %add3A_56 = arith.addi %mul3A_42, %add3A_55 : i32
      %dma_start3A_57 = arith.constant 1 : i32
      %dma_start3A_58 = arith.constant 0 : i32
      %dma_start3A_59 = arith.constant 0 : i32
      %dma_start3A_60 = tpu.memref_slice %arg9[%dma_start3A_57, %dma_start3A_58, %dma_start3A_59] : memref<5x80x40xf32, #tpu.memory_space<vmem>> -> memref<1x80x40xf32, #tpu.memory_space<vmem>>
      %dma_start3A_61 = tpu.memref_squeeze %dma_start3A_60 : memref<1x80x40xf32, #tpu.memory_space<vmem>> -> memref<80x40xf32, #tpu.memory_space<vmem>>
      %dma_start3A_62 = arith.constant 0 : i32
      %dma_start3A_63 = tpu.memref_slice %arg7[%add3A_56, %dma_start3A_62] : memref<125x80xi32, #tpu.memory_space<vmem>> -> memref<1x80xi32, #tpu.memory_space<vmem>>
      %dma_start3A_64 = tpu.memref_squeeze %dma_start3A_63 : memref<1x80xi32, #tpu.memory_space<vmem>> -> memref<80xi32, #tpu.memory_space<vmem>>
      %dma_start3A_65 = arith.constant 0 : i32
      %dma_start3A_66 = arith.constant 0 : i32
      %dma_start3A_67 = tpu.memref_slice %arg2[%dma_start3A_65, %dma_start3A_66] : memref<10000x40xf32, #tpu.memory_space<hbm>> -> memref<10000x40xf32, #tpu.memory_space<hbm>>
      tpu.enqueue_indirect_dma source(%dma_start3A_67 : memref<10000x40xf32, #tpu.memory_space<hbm>>) target(%dma_start3A_61 : memref<80x40xf32, #tpu.memory_space<vmem>>) offsets(%dma_start3A_64 : memref<80xi32, #tpu.memory_space<vmem>>) semaphore(%arg11 : memref<!tpu.dma_semaphore, #tpu.memory_space<semaphore_mem>>)
      %add3A_68 = arith.constant 2 : i32
      %add3A_69 = arith.addi %mul3A_42, %add3A_68 : i32
      %dma_start3A_70 = arith.constant 2 : i32
      %dma_start3A_71 = arith.constant 0 : i32
      %dma_start3A_72 = arith.constant 0 : i32
      %dma_start3A_73 = tpu.memref_slice %arg9[%dma_start3A_70, %dma_start3A_71, %dma_start3A_72] : memref<5x80x40xf32, #tpu.memory_space<vmem>> -> memref<1x80x40xf32, #tpu.memory_space<vmem>>
      %dma_start3A_74 = tpu.memref_squeeze %dma_start3A_73 : memref<1x80x40xf32, #tpu.memory_space<vmem>> -> memref<80x40xf32, #tpu.memory_space<vmem>>
      %dma_start3A_75 = arith.constant 0 : i32
      %dma_start3A_76 = tpu.memref_slice %arg7[%add3A_69, %dma_start3A_75] : memref<125x80xi32, #tpu.memory_space<vmem>> -> memref<1x80xi32, #tpu.memory_space<vmem>>
      %dma_start3A_77 = tpu.memref_squeeze %dma_start3A_76 : memref<1x80xi32, #tpu.memory_space<vmem>> -> memref<80xi32, #tpu.memory_space<vmem>>
      %dma_start3A_78 = arith.constant 0 : i32
      %dma_start3A_79 = arith.constant 0 : i32
      %dma_start3A_80 = tpu.memref_slice %arg2[%dma_start3A_78, %dma_start3A_79] : memref<10000x40xf32, #tpu.memory_space<hbm>> -> memref<10000x40xf32, #tpu.memory_space<hbm>>
      tpu.enqueue_indirect_dma source(%dma_start3A_80 : memref<10000x40xf32, #tpu.memory_space<hbm>>) target(%dma_start3A_74 : memref<80x40xf32, #tpu.memory_space<vmem>>) offsets(%dma_start3A_77 : memref<80xi32, #tpu.memory_space<vmem>>) semaphore(%arg11 : memref<!tpu.dma_semaphore, #tpu.memory_space<semaphore_mem>>)
      %add3A_81 = arith.constant 3 : i32
      %add3A_82 = arith.addi %mul3A_42, %add3A_81 : i32
      %dma_start3A_83 = arith.constant 3 : i32
      %dma_start3A_84 = arith.constant 0 : i32
      %dma_start3A_85 = arith.constant 0 : i32
      %dma_start3A_86 = tpu.memref_slice %arg9[%dma_start3A_83, %dma_start3A_84, %dma_start3A_85] : memref<5x80x40xf32, #tpu.memory_space<vmem>> -> memref<1x80x40xf32, #tpu.memory_space<vmem>>
      %dma_start3A_87 = tpu.memref_squeeze %dma_start3A_86 : memref<1x80x40xf32, #tpu.memory_space<vmem>> -> memref<80x40xf32, #tpu.memory_space<vmem>>
      %dma_start3A_88 = arith.constant 0 : i32
      %dma_start3A_89 = tpu.memref_slice %arg7[%add3A_82, %dma_start3A_88] : memref<125x80xi32, #tpu.memory_space<vmem>> -> memref<1x80xi32, #tpu.memory_space<vmem>>
      %dma_start3A_90 = tpu.memref_squeeze %dma_start3A_89 : memref<1x80xi32, #tpu.memory_space<vmem>> -> memref<80xi32, #tpu.memory_space<vmem>>
      %dma_start3A_91 = arith.constant 0 : i32
      %dma_start3A_92 = arith.constant 0 : i32
      %dma_start3A_93 = tpu.memref_slice %arg2[%dma_start3A_91, %dma_start3A_92] : memref<10000x40xf32, #tpu.memory_space<hbm>> -> memref<10000x40xf32, #tpu.memory_space<hbm>>
      tpu.enqueue_indirect_dma source(%dma_start3A_93 : memref<10000x40xf32, #tpu.memory_space<hbm>>) target(%dma_start3A_87 : memref<80x40xf32, #tpu.memory_space<vmem>>) offsets(%dma_start3A_90 : memref<80xi32, #tpu.memory_space<vmem>>) semaphore(%arg11 : memref<!tpu.dma_semaphore, #tpu.memory_space<semaphore_mem>>)
      %add3A_94 = arith.constant 4 : i32
      %add3A_95 = arith.addi %mul3A_42, %add3A_94 : i32
      %dma_start3A_96 = arith.constant 4 : i32
      %dma_start3A_97 = arith.constant 0 : i32
      %dma_start3A_98 = arith.constant 0 : i32
      %dma_start3A_99 = tpu.memref_slice %arg9[%dma_start3A_96, %dma_start3A_97, %dma_start3A_98] : memref<5x80x40xf32, #tpu.memory_space<vmem>> -> memref<1x80x40xf32, #tpu.memory_space<vmem>>
      %dma_start3A_100 = tpu.memref_squeeze %dma_start3A_99 : memref<1x80x40xf32, #tpu.memory_space<vmem>> -> memref<80x40xf32, #tpu.memory_space<vmem>>
      %dma_start3A_101 = arith.constant 0 : i32
      %dma_start3A_102 = tpu.memref_slice %arg7[%add3A_95, %dma_start3A_101] : memref<125x80xi32, #tpu.memory_space<vmem>> -> memref<1x80xi32, #tpu.memory_space<vmem>>
      %dma_start3A_103 = tpu.memref_squeeze %dma_start3A_102 : memref<1x80xi32, #tpu.memory_space<vmem>> -> memref<80xi32, #tpu.memory_space<vmem>>
      %dma_start3A_104 = arith.constant 0 : i32
      %dma_start3A_105 = arith.constant 0 : i32
      %dma_start3A_106 = tpu.memref_slice %arg2[%dma_start3A_104, %dma_start3A_105] : memref<10000x40xf32, #tpu.memory_space<hbm>> -> memref<10000x40xf32, #tpu.memory_space<hbm>>
      tpu.enqueue_indirect_dma source(%dma_start3A_106 : memref<10000x40xf32, #tpu.memory_space<hbm>>) target(%dma_start3A_100 : memref<80x40xf32, #tpu.memory_space<vmem>>) offsets(%dma_start3A_103 : memref<80xi32, #tpu.memory_space<vmem>>) semaphore(%arg11 : memref<!tpu.dma_semaphore, #tpu.memory_space<semaphore_mem>>)
      %add3A_107 = arith.constant 0 : i32
      %add3A_108 = arith.addi %mul3A_42, %add3A_107 : i32
      %dma_wait3A = arith.constant 0 : i32
      %dma_wait3A_109 = arith.constant 0 : i32
      %dma_wait3A_110 = arith.constant 0 : i32
      %dma_wait3A_111 = tpu.memref_slice %arg9[%dma_wait3A, %dma_wait3A_109, %dma_wait3A_110] : memref<5x80x40xf32, #tpu.memory_space<vmem>> -> memref<1x80x40xf32, #tpu.memory_space<vmem>>
      %dma_wait3A_112 = tpu.memref_squeeze %dma_wait3A_111 : memref<1x80x40xf32, #tpu.memory_space<vmem>> -> memref<80x40xf32, #tpu.memory_space<vmem>>
      %dma_wait3A_113 = arith.constant 0 : i32
      %dma_wait3A_114 = tpu.memref_slice %arg7[%add3A_108, %dma_wait3A_113] : memref<125x80xi32, #tpu.memory_space<vmem>> -> memref<1x80xi32, #tpu.memory_space<vmem>>
      %dma_wait3A_115 = tpu.memref_squeeze %dma_wait3A_114 : memref<1x80xi32, #tpu.memory_space<vmem>> -> memref<80xi32, #tpu.memory_space<vmem>>
      %dma_wait3A_116 = arith.constant 0 : i32
      %dma_wait3A_117 = arith.constant 0 : i32
      %dma_wait3A_118 = tpu.memref_slice %arg2[%dma_wait3A_116, %dma_wait3A_117] : memref<10000x40xf32, #tpu.memory_space<hbm>> -> memref<10000x40xf32, #tpu.memory_space<hbm>>
      tpu.wait_indirect_dma semaphore(%arg11 : memref<!tpu.dma_semaphore, #tpu.memory_space<semaphore_mem>>) src(%dma_wait3A_118 : memref<10000x40xf32, #tpu.memory_space<hbm>>) dst(%dma_wait3A_112 : memref<80x40xf32, #tpu.memory_space<vmem>>)
      %add3A_119 = arith.constant 1 : i32
      %add3A_120 = arith.addi %mul3A_42, %add3A_119 : i32
      %dma_wait3A_121 = arith.constant 1 : i32
      %dma_wait3A_122 = arith.constant 0 : i32
      %dma_wait3A_123 = arith.constant 0 : i32
      %dma_wait3A_124 = tpu.memref_slice %arg9[%dma_wait3A_121, %dma_wait3A_122, %dma_wait3A_123] : memref<5x80x40xf32, #tpu.memory_space<vmem>> -> memref<1x80x40xf32, #tpu.memory_space<vmem>>
      %dma_wait3A_125 = tpu.memref_squeeze %dma_wait3A_124 : memref<1x80x40xf32, #tpu.memory_space<vmem>> -> memref<80x40xf32, #tpu.memory_space<vmem>>
      %dma_wait3A_126 = arith.constant 0 : i32
      %dma_wait3A_127 = tpu.memref_slice %arg7[%add3A_120, %dma_wait3A_126] : memref<125x80xi32, #tpu.memory_space<vmem>> -> memref<1x80xi32, #tpu.memory_space<vmem>>
      %dma_wait3A_128 = tpu.memref_squeeze %dma_wait3A_127 : memref<1x80xi32, #tpu.memory_space<vmem>> -> memref<80xi32, #tpu.memory_space<vmem>>
      %dma_wait3A_129 = arith.constant 0 : i32
      %dma_wait3A_130 = arith.constant 0 : i32
      %dma_wait3A_131 = tpu.memref_slice %arg2[%dma_wait3A_129, %dma_wait3A_130] : memref<10000x40xf32, #tpu.memory_space<hbm>> -> memref<10000x40xf32, #tpu.memory_space<hbm>>
      tpu.wait_indirect_dma semaphore(%arg11 : memref<!tpu.dma_semaphore, #tpu.memory_space<semaphore_mem>>) src(%dma_wait3A_131 : memref<10000x40xf32, #tpu.memory_space<hbm>>) dst(%dma_wait3A_125 : memref<80x40xf32, #tpu.memory_space<vmem>>)
      %add3A_132 = arith.constant 2 : i32
      %add3A_133 = arith.addi %mul3A_42, %add3A_132 : i32
      %dma_wait3A_134 = arith.constant 2 : i32
      %dma_wait3A_135 = arith.constant 0 : i32
      %dma_wait3A_136 = arith.constant 0 : i32
      %dma_wait3A_137 = tpu.memref_slice %arg9[%dma_wait3A_134, %dma_wait3A_135, %dma_wait3A_136] : memref<5x80x40xf32, #tpu.memory_space<vmem>> -> memref<1x80x40xf32, #tpu.memory_space<vmem>>
      %dma_wait3A_138 = tpu.memref_squeeze %dma_wait3A_137 : memref<1x80x40xf32, #tpu.memory_space<vmem>> -> memref<80x40xf32, #tpu.memory_space<vmem>>
      %dma_wait3A_139 = arith.constant 0 : i32
      %dma_wait3A_140 = tpu.memref_slice %arg7[%add3A_133, %dma_wait3A_139] : memref<125x80xi32, #tpu.memory_space<vmem>> -> memref<1x80xi32, #tpu.memory_space<vmem>>
      %dma_wait3A_141 = tpu.memref_squeeze %dma_wait3A_140 : memref<1x80xi32, #tpu.memory_space<vmem>> -> memref<80xi32, #tpu.memory_space<vmem>>
      %dma_wait3A_142 = arith.constant 0 : i32
      %dma_wait3A_143 = arith.constant 0 : i32
      %dma_wait3A_144 = tpu.memref_slice %arg2[%dma_wait3A_142, %dma_wait3A_143] : memref<10000x40xf32, #tpu.memory_space<hbm>> -> memref<10000x40xf32, #tpu.memory_space<hbm>>
      tpu.wait_indirect_dma semaphore(%arg11 : memref<!tpu.dma_semaphore, #tpu.memory_space<semaphore_mem>>) src(%dma_wait3A_144 : memref<10000x40xf32, #tpu.memory_space<hbm>>) dst(%dma_wait3A_138 : memref<80x40xf32, #tpu.memory_space<vmem>>)
      %add3A_145 = arith.constant 3 : i32
      %add3A_146 = arith.addi %mul3A_42, %add3A_145 : i32
      %dma_wait3A_147 = arith.constant 3 : i32
      %dma_wait3A_148 = arith.constant 0 : i32
      %dma_wait3A_149 = arith.constant 0 : i32
      %dma_wait3A_150 = tpu.memref_slice %arg9[%dma_wait3A_147, %dma_wait3A_148, %dma_wait3A_149] : memref<5x80x40xf32, #tpu.memory_space<vmem>> -> memref<1x80x40xf32, #tpu.memory_space<vmem>>
      %dma_wait3A_151 = tpu.memref_squeeze %dma_wait3A_150 : memref<1x80x40xf32, #tpu.memory_space<vmem>> -> memref<80x40xf32, #tpu.memory_space<vmem>>
      %dma_wait3A_152 = arith.constant 0 : i32
      %dma_wait3A_153 = tpu.memref_slice %arg7[%add3A_146, %dma_wait3A_152] : memref<125x80xi32, #tpu.memory_space<vmem>> -> memref<1x80xi32, #tpu.memory_space<vmem>>
      %dma_wait3A_154 = tpu.memref_squeeze %dma_wait3A_153 : memref<1x80xi32, #tpu.memory_space<vmem>> -> memref<80xi32, #tpu.memory_space<vmem>>
      %dma_wait3A_155 = arith.constant 0 : i32
      %dma_wait3A_156 = arith.constant 0 : i32
      %dma_wait3A_157 = tpu.memref_slice %arg2[%dma_wait3A_155, %dma_wait3A_156] : memref<10000x40xf32, #tpu.memory_space<hbm>> -> memref<10000x40xf32, #tpu.memory_space<hbm>>
      tpu.wait_indirect_dma semaphore(%arg11 : memref<!tpu.dma_semaphore, #tpu.memory_space<semaphore_mem>>) src(%dma_wait3A_157 : memref<10000x40xf32, #tpu.memory_space<hbm>>) dst(%dma_wait3A_151 : memref<80x40xf32, #tpu.memory_space<vmem>>)
      %add3A_158 = arith.constant 4 : i32
      %add3A_159 = arith.addi %mul3A_42, %add3A_158 : i32
      %dma_wait3A_160 = arith.constant 4 : i32
      %dma_wait3A_161 = arith.constant 0 : i32
      %dma_wait3A_162 = arith.constant 0 : i32
      %dma_wait3A_163 = tpu.memref_slice %arg9[%dma_wait3A_160, %dma_wait3A_161, %dma_wait3A_162] : memref<5x80x40xf32, #tpu.memory_space<vmem>> -> memref<1x80x40xf32, #tpu.memory_space<vmem>>
      %dma_wait3A_164 = tpu.memref_squeeze %dma_wait3A_163 : memref<1x80x40xf32, #tpu.memory_space<vmem>> -> memref<80x40xf32, #tpu.memory_space<vmem>>
      %dma_wait3A_165 = arith.constant 0 : i32
      %dma_wait3A_166 = tpu.memref_slice %arg7[%add3A_159, %dma_wait3A_165] : memref<125x80xi32, #tpu.memory_space<vmem>> -> memref<1x80xi32, #tpu.memory_space<vmem>>
      %dma_wait3A_167 = tpu.memref_squeeze %dma_wait3A_166 : memref<1x80xi32, #tpu.memory_space<vmem>> -> memref<80xi32, #tpu.memory_space<vmem>>
      %dma_wait3A_168 = arith.constant 0 : i32
      %dma_wait3A_169 = arith.constant 0 : i32
      %dma_wait3A_170 = tpu.memref_slice %arg2[%dma_wait3A_168, %dma_wait3A_169] : memref<10000x40xf32, #tpu.memory_space<hbm>> -> memref<10000x40xf32, #tpu.memory_space<hbm>>
      tpu.wait_indirect_dma semaphore(%arg11 : memref<!tpu.dma_semaphore, #tpu.memory_space<semaphore_mem>>) src(%dma_wait3A_170 : memref<10000x40xf32, #tpu.memory_space<hbm>>) dst(%dma_wait3A_164 : memref<80x40xf32, #tpu.memory_space<vmem>>)
      %add3A_171 = arith.constant 0 : i32
      %add3A_172 = arith.addi %mul3A_42, %add3A_171 : i32
      %run_scoped3A = arith.constant 0 : i32
      "tpu.region"() ({
        %run_scoped3A_186 = tpu.sem_alloc : memref<!tpu.dma_semaphore, #tpu.memory_space<semaphore_mem>>
        %dma_start3A_187 = arith.constant 0 : i32
        %dma_start3A_188 = arith.constant 0 : i32
        %dma_start3A_189 = tpu.memref_slice %arg9[%run_scoped3A, %dma_start3A_187, %dma_start3A_188] : memref<5x80x40xf32, #tpu.memory_space<vmem>> -> memref<1x80x40xf32, #tpu.memory_space<vmem>>
        %dma_start3A_190 = tpu.memref_squeeze %dma_start3A_189 : memref<1x80x40xf32, #tpu.memory_space<vmem>> -> memref<80x40xf32, #tpu.memory_space<vmem>>
        %dma_start3A_191 = arith.constant 0 : i32
        %dma_start3A_192 = tpu.memref_slice %arg8[%add3A_172, %dma_start3A_191] : memref<125x80xi32, #tpu.memory_space<vmem>> -> memref<1x80xi32, #tpu.memory_space<vmem>>
        %dma_start3A_193 = tpu.memref_squeeze %dma_start3A_192 : memref<1x80xi32, #tpu.memory_space<vmem>> -> memref<80xi32, #tpu.memory_space<vmem>>
        %dma_start3A_194 = arith.constant 0 : i32
        %dma_start3A_195 = arith.constant 0 : i32
        %dma_start3A_196 = tpu.memref_slice %arg6[%dma_start3A_194, %dma_start3A_195] : memref<10240x40xf32, #tpu.memory_space<vmem_shared>> -> memref<10240x40xf32, #tpu.memory_space<vmem_shared>>
        tpu.enqueue_indirect_dma source(%dma_start3A_190 : memref<80x40xf32, #tpu.memory_space<vmem>>) target(%dma_start3A_196 : memref<10240x40xf32, #tpu.memory_space<vmem_shared>>) offsets(%dma_start3A_193 : memref<80xi32, #tpu.memory_space<vmem>>) semaphore(%run_scoped3A_186 : memref<!tpu.dma_semaphore, #tpu.memory_space<semaphore_mem>>) {add = true}
        %dma_wait3A_197 = arith.constant 0 : i32
        %dma_wait3A_198 = arith.constant 0 : i32
        %dma_wait3A_199 = tpu.memref_slice %arg9[%run_scoped3A, %dma_wait3A_197, %dma_wait3A_198] : memref<5x80x40xf32, #tpu.memory_space<vmem>> -> memref<1x80x40xf32, #tpu.memory_space<vmem>>
        %dma_wait3A_200 = tpu.memref_squeeze %dma_wait3A_199 : memref<1x80x40xf32, #tpu.memory_space<vmem>> -> memref<80x40xf32, #tpu.memory_space<vmem>>
        %dma_wait3A_201 = arith.constant 0 : i32
        %dma_wait3A_202 = tpu.memref_slice %arg8[%add3A_172, %dma_wait3A_201] : memref<125x80xi32, #tpu.memory_space<vmem>> -> memref<1x80xi32, #tpu.memory_space<vmem>>
        %dma_wait3A_203 = tpu.memref_squeeze %dma_wait3A_202 : memref<1x80xi32, #tpu.memory_space<vmem>> -> memref<80xi32, #tpu.memory_space<vmem>>
        %dma_wait3A_204 = arith.constant 0 : i32
        %dma_wait3A_205 = arith.constant 0 : i32
        %dma_wait3A_206 = tpu.memref_slice %arg6[%dma_wait3A_204, %dma_wait3A_205] : memref<10240x40xf32, #tpu.memory_space<vmem_shared>> -> memref<10240x40xf32, #tpu.memory_space<vmem_shared>>
        tpu.wait_indirect_dma semaphore(%run_scoped3A_186 : memref<!tpu.dma_semaphore, #tpu.memory_space<semaphore_mem>>) src(%dma_wait3A_200 : memref<80x40xf32, #tpu.memory_space<vmem>>) dst(%dma_wait3A_206 : memref<10240x40xf32, #tpu.memory_space<vmem_shared>>)
        tpu.yield
      }) : () -> ()
      %add3A_173 = arith.constant 1 : i32
      %add3A_174 = arith.addi %mul3A_42, %add3A_173 : i32
      %run_scoped3A_175 = arith.constant 1 : i32
      "tpu.region"() ({
        %run_scoped3A_186 = tpu.sem_alloc : memref<!tpu.dma_semaphore, #tpu.memory_space<semaphore_mem>>
        %dma_start3A_187 = arith.constant 0 : i32
        %dma_start3A_188 = arith.constant 0 : i32
        %dma_start3A_189 = tpu.memref_slice %arg9[%run_scoped3A_175, %dma_start3A_187, %dma_start3A_188] : memref<5x80x40xf32, #tpu.memory_space<vmem>> -> memref<1x80x40xf32, #tpu.memory_space<vmem>>
        %dma_start3A_190 = tpu.memref_squeeze %dma_start3A_189 : memref<1x80x40xf32, #tpu.memory_space<vmem>> -> memref<80x40xf32, #tpu.memory_space<vmem>>
        %dma_start3A_191 = arith.constant 0 : i32
        %dma_start3A_192 = tpu.memref_slice %arg8[%add3A_174, %dma_start3A_191] : memref<125x80xi32, #tpu.memory_space<vmem>> -> memref<1x80xi32, #tpu.memory_space<vmem>>
        %dma_start3A_193 = tpu.memref_squeeze %dma_start3A_192 : memref<1x80xi32, #tpu.memory_space<vmem>> -> memref<80xi32, #tpu.memory_space<vmem>>
        %dma_start3A_194 = arith.constant 0 : i32
        %dma_start3A_195 = arith.constant 0 : i32
        %dma_start3A_196 = tpu.memref_slice %arg6[%dma_start3A_194, %dma_start3A_195] : memref<10240x40xf32, #tpu.memory_space<vmem_shared>> -> memref<10240x40xf32, #tpu.memory_space<vmem_shared>>
        tpu.enqueue_indirect_dma source(%dma_start3A_190 : memref<80x40xf32, #tpu.memory_space<vmem>>) target(%dma_start3A_196 : memref<10240x40xf32, #tpu.memory_space<vmem_shared>>) offsets(%dma_start3A_193 : memref<80xi32, #tpu.memory_space<vmem>>) semaphore(%run_scoped3A_186 : memref<!tpu.dma_semaphore, #tpu.memory_space<semaphore_mem>>) {add = true}
        %dma_wait3A_197 = arith.constant 0 : i32
        %dma_wait3A_198 = arith.constant 0 : i32
        %dma_wait3A_199 = tpu.memref_slice %arg9[%run_scoped3A_175, %dma_wait3A_197, %dma_wait3A_198] : memref<5x80x40xf32, #tpu.memory_space<vmem>> -> memref<1x80x40xf32, #tpu.memory_space<vmem>>
        %dma_wait3A_200 = tpu.memref_squeeze %dma_wait3A_199 : memref<1x80x40xf32, #tpu.memory_space<vmem>> -> memref<80x40xf32, #tpu.memory_space<vmem>>
        %dma_wait3A_201 = arith.constant 0 : i32
        %dma_wait3A_202 = tpu.memref_slice %arg8[%add3A_174, %dma_wait3A_201] : memref<125x80xi32, #tpu.memory_space<vmem>> -> memref<1x80xi32, #tpu.memory_space<vmem>>
        %dma_wait3A_203 = tpu.memref_squeeze %dma_wait3A_202 : memref<1x80xi32, #tpu.memory_space<vmem>> -> memref<80xi32, #tpu.memory_space<vmem>>
        %dma_wait3A_204 = arith.constant 0 : i32
        %dma_wait3A_205 = arith.constant 0 : i32
        %dma_wait3A_206 = tpu.memref_slice %arg6[%dma_wait3A_204, %dma_wait3A_205] : memref<10240x40xf32, #tpu.memory_space<vmem_shared>> -> memref<10240x40xf32, #tpu.memory_space<vmem_shared>>
        tpu.wait_indirect_dma semaphore(%run_scoped3A_186 : memref<!tpu.dma_semaphore, #tpu.memory_space<semaphore_mem>>) src(%dma_wait3A_200 : memref<80x40xf32, #tpu.memory_space<vmem>>) dst(%dma_wait3A_206 : memref<10240x40xf32, #tpu.memory_space<vmem_shared>>)
        tpu.yield
      }) : () -> ()
      %add3A_176 = arith.constant 2 : i32
      %add3A_177 = arith.addi %mul3A_42, %add3A_176 : i32
      %run_scoped3A_178 = arith.constant 2 : i32
      "tpu.region"() ({
        %run_scoped3A_186 = tpu.sem_alloc : memref<!tpu.dma_semaphore, #tpu.memory_space<semaphore_mem>>
        %dma_start3A_187 = arith.constant 0 : i32
        %dma_start3A_188 = arith.constant 0 : i32
        %dma_start3A_189 = tpu.memref_slice %arg9[%run_scoped3A_178, %dma_start3A_187, %dma_start3A_188] : memref<5x80x40xf32, #tpu.memory_space<vmem>> -> memref<1x80x40xf32, #tpu.memory_space<vmem>>
        %dma_start3A_190 = tpu.memref_squeeze %dma_start3A_189 : memref<1x80x40xf32, #tpu.memory_space<vmem>> -> memref<80x40xf32, #tpu.memory_space<vmem>>
        %dma_start3A_191 = arith.constant 0 : i32
        %dma_start3A_192 = tpu.memref_slice %arg8[%add3A_177, %dma_start3A_191] : memref<125x80xi32, #tpu.memory_space<vmem>> -> memref<1x80xi32, #tpu.memory_space<vmem>>
        %dma_start3A_193 = tpu.memref_squeeze %dma_start3A_192 : memref<1x80xi32, #tpu.memory_space<vmem>> -> memref<80xi32, #tpu.memory_space<vmem>>
        %dma_start3A_194 = arith.constant 0 : i32
        %dma_start3A_195 = arith.constant 0 : i32
        %dma_start3A_196 = tpu.memref_slice %arg6[%dma_start3A_194, %dma_start3A_195] : memref<10240x40xf32, #tpu.memory_space<vmem_shared>> -> memref<10240x40xf32, #tpu.memory_space<vmem_shared>>
        tpu.enqueue_indirect_dma source(%dma_start3A_190 : memref<80x40xf32, #tpu.memory_space<vmem>>) target(%dma_start3A_196 : memref<10240x40xf32, #tpu.memory_space<vmem_shared>>) offsets(%dma_start3A_193 : memref<80xi32, #tpu.memory_space<vmem>>) semaphore(%run_scoped3A_186 : memref<!tpu.dma_semaphore, #tpu.memory_space<semaphore_mem>>) {add = true}
        %dma_wait3A_197 = arith.constant 0 : i32
        %dma_wait3A_198 = arith.constant 0 : i32
        %dma_wait3A_199 = tpu.memref_slice %arg9[%run_scoped3A_178, %dma_wait3A_197, %dma_wait3A_198] : memref<5x80x40xf32, #tpu.memory_space<vmem>> -> memref<1x80x40xf32, #tpu.memory_space<vmem>>
        %dma_wait3A_200 = tpu.memref_squeeze %dma_wait3A_199 : memref<1x80x40xf32, #tpu.memory_space<vmem>> -> memref<80x40xf32, #tpu.memory_space<vmem>>
        %dma_wait3A_201 = arith.constant 0 : i32
        %dma_wait3A_202 = tpu.memref_slice %arg8[%add3A_177, %dma_wait3A_201] : memref<125x80xi32, #tpu.memory_space<vmem>> -> memref<1x80xi32, #tpu.memory_space<vmem>>
        %dma_wait3A_203 = tpu.memref_squeeze %dma_wait3A_202 : memref<1x80xi32, #tpu.memory_space<vmem>> -> memref<80xi32, #tpu.memory_space<vmem>>
        %dma_wait3A_204 = arith.constant 0 : i32
        %dma_wait3A_205 = arith.constant 0 : i32
        %dma_wait3A_206 = tpu.memref_slice %arg6[%dma_wait3A_204, %dma_wait3A_205] : memref<10240x40xf32, #tpu.memory_space<vmem_shared>> -> memref<10240x40xf32, #tpu.memory_space<vmem_shared>>
        tpu.wait_indirect_dma semaphore(%run_scoped3A_186 : memref<!tpu.dma_semaphore, #tpu.memory_space<semaphore_mem>>) src(%dma_wait3A_200 : memref<80x40xf32, #tpu.memory_space<vmem>>) dst(%dma_wait3A_206 : memref<10240x40xf32, #tpu.memory_space<vmem_shared>>)
        tpu.yield
      }) : () -> ()
      %add3A_179 = arith.constant 3 : i32
      %add3A_180 = arith.addi %mul3A_42, %add3A_179 : i32
      %run_scoped3A_181 = arith.constant 3 : i32
      "tpu.region"() ({
        %run_scoped3A_186 = tpu.sem_alloc : memref<!tpu.dma_semaphore, #tpu.memory_space<semaphore_mem>>
        %dma_start3A_187 = arith.constant 0 : i32
        %dma_start3A_188 = arith.constant 0 : i32
        %dma_start3A_189 = tpu.memref_slice %arg9[%run_scoped3A_181, %dma_start3A_187, %dma_start3A_188] : memref<5x80x40xf32, #tpu.memory_space<vmem>> -> memref<1x80x40xf32, #tpu.memory_space<vmem>>
        %dma_start3A_190 = tpu.memref_squeeze %dma_start3A_189 : memref<1x80x40xf32, #tpu.memory_space<vmem>> -> memref<80x40xf32, #tpu.memory_space<vmem>>
        %dma_start3A_191 = arith.constant 0 : i32
        %dma_start3A_192 = tpu.memref_slice %arg8[%add3A_180, %dma_start3A_191] : memref<125x80xi32, #tpu.memory_space<vmem>> -> memref<1x80xi32, #tpu.memory_space<vmem>>
        %dma_start3A_193 = tpu.memref_squeeze %dma_start3A_192 : memref<1x80xi32, #tpu.memory_space<vmem>> -> memref<80xi32, #tpu.memory_space<vmem>>
        %dma_start3A_194 = arith.constant 0 : i32
        %dma_start3A_195 = arith.constant 0 : i32
        %dma_start3A_196 = tpu.memref_slice %arg6[%dma_start3A_194, %dma_start3A_195] : memref<10240x40xf32, #tpu.memory_space<vmem_shared>> -> memref<10240x40xf32, #tpu.memory_space<vmem_shared>>
        tpu.enqueue_indirect_dma source(%dma_start3A_190 : memref<80x40xf32, #tpu.memory_space<vmem>>) target(%dma_start3A_196 : memref<10240x40xf32, #tpu.memory_space<vmem_shared>>) offsets(%dma_start3A_193 : memref<80xi32, #tpu.memory_space<vmem>>) semaphore(%run_scoped3A_186 : memref<!tpu.dma_semaphore, #tpu.memory_space<semaphore_mem>>) {add = true}
        %dma_wait3A_197 = arith.constant 0 : i32
        %dma_wait3A_198 = arith.constant 0 : i32
        %dma_wait3A_199 = tpu.memref_slice %arg9[%run_scoped3A_181, %dma_wait3A_197, %dma_wait3A_198] : memref<5x80x40xf32, #tpu.memory_space<vmem>> -> memref<1x80x40xf32, #tpu.memory_space<vmem>>
        %dma_wait3A_200 = tpu.memref_squeeze %dma_wait3A_199 : memref<1x80x40xf32, #tpu.memory_space<vmem>> -> memref<80x40xf32, #tpu.memory_space<vmem>>
        %dma_wait3A_201 = arith.constant 0 : i32
        %dma_wait3A_202 = tpu.memref_slice %arg8[%add3A_180, %dma_wait3A_201] : memref<125x80xi32, #tpu.memory_space<vmem>> -> memref<1x80xi32, #tpu.memory_space<vmem>>
        %dma_wait3A_203 = tpu.memref_squeeze %dma_wait3A_202 : memref<1x80xi32, #tpu.memory_space<vmem>> -> memref<80xi32, #tpu.memory_space<vmem>>
        %dma_wait3A_204 = arith.constant 0 : i32
        %dma_wait3A_205 = arith.constant 0 : i32
        %dma_wait3A_206 = tpu.memref_slice %arg6[%dma_wait3A_204, %dma_wait3A_205] : memref<10240x40xf32, #tpu.memory_space<vmem_shared>> -> memref<10240x40xf32, #tpu.memory_space<vmem_shared>>
        tpu.wait_indirect_dma semaphore(%run_scoped3A_186 : memref<!tpu.dma_semaphore, #tpu.memory_space<semaphore_mem>>) src(%dma_wait3A_200 : memref<80x40xf32, #tpu.memory_space<vmem>>) dst(%dma_wait3A_206 : memref<10240x40xf32, #tpu.memory_space<vmem_shared>>)
        tpu.yield
      }) : () -> ()
      %add3A_182 = arith.constant 4 : i32
      %add3A_183 = arith.addi %mul3A_42, %add3A_182 : i32
      %run_scoped3A_184 = arith.constant 4 : i32
      "tpu.region"() ({
        %run_scoped3A_186 = tpu.sem_alloc : memref<!tpu.dma_semaphore, #tpu.memory_space<semaphore_mem>>
        %dma_start3A_187 = arith.constant 0 : i32
        %dma_start3A_188 = arith.constant 0 : i32
        %dma_start3A_189 = tpu.memref_slice %arg9[%run_scoped3A_184, %dma_start3A_187, %dma_start3A_188] : memref<5x80x40xf32, #tpu.memory_space<vmem>> -> memref<1x80x40xf32, #tpu.memory_space<vmem>>
        %dma_start3A_190 = tpu.memref_squeeze %dma_start3A_189 : memref<1x80x40xf32, #tpu.memory_space<vmem>> -> memref<80x40xf32, #tpu.memory_space<vmem>>
        %dma_start3A_191 = arith.constant 0 : i32
        %dma_start3A_192 = tpu.memref_slice %arg8[%add3A_183, %dma_start3A_191] : memref<125x80xi32, #tpu.memory_space<vmem>> -> memref<1x80xi32, #tpu.memory_space<vmem>>
        %dma_start3A_193 = tpu.memref_squeeze %dma_start3A_192 : memref<1x80xi32, #tpu.memory_space<vmem>> -> memref<80xi32, #tpu.memory_space<vmem>>
        %dma_start3A_194 = arith.constant 0 : i32
        %dma_start3A_195 = arith.constant 0 : i32
        %dma_start3A_196 = tpu.memref_slice %arg6[%dma_start3A_194, %dma_start3A_195] : memref<10240x40xf32, #tpu.memory_space<vmem_shared>> -> memref<10240x40xf32, #tpu.memory_space<vmem_shared>>
        tpu.enqueue_indirect_dma source(%dma_start3A_190 : memref<80x40xf32, #tpu.memory_space<vmem>>) target(%dma_start3A_196 : memref<10240x40xf32, #tpu.memory_space<vmem_shared>>) offsets(%dma_start3A_193 : memref<80xi32, #tpu.memory_space<vmem>>) semaphore(%run_scoped3A_186 : memref<!tpu.dma_semaphore, #tpu.memory_space<semaphore_mem>>) {add = true}
        %dma_wait3A_197 = arith.constant 0 : i32
        %dma_wait3A_198 = arith.constant 0 : i32
        %dma_wait3A_199 = tpu.memref_slice %arg9[%run_scoped3A_184, %dma_wait3A_197, %dma_wait3A_198] : memref<5x80x40xf32, #tpu.memory_space<vmem>> -> memref<1x80x40xf32, #tpu.memory_space<vmem>>
        %dma_wait3A_200 = tpu.memref_squeeze %dma_wait3A_199 : memref<1x80x40xf32, #tpu.memory_space<vmem>> -> memref<80x40xf32, #tpu.memory_space<vmem>>
        %dma_wait3A_201 = arith.constant 0 : i32
        %dma_wait3A_202 = tpu.memref_slice %arg8[%add3A_183, %dma_wait3A_201] : memref<125x80xi32, #tpu.memory_space<vmem>> -> memref<1x80xi32, #tpu.memory_space<vmem>>
        %dma_wait3A_203 = tpu.memref_squeeze %dma_wait3A_202 : memref<1x80xi32, #tpu.memory_space<vmem>> -> memref<80xi32, #tpu.memory_space<vmem>>
        %dma_wait3A_204 = arith.constant 0 : i32
        %dma_wait3A_205 = arith.constant 0 : i32
        %dma_wait3A_206 = tpu.memref_slice %arg6[%dma_wait3A_204, %dma_wait3A_205] : memref<10240x40xf32, #tpu.memory_space<vmem_shared>> -> memref<10240x40xf32, #tpu.memory_space<vmem_shared>>
        tpu.wait_indirect_dma semaphore(%run_scoped3A_186 : memref<!tpu.dma_semaphore, #tpu.memory_space<semaphore_mem>>) src(%dma_wait3A_200 : memref<80x40xf32, #tpu.memory_space<vmem>>) dst(%dma_wait3A_206 : memref<10240x40xf32, #tpu.memory_space<vmem_shared>>)
        tpu.yield
      }) : () -> ()
      %scan3A_185 = arith.constant 0 : i32
      scf.yield %scan3A_185 : i32
    }
    %scan3A_33 = arith.constant 25 : i32
    %barrier3A_34 = arith.constant 0 : index
    tpu.barrier barrier_id(%barrier3A_34)
    %mul3A_35 = arith.constant 640 : i32
    %mul3A_36 = arith.muli %arg1, %mul3A_35 : i32
    %mul3A_37 = arith.constant 640 : i32
    %mul3A_38 = arith.muli %arg1, %mul3A_37 : i32
    "tpu.region"() ({
      %run_scoped3A = tpu.sem_alloc : memref<!tpu.dma_semaphore, #tpu.memory_space<semaphore_mem>>
      %dma_start3A = arith.constant 0 : i32
      %dma_start3A_39 = tpu.memref_slice %arg5[%arg0, %mul3A_38, %dma_start3A] : memref<2x10240x40xf32, #tpu.memory_space<hbm>> -> memref<1x640x40xf32, #tpu.memory_space<hbm>>
      %dma_start3A_40 = tpu.memref_squeeze %dma_start3A_39 : memref<1x640x40xf32, #tpu.memory_space<hbm>> -> memref<640x40xf32, #tpu.memory_space<hbm>>
      %dma_start3A_41 = arith.constant 0 : i32
      %dma_start3A_42 = tpu.memref_slice %arg6[%mul3A_36, %dma_start3A_41] : memref<10240x40xf32, #tpu.memory_space<vmem_shared>> -> memref<640x40xf32, #tpu.memory_space<vmem_shared>>
      tpu.enqueue_dma source(%dma_start3A_42 : memref<640x40xf32, #tpu.memory_space<vmem_shared>>) target(%dma_start3A_40 : memref<640x40xf32, #tpu.memory_space<hbm>>) target_semaphore(%run_scoped3A : memref<!tpu.dma_semaphore, #tpu.memory_space<semaphore_mem>>)
      %dma_wait3A = arith.constant 0 : i32
      %dma_wait3A_43 = tpu.memref_slice %arg5[%arg0, %mul3A_38, %dma_wait3A] : memref<2x10240x40xf32, #tpu.memory_space<hbm>> -> memref<1x640x40xf32, #tpu.memory_space<hbm>>
      %dma_wait3A_44 = tpu.memref_squeeze %dma_wait3A_43 : memref<1x640x40xf32, #tpu.memory_space<hbm>> -> memref<640x40xf32, #tpu.memory_space<hbm>>
      %dma_wait3A_45 = arith.constant 0 : i32
      %dma_wait3A_46 = tpu.memref_slice %arg6[%mul3A_36, %dma_wait3A_45] : memref<10240x40xf32, #tpu.memory_space<vmem_shared>> -> memref<640x40xf32, #tpu.memory_space<vmem_shared>>
      tpu.wait_dma2 semaphore(%run_scoped3A : memref<!tpu.dma_semaphore, #tpu.memory_space<semaphore_mem>>) src(%dma_wait3A_46 : memref<640x40xf32, #tpu.memory_space<vmem_shared>>) dst(%dma_wait3A_44 : memref<640x40xf32, #tpu.memory_space<hbm>>)
      tpu.yield
    }) : () -> ()
    return
  }
}

module attributes {stable_mosaic.version = 14 : i64} {
  func.func @tc_dense_a(%arg0: i32, %arg1: memref<2x1000x64xf32, #tpu.memory_space<vmem>>, %arg2: memref<2x1000x64xf32, #tpu.memory_space<vmem>>, %arg3: memref<1x2x1000xf32, #tpu.memory_space<vmem>>, %arg4: memref<1000x128xf32, #tpu.memory_space<vmem>>, %arg5: memref<128x128xf32, #tpu.memory_space<vmem>>, %arg6: memref<128x128xf32, #tpu.memory_space<vmem>>, %arg7: memref<1x128xf32, #tpu.memory_space<vmem>>, %arg8: memref<128x40xf32, #tpu.memory_space<vmem>>, %arg9: memref<128x40xf32, #tpu.memory_space<vmem>>, %arg10: memref<1x40xf32, #tpu.memory_space<vmem>>, %arg11: memref<1000x40xf32, #tpu.memory_space<vmem>>, %arg12: memref<1000x40xf32, #tpu.memory_space<vmem>>, %arg13: memref<1000x1xf32, #tpu.memory_space<vmem>>, %arg14: memref<1000x1xf32, #tpu.memory_space<vmem>>) attributes {dimension_semantics = [#tpu.dimension_semantics<arbitrary>], iteration_bounds = array<i64: 10>, scalar_prefetch = 0 : i64, scratch_operands = 0 : i64, tpu.core_type = #tpu.core_type<tc>, window_params = [{transform_indices = @transform_0, window_bounds = array<i64: 2, 1000, 64>}, {transform_indices = @transform_1, window_bounds = array<i64: 2, 1000, 64>}, {transform_indices = @transform_2, window_bounds = array<i64: 1, 2, 1000>}, {transform_indices = @transform_3, window_bounds = array<i64: 1000, 128>}, {pipeline_mode = #tpu.pipeline_mode<synchronous>, transform_indices = @transform_4, window_bounds = array<i64: 128, 128>}, {pipeline_mode = #tpu.pipeline_mode<synchronous>, transform_indices = @transform_5, window_bounds = array<i64: 128, 128>}, {pipeline_mode = #tpu.pipeline_mode<synchronous>, transform_indices = @transform_6, window_bounds = array<i64: 1, 128>}, {pipeline_mode = #tpu.pipeline_mode<synchronous>, transform_indices = @transform_7, window_bounds = array<i64: 128, 40>}, {pipeline_mode = #tpu.pipeline_mode<synchronous>, transform_indices = @transform_8, window_bounds = array<i64: 128, 40>}, {pipeline_mode = #tpu.pipeline_mode<synchronous>, transform_indices = @transform_9, window_bounds = array<i64: 1, 40>}, {transform_indices = @transform_10, window_bounds = array<i64: 1000, 40>}, {transform_indices = @transform_11, window_bounds = array<i64: 1000, 40>}, {transform_indices = @transform_12, window_bounds = array<i64: 1000, 1>}, {transform_indices = @transform_13, window_bounds = array<i64: 1000, 1>}]} {
    %get3A = arith.constant 0 : index
    %get3A_0 = arith.constant 0 : index
    %get3A_1 = arith.constant 0 : index
    %get3A_2 = vector.load %arg1[%get3A, %get3A_0, %get3A_1] : memref<2x1000x64xf32, #tpu.memory_space<vmem>>, vector<1x1000x64xf32>
    %get3A_3 = vector.shape_cast %get3A_2 : vector<1x1000x64xf32> to vector<1000x64xf32>
    %get3A_4 = arith.constant 1 : index
    %get3A_5 = arith.constant 0 : index
    %get3A_6 = arith.constant 0 : index
    %get3A_7 = vector.load %arg1[%get3A_4, %get3A_5, %get3A_6] : memref<2x1000x64xf32, #tpu.memory_space<vmem>>, vector<1x1000x64xf32>
    %get3A_8 = vector.shape_cast %get3A_7 : vector<1x1000x64xf32> to vector<1000x64xf32>
    %add3A = arith.addf %get3A_3, %get3A_8 : vector<1000x64xf32>
    %get3A_9 = arith.constant 0 : index
    %get3A_10 = arith.constant 0 : index
    %get3A_11 = arith.constant 0 : index
    %get3A_12 = vector.load %arg2[%get3A_9, %get3A_10, %get3A_11] : memref<2x1000x64xf32, #tpu.memory_space<vmem>>, vector<1x1000x64xf32>
    %get3A_13 = vector.shape_cast %get3A_12 : vector<1x1000x64xf32> to vector<1000x64xf32>
    %get3A_14 = arith.constant 1 : index
    %get3A_15 = arith.constant 0 : index
    %get3A_16 = arith.constant 0 : index
    %get3A_17 = vector.load %arg2[%get3A_14, %get3A_15, %get3A_16] : memref<2x1000x64xf32, #tpu.memory_space<vmem>>, vector<1x1000x64xf32>
    %get3A_18 = vector.shape_cast %get3A_17 : vector<1x1000x64xf32> to vector<1000x64xf32>
    %add3A_19 = arith.addf %get3A_13, %get3A_18 : vector<1000x64xf32>
    %concatenate3A = tpu.concatenate %add3A, %add3A_19 in 1 : vector<1000x64xf32>, vector<1000x64xf32> -> vector<1000x128xf32>
    %get3A_20 = arith.constant 0 : index
    %get3A_21 = arith.constant 0 : index
    %get3A_22 = arith.constant 0 : index
    %get3A_23 = vector.load %arg3[%get3A_20, %get3A_21, %get3A_22] : memref<1x2x1000xf32, #tpu.memory_space<vmem>>, vector<1x1x1000xf32>
    %get3A_24 = vector.shape_cast %get3A_23 : vector<1x1x1000xf32> to vector<1000xf32>
    %get3A_25 = arith.constant 0 : index
    %get3A_26 = arith.constant 1 : index
    %get3A_27 = arith.constant 0 : index
    %get3A_28 = vector.load %arg3[%get3A_25, %get3A_26, %get3A_27] : memref<1x2x1000xf32, #tpu.memory_space<vmem>>, vector<1x1x1000xf32>
    %get3A_29 = vector.shape_cast %get3A_28 : vector<1x1x1000xf32> to vector<1000xf32>
    %add3A_30 = arith.addf %get3A_24, %get3A_29 : vector<1000xf32>
    %max3A = arith.constant 1.000000e+00 : f32
    %max3A_31 = vector.broadcast %max3A : f32 to vector<1000xf32>
    %max3A_32 = arith.maximumf %add3A_30, %max3A_31 : vector<1000xf32>
    %div3A = arith.constant 1.000000e+00 : f32
    %div3A_33 = vector.broadcast %div3A : f32 to vector<1000xf32>
    %div3A_34 = arith.divf %div3A_33, %max3A_32 : vector<1000xf32>
    %broadcast_in_dim3A = vector.shape_cast %div3A_34 : vector<1000xf32> to vector<1000x1xf32>
    %add3A_35 = arith.constant 1.000000e+00 : f32
    %add3A_36 = vector.broadcast %add3A_35 : f32 to vector<1000xf32>
    %add3A_37 = arith.addf %add3A_30, %add3A_36 : vector<1000xf32>
    %rsqrt3A = math.rsqrt %add3A_37 : vector<1000xf32>
    %broadcast_in_dim3A_38 = vector.shape_cast %rsqrt3A : vector<1000xf32> to vector<1000x1xf32>
    %mul3A = vector.broadcast %broadcast_in_dim3A : vector<1000x1xf32> to vector<1000x128xf32>
    %mul3A_39 = arith.mulf %concatenate3A, %mul3A : vector<1000x128xf32>
    %get3A_40 = arith.constant 0 : index
    %get3A_41 = arith.constant 0 : index
    %get3A_42 = vector.load %arg5[%get3A_40, %get3A_41] : memref<128x128xf32, #tpu.memory_space<vmem>>, vector<128x128xf32>
    %dot_general3A = arith.constant dense<0.000000e+00> : vector<1000x128xf32>
    %dot_general3A_43 = tpu.matmul %mul3A_39, %get3A_42, %dot_general3A {dimension_numbers = #tpu.dot_dimension_numbers<[1], [0], [0], [1], [0, 0, 1, 1], [], []>, transpose_lhs_hint = false} : vector<1000x128xf32>, vector<128x128xf32>, vector<1000x128xf32> -> vector<1000x128xf32>
    %get3A_44 = arith.constant 0 : index
    %get3A_45 = arith.constant 0 : index
    %get3A_46 = vector.load %arg4[%get3A_44, %get3A_45] : memref<1000x128xf32, #tpu.memory_space<vmem>>, vector<1000x128xf32>
    %get3A_47 = arith.constant 0 : index
    %get3A_48 = arith.constant 0 : index
    %get3A_49 = vector.load %arg6[%get3A_47, %get3A_48] : memref<128x128xf32, #tpu.memory_space<vmem>>, vector<128x128xf32>
    %dot_general3A_50 = arith.constant dense<0.000000e+00> : vector<1000x128xf32>
    %dot_general3A_51 = tpu.matmul %get3A_46, %get3A_49, %dot_general3A_50 {dimension_numbers = #tpu.dot_dimension_numbers<[1], [0], [0], [1], [0, 0, 1, 1], [], []>, transpose_lhs_hint = false} : vector<1000x128xf32>, vector<128x128xf32>, vector<1000x128xf32> -> vector<1000x128xf32>
    %add3A_52 = arith.addf %dot_general3A_43, %dot_general3A_51 : vector<1000x128xf32>
    %get3A_53 = arith.constant 0 : index
    %get3A_54 = arith.constant 0 : index
    %get3A_55 = vector.load %arg7[%get3A_53, %get3A_54] : memref<1x128xf32, #tpu.memory_space<vmem>>, vector<1x128xf32>
    %add3A_56 = vector.broadcast %get3A_55 : vector<1x128xf32> to vector<1000x128xf32>
    %add3A_57 = arith.addf %add3A_52, %add3A_56 : vector<1000x128xf32>
    %max3A_58 = arith.constant 0.000000e+00 : f32
    %max3A_59 = vector.broadcast %max3A_58 : f32 to vector<1000x128xf32>
    %max3A_60 = arith.maximumf %add3A_57, %max3A_59 : vector<1000x128xf32>
    %get3A_61 = arith.constant 0 : index
    %get3A_62 = arith.constant 0 : index
    %get3A_63 = vector.load %arg8[%get3A_61, %get3A_62] : memref<128x40xf32, #tpu.memory_space<vmem>>, vector<128x40xf32>
    %dot_general3A_64 = arith.constant dense<0.000000e+00> : vector<1000x40xf32>
    %dot_general3A_65 = tpu.matmul %max3A_60, %get3A_63, %dot_general3A_64 {dimension_numbers = #tpu.dot_dimension_numbers<[1], [0], [0], [1], [0, 0, 1, 1], [], []>, transpose_lhs_hint = false} : vector<1000x128xf32>, vector<128x40xf32>, vector<1000x40xf32> -> vector<1000x40xf32>
    %swap3A = arith.constant 0 : index
    %swap3A_66 = arith.constant 0 : index
    %swap3A_67 = vector.load %arg11[%swap3A, %swap3A_66] : memref<1000x40xf32, #tpu.memory_space<vmem>>, vector<1000x40xf32>
    tpu.vector_store %arg11[%swap3A, %swap3A_66], %dot_general3A_65 {strides = array<i32>} : memref<1000x40xf32, #tpu.memory_space<vmem>>, vector<1000x40xf32>,
    %get3A_68 = arith.constant 0 : index
    %get3A_69 = arith.constant 0 : index
    %get3A_70 = vector.load %arg9[%get3A_68, %get3A_69] : memref<128x40xf32, #tpu.memory_space<vmem>>, vector<128x40xf32>
    %dot_general3A_71 = arith.constant dense<0.000000e+00> : vector<1000x40xf32>
    %dot_general3A_72 = tpu.matmul %max3A_60, %get3A_70, %dot_general3A_71 {dimension_numbers = #tpu.dot_dimension_numbers<[1], [0], [0], [1], [0, 0, 1, 1], [], []>, transpose_lhs_hint = false} : vector<1000x128xf32>, vector<128x40xf32>, vector<1000x40xf32> -> vector<1000x40xf32>
    %get3A_73 = arith.constant 0 : index
    %get3A_74 = arith.constant 0 : index
    %get3A_75 = vector.load %arg10[%get3A_73, %get3A_74] : memref<1x40xf32, #tpu.memory_space<vmem>>, vector<1x40xf32>
    %add3A_76 = vector.broadcast %get3A_75 : vector<1x40xf32> to vector<1000x40xf32>
    %add3A_77 = arith.addf %dot_general3A_72, %add3A_76 : vector<1000x40xf32>
    %swap3A_78 = arith.constant 0 : index
    %swap3A_79 = arith.constant 0 : index
    %swap3A_80 = vector.load %arg12[%swap3A_78, %swap3A_79] : memref<1000x40xf32, #tpu.memory_space<vmem>>, vector<1000x40xf32>
    tpu.vector_store %arg12[%swap3A_78, %swap3A_79], %add3A_77 {strides = array<i32>} : memref<1000x40xf32, #tpu.memory_space<vmem>>, vector<1000x40xf32>,
    %swap3A_81 = arith.constant 0 : index
    %swap3A_82 = arith.constant 0 : index
    %swap3A_83 = vector.load %arg13[%swap3A_81, %swap3A_82] : memref<1000x1xf32, #tpu.memory_space<vmem>>, vector<1000x1xf32>
    tpu.vector_store %arg13[%swap3A_81, %swap3A_82], %broadcast_in_dim3A {strides = array<i32>} : memref<1000x1xf32, #tpu.memory_space<vmem>>, vector<1000x1xf32>,
    %swap3A_84 = arith.constant 0 : index
    %swap3A_85 = arith.constant 0 : index
    %swap3A_86 = vector.load %arg14[%swap3A_84, %swap3A_85] : memref<1000x1xf32, #tpu.memory_space<vmem>>, vector<1000x1xf32>
    tpu.vector_store %arg14[%swap3A_84, %swap3A_85], %broadcast_in_dim3A_38 {strides = array<i32>} : memref<1000x1xf32, #tpu.memory_space<vmem>>, vector<1000x1xf32>,
    return
  }
  func.func @transform_0(%arg0: i32) -> (i32, i32, i32) {
    %c0_i32 = arith.constant 0 : i32
    %c0_i32_0 = arith.constant 0 : i32
    %c0_i32_1 = arith.constant 0 : i32
    return %c0_i32, %arg0, %c0_i32_0 : i32, i32, i32
  }
  func.func @transform_1(%arg0: i32) -> (i32, i32, i32) {
    %c0_i32 = arith.constant 0 : i32
    %c0_i32_0 = arith.constant 0 : i32
    %c0_i32_1 = arith.constant 0 : i32
    return %c0_i32, %arg0, %c0_i32_0 : i32, i32, i32
  }
  func.func @transform_2(%arg0: i32) -> (i32, i32, i32) {
    %c0_i32 = arith.constant 0 : i32
    %c0_i32_0 = arith.constant 0 : i32
    %c0_i32_1 = arith.constant 0 : i32
    return %arg0, %c0_i32, %c0_i32_0 : i32, i32, i32
  }
  func.func @transform_3(%arg0: i32) -> (i32, i32) {
    %c0_i32 = arith.constant 0 : i32
    %c0_i32_0 = arith.constant 0 : i32
    return %arg0, %c0_i32 : i32, i32
  }
  func.func @transform_4(%arg0: i32) -> (i32, i32) {
    %c0_i32 = arith.constant 0 : i32
    %c0_i32_0 = arith.constant 0 : i32
    %c0_i32_1 = arith.constant 0 : i32
    return %c0_i32, %c0_i32_0 : i32, i32
  }
  func.func @transform_5(%arg0: i32) -> (i32, i32) {
    %c0_i32 = arith.constant 0 : i32
    %c0_i32_0 = arith.constant 0 : i32
    %c0_i32_1 = arith.constant 0 : i32
    return %c0_i32, %c0_i32_0 : i32, i32
  }
  func.func @transform_6(%arg0: i32) -> (i32, i32) {
    %c0_i32 = arith.constant 0 : i32
    %c0_i32_0 = arith.constant 0 : i32
    %c0_i32_1 = arith.constant 0 : i32
    return %c0_i32, %c0_i32_0 : i32, i32
  }
  func.func @transform_7(%arg0: i32) -> (i32, i32) {
    %c0_i32 = arith.constant 0 : i32
    %c0_i32_0 = arith.constant 0 : i32
    %c0_i32_1 = arith.constant 0 : i32
    return %c0_i32, %c0_i32_0 : i32, i32
  }
  func.func @transform_8(%arg0: i32) -> (i32, i32) {
    %c0_i32 = arith.constant 0 : i32
    %c0_i32_0 = arith.constant 0 : i32
    %c0_i32_1 = arith.constant 0 : i32
    return %c0_i32, %c0_i32_0 : i32, i32
  }
  func.func @transform_9(%arg0: i32) -> (i32, i32) {
    %c0_i32 = arith.constant 0 : i32
    %c0_i32_0 = arith.constant 0 : i32
    %c0_i32_1 = arith.constant 0 : i32
    return %c0_i32, %c0_i32_0 : i32, i32
  }
  func.func @transform_10(%arg0: i32) -> (i32, i32) {
    %c0_i32 = arith.constant 0 : i32
    %c0_i32_0 = arith.constant 0 : i32
    return %arg0, %c0_i32 : i32, i32
  }
  func.func @transform_11(%arg0: i32) -> (i32, i32) {
    %c0_i32 = arith.constant 0 : i32
    %c0_i32_0 = arith.constant 0 : i32
    return %arg0, %c0_i32 : i32, i32
  }
  func.func @transform_12(%arg0: i32) -> (i32, i32) {
    %c0_i32 = arith.constant 0 : i32
    %c0_i32_0 = arith.constant 0 : i32
    return %arg0, %c0_i32 : i32, i32
  }
  func.func @transform_13(%arg0: i32) -> (i32, i32) {
    %c0_i32 = arith.constant 0 : i32
    %c0_i32_0 = arith.constant 0 : i32
    return %arg0, %c0_i32 : i32, i32
  }
}

module attributes {stable_mosaic.version = 14 : i64} {
  func.func @tc_dense_b(%arg0: i32, %arg1: memref<2x1000x40xf32, #tpu.memory_space<vmem>>, %arg2: memref<1000x1xf32, #tpu.memory_space<vmem>>, %arg3: memref<1000x40xf32, #tpu.memory_space<vmem>>, %arg4: memref<40x40xf32, #tpu.memory_space<vmem>>, %arg5: memref<1000x1xf32, #tpu.memory_space<vmem>>, %arg6: memref<1000x40xf32, #tpu.memory_space<vmem>>) attributes {dimension_semantics = [#tpu.dimension_semantics<arbitrary>], iteration_bounds = array<i64: 10>, scalar_prefetch = 0 : i64, scratch_operands = 0 : i64, tpu.core_type = #tpu.core_type<tc>, window_params = [{transform_indices = @transform_0, window_bounds = array<i64: 2, 1000, 40>}, {transform_indices = @transform_1, window_bounds = array<i64: 1000, 1>}, {transform_indices = @transform_2, window_bounds = array<i64: 1000, 40>}, {pipeline_mode = #tpu.pipeline_mode<synchronous>, transform_indices = @transform_3, window_bounds = array<i64: 40, 40>}, {transform_indices = @transform_4, window_bounds = array<i64: 1000, 1>}, {transform_indices = @transform_5, window_bounds = array<i64: 1000, 40>}]} {
    %get3A = arith.constant 0 : index
    %get3A_0 = arith.constant 0 : index
    %get3A_1 = arith.constant 0 : index
    %get3A_2 = vector.load %arg1[%get3A, %get3A_0, %get3A_1] : memref<2x1000x40xf32, #tpu.memory_space<vmem>>, vector<1x1000x40xf32>
    %get3A_3 = vector.shape_cast %get3A_2 : vector<1x1000x40xf32> to vector<1000x40xf32>
    %get3A_4 = arith.constant 1 : index
    %get3A_5 = arith.constant 0 : index
    %get3A_6 = arith.constant 0 : index
    %get3A_7 = vector.load %arg1[%get3A_4, %get3A_5, %get3A_6] : memref<2x1000x40xf32, #tpu.memory_space<vmem>>, vector<1x1000x40xf32>
    %get3A_8 = vector.shape_cast %get3A_7 : vector<1x1000x40xf32> to vector<1000x40xf32>
    %add3A = arith.addf %get3A_3, %get3A_8 : vector<1000x40xf32>
    %get3A_9 = arith.constant 0 : index
    %get3A_10 = arith.constant 0 : index
    %get3A_11 = vector.load %arg2[%get3A_9, %get3A_10] : memref<1000x1xf32, #tpu.memory_space<vmem>>, vector<1000x1xf32>
    %mul3A = vector.broadcast %get3A_11 : vector<1000x1xf32> to vector<1000x40xf32>
    %mul3A_12 = arith.mulf %add3A, %mul3A : vector<1000x40xf32>
    %get3A_13 = arith.constant 0 : index
    %get3A_14 = arith.constant 0 : index
    %get3A_15 = vector.load %arg3[%get3A_13, %get3A_14] : memref<1000x40xf32, #tpu.memory_space<vmem>>, vector<1000x40xf32>
    %add3A_16 = arith.addf %mul3A_12, %get3A_15 : vector<1000x40xf32>
    %get3A_17 = arith.constant 0 : index
    %get3A_18 = arith.constant 0 : index
    %get3A_19 = vector.load %arg4[%get3A_17, %get3A_18] : memref<40x40xf32, #tpu.memory_space<vmem>>, vector<40x40xf32>
    %dot_general3A = arith.constant dense<0.000000e+00> : vector<1000x40xf32>
    %dot_general3A_20 = tpu.matmul %add3A_16, %get3A_19, %dot_general3A {dimension_numbers = #tpu.dot_dimension_numbers<[1], [0], [0], [1], [0, 0, 1, 1], [], []>, transpose_lhs_hint = false} : vector<1000x40xf32>, vector<40x40xf32>, vector<1000x40xf32> -> vector<1000x40xf32>
    %get3A_21 = arith.constant 0 : index
    %get3A_22 = arith.constant 0 : index
    %get3A_23 = vector.load %arg5[%get3A_21, %get3A_22] : memref<1000x1xf32, #tpu.memory_space<vmem>>, vector<1000x1xf32>
    %mul3A_24 = vector.broadcast %get3A_23 : vector<1000x1xf32> to vector<1000x40xf32>
    %mul3A_25 = arith.mulf %dot_general3A_20, %mul3A_24 : vector<1000x40xf32>
    %swap3A = arith.constant 0 : index
    %swap3A_26 = arith.constant 0 : index
    %swap3A_27 = vector.load %arg6[%swap3A, %swap3A_26] : memref<1000x40xf32, #tpu.memory_space<vmem>>, vector<1000x40xf32>
    tpu.vector_store %arg6[%swap3A, %swap3A_26], %mul3A_25 {strides = array<i32>} : memref<1000x40xf32, #tpu.memory_space<vmem>>, vector<1000x40xf32>,
    return
  }
  func.func @transform_0(%arg0: i32) -> (i32, i32, i32) {
    %c0_i32 = arith.constant 0 : i32
    %c0_i32_0 = arith.constant 0 : i32
    %c0_i32_1 = arith.constant 0 : i32
    return %c0_i32, %arg0, %c0_i32_0 : i32, i32, i32
  }
  func.func @transform_1(%arg0: i32) -> (i32, i32) {
    %c0_i32 = arith.constant 0 : i32
    %c0_i32_0 = arith.constant 0 : i32
    return %arg0, %c0_i32 : i32, i32
  }
  func.func @transform_2(%arg0: i32) -> (i32, i32) {
    %c0_i32 = arith.constant 0 : i32
    %c0_i32_0 = arith.constant 0 : i32
    return %arg0, %c0_i32 : i32, i32
  }
  func.func @transform_3(%arg0: i32) -> (i32, i32) {
    %c0_i32 = arith.constant 0 : i32
    %c0_i32_0 = arith.constant 0 : i32
    %c0_i32_1 = arith.constant 0 : i32
    return %c0_i32, %c0_i32_0 : i32, i32
  }
  func.func @transform_4(%arg0: i32) -> (i32, i32) {
    %c0_i32 = arith.constant 0 : i32
    %c0_i32_0 = arith.constant 0 : i32
    return %arg0, %c0_i32 : i32, i32
  }
  func.func @transform_5(%arg0: i32) -> (i32, i32) {
    %c0_i32 = arith.constant 0 : i32
    %c0_i32_0 = arith.constant 0 : i32
    return %arg0, %c0_i32 : i32, i32
  }
}

module attributes {stable_mosaic.version = 14 : i64} {
  func.func @tc_dense_c(%arg0: i32, %arg1: memref<2x1000x40xf32, #tpu.memory_space<vmem>>, %arg2: memref<1000x40xf32, #tpu.memory_space<vmem>>, %arg3: memref<1000x1xf32, #tpu.memory_space<vmem>>, %arg4: memref<1x40xf32, #tpu.memory_space<vmem>>, %arg5: memref<1000x40xf32, #tpu.memory_space<vmem>>) attributes {dimension_semantics = [#tpu.dimension_semantics<arbitrary>], iteration_bounds = array<i64: 10>, scalar_prefetch = 0 : i64, scratch_operands = 0 : i64, tpu.core_type = #tpu.core_type<tc>, window_params = [{transform_indices = @transform_0, window_bounds = array<i64: 2, 1000, 40>}, {transform_indices = @transform_1, window_bounds = array<i64: 1000, 40>}, {transform_indices = @transform_2, window_bounds = array<i64: 1000, 1>}, {pipeline_mode = #tpu.pipeline_mode<synchronous>, transform_indices = @transform_3, window_bounds = array<i64: 1, 40>}, {transform_indices = @transform_4, window_bounds = array<i64: 1000, 40>}]} {
    %get3A = arith.constant 0 : index
    %get3A_0 = arith.constant 0 : index
    %get3A_1 = vector.load %arg3[%get3A, %get3A_0] : memref<1000x1xf32, #tpu.memory_space<vmem>>, vector<1000x1xf32>
    %get3A_2 = arith.constant 0 : index
    %get3A_3 = arith.constant 0 : index
    %get3A_4 = arith.constant 0 : index
    %get3A_5 = vector.load %arg1[%get3A_2, %get3A_3, %get3A_4] : memref<2x1000x40xf32, #tpu.memory_space<vmem>>, vector<1x1000x40xf32>
    %get3A_6 = vector.shape_cast %get3A_5 : vector<1x1000x40xf32> to vector<1000x40xf32>
    %get3A_7 = arith.constant 1 : index
    %get3A_8 = arith.constant 0 : index
    %get3A_9 = arith.constant 0 : index
    %get3A_10 = vector.load %arg1[%get3A_7, %get3A_8, %get3A_9] : memref<2x1000x40xf32, #tpu.memory_space<vmem>>, vector<1x1000x40xf32>
    %get3A_11 = vector.shape_cast %get3A_10 : vector<1x1000x40xf32> to vector<1000x40xf32>
    %add3A = arith.addf %get3A_6, %get3A_11 : vector<1000x40xf32>
    %get3A_12 = arith.constant 0 : index
    %get3A_13 = arith.constant 0 : index
    %get3A_14 = vector.load %arg2[%get3A_12, %get3A_13] : memref<1000x40xf32, #tpu.memory_space<vmem>>, vector<1000x40xf32>
    %add3A_15 = arith.addf %add3A, %get3A_14 : vector<1000x40xf32>
    %mul3A = vector.broadcast %get3A_1 : vector<1000x1xf32> to vector<1000x40xf32>
    %mul3A_16 = arith.mulf %mul3A, %add3A_15 : vector<1000x40xf32>
    %get3A_17 = arith.constant 0 : index
    %get3A_18 = arith.constant 0 : index
    %get3A_19 = vector.load %arg4[%get3A_17, %get3A_18] : memref<1x40xf32, #tpu.memory_space<vmem>>, vector<1x40xf32>
    %add3A_20 = vector.broadcast %get3A_19 : vector<1x40xf32> to vector<1000x40xf32>
    %add3A_21 = arith.addf %mul3A_16, %add3A_20 : vector<1000x40xf32>
    %swap3A = arith.constant 0 : index
    %swap3A_22 = arith.constant 0 : index
    %swap3A_23 = vector.load %arg5[%swap3A, %swap3A_22] : memref<1000x40xf32, #tpu.memory_space<vmem>>, vector<1000x40xf32>
    tpu.vector_store %arg5[%swap3A, %swap3A_22], %add3A_21 {strides = array<i32>} : memref<1000x40xf32, #tpu.memory_space<vmem>>, vector<1000x40xf32>,
    return
  }
  func.func @transform_0(%arg0: i32) -> (i32, i32, i32) {
    %c0_i32 = arith.constant 0 : i32
    %c0_i32_0 = arith.constant 0 : i32
    %c0_i32_1 = arith.constant 0 : i32
    return %c0_i32, %arg0, %c0_i32_0 : i32, i32, i32
  }
  func.func @transform_1(%arg0: i32) -> (i32, i32) {
    %c0_i32 = arith.constant 0 : i32
    %c0_i32_0 = arith.constant 0 : i32
    return %arg0, %c0_i32 : i32, i32
  }
  func.func @transform_2(%arg0: i32) -> (i32, i32) {
    %c0_i32 = arith.constant 0 : i32
    %c0_i32_0 = arith.constant 0 : i32
    return %arg0, %c0_i32 : i32, i32
  }
  func.func @transform_3(%arg0: i32) -> (i32, i32) {
    %c0_i32 = arith.constant 0 : i32
    %c0_i32_0 = arith.constant 0 : i32
    %c0_i32_1 = arith.constant 0 : i32
    return %c0_i32, %c0_i32_0 : i32, i32
  }
  func.func @transform_4(%arg0: i32) -> (i32, i32) {
    %c0_i32 = arith.constant 0 : i32
    %c0_i32_0 = arith.constant 0 : i32
    return %arg0, %c0_i32 : i32, i32
  }
}

</mosaic_0001>

<sc_bundles>
// kernel: sc_seg_sum_d40.4.cloned.1.call-start
scs
__scs_entry_jumppad:
0x0: {  	(pc) =	sbr.rel $0x88, $3  }
0x1: {  	(tag) =	ssettag $0x0;
	lr =	simm.s32 $0x1  }
0x2: {  	[smem:$0x3F97] =	sst lr;
	_ =	strace $0xD0000000  }
0x3: {  	_ = 	snop  }
0x4: {  	_ = 	snop  }
0x5: {  	_ = 	snop  }
0x6: {  	_ = 	snop  }
0x7: {  	_ = 	snop  }
__scs_overlays_trampoline_lowered:
0x8: {  	[smem:$0x3FA6] =	sst s0  }
0x9: {  	[smem:$0x3FA7] =	sst s1  }
0xa: {  	[smem:$0x3FA8] =	sst s2  }
0xb: {  	[smem:$0x3FA9] =	sst s3  }
0xc: {  	[smem:$0x3FAA] =	sst s4  }
0xd: {  	[smem:$0x3FAB] =	sst s5  }
0xe: {  	[smem:$0x3FAC] =	sst s6  }
0xf: {  	[smem:$0x3FAD] =	sst s7  }
0x10: {  	[smem:$0x3FAE] =	sst s8  }
0x11: {  	[smem:$0x3FAF] =	sst s9;
	s0 =	simm.s32 @!p0 $0x0  }
0x12: {  	s1 =	sld [smem:$0x3F95];
	s0 =	simm.s32 @p0 $0x1  }
0x13: {  	[smem:$0x3FB0] =	sst s0;
	s0 =	simm.s32 @!p1 $0x0  }
0x14: {  	s2 =	sld [smem:$0x3F94];
	s0 =	simm.s32 @p1 $0x1  }
0x15: {  	[smem:$0x3FB1] =	sst s0;
	s0 =	simm.s32 @!p2 $0x0  }
0x16: {  	s3 =	sld [smem:$0x3FDB];
	s0 =	simm.s32 @p2 $0x1  }
0x17: {  	s4 =	simm.s32 $0x1BF5;
	[smem:$0x3FB3] =	sst s0  }
0x18: {  	s0 =	sld [smem:$0x3F96];
	_ =	swait.ge [sflag:s4], $0x0  }
0x19: {  	s7 =	sld [smem:$0x3F97]  }
0x1a: {  	s8 =	sadd.s32 $0xFFFFE003, lr  }
0x1b: {  	s9 =	sadd.s32 $0xFFFFFEF7, lr;
	s5 =	simm.s32 $0xFFFFFFFF;
	p2 =	slt.u32 s8, $0xFFFFF086  }
0x1c: {  	p1 =	slt.u32 s9, $0xF7A;
	s5 =	simm.s32 @!p2 $0x0  }
0x1d: {  	s5 =	simm.s32 @p1 $0x1;
	p0 =	seq.s32 s7, s2  }
0x1e: {  	s7 =	smul.u32 @!p0 $0xF7A, s2;
	p2 =	seq.s32 @!p0 s5, $0x0  }
0x1f: {  	s9 =	smul.u32 $0xF7A, s1;
	s8 =	simm.s32 @!p0 $0x1BF5;
	p2 =	por !p2, p0  }
0x20: {  	[sflag:s8] =	ssyncset.s32 @!p0 $0xFFFFF086;
	s6 =	sadd.s32 @!p0 s3, s7;
	s7 =	simm.s32 @!p0 $0x108  }
0x21: {  	s3 =	sadd.s32 s3, s9;
	s6 =	sadd.s32 @!p0 $0x88, s6;
	s7 =	simm.s32 @p2 $0x1082  }
0x22: {  	[simem:s7], [sflag:s8] =	dma.local @!p0 [hbm:s6], $0xF7A  }
0x23: {  	s9 =	sor.u32 $0xD0000000, s2;
	s6 =	simm.s32 $0x108;
	_ =	swait.ge @!p0 [sflag:s8], $0x0  }
0x24: {  	s3 =	sadd.s32 $0x88, s3;
	s6 =	simm.s32 @!p1 $0x1082;
	[sflag:s4] =	ssyncset.s32 $0xFFFFF086  }
0x25: {  	[simem:s6], [sflag:s4] =	dma.local [hbm:s3], $0xF7A  }
0x26: {  	[smem:$0x3F97] =	sst s1;
	(tag) =	ssettag s2;
	_ =	strace s9  }
0x27: {  	s1 =	sld [smem:$0x3FA7]  }
0x28: {  	s2 =	sld [smem:$0x3FA8]  }
0x29: {  	s4 =	sld [smem:$0x3FAA]  }
0x2a: {  	p0 =	seq.s32 s5, $0x0;
	s5 =	sld [smem:$0x3FAB]  }
0x2b: {  	s6 =	sld [smem:$0x3FAC]  }
0x2c: {  	s7 =	sld [smem:$0x3FAD]  }
0x2d: {  	s3 =	simm.s32 $0x108;
	s8 =	sld [smem:$0x3FAE]  }
0x2e: {  	s3 =	simm.s32 @!p0 $0x1082;
	s9 =	sld [smem:$0x3FAF]  }
0x2f: {  	lr =	sadd.s32 s0, s3;
	s0 =	sld [smem:$0x3FA6]  }
0x30: {  	s3 =	sld [smem:$0x3FA9]  }
0x31: {  	[smem:$0x3FB2] =	sst s10  }
0x32: {  	s10 =	sld [smem:$0x3FB0];
	_ =	sdelay $0x3  }
0x33: {  	p0 =	seq.s32 s10, $0x1;
	s10 =	sld [smem:$0x3FB2];
	_ =	sdelay $0x3  }
0x34: {  	[smem:$0x3FB2] =	sst s10  }
0x35: {  	s10 =	sld [smem:$0x3FB1];
	_ =	sdelay $0x3  }
0x36: {  	p1 =	seq.s32 s10, $0x1;
	s10 =	sld [smem:$0x3FB2];
	_ =	sdelay $0x3  }
0x37: {  	[smem:$0x3FB2] =	sst s10  }
0x38: {  	s10 =	sld [smem:$0x3FB3]  }
0x39: {  	_ = 	snop;
	(pc) =	sbr.ind lr, $3  }
0x3a: {  	_ = 	snop  }
0x3b: {  	_ = 	snop  }
0x3c: {  	p2 =	seq.s32 s10, $0x1;
	s10 =	sld [smem:$0x3FB2]  }
0x3d: {  	_ =	shalt  }
0x3e: {  	_ =	shalt  }
0x3f: {  	_ =	shalt  }
0x40: {  	_ =	shalt  }
0x41: {  	_ =	shalt  }
0x42: {  	_ =	shalt  }
0x43: {  	_ =	shalt  }
0x44: {  	_ =	shalt  }
0x45: {  	_ =	shalt  }
0x46: {  	_ =	shalt  }
0x47: {  	_ =	shalt  }
0x48: {  	_ =	shalt  }
0x49: {  	_ =	shalt  }
0x4a: {  	_ =	shalt  }
0x4b: {  	_ =	shalt  }
0x4c: {  	_ =	shalt  }
0x4d: {  	_ =	shalt  }
0x4e: {  	_ =	shalt  }
0x4f: {  	_ =	shalt  }
0x50: {  	_ =	shalt  }
0x51: {  	_ =	shalt  }
0x52: {  	_ =	shalt  }
0x53: {  	_ =	shalt  }
0x54: {  	_ =	shalt  }
0x55: {  	_ =	shalt  }
0x56: {  	_ =	shalt  }
0x57: {  	_ =	shalt  }
0x58: {  	_ =	shalt  }
0x59: {  	_ =	shalt  }
0x5a: {  	_ =	shalt  }
0x5b: {  	_ =	shalt  }
0x5c: {  	_ =	shalt  }
0x5d: {  	_ =	shalt  }
0x5e: {  	_ =	shalt  }
0x5f: {  	_ =	shalt  }
0x60: {  	_ =	shalt  }
0x61: {  	_ =	shalt  }
0x62: {  	_ =	shalt  }
0x63: {  	_ =	shalt  }
0x64: {  	_ =	shalt  }
0x65: {  	_ =	shalt  }
0x66: {  	_ =	shalt  }
0x67: {  	_ =	shalt  }
0x68: {  	_ =	shalt  }
0x69: {  	_ =	shalt  }
0x6a: {  	_ =	shalt  }
0x6b: {  	_ =	shalt  }
0x6c: {  	_ =	shalt  }
0x6d: {  	_ =	shalt  }
0x6e: {  	_ =	shalt  }
0x6f: {  	_ =	shalt  }
0x70: {  	_ =	shalt  }
0x71: {  	_ =	shalt  }
0x72: {  	_ =	shalt  }
0x73: {  	_ =	shalt  }
0x74: {  	_ =	shalt  }
0x75: {  	_ =	shalt  }
0x76: {  	_ =	shalt  }
0x77: {  	_ =	shalt  }
0x78: {  	_ =	shalt  }
0x79: {  	_ =	shalt  }
0x7a: {  	_ =	shalt  }
0x7b: {  	_ =	shalt  }
0x7c: {  	_ =	shalt  }
0x7d: {  	_ =	shalt  }
0x7e: {  	_ =	shalt  }
0x7f: {  	_ =	shalt  }
0x80: {  	_ =	shalt  }
0x81: {  	_ =	shalt  }
0x82: {  	_ =	shalt  }
0x83: {  	_ =	shalt  }
0x84: {  	_ =	shalt  }
0x85: {  	_ =	shalt  }
0x86: {  	_ =	shalt  }
0x87: {  	_ =	shalt  }
.Lfunc_end0:
.L_simem_size_0:
called_computation.2_lowered:
.L_overlay_start_0:
0x88: {  	s2 =	sld [smem:$0x3FD9]  }
0x89: {  	s3 =	sld [smem:$0x3FFE];
	_ =	sdelay $0x1  }
0x8a: {  	s1 =	srdreg.scid  }
0x8b: {  	s0 =	sand.u32 $0x1, s1  }
0x8c: {  	s17 =	sshll.u32 s0, $0xA;
	s2 =	sadd.s32 s3, s2  }
0x8d: {  	s2 =	sadd.s32 s2, s17  }
0x8e: {  	[smem:$0x3FBE] =	sst s2  }
0x8f: {  	_ = 	snop  }
0x90: {  	s2 =	sld [smem:$0x3FD0];
	(tm) =	ssettm $0x1  }
0x91: {  	s18 =	sld [smem:$0x3FFB];
	_ =	sdelay $0x3  }
0x92: {  	_ =	strace s18  }
0x93: {  	s3 =	sld [smem:$0x3FFC];
	_ =	sdelay $0x3  }
0x94: {  	_ =	strace s3  }
0x95: {  	s3 =	sld [smem:$0x3FFD];
	_ =	sdelay $0x3  }
0x96: {  	_ =	strace s3  }
0x97: {  	_ =	strace $0x8FFFFFFF  }
0x98: {  	s19 =	sld [smem:$0x3FDB];
	_ =	sdelay $0x1  }
0x99: {  	s4 =	simm.s32 $_scs_section_size  }
0x9a: {  	s5 =	simm.s32 $_size__tile_overlayer_lowered;
	s6 =	simm.s32 $_tile_overlayer_lowered  }
0x9b: {  	s22 =	simm.s32 $0x1BFF;
	s21 =	sshll.u32 s6, $0x1;
	s3 =	sadd.s32 s4, s19  }
0x9c: {  	s7 =	simm.s32 $0x0;
	s20 =	sshll.u32 s5, $0x1;
	s5 =	sadd.s32 s21, s3  }
0x9d: {  	[timem:s7], [sflag:s22] =	dma.local [hbm:s5], s20  }
0x9e: {  	_ =	swait.ge [sflag:s22], s20  }
0x9f: {  	s4 =	ssub.s32 $0x0, s20;
	[sflag:s22] =	ssyncset.done $0x0  }
0xa0: {  	[sflag:s22] =	ssyncadd.s32 s4;
	_ =	sdelay $0x1  }
0xa1: {  	s23 =	simm.s32 $0x1B8B  }
0xa2: {  	_ =	swait.ge [sflag:s23], $0x1  }
0xa3: {  	[sflag:s23] =	ssyncset.done $0x0  }
0xa4: {  	s25 =	simm.s32 $0x1B8E;
	s24 =	sld [smem:$0x3FFE];
	[sflag:s23] =	ssyncadd.s32 $0xFFFFFFFF  }
0xa5: {  	s26 =	simm.s32 $execute0_lowered;
	[smem:$0x3FD2] =	sst s25  }
0xa6: {  	s5 =	sshll.u32 s26, $0x1;
	_ =	strace $0x8000004C;
	[dreg:$0x1] =	wrdreg $0xFFFFFFFF  }
0xa7: {  	s28 =	simm.s32 $_size_execute0_lowered;
	s3 =	sadd.s32 s3, s5;
	[dreg:$0x0] =	wrdreg $0x0  }
0xa8: {  	s5 =	sshll.u32 s28, $0x1;
	[dreg:$0x2] =	wrdreg s3  }
0xa9: {  	[dreg:$0x3] =	wrdreg s5  }
0xaa: {  	[dreg:$0x4] =	wrdreg $0xC0  }
0xab: {  	_ =	task [dreg:s7], $0x5FFFF  }
0xac: {  	[dreg:$0x1] =	wrdreg $0xFFFFFFFF  }
0xad: {  	[dreg:$0x0] =	wrdreg $0x60  }
0xae: {  	[dreg:$0x2] =	wrdreg s2  }
0xaf: {  	[dreg:$0x3] =	wrdreg s24  }
0xb0: {  	[dreg:$0x4] =	wrdreg $0x0  }
0xb1: {  	[dreg:$0x5] =	wrdreg $0x9  }
0xb2: {  	_ =	task.clear_ibuf [dreg:s7], $0x6FFFF;
	_ =	strace $0x9000004C  }
0xb3: {  	s29 =	simm.s32 $0x9;
	_ =	strace $0x8000004E  }
0xb4: {  	_ =	swait.ge [sflag:s29], $0x1  }
0xb5: {  	[sflag:s29] =	ssyncadd.s32 $0xFFFFFFFF  }
0xb6: {  	_ =	strace $0x9000004E  }
0xb7: {  	_ =	sfence  }
0xb8: {  	s30 =	sld [smem:$0x0];
	_ =	sdelay $0x2  }
0xb9: {  	s31 =	sshll.u32 s1, $0xD;
	s1 =	sshrl.u32 s1, $0x2  }
0xba: {  	s3 =	sand.u32 $0x4000, s31;
	s1 =	sadd.s32 s1, s30  }
0xbb: {  	s0 =	sor.u32 s3, s0;
	s1 =	sshll.u32 s1, $0x11  }
0xbc: {  	s0 =	sor.u32 s1, s0  }
0xbd: {  	s0 =	sadd.s32 $0x8F2B, s0  }
0xbe: {  	[sflag:s0] =	ssyncadd.remote.s32 $0x1  }
0xbf: {  	_ =	sfence.sel $0xFFFF  }
0xc0: {  	[dreg:$0x0] =	wrdreg $0xFFFFFFFF;
	(pc) =	sbr.abs _section_cstart, $3  }
0xc1: {  	[dreg:$0x1] =	wrdreg $0xFFFFFFFF  }
0xc2: {  	_ =	task.clear_ibuf [dreg:s7], $0x2FFFF;
	_ =	strace $0x9FFFFFFF  }
0xc3: {  	(tm) =	ssettm $0x7FFFFFFF  }
tec
execute0_lowered:
.L_overlay_start_1:
0x0: {  	(tag) =	ssettag $0x1  }
0x1: {  	s1 =	rddreg [dreg:$0x0]  }
0x2: {  	s6 =	rddreg [dreg:$0x1]  }
0x3: {  	s0 =	srdreg.scid;
	s3 =	rddreg [dreg:$0x2]  }
0x4: {  	s4 =	simm.s32 $0x0;
	s14 =	simm.s32 $0xF0A0;
	s15 =	simm.s32 $0x2  }
0x5: {  	s16 =	simm.s32 $0x6400;
	s17 =	simm.s32 $0x8B10;
	s18 =	simm.s32 $0x50  }
0x6: {  	s19 =	simm.s32 $0xB220;
	s20 =	simm.s32 $0xBEA0;
	s21 =	simm.s32 $0xCB20  }
0x7: {  	s22 =	simm.s32 $0xD7A0;
	s5 =	sand.u32 $0x1, s0;
	s0 =	stileid.u32  }
0x8: {  	s23 =	simm.s32 $0xE420;
	s24 =	simm.s32 $0x1;
	s8 =	smul.u32 $0x6400, s0  }
0x9: {  	s25 =	simm.s32 $0x0;
	s2 =	sshll.u32 s5, $0x4;
	s9 =	smul.u32 $0x64000, s5  }
0xa: {  	s10 =	smul.u32 $0x19000, s0;
	s5 =	ssub.s32 $0x2, s5;
	s2 =	sor.u32 s0, s2  }
0xb: {  	[smem:$0x7FF] =	sst s4;
	s30 =	sshrl.u32 s5, $0x1;
	s7 =	smul.u32 $0x4E2, s2  }
0xc: {  	s2 =	rddreg [dreg:$0x3];
	_ =	strace $0x8000004D;
	s29 =	sadd.s32 s8, s9  }
0xd: {  	s10 =	sshrl.u32 s10, $0x2;
	s13 =	ssub.s32 s5, s30;
	s5 =	sadd.s32 s8, s3  }
0xe: {  	s31 =	sadd.s32 s10, s3;
	s13 =	smax.u32 s13, $0x1;
	s11 =	sadd.s32 s7, s6  }
0xf: {  	s7 =	sshrl.u32 s29, $0x3;
	s8 =	sadd.s32 $0x3C00, s31;
	s9 =	sadd.s32 $0x5000, s31  }
0x10: {  	s12 =	sadd.s32 s7, s6;
	s6 =	sadd.s32 $0x1400, s31;
	s7 =	sadd.s32 $0x2800, s31  }
0x11: {  	v0 =	vimm.f32 $0.0e+00;
	s10 =	sadd.s32 $0xC000, s11;
	s11 =	sadd.s32 $0x2200, s11;
	s12 =	sadd.s32 $0x15E00, s12  }
.LBB2_1:
0x12: {  	s26 =	simm.s32 $0x0  }
0x13: {  	s26 =	smul.u32 $0xA0, s26;
	_ =	sdelay $0x1  }
0x14: {  	s28 =	sand.u32 $0x10, s4;
	s26 =	sshra.s32 s26, $0x2  }
0x15: {  	s28 =	sadd.s32 s28, s26  }
0x16: {  	s26 =	simm.s32 $0x1;
	[tilespmem:s28+$0xF0A0] =	vst v0;
	s28 =	simm.s32 $0x0  }
.LBB2_2:
0x17: {  	s29 =	sshrl.u32 s26, $0x1  }
0x18: {  	p0 =	sne.s32 s26, $0xFF;
	s26 =	sadd.s32 $0x1, s26;
	s29 =	smul.u32 $0xA0, s29  }
.Ltmp0:
0x19: {  	(pc) =	sbr.rel @p0 .LBB2_2-.Ltmp0, $4  }
0x1a: {  	s28 =	sadd.s32 $0x10, s28  }
0x1b: {  	s30 =	sand.u32 $0x10, s28;
	s29 =	sshra.s32 s29, $0x2  }
0x1c: {  	s29 =	sadd.s32 s30, s29  }
0x1d: {  	[tilespmem:s29+$0xF0A0] =	vst v0  }
0x1e: {  	[spmem:s5] =	stream.linear.scatter [tilespmem:s14], [sflag:$0x2], $0x1400, $0x38;
	[tilespmem:$0x104A0] =	vst v63  }
0x1f: {  	_ =	swait.ge [sflag:s15], $0x1400  }
0x20: {  	[sflag:s15] =	ssyncset.done $0x0  }
0x21: {  	[sflag:s15] =	ssyncadd.s32 $0xFFFFEC00  }
0x22: {  	[spmem:s6] =	stream.linear.scatter [tilespmem:s14], [sflag:$0x2], $0x1400, $0x38;
	[tilespmem:$0x104A0] =	vst v63  }
0x23: {  	_ =	swait.ge [sflag:s15], $0x1400  }
0x24: {  	[sflag:s15] =	ssyncset.done $0x0  }
0x25: {  	[sflag:s15] =	ssyncadd.s32 $0xFFFFEC00  }
0x26: {  	[spmem:s7] =	stream.linear.scatter [tilespmem:s14], [sflag:$0x2], $0x1400, $0x38;
	[tilespmem:$0x104A0] =	vst v63  }
0x27: {  	_ =	swait.ge [sflag:s15], $0x1400  }
0x28: {  	[sflag:s15] =	ssyncset.done $0x0  }
0x29: {  	[sflag:s15] =	ssyncadd.s32 $0xFFFFEC00  }
0x2a: {  	[spmem:s8] =	stream.linear.scatter [tilespmem:s14], [sflag:$0x2], $0x1400, $0x38;
	[tilespmem:$0x104A0] =	vst v63  }
0x2b: {  	_ =	swait.ge [sflag:s15], $0x1400  }
0x2c: {  	[sflag:s15] =	ssyncset.done $0x0  }
0x2d: {  	[sflag:s15] =	ssyncadd.s32 $0xFFFFEC00  }
0x2e: {  	[spmem:s9] =	stream.linear.scatter [tilespmem:s14], [sflag:$0x2], $0x1400, $0x38;
	[tilespmem:$0x104A0] =	vst v63  }
0x2f: {  	_ =	swait.ge [sflag:s15], $0x1400  }
0x30: {  	[sflag:s15] =	ssyncset.done $0x0  }
0x31: {  	s26 =	simm.s32 $0x0;
	[sflag:s15] =	ssyncadd.s32 $0xFFFFEC00  }
0x32: {  	[tilespmem:s16], [sflag:$0x2] =	stream.linear.gather [hbm4b:s10+s26], $0x2710, $0x38;
	[tilespmem:$0x104A0] =	vst v63  }
0x33: {  	_ =	swait.ge [sflag:s15], $0x2710  }
0x34: {  	[sflag:s15] =	ssyncset.done $0x0  }
0x35: {  	[sflag:s15] =	ssyncadd.s32 $0xFFFFD8F0  }
0x36: {  	[tilespmem:s17], [sflag:$0x2] =	stream.linear.gather [hbm4b:s11+s26], $0x2710, $0x38;
	[tilespmem:$0x104A0] =	vst v63  }
0x37: {  	_ =	swait.ge [sflag:s15], $0x2710  }
0x38: {  	[sflag:s15] =	ssyncset.done $0x0  }
0x39: {  	[sflag:s15] =	ssyncadd.s32 $0xFFFFD8F0  }
0x3a: {  	s31 =	simm.s32 $0x6400;
	[bflag:$0x0] =	sbarrier.arrive $0xFFFF  }
0x3b: {  	[tilespmem:s19], [sflag:$0x1] =	stream.indirect.gather [hbm4b:s1+s18], $0x28, s31, s18, $0xb8;
	[tilespmem:$0x104A0] =	vst v63  }
0x3c: {  	s28 =	simm.s32 $0x6450  }
0x3d: {  	[tilespmem:s20], [sflag:$0x1] =	stream.indirect.gather [hbm4b:s1+s18], $0x28, s28, s18, $0xb8;
	[tilespmem:$0x104A0] =	vst v63  }
0x3e: {  	s29 =	simm.s32 $0x64A0  }
0x3f: {  	[tilespmem:s21], [sflag:$0x1] =	stream.indirect.gather [hbm4b:s1+s18], $0x28, s29, s18, $0xb8;
	[tilespmem:$0x104A0] =	vst v63  }
0x40: {  	s31 =	simm.s32 $0x64F0  }
0x41: {  	[tilespmem:s22], [sflag:$0x1] =	stream.indirect.gather [hbm4b:s1+s18], $0x28, s31, s18, $0xb8;
	[tilespmem:$0x104A0] =	vst v63  }
0x42: {  	s28 =	simm.s32 $0x6540  }
0x43: {  	[tilespmem:s23], [sflag:$0x1] =	stream.indirect.gather [hbm4b:s1+s18], $0x28, s28, s18, $0xb8;
	[tilespmem:$0x104A0] =	vst v63  }
0x44: {  	_ =	swait.ge [sflag:s24], $0xC80  }
0x45: {  	[sflag:s24] =	ssyncset.done $0x0  }
0x46: {  	[sflag:s24] =	ssyncadd.s32 $0xFFFFF380  }
0x47: {  	_ =	swait.ge [sflag:s24], $0xC80  }
0x48: {  	[sflag:s24] =	ssyncset.done $0x0  }
0x49: {  	[sflag:s24] =	ssyncadd.s32 $0xFFFFF380  }
0x4a: {  	_ =	swait.ge [sflag:s24], $0xC80  }
0x4b: {  	[sflag:s24] =	ssyncset.done $0x0  }
0x4c: {  	[sflag:s24] =	ssyncadd.s32 $0xFFFFF380  }
0x4d: {  	_ =	swait.ge [sflag:s24], $0xC80  }
0x4e: {  	[sflag:s24] =	ssyncset.done $0x0  }
0x4f: {  	[sflag:s24] =	ssyncadd.s32 $0xFFFFF380  }
0x50: {  	_ =	swait.ge [sflag:s24], $0xC80  }
0x51: {  	[sflag:s24] =	ssyncset.done $0x0  }
0x52: {  	s29 =	simm.s32 $0x8B10;
	[sflag:s24] =	ssyncadd.s32 $0xFFFFF380  }
0x53: {  	[spmem:s3] =	stream.indirect.scatter.add.f32 [tilespmem:s19], [sflag:$0x2], $0x28, s29, s18, $0xb8;
	[tilespmem:$0x104A0] =	vst v63  }
0x54: {  	_ =	swait.ge [sflag:s15], $0xC80  }
0x55: {  	[sflag:s15] =	ssyncset.done $0x0  }
0x56: {  	s31 =	simm.s32 $0x8B60;
	[sflag:s15] =	ssyncadd.s32 $0xFFFFF380  }
0x57: {  	[spmem:s3] =	stream.indirect.scatter.add.f32 [tilespmem:s20], [sflag:$0x2], $0x28, s31, s18, $0xb8;
	[tilespmem:$0x104A0] =	vst v63  }
0x58: {  	_ =	swait.ge [sflag:s15], $0xC80  }
0x59: {  	[sflag:s15] =	ssyncset.done $0x0  }
0x5a: {  	s28 =	simm.s32 $0x8BB0;
	[sflag:s15] =	ssyncadd.s32 $0xFFFFF380  }
0x5b: {  	[spmem:s3] =	stream.indirect.scatter.add.f32 [tilespmem:s21], [sflag:$0x2], $0x28, s28, s18, $0xb8;
	[tilespmem:$0x104A0] =	vst v63  }
0x5c: {  	_ =	swait.ge [sflag:s15], $0xC80  }
0x5d: {  	[sflag:s15] =	ssyncset.done $0x0  }
0x5e: {  	s29 =	simm.s32 $0x8C00;
	[sflag:s15] =	ssyncadd.s32 $0xFFFFF380  }
0x5f: {  	[spmem:s3] =	stream.indirect.scatter.add.f32 [tilespmem:s22], [sflag:$0x2], $0x28, s29, s18, $0xb8;
	[tilespmem:$0x104A0] =	vst v63  }
0x60: {  	_ =	swait.ge [sflag:s15], $0xC80  }
0x61: {  	[sflag:s15] =	ssyncset.done $0x0  }
0x62: {  	s31 =	simm.s32 $0x8C50;
	[sflag:s15] =	ssyncadd.s32 $0xFFFFF380  }
0x63: {  	[spmem:s3] =	stream.indirect.scatter.add.f32 [tilespmem:s23], [sflag:$0x2], $0x28, s31, s18, $0xb8;
	[tilespmem:$0x104A0] =	vst v63  }
0x64: {  	_ =	swait.ge [sflag:s15], $0xC80  }
0x65: {  	s30 =	simm.s32 $0xC80;
	s26 =	simm.s32 $0x190;
	[sflag:s15] =	ssyncset.done $0x0  }
.LBB2_4:
0x66: {  	s31 =	sadd.s32 $0x6400, s26  }
0x67: {  	[sflag:s15] =	ssyncadd.s32 $0xFFFFF380;
	s29 =	smov.u32 s30;
	s28 =	sadd.s32 $0x640, s30  }
0x68: {  	[tilespmem:s19], [sflag:$0x1] =	stream.indirect.gather [hbm4b:s1+s18], $0x28, s31, s18, $0xb8;
	[tilespmem:$0x104A0] =	vst v63  }
0x69: {  	p0 =	sne.s32 s30, $0x9600;
	s30 =	sadd.s32 $0x6450, s26  }
0x6a: {  	[tilespmem:s20], [sflag:$0x1] =	stream.indirect.gather [hbm4b:s1+s18], $0x28, s30, s18, $0xb8;
	[tilespmem:$0x104A0] =	vst v63  }
0x6b: {  	s30 =	sadd.s32 $0x64A0, s26  }
0x6c: {  	[tilespmem:s21], [sflag:$0x1] =	stream.indirect.gather [hbm4b:s1+s18], $0x28, s30, s18, $0xb8;
	[tilespmem:$0x104A0] =	vst v63  }
0x6d: {  	s30 =	sadd.s32 $0x64F0, s26  }
0x6e: {  	[tilespmem:s22], [sflag:$0x1] =	stream.indirect.gather [hbm4b:s1+s18], $0x28, s30, s18, $0xb8;
	[tilespmem:$0x104A0] =	vst v63  }
0x6f: {  	s30 =	sadd.s32 $0x6540, s26  }
0x70: {  	[tilespmem:s23], [sflag:$0x1] =	stream.indirect.gather [hbm4b:s1+s18], $0x28, s30, s18, $0xb8;
	[tilespmem:$0x104A0] =	vst v63  }
0x71: {  	_ =	swait.ge [sflag:s24], $0xC80  }
0x72: {  	[sflag:s24] =	ssyncset.done $0x0  }
0x73: {  	[sflag:s24] =	ssyncadd.s32 $0xFFFFF380  }
0x74: {  	_ =	swait.ge [sflag:s24], $0xC80  }
0x75: {  	[sflag:s24] =	ssyncset.done $0x0  }
0x76: {  	[sflag:s24] =	ssyncadd.s32 $0xFFFFF380  }
0x77: {  	_ =	swait.ge [sflag:s24], $0xC80  }
0x78: {  	[sflag:s24] =	ssyncset.done $0x0  }
0x79: {  	[sflag:s24] =	ssyncadd.s32 $0xFFFFF380  }
0x7a: {  	_ =	swait.ge [sflag:s24], $0xC80  }
0x7b: {  	[sflag:s24] =	ssyncset.done $0x0  }
0x7c: {  	[sflag:s24] =	ssyncadd.s32 $0xFFFFF380  }
0x7d: {  	_ =	swait.ge [sflag:s24], $0xC80  }
0x7e: {  	[sflag:s24] =	ssyncset.done $0x0  }
0x7f: {  	s30 =	sadd.s32 $0x8B10, s26;
	[sflag:s24] =	ssyncadd.s32 $0xFFFFF380  }
0x80: {  	[spmem:s3] =	stream.indirect.scatter.add.f32 [tilespmem:s19], [sflag:$0x2], $0x28, s30, s18, $0xb8;
	[tilespmem:$0x104A0] =	vst v63  }
0x81: {  	_ =	swait.ge [sflag:s15], $0xC80  }
0x82: {  	[sflag:s15] =	ssyncset.done $0x0  }
0x83: {  	s30 =	sadd.s32 $0x8B60, s26;
	[sflag:s15] =	ssyncadd.s32 $0xFFFFF380  }
0x84: {  	[spmem:s3] =	stream.indirect.scatter.add.f32 [tilespmem:s20], [sflag:$0x2], $0x28, s30, s18, $0xb8;
	[tilespmem:$0x104A0] =	vst v63  }
0x85: {  	_ =	swait.ge [sflag:s15], $0xC80  }
0x86: {  	[sflag:s15] =	ssyncset.done $0x0  }
0x87: {  	s30 =	sadd.s32 $0x8BB0, s26;
	[sflag:s15] =	ssyncadd.s32 $0xFFFFF380  }
0x88: {  	[spmem:s3] =	stream.indirect.scatter.add.f32 [tilespmem:s21], [sflag:$0x2], $0x28, s30, s18, $0xb8;
	[tilespmem:$0x104A0] =	vst v63  }
0x89: {  	_ =	swait.ge [sflag:s15], $0xC80  }
0x8a: {  	[sflag:s15] =	ssyncset.done $0x0  }
0x8b: {  	s30 =	sadd.s32 $0x8C00, s26;
	[sflag:s15] =	ssyncadd.s32 $0xFFFFF380  }
0x8c: {  	[spmem:s3] =	stream.indirect.scatter.add.f32 [tilespmem:s22], [sflag:$0x2], $0x28, s30, s18, $0xb8;
	[tilespmem:$0x104A0] =	vst v63  }
0x8d: {  	_ =	swait.ge [sflag:s15], $0xC80  }
.Ltmp1:
0x8e: {  	[sflag:s15] =	ssyncset.done $0x0;
	(pc) =	sbr.rel @p0 .LBB2_4-.Ltmp1, $4  }
0x8f: {  	s26 =	sadd.s32 $0x8C50, s26;
	[sflag:s15] =	ssyncadd.s32 $0xFFFFF380  }
0x90: {  	[spmem:s3] =	stream.indirect.scatter.add.f32 [tilespmem:s23], [sflag:$0x2], $0x28, s26, s18, $0xb8;
	[tilespmem:$0x104A0] =	vst v63  }
0x91: {  	_ =	swait.ge [sflag:s15], $0xC80  }
0x92: {  	s30 =	smov.u32 s28;
	s26 =	sshra.s32 s29, $0x2;
	[sflag:s15] =	ssyncset.done $0x0  }
0x93: {  	s28 =	sadd.s32 $0x6400, s26;
	[sflag:s15] =	ssyncadd.s32 $0xFFFFF380  }
0x94: {  	[tilespmem:s19], [sflag:$0x1] =	stream.indirect.gather [hbm4b:s1+s18], $0x28, s28, s18, $0xb8;
	[tilespmem:$0x104A0] =	vst v63  }
0x95: {  	s30 =	sadd.s32 $0x6450, s26  }
0x96: {  	[tilespmem:s20], [sflag:$0x1] =	stream.indirect.gather [hbm4b:s1+s18], $0x28, s30, s18, $0xb8;
	[tilespmem:$0x104A0] =	vst v63  }
0x97: {  	s31 =	sadd.s32 $0x64A0, s26  }
0x98: {  	[tilespmem:s21], [sflag:$0x1] =	stream.indirect.gather [hbm4b:s1+s18], $0x28, s31, s18, $0xb8;
	[tilespmem:$0x104A0] =	vst v63  }
0x99: {  	s29 =	sadd.s32 $0x64F0, s26  }
0x9a: {  	[tilespmem:s22], [sflag:$0x1] =	stream.indirect.gather [hbm4b:s1+s18], $0x28, s29, s18, $0xb8;
	[tilespmem:$0x104A0] =	vst v63  }
0x9b: {  	s30 =	sadd.s32 $0x6540, s26  }
0x9c: {  	[tilespmem:s23], [sflag:$0x1] =	stream.indirect.gather [hbm4b:s1+s18], $0x28, s30, s18, $0xb8;
	[tilespmem:$0x104A0] =	vst v63  }
0x9d: {  	_ =	swait.ge [sflag:s24], $0xC80  }
0x9e: {  	[sflag:s24] =	ssyncset.done $0x0  }
0x9f: {  	[sflag:s24] =	ssyncadd.s32 $0xFFFFF380  }
0xa0: {  	_ =	swait.ge [sflag:s24], $0xC80  }
0xa1: {  	[sflag:s24] =	ssyncset.done $0x0  }
0xa2: {  	[sflag:s24] =	ssyncadd.s32 $0xFFFFF380  }
0xa3: {  	_ =	swait.ge [sflag:s24], $0xC80  }
0xa4: {  	[sflag:s24] =	ssyncset.done $0x0  }
0xa5: {  	[sflag:s24] =	ssyncadd.s32 $0xFFFFF380  }
0xa6: {  	_ =	swait.ge [sflag:s24], $0xC80  }
0xa7: {  	[sflag:s24] =	ssyncset.done $0x0  }
0xa8: {  	[sflag:s24] =	ssyncadd.s32 $0xFFFFF380  }
0xa9: {  	_ =	swait.ge [sflag:s24], $0xC80  }
0xaa: {  	[sflag:s24] =	ssyncset.done $0x0  }
0xab: {  	s31 =	sadd.s32 $0x8B10, s26;
	[sflag:s24] =	ssyncadd.s32 $0xFFFFF380  }
0xac: {  	[spmem:s3] =	stream.indirect.scatter.add.f32 [tilespmem:s19], [sflag:$0x2], $0x28, s31, s18, $0xb8;
	[tilespmem:$0x104A0] =	vst v63  }
0xad: {  	_ =	swait.ge [sflag:s15], $0xC80  }
0xae: {  	[sflag:s15] =	ssyncset.done $0x0  }
0xaf: {  	s29 =	sadd.s32 $0x8B60, s26;
	[sflag:s15] =	ssyncadd.s32 $0xFFFFF380  }
0xb0: {  	[spmem:s3] =	stream.indirect.scatter.add.f32 [tilespmem:s20], [sflag:$0x2], $0x28, s29, s18, $0xb8;
	[tilespmem:$0x104A0] =	vst v63  }
0xb1: {  	_ =	swait.ge [sflag:s15], $0xC80  }
0xb2: {  	[sflag:s15] =	ssyncset.done $0x0  }
0xb3: {  	s30 =	sadd.s32 $0x8BB0, s26;
	[sflag:s15] =	ssyncadd.s32 $0xFFFFF380  }
0xb4: {  	[spmem:s3] =	stream.indirect.scatter.add.f32 [tilespmem:s21], [sflag:$0x2], $0x28, s30, s18, $0xb8;
	[tilespmem:$0x104A0] =	vst v63  }
0xb5: {  	_ =	swait.ge [sflag:s15], $0xC80  }
0xb6: {  	[sflag:s15] =	ssyncset.done $0x0  }
0xb7: {  	s31 =	sadd.s32 $0x8C00, s26;
	[sflag:s15] =	ssyncadd.s32 $0xFFFFF380  }
0xb8: {  	[spmem:s3] =	stream.indirect.scatter.add.f32 [tilespmem:s22], [sflag:$0x2], $0x28, s31, s18, $0xb8;
	[tilespmem:$0x104A0] =	vst v63  }
0xb9: {  	_ =	swait.ge [sflag:s15], $0xC80  }
0xba: {  	[sflag:s15] =	ssyncset.done $0x0  }
0xbb: {  	s29 =	sadd.s32 $0x8C50, s26;
	[sflag:s15] =	ssyncadd.s32 $0xFFFFF380  }
0xbc: {  	[spmem:s3] =	stream.indirect.scatter.add.f32 [tilespmem:s23], [sflag:$0x2], $0x28, s29, s18, $0xb8;
	[tilespmem:$0x104A0] =	vst v63  }
0xbd: {  	_ =	swait.ge [sflag:s15], $0xC80  }
0xbe: {  	s25 =	sadd.s32 $0x1, s25;
	s30 =	sshll.u32 s0, $0x6;
	[sflag:s15] =	ssyncset.done $0x0  }
0xbf: {  	p0 =	sne.s32 s25, s13;
	s26 =	sor.u32 $0x1C02, s30;
	[sflag:s15] =	ssyncadd.s32 $0xFFFFF380  }
.Ltmp2:
0xc0: {  	s31 =	sshrl.u32 s5, $0x3;
	[bflag:$0x0] =	sbarrier.arrive $0xFFFF;
	(pc) =	sbr.rel @p0 .LBB2_1-.Ltmp2, $4  }
0xc1: {  	[hbm:s12], [sflag:s26] =	dma.local [spmem:s31], $0xC80  }
0xc2: {  	_ =	swait.ge [sflag:s15], $0xC80  }
0xc3: {  	[sflag:s15] =	ssyncset.done $0x0  }
0xc4: {  	[sflag:s15] =	ssyncadd.s32 $0xFFFFF380  }
0xc5: {  	_ =	sfence.sel $0x180000  }
0xc6: {  	[bflag:$0x0] =	sbarrier.arrive $0xFFFF  }
0xc7: {  	p0 =	sne.s32 s0, $0x0;
	_ =	strace $0x9000004D  }
0xc8: {  	s0 =	sadd.s32 @!p0 $0x100000, s2;
	[bflag:$0x2] =	sbarrier.arrive $0xFFFF  }
0xc9: {  	[sflag:s0] =	ssyncadd.tile.s32 @!p0 $0x1;
	_ =	shalt  }
.Lfunc_end2:
_tile_overlayer_lowered:
.L_overlay_start_2:
0xca: {  	(tag) =	ssettag $0x2  }
0xcb: {  	s0 =	rddreg [dreg:$0x0];
	s2 =	stileid.u32  }
0xcc: {  	s1 =	rddreg [dreg:$0x1];
	p0 =	sne.s32 s2, $0x0  }
0xcd: {  	s3 =	rddreg [dreg:$0x2];
	[bflag:$0x3] =	sbarrier.arrive $0xFFFF;
	s2 =	simm.s32 @!p0 $0x1C02  }
0xce: {  	[timem:s3], [sflag:s2] =	dma.local @!p0 [hbm:s0], s1  }
0xcf: {  	s0 =	simm.s32 @!p0 $0x2  }
0xd0: {  	_ =	swait.ge @!p0 [sflag:s0], s1  }
0xd1: {  	s1 =	ssub.s32 @!p0 $0x0, s1;
	[sflag:s0] =	ssyncset.done @!p0 $0x0  }
0xd2: {  	[sflag:s0] =	ssyncadd.s32 @!p0 s1  }
0xd3: {  	[bflag:$0x3] =	sbarrier.arrive $0xFFFF  }
0xd4: {  	_ =	shalt  }

// kernel: sc_seg_sum_d40.7.cloned.1.call-start
scs
__scs_entry_jumppad:
0x0: {  	(pc) =	sbr.rel $0x88, $3  }
0x1: {  	(tag) =	ssettag $0x0;
	lr =	simm.s32 $0x1  }
0x2: {  	[smem:$0x3F97] =	sst lr;
	_ =	strace $0xD0000000  }
0x3: {  	_ = 	snop  }
0x4: {  	_ = 	snop  }
0x5: {  	_ = 	snop  }
0x6: {  	_ = 	snop  }
0x7: {  	_ = 	snop  }
__scs_overlays_trampoline_lowered:
0x8: {  	[smem:$0x3FA6] =	sst s0  }
0x9: {  	[smem:$0x3FA7] =	sst s1  }
0xa: {  	[smem:$0x3FA8] =	sst s2  }
0xb: {  	[smem:$0x3FA9] =	sst s3  }
0xc: {  	[smem:$0x3FAA] =	sst s4  }
0xd: {  	[smem:$0x3FAB] =	sst s5  }
0xe: {  	[smem:$0x3FAC] =	sst s6  }
0xf: {  	[smem:$0x3FAD] =	sst s7  }
0x10: {  	[smem:$0x3FAE] =	sst s8  }
0x11: {  	[smem:$0x3FAF] =	sst s9;
	s0 =	simm.s32 @!p0 $0x0  }
0x12: {  	s1 =	sld [smem:$0x3F95];
	s0 =	simm.s32 @p0 $0x1  }
0x13: {  	[smem:$0x3FB0] =	sst s0;
	s0 =	simm.s32 @!p1 $0x0  }
0x14: {  	s2 =	sld [smem:$0x3F94];
	s0 =	simm.s32 @p1 $0x1  }
0x15: {  	[smem:$0x3FB1] =	sst s0;
	s0 =	simm.s32 @!p2 $0x0  }
0x16: {  	s3 =	sld [smem:$0x3FDB];
	s0 =	simm.s32 @p2 $0x1  }
0x17: {  	s4 =	simm.s32 $0x1BF5;
	[smem:$0x3FB3] =	sst s0  }
0x18: {  	s0 =	sld [smem:$0x3F96];
	_ =	swait.ge [sflag:s4], $0x0  }
0x19: {  	s7 =	sld [smem:$0x3F97]  }
0x1a: {  	s8 =	sadd.s32 $0xFFFFE003, lr  }
0x1b: {  	s9 =	sadd.s32 $0xFFFFFEF7, lr;
	s5 =	simm.s32 $0xFFFFFFFF;
	p2 =	slt.u32 s8, $0xFFFFF086  }
0x1c: {  	p1 =	slt.u32 s9, $0xF7A;
	s5 =	simm.s32 @!p2 $0x0  }
0x1d: {  	s5 =	simm.s32 @p1 $0x1;
	p0 =	seq.s32 s7, s2  }
0x1e: {  	s7 =	smul.u32 @!p0 $0xF7A, s2;
	p2 =	seq.s32 @!p0 s5, $0x0  }
0x1f: {  	s9 =	smul.u32 $0xF7A, s1;
	s8 =	simm.s32 @!p0 $0x1BF5;
	p2 =	por !p2, p0  }
0x20: {  	[sflag:s8] =	ssyncset.s32 @!p0 $0xFFFFF086;
	s6 =	sadd.s32 @!p0 s3, s7;
	s7 =	simm.s32 @!p0 $0x108  }
0x21: {  	s3 =	sadd.s32 s3, s9;
	s6 =	sadd.s32 @!p0 $0x88, s6;
	s7 =	simm.s32 @p2 $0x1082  }
0x22: {  	[simem:s7], [sflag:s8] =	dma.local @!p0 [hbm:s6], $0xF7A  }
0x23: {  	s9 =	sor.u32 $0xD0000000, s2;
	s6 =	simm.s32 $0x108;
	_ =	swait.ge @!p0 [sflag:s8], $0x0  }
0x24: {  	s3 =	sadd.s32 $0x88, s3;
	s6 =	simm.s32 @!p1 $0x1082;
	[sflag:s4] =	ssyncset.s32 $0xFFFFF086  }
0x25: {  	[simem:s6], [sflag:s4] =	dma.local [hbm:s3], $0xF7A  }
0x26: {  	[smem:$0x3F97] =	sst s1;
	(tag) =	ssettag s2;
	_ =	strace s9  }
0x27: {  	s1 =	sld [smem:$0x3FA7]  }
0x28: {  	s2 =	sld [smem:$0x3FA8]  }
0x29: {  	s4 =	sld [smem:$0x3FAA]  }
0x2a: {  	p0 =	seq.s32 s5, $0x0;
	s5 =	sld [smem:$0x3FAB]  }
0x2b: {  	s6 =	sld [smem:$0x3FAC]  }
0x2c: {  	s7 =	sld [smem:$0x3FAD]  }
0x2d: {  	s3 =	simm.s32 $0x108;
	s8 =	sld [smem:$0x3FAE]  }
0x2e: {  	s3 =	simm.s32 @!p0 $0x1082;
	s9 =	sld [smem:$0x3FAF]  }
0x2f: {  	lr =	sadd.s32 s0, s3;
	s0 =	sld [smem:$0x3FA6]  }
0x30: {  	s3 =	sld [smem:$0x3FA9]  }
0x31: {  	[smem:$0x3FB2] =	sst s10  }
0x32: {  	s10 =	sld [smem:$0x3FB0];
	_ =	sdelay $0x3  }
0x33: {  	p0 =	seq.s32 s10, $0x1;
	s10 =	sld [smem:$0x3FB2];
	_ =	sdelay $0x3  }
0x34: {  	[smem:$0x3FB2] =	sst s10  }
0x35: {  	s10 =	sld [smem:$0x3FB1];
	_ =	sdelay $0x3  }
0x36: {  	p1 =	seq.s32 s10, $0x1;
	s10 =	sld [smem:$0x3FB2];
	_ =	sdelay $0x3  }
0x37: {  	[smem:$0x3FB2] =	sst s10  }
0x38: {  	s10 =	sld [smem:$0x3FB3]  }
0x39: {  	_ = 	snop;
	(pc) =	sbr.ind lr, $3  }
0x3a: {  	_ = 	snop  }
0x3b: {  	_ = 	snop  }
0x3c: {  	p2 =	seq.s32 s10, $0x1;
	s10 =	sld [smem:$0x3FB2]  }
0x3d: {  	_ =	shalt  }
0x3e: {  	_ =	shalt  }
0x3f: {  	_ =	shalt  }
0x40: {  	_ =	shalt  }
0x41: {  	_ =	shalt  }
0x42: {  	_ =	shalt  }
0x43: {  	_ =	shalt  }
0x44: {  	_ =	shalt  }
0x45: {  	_ =	shalt  }
0x46: {  	_ =	shalt  }
0x47: {  	_ =	shalt  }
0x48: {  	_ =	shalt  }
0x49: {  	_ =	shalt  }
0x4a: {  	_ =	shalt  }
0x4b: {  	_ =	shalt  }
0x4c: {  	_ =	shalt  }
0x4d: {  	_ =	shalt  }
0x4e: {  	_ =	shalt  }
0x4f: {  	_ =	shalt  }
0x50: {  	_ =	shalt  }
0x51: {  	_ =	shalt  }
0x52: {  	_ =	shalt  }
0x53: {  	_ =	shalt  }
0x54: {  	_ =	shalt  }
0x55: {  	_ =	shalt  }
0x56: {  	_ =	shalt  }
0x57: {  	_ =	shalt  }
0x58: {  	_ =	shalt  }
0x59: {  	_ =	shalt  }
0x5a: {  	_ =	shalt  }
0x5b: {  	_ =	shalt  }
0x5c: {  	_ =	shalt  }
0x5d: {  	_ =	shalt  }
0x5e: {  	_ =	shalt  }
0x5f: {  	_ =	shalt  }
0x60: {  	_ =	shalt  }
0x61: {  	_ =	shalt  }
0x62: {  	_ =	shalt  }
0x63: {  	_ =	shalt  }
0x64: {  	_ =	shalt  }
0x65: {  	_ =	shalt  }
0x66: {  	_ =	shalt  }
0x67: {  	_ =	shalt  }
0x68: {  	_ =	shalt  }
0x69: {  	_ =	shalt  }
0x6a: {  	_ =	shalt  }
0x6b: {  	_ =	shalt  }
0x6c: {  	_ =	shalt  }
0x6d: {  	_ =	shalt  }
0x6e: {  	_ =	shalt  }
0x6f: {  	_ =	shalt  }
0x70: {  	_ =	shalt  }
0x71: {  	_ =	shalt  }
0x72: {  	_ =	shalt  }
0x73: {  	_ =	shalt  }
0x74: {  	_ =	shalt  }
0x75: {  	_ =	shalt  }
0x76: {  	_ =	shalt  }
0x77: {  	_ =	shalt  }
0x78: {  	_ =	shalt  }
0x79: {  	_ =	shalt  }
0x7a: {  	_ =	shalt  }
0x7b: {  	_ =	shalt  }
0x7c: {  	_ =	shalt  }
0x7d: {  	_ =	shalt  }
0x7e: {  	_ =	shalt  }
0x7f: {  	_ =	shalt  }
0x80: {  	_ =	shalt  }
0x81: {  	_ =	shalt  }
0x82: {  	_ =	shalt  }
0x83: {  	_ =	shalt  }
0x84: {  	_ =	shalt  }
0x85: {  	_ =	shalt  }
0x86: {  	_ =	shalt  }
0x87: {  	_ =	shalt  }
.Lfunc_end0:
.L_simem_size_0:
called_computation.3_lowered:
.L_overlay_start_0:
0x88: {  	s2 =	sld [smem:$0x3FD9]  }
0x89: {  	s3 =	sld [smem:$0x3FFE];
	_ =	sdelay $0x1  }
0x8a: {  	s1 =	srdreg.scid  }
0x8b: {  	s0 =	sand.u32 $0x1, s1  }
0x8c: {  	s17 =	sshll.u32 s0, $0xA;
	s2 =	sadd.s32 s3, s2  }
0x8d: {  	s2 =	sadd.s32 s2, s17  }
0x8e: {  	[smem:$0x3FBE] =	sst s2  }
0x8f: {  	_ = 	snop  }
0x90: {  	s2 =	sld [smem:$0x3FD0];
	(tm) =	ssettm $0x1  }
0x91: {  	s18 =	sld [smem:$0x3FFB];
	_ =	sdelay $0x3  }
0x92: {  	_ =	strace s18  }
0x93: {  	s3 =	sld [smem:$0x3FFC];
	_ =	sdelay $0x3  }
0x94: {  	_ =	strace s3  }
0x95: {  	s3 =	sld [smem:$0x3FFD];
	_ =	sdelay $0x3  }
0x96: {  	_ =	strace s3  }
0x97: {  	_ =	strace $0x8FFFFFFF  }
0x98: {  	s19 =	sld [smem:$0x3FDB];
	_ =	sdelay $0x1  }
0x99: {  	s4 =	simm.s32 $_scs_section_size  }
0x9a: {  	s5 =	simm.s32 $_size__tile_overlayer_lowered;
	s6 =	simm.s32 $_tile_overlayer_lowered  }
0x9b: {  	s22 =	simm.s32 $0x1BFF;
	s21 =	sshll.u32 s6, $0x1;
	s3 =	sadd.s32 s4, s19  }
0x9c: {  	s7 =	simm.s32 $0x0;
	s20 =	sshll.u32 s5, $0x1;
	s5 =	sadd.s32 s21, s3  }
0x9d: {  	[timem:s7], [sflag:s22] =	dma.local [hbm:s5], s20  }
0x9e: {  	_ =	swait.ge [sflag:s22], s20  }
0x9f: {  	s4 =	ssub.s32 $0x0, s20;
	[sflag:s22] =	ssyncset.done $0x0  }
0xa0: {  	[sflag:s22] =	ssyncadd.s32 s4;
	_ =	sdelay $0x1  }
0xa1: {  	s23 =	simm.s32 $0x1B8B  }
0xa2: {  	_ =	swait.ge [sflag:s23], $0x1  }
0xa3: {  	[sflag:s23] =	ssyncset.done $0x0  }
0xa4: {  	s25 =	simm.s32 $0x1B8E;
	s24 =	sld [smem:$0x3FFE];
	[sflag:s23] =	ssyncadd.s32 $0xFFFFFFFF  }
0xa5: {  	s26 =	simm.s32 $execute0_lowered;
	[smem:$0x3FD2] =	sst s25  }
0xa6: {  	s5 =	sshll.u32 s26, $0x1;
	_ =	strace $0x8000004F;
	[dreg:$0x1] =	wrdreg $0xFFFFFFFF  }
0xa7: {  	s28 =	simm.s32 $_size_execute0_lowered;
	s3 =	sadd.s32 s3, s5;
	[dreg:$0x0] =	wrdreg $0x0  }
0xa8: {  	s5 =	sshll.u32 s28, $0x1;
	[dreg:$0x2] =	wrdreg s3  }
0xa9: {  	[dreg:$0x3] =	wrdreg s5  }
0xaa: {  	[dreg:$0x4] =	wrdreg $0xC0  }
0xab: {  	_ =	task [dreg:s7], $0x5FFFF  }
0xac: {  	[dreg:$0x1] =	wrdreg $0xFFFFFFFF  }
0xad: {  	[dreg:$0x0] =	wrdreg $0x60  }
0xae: {  	[dreg:$0x2] =	wrdreg s2  }
0xaf: {  	[dreg:$0x3] =	wrdreg s24  }
0xb0: {  	[dreg:$0x4] =	wrdreg $0x0  }
0xb1: {  	[dreg:$0x5] =	wrdreg $0x9  }
0xb2: {  	_ =	task.clear_ibuf [dreg:s7], $0x6FFFF;
	_ =	strace $0x9000004F  }
0xb3: {  	s29 =	simm.s32 $0x9;
	_ =	strace $0x80000051  }
0xb4: {  	_ =	swait.ge [sflag:s29], $0x1  }
0xb5: {  	[sflag:s29] =	ssyncadd.s32 $0xFFFFFFFF  }
0xb6: {  	_ =	strace $0x90000051  }
0xb7: {  	_ =	sfence  }
0xb8: {  	s30 =	sld [smem:$0x0];
	_ =	sdelay $0x2  }
0xb9: {  	s31 =	sshll.u32 s1, $0xD;
	s1 =	sshrl.u32 s1, $0x2  }
0xba: {  	s3 =	sand.u32 $0x4000, s31;
	s1 =	sadd.s32 s1, s30  }
0xbb: {  	s0 =	sor.u32 s3, s0;
	s1 =	sshll.u32 s1, $0x11  }
0xbc: {  	s0 =	sor.u32 s1, s0  }
0xbd: {  	s0 =	sadd.s32 $0x8F2B, s0  }
0xbe: {  	[sflag:s0] =	ssyncadd.remote.s32 $0x1  }
0xbf: {  	_ =	sfence.sel $0xFFFF  }
0xc0: {  	[dreg:$0x0] =	wrdreg $0xFFFFFFFF;
	(pc) =	sbr.abs _section_cstart, $3  }
0xc1: {  	[dreg:$0x1] =	wrdreg $0xFFFFFFFF  }
0xc2: {  	_ =	task.clear_ibuf [dreg:s7], $0x2FFFF;
	_ =	strace $0x9FFFFFFF  }
0xc3: {  	(tm) =	ssettm $0x7FFFFFFF  }
tec
execute0_lowered:
.L_overlay_start_1:
0x0: {  	(tag) =	ssettag $0x1  }
0x1: {  	s1 =	rddreg [dreg:$0x0]  }
0x2: {  	s6 =	rddreg [dreg:$0x1]  }
0x3: {  	s0 =	srdreg.scid;
	s3 =	rddreg [dreg:$0x2]  }
0x4: {  	s4 =	simm.s32 $0x0;
	s14 =	simm.s32 $0xF0A0;
	s15 =	simm.s32 $0x2  }
0x5: {  	s16 =	simm.s32 $0x6400;
	s17 =	simm.s32 $0x8B10;
	s18 =	simm.s32 $0x50  }
0x6: {  	s19 =	simm.s32 $0xB220;
	s20 =	simm.s32 $0xBEA0;
	s21 =	simm.s32 $0xCB20  }
0x7: {  	s22 =	simm.s32 $0xD7A0;
	s5 =	sand.u32 $0x1, s0;
	s0 =	stileid.u32  }
0x8: {  	s23 =	simm.s32 $0xE420;
	s24 =	simm.s32 $0x1;
	s8 =	smul.u32 $0x6400, s0  }
0x9: {  	s25 =	simm.s32 $0x0;
	s2 =	sshll.u32 s5, $0x4;
	s9 =	smul.u32 $0x64000, s5  }
0xa: {  	s10 =	smul.u32 $0x19000, s0;
	s5 =	ssub.s32 $0x2, s5;
	s2 =	sor.u32 s0, s2  }
0xb: {  	[smem:$0x7FF] =	sst s4;
	s30 =	sshrl.u32 s5, $0x1;
	s7 =	smul.u32 $0x4E2, s2  }
0xc: {  	s2 =	rddreg [dreg:$0x3];
	_ =	strace $0x80000050;
	s29 =	sadd.s32 s8, s9  }
0xd: {  	s10 =	sshrl.u32 s10, $0x2;
	s13 =	ssub.s32 s5, s30;
	s5 =	sadd.s32 s8, s3  }
0xe: {  	s31 =	sadd.s32 s10, s3;
	s13 =	smax.u32 s13, $0x1;
	s11 =	sadd.s32 s7, s6  }
0xf: {  	s7 =	sshrl.u32 s29, $0x3;
	s8 =	sadd.s32 $0x3C00, s31;
	s9 =	sadd.s32 $0x5000, s31  }
0x10: {  	s12 =	sadd.s32 s7, s6;
	s6 =	sadd.s32 $0x1400, s31;
	s7 =	sadd.s32 $0x2800, s31  }
0x11: {  	v0 =	vimm.f32 $0.0e+00;
	s10 =	sadd.s32 $0xC000, s11;
	s11 =	sadd.s32 $0x2200, s11;
	s12 =	sadd.s32 $0x15E00, s12  }
.LBB2_1:
0x12: {  	s26 =	simm.s32 $0x0  }
0x13: {  	s26 =	smul.u32 $0xA0, s26;
	_ =	sdelay $0x1  }
0x14: {  	s28 =	sand.u32 $0x10, s4;
	s26 =	sshra.s32 s26, $0x2  }
0x15: {  	s28 =	sadd.s32 s28, s26  }
0x16: {  	s26 =	simm.s32 $0x1;
	[tilespmem:s28+$0xF0A0] =	vst v0;
	s28 =	simm.s32 $0x0  }
.LBB2_2:
0x17: {  	s29 =	sshrl.u32 s26, $0x1  }
0x18: {  	p0 =	sne.s32 s26, $0xFF;
	s26 =	sadd.s32 $0x1, s26;
	s29 =	smul.u32 $0xA0, s29  }
.Ltmp0:
0x19: {  	(pc) =	sbr.rel @p0 .LBB2_2-.Ltmp0, $4  }
0x1a: {  	s28 =	sadd.s32 $0x10, s28  }
0x1b: {  	s30 =	sand.u32 $0x10, s28;
	s29 =	sshra.s32 s29, $0x2  }
0x1c: {  	s29 =	sadd.s32 s30, s29  }
0x1d: {  	[tilespmem:s29+$0xF0A0] =	vst v0  }
0x1e: {  	[spmem:s5] =	stream.linear.scatter [tilespmem:s14], [sflag:$0x2], $0x1400, $0x38;
	[tilespmem:$0x104A0] =	vst v63  }
0x1f: {  	_ =	swait.ge [sflag:s15], $0x1400  }
0x20: {  	[sflag:s15] =	ssyncset.done $0x0  }
0x21: {  	[sflag:s15] =	ssyncadd.s32 $0xFFFFEC00  }
0x22: {  	[spmem:s6] =	stream.linear.scatter [tilespmem:s14], [sflag:$0x2], $0x1400, $0x38;
	[tilespmem:$0x104A0] =	vst v63  }
0x23: {  	_ =	swait.ge [sflag:s15], $0x1400  }
0x24: {  	[sflag:s15] =	ssyncset.done $0x0  }
0x25: {  	[sflag:s15] =	ssyncadd.s32 $0xFFFFEC00  }
0x26: {  	[spmem:s7] =	stream.linear.scatter [tilespmem:s14], [sflag:$0x2], $0x1400, $0x38;
	[tilespmem:$0x104A0] =	vst v63  }
0x27: {  	_ =	swait.ge [sflag:s15], $0x1400  }
0x28: {  	[sflag:s15] =	ssyncset.done $0x0  }
0x29: {  	[sflag:s15] =	ssyncadd.s32 $0xFFFFEC00  }
0x2a: {  	[spmem:s8] =	stream.linear.scatter [tilespmem:s14], [sflag:$0x2], $0x1400, $0x38;
	[tilespmem:$0x104A0] =	vst v63  }
0x2b: {  	_ =	swait.ge [sflag:s15], $0x1400  }
0x2c: {  	[sflag:s15] =	ssyncset.done $0x0  }
0x2d: {  	[sflag:s15] =	ssyncadd.s32 $0xFFFFEC00  }
0x2e: {  	[spmem:s9] =	stream.linear.scatter [tilespmem:s14], [sflag:$0x2], $0x1400, $0x38;
	[tilespmem:$0x104A0] =	vst v63  }
0x2f: {  	_ =	swait.ge [sflag:s15], $0x1400  }
0x30: {  	[sflag:s15] =	ssyncset.done $0x0  }
0x31: {  	s26 =	simm.s32 $0x0;
	[sflag:s15] =	ssyncadd.s32 $0xFFFFEC00  }
0x32: {  	[tilespmem:s16], [sflag:$0x2] =	stream.linear.gather [hbm4b:s10+s26], $0x2710, $0x38;
	[tilespmem:$0x104A0] =	vst v63  }
0x33: {  	_ =	swait.ge [sflag:s15], $0x2710  }
0x34: {  	[sflag:s15] =	ssyncset.done $0x0  }
0x35: {  	[sflag:s15] =	ssyncadd.s32 $0xFFFFD8F0  }
0x36: {  	[tilespmem:s17], [sflag:$0x2] =	stream.linear.gather [hbm4b:s11+s26], $0x2710, $0x38;
	[tilespmem:$0x104A0] =	vst v63  }
0x37: {  	_ =	swait.ge [sflag:s15], $0x2710  }
0x38: {  	[sflag:s15] =	ssyncset.done $0x0  }
0x39: {  	[sflag:s15] =	ssyncadd.s32 $0xFFFFD8F0  }
0x3a: {  	s31 =	simm.s32 $0x6400;
	[bflag:$0x0] =	sbarrier.arrive $0xFFFF  }
0x3b: {  	[tilespmem:s19], [sflag:$0x1] =	stream.indirect.gather [hbm4b:s1+s18], $0x28, s31, s18, $0xb8;
	[tilespmem:$0x104A0] =	vst v63  }
0x3c: {  	s28 =	simm.s32 $0x6450  }
0x3d: {  	[tilespmem:s20], [sflag:$0x1] =	stream.indirect.gather [hbm4b:s1+s18], $0x28, s28, s18, $0xb8;
	[tilespmem:$0x104A0] =	vst v63  }
0x3e: {  	s29 =	simm.s32 $0x64A0  }
0x3f: {  	[tilespmem:s21], [sflag:$0x1] =	stream.indirect.gather [hbm4b:s1+s18], $0x28, s29, s18, $0xb8;
	[tilespmem:$0x104A0] =	vst v63  }
0x40: {  	s31 =	simm.s32 $0x64F0  }
0x41: {  	[tilespmem:s22], [sflag:$0x1] =	stream.indirect.gather [hbm4b:s1+s18], $0x28, s31, s18, $0xb8;
	[tilespmem:$0x104A0] =	vst v63  }
0x42: {  	s28 =	simm.s32 $0x6540  }
0x43: {  	[tilespmem:s23], [sflag:$0x1] =	stream.indirect.gather [hbm4b:s1+s18], $0x28, s28, s18, $0xb8;
	[tilespmem:$0x104A0] =	vst v63  }
0x44: {  	_ =	swait.ge [sflag:s24], $0xC80  }
0x45: {  	[sflag:s24] =	ssyncset.done $0x0  }
0x46: {  	[sflag:s24] =	ssyncadd.s32 $0xFFFFF380  }
0x47: {  	_ =	swait.ge [sflag:s24], $0xC80  }
0x48: {  	[sflag:s24] =	ssyncset.done $0x0  }
0x49: {  	[sflag:s24] =	ssyncadd.s32 $0xFFFFF380  }
0x4a: {  	_ =	swait.ge [sflag:s24], $0xC80  }
0x4b: {  	[sflag:s24] =	ssyncset.done $0x0  }
0x4c: {  	[sflag:s24] =	ssyncadd.s32 $0xFFFFF380  }
0x4d: {  	_ =	swait.ge [sflag:s24], $0xC80  }
0x4e: {  	[sflag:s24] =	ssyncset.done $0x0  }
0x4f: {  	[sflag:s24] =	ssyncadd.s32 $0xFFFFF380  }
0x50: {  	_ =	swait.ge [sflag:s24], $0xC80  }
0x51: {  	[sflag:s24] =	ssyncset.done $0x0  }
0x52: {  	s29 =	simm.s32 $0x8B10;
	[sflag:s24] =	ssyncadd.s32 $0xFFFFF380  }
0x53: {  	[spmem:s3] =	stream.indirect.scatter.add.f32 [tilespmem:s19], [sflag:$0x2], $0x28, s29, s18, $0xb8;
	[tilespmem:$0x104A0] =	vst v63  }
0x54: {  	_ =	swait.ge [sflag:s15], $0xC80  }
0x55: {  	[sflag:s15] =	ssyncset.done $0x0  }
0x56: {  	s31 =	simm.s32 $0x8B60;
	[sflag:s15] =	ssyncadd.s32 $0xFFFFF380  }
0x57: {  	[spmem:s3] =	stream.indirect.scatter.add.f32 [tilespmem:s20], [sflag:$0x2], $0x28, s31, s18, $0xb8;
	[tilespmem:$0x104A0] =	vst v63  }
0x58: {  	_ =	swait.ge [sflag:s15], $0xC80  }
0x59: {  	[sflag:s15] =	ssyncset.done $0x0  }
0x5a: {  	s28 =	simm.s32 $0x8BB0;
	[sflag:s15] =	ssyncadd.s32 $0xFFFFF380  }
0x5b: {  	[spmem:s3] =	stream.indirect.scatter.add.f32 [tilespmem:s21], [sflag:$0x2], $0x28, s28, s18, $0xb8;
	[tilespmem:$0x104A0] =	vst v63  }
0x5c: {  	_ =	swait.ge [sflag:s15], $0xC80  }
0x5d: {  	[sflag:s15] =	ssyncset.done $0x0  }
0x5e: {  	s29 =	simm.s32 $0x8C00;
	[sflag:s15] =	ssyncadd.s32 $0xFFFFF380  }
0x5f: {  	[spmem:s3] =	stream.indirect.scatter.add.f32 [tilespmem:s22], [sflag:$0x2], $0x28, s29, s18, $0xb8;
	[tilespmem:$0x104A0] =	vst v63  }
0x60: {  	_ =	swait.ge [sflag:s15], $0xC80  }
0x61: {  	[sflag:s15] =	ssyncset.done $0x0  }
0x62: {  	s31 =	simm.s32 $0x8C50;
	[sflag:s15] =	ssyncadd.s32 $0xFFFFF380  }
0x63: {  	[spmem:s3] =	stream.indirect.scatter.add.f32 [tilespmem:s23], [sflag:$0x2], $0x28, s31, s18, $0xb8;
	[tilespmem:$0x104A0] =	vst v63  }
0x64: {  	_ =	swait.ge [sflag:s15], $0xC80  }
0x65: {  	s30 =	simm.s32 $0xC80;
	s26 =	simm.s32 $0x190;
	[sflag:s15] =	ssyncset.done $0x0  }
.LBB2_4:
0x66: {  	s31 =	sadd.s32 $0x6400, s26  }
0x67: {  	[sflag:s15] =	ssyncadd.s32 $0xFFFFF380;
	s29 =	smov.u32 s30;
	s28 =	sadd.s32 $0x640, s30  }
0x68: {  	[tilespmem:s19], [sflag:$0x1] =	stream.indirect.gather [hbm4b:s1+s18], $0x28, s31, s18, $0xb8;
	[tilespmem:$0x104A0] =	vst v63  }
0x69: {  	p0 =	sne.s32 s30, $0x9600;
	s30 =	sadd.s32 $0x6450, s26  }
0x6a: {  	[tilespmem:s20], [sflag:$0x1] =	stream.indirect.gather [hbm4b:s1+s18], $0x28, s30, s18, $0xb8;
	[tilespmem:$0x104A0] =	vst v63  }
0x6b: {  	s30 =	sadd.s32 $0x64A0, s26  }
0x6c: {  	[tilespmem:s21], [sflag:$0x1] =	stream.indirect.gather [hbm4b:s1+s18], $0x28, s30, s18, $0xb8;
	[tilespmem:$0x104A0] =	vst v63  }
0x6d: {  	s30 =	sadd.s32 $0x64F0, s26  }
0x6e: {  	[tilespmem:s22], [sflag:$0x1] =	stream.indirect.gather [hbm4b:s1+s18], $0x28, s30, s18, $0xb8;
	[tilespmem:$0x104A0] =	vst v63  }
0x6f: {  	s30 =	sadd.s32 $0x6540, s26  }
0x70: {  	[tilespmem:s23], [sflag:$0x1] =	stream.indirect.gather [hbm4b:s1+s18], $0x28, s30, s18, $0xb8;
	[tilespmem:$0x104A0] =	vst v63  }
0x71: {  	_ =	swait.ge [sflag:s24], $0xC80  }
0x72: {  	[sflag:s24] =	ssyncset.done $0x0  }
0x73: {  	[sflag:s24] =	ssyncadd.s32 $0xFFFFF380  }
0x74: {  	_ =	swait.ge [sflag:s24], $0xC80  }
0x75: {  	[sflag:s24] =	ssyncset.done $0x0  }
0x76: {  	[sflag:s24] =	ssyncadd.s32 $0xFFFFF380  }
0x77: {  	_ =	swait.ge [sflag:s24], $0xC80  }
0x78: {  	[sflag:s24] =	ssyncset.done $0x0  }
0x79: {  	[sflag:s24] =	ssyncadd.s32 $0xFFFFF380  }
0x7a: {  	_ =	swait.ge [sflag:s24], $0xC80  }
0x7b: {  	[sflag:s24] =	ssyncset.done $0x0  }
0x7c: {  	[sflag:s24] =	ssyncadd.s32 $0xFFFFF380  }
0x7d: {  	_ =	swait.ge [sflag:s24], $0xC80  }
0x7e: {  	[sflag:s24] =	ssyncset.done $0x0  }
0x7f: {  	s30 =	sadd.s32 $0x8B10, s26;
	[sflag:s24] =	ssyncadd.s32 $0xFFFFF380  }
0x80: {  	[spmem:s3] =	stream.indirect.scatter.add.f32 [tilespmem:s19], [sflag:$0x2], $0x28, s30, s18, $0xb8;
	[tilespmem:$0x104A0] =	vst v63  }
0x81: {  	_ =	swait.ge [sflag:s15], $0xC80  }
0x82: {  	[sflag:s15] =	ssyncset.done $0x0  }
0x83: {  	s30 =	sadd.s32 $0x8B60, s26;
	[sflag:s15] =	ssyncadd.s32 $0xFFFFF380  }
0x84: {  	[spmem:s3] =	stream.indirect.scatter.add.f32 [tilespmem:s20], [sflag:$0x2], $0x28, s30, s18, $0xb8;
	[tilespmem:$0x104A0] =	vst v63  }
0x85: {  	_ =	swait.ge [sflag:s15], $0xC80  }
0x86: {  	[sflag:s15] =	ssyncset.done $0x0  }
0x87: {  	s30 =	sadd.s32 $0x8BB0, s26;
	[sflag:s15] =	ssyncadd.s32 $0xFFFFF380  }
0x88: {  	[spmem:s3] =	stream.indirect.scatter.add.f32 [tilespmem:s21], [sflag:$0x2], $0x28, s30, s18, $0xb8;
	[tilespmem:$0x104A0] =	vst v63  }
0x89: {  	_ =	swait.ge [sflag:s15], $0xC80  }
0x8a: {  	[sflag:s15] =	ssyncset.done $0x0  }
0x8b: {  	s30 =	sadd.s32 $0x8C00, s26;
	[sflag:s15] =	ssyncadd.s32 $0xFFFFF380  }
0x8c: {  	[spmem:s3] =	stream.indirect.scatter.add.f32 [tilespmem:s22], [sflag:$0x2], $0x28, s30, s18, $0xb8;
	[tilespmem:$0x104A0] =	vst v63  }
0x8d: {  	_ =	swait.ge [sflag:s15], $0xC80  }
.Ltmp1:
0x8e: {  	[sflag:s15] =	ssyncset.done $0x0;
	(pc) =	sbr.rel @p0 .LBB2_4-.Ltmp1, $4  }
0x8f: {  	s26 =	sadd.s32 $0x8C50, s26;
	[sflag:s15] =	ssyncadd.s32 $0xFFFFF380  }
0x90: {  	[spmem:s3] =	stream.indirect.scatter.add.f32 [tilespmem:s23], [sflag:$0x2], $0x28, s26, s18, $0xb8;
	[tilespmem:$0x104A0] =	vst v63  }
0x91: {  	_ =	swait.ge [sflag:s15], $0xC80  }
0x92: {  	s30 =	smov.u32 s28;
	s26 =	sshra.s32 s29, $0x2;
	[sflag:s15] =	ssyncset.done $0x0  }
0x93: {  	s28 =	sadd.s32 $0x6400, s26;
	[sflag:s15] =	ssyncadd.s32 $0xFFFFF380  }
0x94: {  	[tilespmem:s19], [sflag:$0x1] =	stream.indirect.gather [hbm4b:s1+s18], $0x28, s28, s18, $0xb8;
	[tilespmem:$0x104A0] =	vst v63  }
0x95: {  	s30 =	sadd.s32 $0x6450, s26  }
0x96: {  	[tilespmem:s20], [sflag:$0x1] =	stream.indirect.gather [hbm4b:s1+s18], $0x28, s30, s18, $0xb8;
	[tilespmem:$0x104A0] =	vst v63  }
0x97: {  	s31 =	sadd.s32 $0x64A0, s26  }
0x98: {  	[tilespmem:s21], [sflag:$0x1] =	stream.indirect.gather [hbm4b:s1+s18], $0x28, s31, s18, $0xb8;
	[tilespmem:$0x104A0] =	vst v63  }
0x99: {  	s29 =	sadd.s32 $0x64F0, s26  }
0x9a: {  	[tilespmem:s22], [sflag:$0x1] =	stream.indirect.gather [hbm4b:s1+s18], $0x28, s29, s18, $0xb8;
	[tilespmem:$0x104A0] =	vst v63  }
0x9b: {  	s30 =	sadd.s32 $0x6540, s26  }
0x9c: {  	[tilespmem:s23], [sflag:$0x1] =	stream.indirect.gather [hbm4b:s1+s18], $0x28, s30, s18, $0xb8;
	[tilespmem:$0x104A0] =	vst v63  }
0x9d: {  	_ =	swait.ge [sflag:s24], $0xC80  }
0x9e: {  	[sflag:s24] =	ssyncset.done $0x0  }
0x9f: {  	[sflag:s24] =	ssyncadd.s32 $0xFFFFF380  }
0xa0: {  	_ =	swait.ge [sflag:s24], $0xC80  }
0xa1: {  	[sflag:s24] =	ssyncset.done $0x0  }
0xa2: {  	[sflag:s24] =	ssyncadd.s32 $0xFFFFF380  }
0xa3: {  	_ =	swait.ge [sflag:s24], $0xC80  }
0xa4: {  	[sflag:s24] =	ssyncset.done $0x0  }
0xa5: {  	[sflag:s24] =	ssyncadd.s32 $0xFFFFF380  }
0xa6: {  	_ =	swait.ge [sflag:s24], $0xC80  }
0xa7: {  	[sflag:s24] =	ssyncset.done $0x0  }
0xa8: {  	[sflag:s24] =	ssyncadd.s32 $0xFFFFF380  }
0xa9: {  	_ =	swait.ge [sflag:s24], $0xC80  }
0xaa: {  	[sflag:s24] =	ssyncset.done $0x0  }
0xab: {  	s31 =	sadd.s32 $0x8B10, s26;
	[sflag:s24] =	ssyncadd.s32 $0xFFFFF380  }
0xac: {  	[spmem:s3] =	stream.indirect.scatter.add.f32 [tilespmem:s19], [sflag:$0x2], $0x28, s31, s18, $0xb8;
	[tilespmem:$0x104A0] =	vst v63  }
0xad: {  	_ =	swait.ge [sflag:s15], $0xC80  }
0xae: {  	[sflag:s15] =	ssyncset.done $0x0  }
0xaf: {  	s29 =	sadd.s32 $0x8B60, s26;
	[sflag:s15] =	ssyncadd.s32 $0xFFFFF380  }
0xb0: {  	[spmem:s3] =	stream.indirect.scatter.add.f32 [tilespmem:s20], [sflag:$0x2], $0x28, s29, s18, $0xb8;
	[tilespmem:$0x104A0] =	vst v63  }
0xb1: {  	_ =	swait.ge [sflag:s15], $0xC80  }
0xb2: {  	[sflag:s15] =	ssyncset.done $0x0  }
0xb3: {  	s30 =	sadd.s32 $0x8BB0, s26;
	[sflag:s15] =	ssyncadd.s32 $0xFFFFF380  }
0xb4: {  	[spmem:s3] =	stream.indirect.scatter.add.f32 [tilespmem:s21], [sflag:$0x2], $0x28, s30, s18, $0xb8;
	[tilespmem:$0x104A0] =	vst v63  }
0xb5: {  	_ =	swait.ge [sflag:s15], $0xC80  }
0xb6: {  	[sflag:s15] =	ssyncset.done $0x0  }
0xb7: {  	s31 =	sadd.s32 $0x8C00, s26;
	[sflag:s15] =	ssyncadd.s32 $0xFFFFF380  }
0xb8: {  	[spmem:s3] =	stream.indirect.scatter.add.f32 [tilespmem:s22], [sflag:$0x2], $0x28, s31, s18, $0xb8;
	[tilespmem:$0x104A0] =	vst v63  }
0xb9: {  	_ =	swait.ge [sflag:s15], $0xC80  }
0xba: {  	[sflag:s15] =	ssyncset.done $0x0  }
0xbb: {  	s29 =	sadd.s32 $0x8C50, s26;
	[sflag:s15] =	ssyncadd.s32 $0xFFFFF380  }
0xbc: {  	[spmem:s3] =	stream.indirect.scatter.add.f32 [tilespmem:s23], [sflag:$0x2], $0x28, s29, s18, $0xb8;
	[tilespmem:$0x104A0] =	vst v63  }
0xbd: {  	_ =	swait.ge [sflag:s15], $0xC80  }
0xbe: {  	s25 =	sadd.s32 $0x1, s25;
	s30 =	sshll.u32 s0, $0x6;
	[sflag:s15] =	ssyncset.done $0x0  }
0xbf: {  	p0 =	sne.s32 s25, s13;
	s26 =	sor.u32 $0x1C02, s30;
	[sflag:s15] =	ssyncadd.s32 $0xFFFFF380  }
.Ltmp2:
0xc0: {  	s31 =	sshrl.u32 s5, $0x3;
	[bflag:$0x0] =	sbarrier.arrive $0xFFFF;
	(pc) =	sbr.rel @p0 .LBB2_1-.Ltmp2, $4  }
0xc1: {  	[hbm:s12], [sflag:s26] =	dma.local [spmem:s31], $0xC80  }
0xc2: {  	_ =	swait.ge [sflag:s15], $0xC80  }
0xc3: {  	[sflag:s15] =	ssyncset.done $0x0  }
0xc4: {  	[sflag:s15] =	ssyncadd.s32 $0xFFFFF380  }
0xc5: {  	_ =	sfence.sel $0x180000  }
0xc6: {  	[bflag:$0x0] =	sbarrier.arrive $0xFFFF  }
0xc7: {  	p0 =	sne.s32 s0, $0x0;
	_ =	strace $0x90000050  }
0xc8: {  	s0 =	sadd.s32 @!p0 $0x100000, s2;
	[bflag:$0x2] =	sbarrier.arrive $0xFFFF  }
0xc9: {  	[sflag:s0] =	ssyncadd.tile.s32 @!p0 $0x1;
	_ =	shalt  }
.Lfunc_end2:
_tile_overlayer_lowered:
.L_overlay_start_2:
0xca: {  	(tag) =	ssettag $0x2  }
0xcb: {  	s0 =	rddreg [dreg:$0x0];
	s2 =	stileid.u32  }
0xcc: {  	s1 =	rddreg [dreg:$0x1];
	p0 =	sne.s32 s2, $0x0  }
0xcd: {  	s3 =	rddreg [dreg:$0x2];
	[bflag:$0x3] =	sbarrier.arrive $0xFFFF;
	s2 =	simm.s32 @!p0 $0x1C02  }
0xce: {  	[timem:s3], [sflag:s2] =	dma.local @!p0 [hbm:s0], s1  }
0xcf: {  	s0 =	simm.s32 @!p0 $0x2  }
0xd0: {  	_ =	swait.ge @!p0 [sflag:s0], s1  }
0xd1: {  	s1 =	ssub.s32 @!p0 $0x0, s1;
	[sflag:s0] =	ssyncset.done @!p0 $0x0  }
0xd2: {  	[sflag:s0] =	ssyncadd.s32 @!p0 s1  }
0xd3: {  	[bflag:$0x3] =	sbarrier.arrive $0xFFFF  }
0xd4: {  	_ =	shalt  }

// kernel: sc_seg_sum_d64.3.cloned.1.call-start
scs
__scs_entry_jumppad:
0x0: {  	(pc) =	sbr.rel $0x88, $3  }
0x1: {  	(tag) =	ssettag $0x0;
	lr =	simm.s32 $0x1  }
0x2: {  	[smem:$0x3F97] =	sst lr;
	_ =	strace $0xD0000000  }
0x3: {  	_ = 	snop  }
0x4: {  	_ = 	snop  }
0x5: {  	_ = 	snop  }
0x6: {  	_ = 	snop  }
0x7: {  	_ = 	snop  }
__scs_overlays_trampoline_lowered:
0x8: {  	[smem:$0x3FA6] =	sst s0  }
0x9: {  	[smem:$0x3FA7] =	sst s1  }
0xa: {  	[smem:$0x3FA8] =	sst s2  }
0xb: {  	[smem:$0x3FA9] =	sst s3  }
0xc: {  	[smem:$0x3FAA] =	sst s4  }
0xd: {  	[smem:$0x3FAB] =	sst s5  }
0xe: {  	[smem:$0x3FAC] =	sst s6  }
0xf: {  	[smem:$0x3FAD] =	sst s7  }
0x10: {  	[smem:$0x3FAE] =	sst s8  }
0x11: {  	[smem:$0x3FAF] =	sst s9;
	s0 =	simm.s32 @!p0 $0x0  }
0x12: {  	s1 =	sld [smem:$0x3F95];
	s0 =	simm.s32 @p0 $0x1  }
0x13: {  	[smem:$0x3FB0] =	sst s0;
	s0 =	simm.s32 @!p1 $0x0  }
0x14: {  	s2 =	sld [smem:$0x3F94];
	s0 =	simm.s32 @p1 $0x1  }
0x15: {  	[smem:$0x3FB1] =	sst s0;
	s0 =	simm.s32 @!p2 $0x0  }
0x16: {  	s3 =	sld [smem:$0x3FDB];
	s0 =	simm.s32 @p2 $0x1  }
0x17: {  	s4 =	simm.s32 $0x1BF5;
	[smem:$0x3FB3] =	sst s0  }
0x18: {  	s0 =	sld [smem:$0x3F96];
	_ =	swait.ge [sflag:s4], $0x0  }
0x19: {  	s7 =	sld [smem:$0x3F97]  }
0x1a: {  	s8 =	sadd.s32 $0xFFFFE003, lr  }
0x1b: {  	s9 =	sadd.s32 $0xFFFFFEF7, lr;
	s5 =	simm.s32 $0xFFFFFFFF;
	p2 =	slt.u32 s8, $0xFFFFF086  }
0x1c: {  	p1 =	slt.u32 s9, $0xF7A;
	s5 =	simm.s32 @!p2 $0x0  }
0x1d: {  	s5 =	simm.s32 @p1 $0x1;
	p0 =	seq.s32 s7, s2  }
0x1e: {  	s7 =	smul.u32 @!p0 $0xF7A, s2;
	p2 =	seq.s32 @!p0 s5, $0x0  }
0x1f: {  	s9 =	smul.u32 $0xF7A, s1;
	s8 =	simm.s32 @!p0 $0x1BF5;
	p2 =	por !p2, p0  }
0x20: {  	[sflag:s8] =	ssyncset.s32 @!p0 $0xFFFFF086;
	s6 =	sadd.s32 @!p0 s3, s7;
	s7 =	simm.s32 @!p0 $0x108  }
0x21: {  	s3 =	sadd.s32 s3, s9;
	s6 =	sadd.s32 @!p0 $0x88, s6;
	s7 =	simm.s32 @p2 $0x1082  }
0x22: {  	[simem:s7], [sflag:s8] =	dma.local @!p0 [hbm:s6], $0xF7A  }
0x23: {  	s9 =	sor.u32 $0xD0000000, s2;
	s6 =	simm.s32 $0x108;
	_ =	swait.ge @!p0 [sflag:s8], $0x0  }
0x24: {  	s3 =	sadd.s32 $0x88, s3;
	s6 =	simm.s32 @!p1 $0x1082;
	[sflag:s4] =	ssyncset.s32 $0xFFFFF086  }
0x25: {  	[simem:s6], [sflag:s4] =	dma.local [hbm:s3], $0xF7A  }
0x26: {  	[smem:$0x3F97] =	sst s1;
	(tag) =	ssettag s2;
	_ =	strace s9  }
0x27: {  	s1 =	sld [smem:$0x3FA7]  }
0x28: {  	s2 =	sld [smem:$0x3FA8]  }
0x29: {  	s4 =	sld [smem:$0x3FAA]  }
0x2a: {  	p0 =	seq.s32 s5, $0x0;
	s5 =	sld [smem:$0x3FAB]  }
0x2b: {  	s6 =	sld [smem:$0x3FAC]  }
0x2c: {  	s7 =	sld [smem:$0x3FAD]  }
0x2d: {  	s3 =	simm.s32 $0x108;
	s8 =	sld [smem:$0x3FAE]  }
0x2e: {  	s3 =	simm.s32 @!p0 $0x1082;
	s9 =	sld [smem:$0x3FAF]  }
0x2f: {  	lr =	sadd.s32 s0, s3;
	s0 =	sld [smem:$0x3FA6]  }
0x30: {  	s3 =	sld [smem:$0x3FA9]  }
0x31: {  	[smem:$0x3FB2] =	sst s10  }
0x32: {  	s10 =	sld [smem:$0x3FB0];
	_ =	sdelay $0x3  }
0x33: {  	p0 =	seq.s32 s10, $0x1;
	s10 =	sld [smem:$0x3FB2];
	_ =	sdelay $0x3  }
0x34: {  	[smem:$0x3FB2] =	sst s10  }
0x35: {  	s10 =	sld [smem:$0x3FB1];
	_ =	sdelay $0x3  }
0x36: {  	p1 =	seq.s32 s10, $0x1;
	s10 =	sld [smem:$0x3FB2];
	_ =	sdelay $0x3  }
0x37: {  	[smem:$0x3FB2] =	sst s10  }
0x38: {  	s10 =	sld [smem:$0x3FB3]  }
0x39: {  	_ = 	snop;
	(pc) =	sbr.ind lr, $3  }
0x3a: {  	_ = 	snop  }
0x3b: {  	_ = 	snop  }
0x3c: {  	p2 =	seq.s32 s10, $0x1;
	s10 =	sld [smem:$0x3FB2]  }
0x3d: {  	_ =	shalt  }
0x3e: {  	_ =	shalt  }
0x3f: {  	_ =	shalt  }
0x40: {  	_ =	shalt  }
0x41: {  	_ =	shalt  }
0x42: {  	_ =	shalt  }
0x43: {  	_ =	shalt  }
0x44: {  	_ =	shalt  }
0x45: {  	_ =	shalt  }
0x46: {  	_ =	shalt  }
0x47: {  	_ =	shalt  }
0x48: {  	_ =	shalt  }
0x49: {  	_ =	shalt  }
0x4a: {  	_ =	shalt  }
0x4b: {  	_ =	shalt  }
0x4c: {  	_ =	shalt  }
0x4d: {  	_ =	shalt  }
0x4e: {  	_ =	shalt  }
0x4f: {  	_ =	shalt  }
0x50: {  	_ =	shalt  }
0x51: {  	_ =	shalt  }
0x52: {  	_ =	shalt  }
0x53: {  	_ =	shalt  }
0x54: {  	_ =	shalt  }
0x55: {  	_ =	shalt  }
0x56: {  	_ =	shalt  }
0x57: {  	_ =	shalt  }
0x58: {  	_ =	shalt  }
0x59: {  	_ =	shalt  }
0x5a: {  	_ =	shalt  }
0x5b: {  	_ =	shalt  }
0x5c: {  	_ =	shalt  }
0x5d: {  	_ =	shalt  }
0x5e: {  	_ =	shalt  }
0x5f: {  	_ =	shalt  }
0x60: {  	_ =	shalt  }
0x61: {  	_ =	shalt  }
0x62: {  	_ =	shalt  }
0x63: {  	_ =	shalt  }
0x64: {  	_ =	shalt  }
0x65: {  	_ =	shalt  }
0x66: {  	_ =	shalt  }
0x67: {  	_ =	shalt  }
0x68: {  	_ =	shalt  }
0x69: {  	_ =	shalt  }
0x6a: {  	_ =	shalt  }
0x6b: {  	_ =	shalt  }
0x6c: {  	_ =	shalt  }
0x6d: {  	_ =	shalt  }
0x6e: {  	_ =	shalt  }
0x6f: {  	_ =	shalt  }
0x70: {  	_ =	shalt  }
0x71: {  	_ =	shalt  }
0x72: {  	_ =	shalt  }
0x73: {  	_ =	shalt  }
0x74: {  	_ =	shalt  }
0x75: {  	_ =	shalt  }
0x76: {  	_ =	shalt  }
0x77: {  	_ =	shalt  }
0x78: {  	_ =	shalt  }
0x79: {  	_ =	shalt  }
0x7a: {  	_ =	shalt  }
0x7b: {  	_ =	shalt  }
0x7c: {  	_ =	shalt  }
0x7d: {  	_ =	shalt  }
0x7e: {  	_ =	shalt  }
0x7f: {  	_ =	shalt  }
0x80: {  	_ =	shalt  }
0x81: {  	_ =	shalt  }
0x82: {  	_ =	shalt  }
0x83: {  	_ =	shalt  }
0x84: {  	_ =	shalt  }
0x85: {  	_ =	shalt  }
0x86: {  	_ =	shalt  }
0x87: {  	_ =	shalt  }
.Lfunc_end0:
.L_simem_size_0:
called_computation.1_lowered:
.L_overlay_start_0:
0x88: {  	s2 =	sld [smem:$0x3FD9]  }
0x89: {  	s3 =	sld [smem:$0x3FFE];
	_ =	sdelay $0x1  }
0x8a: {  	s1 =	srdreg.scid  }
0x8b: {  	s0 =	sand.u32 $0x1, s1  }
0x8c: {  	s16 =	sshll.u32 s0, $0xA;
	s2 =	sadd.s32 s3, s2  }
0x8d: {  	s2 =	sadd.s32 s2, s16  }
0x8e: {  	[smem:$0x3FBE] =	sst s2  }
0x8f: {  	_ = 	snop  }
0x90: {  	(tm) =	ssettm $0x1  }
0x91: {  	s17 =	sld [smem:$0x3FFB];
	_ =	sdelay $0x3  }
0x92: {  	_ =	strace s17  }
0x93: {  	s2 =	sld [smem:$0x3FFC];
	_ =	sdelay $0x3  }
0x94: {  	_ =	strace s2  }
0x95: {  	s2 =	sld [smem:$0x3FFD];
	_ =	sdelay $0x3  }
0x96: {  	_ =	strace s2  }
0x97: {  	_ =	strace $0x8FFFFFFF  }
0x98: {  	s18 =	sld [smem:$0x3FDB];
	_ =	sdelay $0x1  }
0x99: {  	s19 =	simm.s32 $_scs_section_size  }
0x9a: {  	s4 =	simm.s32 $_size__tile_overlayer_lowered;
	s5 =	simm.s32 $_tile_overlayer_lowered  }
0x9b: {  	s22 =	simm.s32 $0x1BFF;
	s21 =	sshll.u32 s5, $0x1;
	s2 =	sadd.s32 s19, s18  }
0x9c: {  	s6 =	simm.s32 $0x0;
	s20 =	sshll.u32 s4, $0x1;
	s4 =	sadd.s32 s21, s2  }
0x9d: {  	[timem:s6], [sflag:s22] =	dma.local [hbm:s4], s20  }
0x9e: {  	_ =	swait.ge [sflag:s22], s20  }
0x9f: {  	s3 =	ssub.s32 $0x0, s20;
	[sflag:s22] =	ssyncset.done $0x0  }
0xa0: {  	[sflag:s22] =	ssyncadd.s32 s3;
	_ =	sdelay $0x1  }
0xa1: {  	s23 =	simm.s32 $0x1B8B  }
0xa2: {  	_ =	swait.ge [sflag:s23], $0x1  }
0xa3: {  	[sflag:s23] =	ssyncset.done $0x0  }
0xa4: {  	s25 =	simm.s32 $0x1B8E;
	s24 =	sld [smem:$0x3FFE];
	[sflag:s23] =	ssyncadd.s32 $0xFFFFFFFF  }
0xa5: {  	s26 =	simm.s32 $execute0_lowered;
	[smem:$0x3FD2] =	sst s25  }
0xa6: {  	s4 =	sshll.u32 s26, $0x1;
	_ =	strace $0x80000046;
	[dreg:$0x1] =	wrdreg $0xFFFFFFFF  }
0xa7: {  	s28 =	simm.s32 $_size_execute0_lowered;
	s2 =	sadd.s32 s2, s4;
	[dreg:$0x0] =	wrdreg $0x0  }
0xa8: {  	s4 =	sshll.u32 s28, $0x1;
	[dreg:$0x2] =	wrdreg s2  }
0xa9: {  	[dreg:$0x3] =	wrdreg s4  }
0xaa: {  	[dreg:$0x4] =	wrdreg $0xC0  }
0xab: {  	_ =	task [dreg:s6], $0x5FFFF  }
0xac: {  	[dreg:$0x1] =	wrdreg $0xFFFFFFFF  }
0xad: {  	[dreg:$0x0] =	wrdreg $0x60  }
0xae: {  	[dreg:$0x2] =	wrdreg s24  }
0xaf: {  	[dreg:$0x3] =	wrdreg $0x0  }
0xb0: {  	[dreg:$0x4] =	wrdreg $0xA  }
0xb1: {  	_ =	task.clear_ibuf [dreg:s6], $0x5FFFF;
	_ =	strace $0x90000046  }
0xb2: {  	s29 =	simm.s32 $0xA;
	_ =	strace $0x80000048  }
0xb3: {  	_ =	swait.ge [sflag:s29], $0x1  }
0xb4: {  	[sflag:s29] =	ssyncadd.s32 $0xFFFFFFFF  }
0xb5: {  	_ =	strace $0x90000048  }
0xb6: {  	_ =	sfence  }
0xb7: {  	s30 =	sld [smem:$0x0];
	_ =	sdelay $0x2  }
0xb8: {  	s31 =	sshll.u32 s1, $0xD;
	s1 =	sshrl.u32 s1, $0x2  }
0xb9: {  	s3 =	sand.u32 $0x4000, s31;
	s1 =	sadd.s32 s1, s30  }
0xba: {  	s0 =	sor.u32 s3, s0;
	s1 =	sshll.u32 s1, $0x11  }
0xbb: {  	s0 =	sor.u32 s1, s0  }
0xbc: {  	s0 =	sadd.s32 $0x8F2B, s0  }
0xbd: {  	[sflag:s0] =	ssyncadd.remote.s32 $0x1  }
0xbe: {  	_ =	sfence.sel $0xFFFF  }
0xbf: {  	[dreg:$0x0] =	wrdreg $0xFFFFFFFF;
	(pc) =	sbr.abs _section_cstart, $3  }
0xc0: {  	[dreg:$0x1] =	wrdreg $0xFFFFFFFF  }
0xc1: {  	_ =	task.clear_ibuf [dreg:s6], $0x2FFFF;
	_ =	strace $0x9FFFFFFF  }
0xc2: {  	(tm) =	ssettm $0x7FFFFFFF  }
0xc3: {  	_ =	shalt  }
tec
execute0_lowered:
.L_overlay_start_1:
0x0: {  	(tag) =	ssettag $0x1  }
0x1: {  	s6 =	rddreg [dreg:$0x0]  }
0x2: {  	s0 =	srdreg.scid;
	s2 =	rddreg [dreg:$0x1];
	s3 =	simm.s32 $0x0  }
0x3: {  	s14 =	simm.s32 $0x15220;
	s15 =	simm.s32 $0x2;
	s16 =	simm.s32 $0xA000  }
0x4: {  	s17 =	simm.s32 $0xC710;
	s18 =	simm.s32 $0x50;
	s19 =	simm.s32 $0xEE20  }
0x5: {  	s20 =	simm.s32 $0x10220;
	s21 =	simm.s32 $0x11620;
	s22 =	simm.s32 $0x12A20  }
0x6: {  	s23 =	simm.s32 $0x13E20;
	s5 =	sand.u32 $0x1, s0;
	s0 =	stileid.u32  }
0x7: {  	s24 =	simm.s32 $0x1;
	s25 =	simm.s32 $0x0;
	s8 =	smul.u32 $0xA000, s0  }
0x8: {  	[smem:$0x7FF] =	sst s3;
	s1 =	sshll.u32 s5, $0x4;
	s9 =	smul.u32 $0xA0000, s5  }
0x9: {  	s10 =	smul.u32 $0x28000, s0;
	s5 =	ssub.s32 $0x2, s5;
	s1 =	sor.u32 s0, s1  }
0xa: {  	s4 =	sadd.s32 $0x15E00, s6;
	s30 =	sshrl.u32 s5, $0x1;
	s7 =	smul.u32 $0x4E2, s1  }
0xb: {  	s1 =	rddreg [dreg:$0x2];
	_ =	strace $0x80000047;
	s29 =	sadd.s32 s8, s9  }
0xc: {  	s10 =	sshrl.u32 s10, $0x2;
	s13 =	ssub.s32 s5, s30;
	s5 =	sadd.s32 s8, s2  }
0xd: {  	s31 =	sadd.s32 s10, s2;
	s13 =	smax.u32 s13, $0x1;
	s11 =	sadd.s32 s7, s6  }
0xe: {  	s7 =	sshrl.u32 s29, $0x3;
	s8 =	sadd.s32 $0x6000, s31;
	s9 =	sadd.s32 $0x8000, s31  }
0xf: {  	s12 =	sadd.s32 s7, s6;
	s6 =	sadd.s32 $0x2000, s31;
	s7 =	sadd.s32 $0x4000, s31  }
0x10: {  	v0 =	vimm.f32 $0.0e+00;
	s10 =	sadd.s32 $0xC000, s11;
	s11 =	sadd.s32 $0x2200, s11;
	s12 =	sadd.s32 $0x29800, s12  }
.LBB2_1:
0x11: {  	s26 =	sand.u32 $0x7F00, s3  }
0x12: {  	s28 =	sand.u32 $0x30, s3;
	s29 =	sshrl.u32 s26, $0x2  }
0x13: {  	s26 =	simm.s32 $0x40;
	s29 =	sor.u32 s28, s29;
	s28 =	simm.s32 $0x0  }
.LBB2_2:
0x14: {  	p0 =	sne.s32 s26, $0x7FC0  }
0x15: {  	[tilespmem:s29+$0x15220] =	vst v0;
	s28 =	sadd.s32 $0x10, s28;
	s29 =	smov.u32 s26;
	s26 =	sadd.s32 $0x40, s26  }
.Ltmp0:
0x16: {  	(pc) =	sbr.rel @p0 .LBB2_2-.Ltmp0, $4  }
0x17: {  	_ = 	snop  }
0x18: {  	s29 =	sand.u32 $0x7F00, s29  }
0x19: {  	s30 =	sand.u32 $0x30, s28;
	s29 =	sshrl.u32 s29, $0x2  }
0x1a: {  	s29 =	sor.u32 s30, s29  }
0x1b: {  	[tilespmem:s29+$0x15220] =	vst v0  }
0x1c: {  	[spmem:s5] =	stream.linear.scatter [tilespmem:s14], [sflag:$0x2], $0x2000, $0x38;
	[tilespmem:$0x17220] =	vst v63  }
0x1d: {  	_ =	swait.ge [sflag:s15], $0x2000  }
0x1e: {  	[sflag:s15] =	ssyncset.done $0x0  }
0x1f: {  	[sflag:s15] =	ssyncadd.s32 $0xFFFFE000  }
0x20: {  	[spmem:s6] =	stream.linear.scatter [tilespmem:s14], [sflag:$0x2], $0x2000, $0x38;
	[tilespmem:$0x17220] =	vst v63  }
0x21: {  	_ =	swait.ge [sflag:s15], $0x2000  }
0x22: {  	[sflag:s15] =	ssyncset.done $0x0  }
0x23: {  	[sflag:s15] =	ssyncadd.s32 $0xFFFFE000  }
0x24: {  	[spmem:s7] =	stream.linear.scatter [tilespmem:s14], [sflag:$0x2], $0x2000, $0x38;
	[tilespmem:$0x17220] =	vst v63  }
0x25: {  	_ =	swait.ge [sflag:s15], $0x2000  }
0x26: {  	[sflag:s15] =	ssyncset.done $0x0  }
0x27: {  	[sflag:s15] =	ssyncadd.s32 $0xFFFFE000  }
0x28: {  	[spmem:s8] =	stream.linear.scatter [tilespmem:s14], [sflag:$0x2], $0x2000, $0x38;
	[tilespmem:$0x17220] =	vst v63  }
0x29: {  	_ =	swait.ge [sflag:s15], $0x2000  }
0x2a: {  	[sflag:s15] =	ssyncset.done $0x0  }
0x2b: {  	[sflag:s15] =	ssyncadd.s32 $0xFFFFE000  }
0x2c: {  	[spmem:s9] =	stream.linear.scatter [tilespmem:s14], [sflag:$0x2], $0x2000, $0x38;
	[tilespmem:$0x17220] =	vst v63  }
0x2d: {  	_ =	swait.ge [sflag:s15], $0x2000  }
0x2e: {  	[sflag:s15] =	ssyncset.done $0x0  }
0x2f: {  	s26 =	simm.s32 $0x0;
	[sflag:s15] =	ssyncadd.s32 $0xFFFFE000  }
0x30: {  	[tilespmem:s16], [sflag:$0x2] =	stream.linear.gather [hbm4b:s10+s26], $0x2710, $0x38;
	[tilespmem:$0x17220] =	vst v63  }
0x31: {  	_ =	swait.ge [sflag:s15], $0x2710  }
0x32: {  	[sflag:s15] =	ssyncset.done $0x0  }
0x33: {  	[sflag:s15] =	ssyncadd.s32 $0xFFFFD8F0  }
0x34: {  	[tilespmem:s17], [sflag:$0x2] =	stream.linear.gather [hbm4b:s11+s26], $0x2710, $0x38;
	[tilespmem:$0x17220] =	vst v63  }
0x35: {  	_ =	swait.ge [sflag:s15], $0x2710  }
0x36: {  	[sflag:s15] =	ssyncset.done $0x0  }
0x37: {  	[sflag:s15] =	ssyncadd.s32 $0xFFFFD8F0  }
0x38: {  	s31 =	simm.s32 $0xA000;
	[bflag:$0x0] =	sbarrier.arrive $0xFFFF  }
0x39: {  	[tilespmem:s19], [sflag:$0x1] =	stream.indirect.gather [hbm4b:s4+s18], $0x40, s31, s18, $0xb8;
	[tilespmem:$0x17220] =	vst v63  }
0x3a: {  	s28 =	simm.s32 $0xA050  }
0x3b: {  	[tilespmem:s20], [sflag:$0x1] =	stream.indirect.gather [hbm4b:s4+s18], $0x40, s28, s18, $0xb8;
	[tilespmem:$0x17220] =	vst v63  }
0x3c: {  	s29 =	simm.s32 $0xA0A0  }
0x3d: {  	[tilespmem:s21], [sflag:$0x1] =	stream.indirect.gather [hbm4b:s4+s18], $0x40, s29, s18, $0xb8;
	[tilespmem:$0x17220] =	vst v63  }
0x3e: {  	s31 =	simm.s32 $0xA0F0  }
0x3f: {  	[tilespmem:s22], [sflag:$0x1] =	stream.indirect.gather [hbm4b:s4+s18], $0x40, s31, s18, $0xb8;
	[tilespmem:$0x17220] =	vst v63  }
0x40: {  	s28 =	simm.s32 $0xA140  }
0x41: {  	[tilespmem:s23], [sflag:$0x1] =	stream.indirect.gather [hbm4b:s4+s18], $0x40, s28, s18, $0xb8;
	[tilespmem:$0x17220] =	vst v63  }
0x42: {  	_ =	swait.ge [sflag:s24], $0x1400  }
0x43: {  	[sflag:s24] =	ssyncset.done $0x0  }
0x44: {  	[sflag:s24] =	ssyncadd.s32 $0xFFFFEC00  }
0x45: {  	_ =	swait.ge [sflag:s24], $0x1400  }
0x46: {  	[sflag:s24] =	ssyncset.done $0x0  }
0x47: {  	[sflag:s24] =	ssyncadd.s32 $0xFFFFEC00  }
0x48: {  	_ =	swait.ge [sflag:s24], $0x1400  }
0x49: {  	[sflag:s24] =	ssyncset.done $0x0  }
0x4a: {  	[sflag:s24] =	ssyncadd.s32 $0xFFFFEC00  }
0x4b: {  	_ =	swait.ge [sflag:s24], $0x1400  }
0x4c: {  	[sflag:s24] =	ssyncset.done $0x0  }
0x4d: {  	[sflag:s24] =	ssyncadd.s32 $0xFFFFEC00  }
0x4e: {  	_ =	swait.ge [sflag:s24], $0x1400  }
0x4f: {  	[sflag:s24] =	ssyncset.done $0x0  }
0x50: {  	s29 =	simm.s32 $0xC710;
	[sflag:s24] =	ssyncadd.s32 $0xFFFFEC00  }
0x51: {  	[spmem:s2] =	stream.indirect.scatter.add.f32 [tilespmem:s19], [sflag:$0x2], $0x40, s29, s18, $0xb8;
	[tilespmem:$0x17220] =	vst v63  }
0x52: {  	_ =	swait.ge [sflag:s15], $0x1400  }
0x53: {  	[sflag:s15] =	ssyncset.done $0x0  }
0x54: {  	s31 =	simm.s32 $0xC760;
	[sflag:s15] =	ssyncadd.s32 $0xFFFFEC00  }
0x55: {  	[spmem:s2] =	stream.indirect.scatter.add.f32 [tilespmem:s20], [sflag:$0x2], $0x40, s31, s18, $0xb8;
	[tilespmem:$0x17220] =	vst v63  }
0x56: {  	_ =	swait.ge [sflag:s15], $0x1400  }
0x57: {  	[sflag:s15] =	ssyncset.done $0x0  }
0x58: {  	s28 =	simm.s32 $0xC7B0;
	[sflag:s15] =	ssyncadd.s32 $0xFFFFEC00  }
0x59: {  	[spmem:s2] =	stream.indirect.scatter.add.f32 [tilespmem:s21], [sflag:$0x2], $0x40, s28, s18, $0xb8;
	[tilespmem:$0x17220] =	vst v63  }
0x5a: {  	_ =	swait.ge [sflag:s15], $0x1400  }
0x5b: {  	[sflag:s15] =	ssyncset.done $0x0  }
0x5c: {  	s29 =	simm.s32 $0xC800;
	[sflag:s15] =	ssyncadd.s32 $0xFFFFEC00  }
0x5d: {  	[spmem:s2] =	stream.indirect.scatter.add.f32 [tilespmem:s22], [sflag:$0x2], $0x40, s29, s18, $0xb8;
	[tilespmem:$0x17220] =	vst v63  }
0x5e: {  	_ =	swait.ge [sflag:s15], $0x1400  }
0x5f: {  	[sflag:s15] =	ssyncset.done $0x0  }
0x60: {  	s31 =	simm.s32 $0xC850;
	[sflag:s15] =	ssyncadd.s32 $0xFFFFEC00  }
0x61: {  	[spmem:s2] =	stream.indirect.scatter.add.f32 [tilespmem:s23], [sflag:$0x2], $0x40, s31, s18, $0xb8;
	[tilespmem:$0x17220] =	vst v63  }
0x62: {  	_ =	swait.ge [sflag:s15], $0x1400  }
0x63: {  	s30 =	simm.s32 $0xC80;
	s26 =	simm.s32 $0x190;
	[sflag:s15] =	ssyncset.done $0x0  }
.LBB2_4:
0x64: {  	s31 =	sadd.s32 $0xA000, s26  }
0x65: {  	[sflag:s15] =	ssyncadd.s32 $0xFFFFEC00;
	s29 =	smov.u32 s30;
	s28 =	sadd.s32 $0x640, s30  }
0x66: {  	[tilespmem:s19], [sflag:$0x1] =	stream.indirect.gather [hbm4b:s4+s18], $0x40, s31, s18, $0xb8;
	[tilespmem:$0x17220] =	vst v63  }
0x67: {  	p0 =	sne.s32 s30, $0x9600;
	s30 =	sadd.s32 $0xA050, s26  }
0x68: {  	[tilespmem:s20], [sflag:$0x1] =	stream.indirect.gather [hbm4b:s4+s18], $0x40, s30, s18, $0xb8;
	[tilespmem:$0x17220] =	vst v63  }
0x69: {  	s30 =	sadd.s32 $0xA0A0, s26  }
0x6a: {  	[tilespmem:s21], [sflag:$0x1] =	stream.indirect.gather [hbm4b:s4+s18], $0x40, s30, s18, $0xb8;
	[tilespmem:$0x17220] =	vst v63  }
0x6b: {  	s30 =	sadd.s32 $0xA0F0, s26  }
0x6c: {  	[tilespmem:s22], [sflag:$0x1] =	stream.indirect.gather [hbm4b:s4+s18], $0x40, s30, s18, $0xb8;
	[tilespmem:$0x17220] =	vst v63  }
0x6d: {  	s30 =	sadd.s32 $0xA140, s26  }
0x6e: {  	[tilespmem:s23], [sflag:$0x1] =	stream.indirect.gather [hbm4b:s4+s18], $0x40, s30, s18, $0xb8;
	[tilespmem:$0x17220] =	vst v63  }
0x6f: {  	_ =	swait.ge [sflag:s24], $0x1400  }
0x70: {  	[sflag:s24] =	ssyncset.done $0x0  }
0x71: {  	[sflag:s24] =	ssyncadd.s32 $0xFFFFEC00  }
0x72: {  	_ =	swait.ge [sflag:s24], $0x1400  }
0x73: {  	[sflag:s24] =	ssyncset.done $0x0  }
0x74: {  	[sflag:s24] =	ssyncadd.s32 $0xFFFFEC00  }
0x75: {  	_ =	swait.ge [sflag:s24], $0x1400  }
0x76: {  	[sflag:s24] =	ssyncset.done $0x0  }
0x77: {  	[sflag:s24] =	ssyncadd.s32 $0xFFFFEC00  }
0x78: {  	_ =	swait.ge [sflag:s24], $0x1400  }
0x79: {  	[sflag:s24] =	ssyncset.done $0x0  }
0x7a: {  	[sflag:s24] =	ssyncadd.s32 $0xFFFFEC00  }
0x7b: {  	_ =	swait.ge [sflag:s24], $0x1400  }
0x7c: {  	[sflag:s24] =	ssyncset.done $0x0  }
0x7d: {  	s30 =	sadd.s32 $0xC710, s26;
	[sflag:s24] =	ssyncadd.s32 $0xFFFFEC00  }
0x7e: {  	[spmem:s2] =	stream.indirect.scatter.add.f32 [tilespmem:s19], [sflag:$0x2], $0x40, s30, s18, $0xb8;
	[tilespmem:$0x17220] =	vst v63  }
0x7f: {  	_ =	swait.ge [sflag:s15], $0x1400  }
0x80: {  	[sflag:s15] =	ssyncset.done $0x0  }
0x81: {  	s30 =	sadd.s32 $0xC760, s26;
	[sflag:s15] =	ssyncadd.s32 $0xFFFFEC00  }
0x82: {  	[spmem:s2] =	stream.indirect.scatter.add.f32 [tilespmem:s20], [sflag:$0x2], $0x40, s30, s18, $0xb8;
	[tilespmem:$0x17220] =	vst v63  }
0x83: {  	_ =	swait.ge [sflag:s15], $0x1400  }
0x84: {  	[sflag:s15] =	ssyncset.done $0x0  }
0x85: {  	s30 =	sadd.s32 $0xC7B0, s26;
	[sflag:s15] =	ssyncadd.s32 $0xFFFFEC00  }
0x86: {  	[spmem:s2] =	stream.indirect.scatter.add.f32 [tilespmem:s21], [sflag:$0x2], $0x40, s30, s18, $0xb8;
	[tilespmem:$0x17220] =	vst v63  }
0x87: {  	_ =	swait.ge [sflag:s15], $0x1400  }
0x88: {  	[sflag:s15] =	ssyncset.done $0x0  }
0x89: {  	s30 =	sadd.s32 $0xC800, s26;
	[sflag:s15] =	ssyncadd.s32 $0xFFFFEC00  }
0x8a: {  	[spmem:s2] =	stream.indirect.scatter.add.f32 [tilespmem:s22], [sflag:$0x2], $0x40, s30, s18, $0xb8;
	[tilespmem:$0x17220] =	vst v63  }
0x8b: {  	_ =	swait.ge [sflag:s15], $0x1400  }
.Ltmp1:
0x8c: {  	[sflag:s15] =	ssyncset.done $0x0;
	(pc) =	sbr.rel @p0 .LBB2_4-.Ltmp1, $4  }
0x8d: {  	s26 =	sadd.s32 $0xC850, s26;
	[sflag:s15] =	ssyncadd.s32 $0xFFFFEC00  }
0x8e: {  	[spmem:s2] =	stream.indirect.scatter.add.f32 [tilespmem:s23], [sflag:$0x2], $0x40, s26, s18, $0xb8;
	[tilespmem:$0x17220] =	vst v63  }
0x8f: {  	_ =	swait.ge [sflag:s15], $0x1400  }
0x90: {  	s30 =	smov.u32 s28;
	s26 =	sshra.s32 s29, $0x2;
	[sflag:s15] =	ssyncset.done $0x0  }
0x91: {  	s28 =	sadd.s32 $0xA000, s26;
	[sflag:s15] =	ssyncadd.s32 $0xFFFFEC00  }
0x92: {  	[tilespmem:s19], [sflag:$0x1] =	stream.indirect.gather [hbm4b:s4+s18], $0x40, s28, s18, $0xb8;
	[tilespmem:$0x17220] =	vst v63  }
0x93: {  	s30 =	sadd.s32 $0xA050, s26  }
0x94: {  	[tilespmem:s20], [sflag:$0x1] =	stream.indirect.gather [hbm4b:s4+s18], $0x40, s30, s18, $0xb8;
	[tilespmem:$0x17220] =	vst v63  }
0x95: {  	s31 =	sadd.s32 $0xA0A0, s26  }
0x96: {  	[tilespmem:s21], [sflag:$0x1] =	stream.indirect.gather [hbm4b:s4+s18], $0x40, s31, s18, $0xb8;
	[tilespmem:$0x17220] =	vst v63  }
0x97: {  	s29 =	sadd.s32 $0xA0F0, s26  }
0x98: {  	[tilespmem:s22], [sflag:$0x1] =	stream.indirect.gather [hbm4b:s4+s18], $0x40, s29, s18, $0xb8;
	[tilespmem:$0x17220] =	vst v63  }
0x99: {  	s30 =	sadd.s32 $0xA140, s26  }
0x9a: {  	[tilespmem:s23], [sflag:$0x1] =	stream.indirect.gather [hbm4b:s4+s18], $0x40, s30, s18, $0xb8;
	[tilespmem:$0x17220] =	vst v63  }
0x9b: {  	_ =	swait.ge [sflag:s24], $0x1400  }
0x9c: {  	[sflag:s24] =	ssyncset.done $0x0  }
0x9d: {  	[sflag:s24] =	ssyncadd.s32 $0xFFFFEC00  }
0x9e: {  	_ =	swait.ge [sflag:s24], $0x1400  }
0x9f: {  	[sflag:s24] =	ssyncset.done $0x0  }
0xa0: {  	[sflag:s24] =	ssyncadd.s32 $0xFFFFEC00  }
0xa1: {  	_ =	swait.ge [sflag:s24], $0x1400  }
0xa2: {  	[sflag:s24] =	ssyncset.done $0x0  }
0xa3: {  	[sflag:s24] =	ssyncadd.s32 $0xFFFFEC00  }
0xa4: {  	_ =	swait.ge [sflag:s24], $0x1400  }
0xa5: {  	[sflag:s24] =	ssyncset.done $0x0  }
0xa6: {  	[sflag:s24] =	ssyncadd.s32 $0xFFFFEC00  }
0xa7: {  	_ =	swait.ge [sflag:s24], $0x1400  }
0xa8: {  	[sflag:s24] =	ssyncset.done $0x0  }
0xa9: {  	s31 =	sadd.s32 $0xC710, s26;
	[sflag:s24] =	ssyncadd.s32 $0xFFFFEC00  }
0xaa: {  	[spmem:s2] =	stream.indirect.scatter.add.f32 [tilespmem:s19], [sflag:$0x2], $0x40, s31, s18, $0xb8;
	[tilespmem:$0x17220] =	vst v63  }
0xab: {  	_ =	swait.ge [sflag:s15], $0x1400  }
0xac: {  	[sflag:s15] =	ssyncset.done $0x0  }
0xad: {  	s29 =	sadd.s32 $0xC760, s26;
	[sflag:s15] =	ssyncadd.s32 $0xFFFFEC00  }
0xae: {  	[spmem:s2] =	stream.indirect.scatter.add.f32 [tilespmem:s20], [sflag:$0x2], $0x40, s29, s18, $0xb8;
	[tilespmem:$0x17220] =	vst v63  }
0xaf: {  	_ =	swait.ge [sflag:s15], $0x1400  }
0xb0: {  	[sflag:s15] =	ssyncset.done $0x0  }
0xb1: {  	s30 =	sadd.s32 $0xC7B0, s26;
	[sflag:s15] =	ssyncadd.s32 $0xFFFFEC00  }
0xb2: {  	[spmem:s2] =	stream.indirect.scatter.add.f32 [tilespmem:s21], [sflag:$0x2], $0x40, s30, s18, $0xb8;
	[tilespmem:$0x17220] =	vst v63  }
0xb3: {  	_ =	swait.ge [sflag:s15], $0x1400  }
0xb4: {  	[sflag:s15] =	ssyncset.done $0x0  }
0xb5: {  	s31 =	sadd.s32 $0xC800, s26;
	[sflag:s15] =	ssyncadd.s32 $0xFFFFEC00  }
0xb6: {  	[spmem:s2] =	stream.indirect.scatter.add.f32 [tilespmem:s22], [sflag:$0x2], $0x40, s31, s18, $0xb8;
	[tilespmem:$0x17220] =	vst v63  }
0xb7: {  	_ =	swait.ge [sflag:s15], $0x1400  }
0xb8: {  	[sflag:s15] =	ssyncset.done $0x0  }
0xb9: {  	s29 =	sadd.s32 $0xC850, s26;
	[sflag:s15] =	ssyncadd.s32 $0xFFFFEC00  }
0xba: {  	[spmem:s2] =	stream.indirect.scatter.add.f32 [tilespmem:s23], [sflag:$0x2], $0x40, s29, s18, $0xb8;
	[tilespmem:$0x17220] =	vst v63  }
0xbb: {  	_ =	swait.ge [sflag:s15], $0x1400  }
0xbc: {  	s25 =	sadd.s32 $0x1, s25;
	s30 =	sshll.u32 s0, $0x6;
	[sflag:s15] =	ssyncset.done $0x0  }
0xbd: {  	p0 =	sne.s32 s25, s13;
	s26 =	sor.u32 $0x1C02, s30;
	[sflag:s15] =	ssyncadd.s32 $0xFFFFEC00  }
.Ltmp2:
0xbe: {  	s31 =	sshrl.u32 s5, $0x3;
	[bflag:$0x0] =	sbarrier.arrive $0xFFFF;
	(pc) =	sbr.rel @p0 .LBB2_1-.Ltmp2, $4  }
0xbf: {  	[hbm:s12], [sflag:s26] =	dma.local [spmem:s31], $0x1400  }
0xc0: {  	_ =	swait.ge [sflag:s15], $0x1400  }
0xc1: {  	[sflag:s15] =	ssyncset.done $0x0  }
0xc2: {  	[sflag:s15] =	ssyncadd.s32 $0xFFFFEC00  }
0xc3: {  	_ =	sfence.sel $0x180000  }
0xc4: {  	[bflag:$0x0] =	sbarrier.arrive $0xFFFF  }
0xc5: {  	p0 =	sne.s32 s0, $0x0;
	_ =	strace $0x90000047  }
0xc6: {  	s0 =	sadd.s32 @!p0 $0x100000, s1;
	[bflag:$0x2] =	sbarrier.arrive $0xFFFF  }
0xc7: {  	[sflag:s0] =	ssyncadd.tile.s32 @!p0 $0x1;
	_ =	shalt  }
.Lfunc_end2:
_tile_overlayer_lowered:
.L_overlay_start_2:
0xc8: {  	(tag) =	ssettag $0x2  }
0xc9: {  	s0 =	rddreg [dreg:$0x0];
	s2 =	stileid.u32  }
0xca: {  	s1 =	rddreg [dreg:$0x1];
	p0 =	sne.s32 s2, $0x0  }
0xcb: {  	s3 =	rddreg [dreg:$0x2];
	[bflag:$0x3] =	sbarrier.arrive $0xFFFF;
	s2 =	simm.s32 @!p0 $0x1C02  }
0xcc: {  	[timem:s3], [sflag:s2] =	dma.local @!p0 [hbm:s0], s1  }
0xcd: {  	s0 =	simm.s32 @!p0 $0x2  }
0xce: {  	_ =	swait.ge @!p0 [sflag:s0], s1  }
0xcf: {  	s1 =	ssub.s32 @!p0 $0x0, s1;
	[sflag:s0] =	ssyncset.done @!p0 $0x0  }
0xd0: {  	[sflag:s0] =	ssyncadd.s32 @!p0 s1  }
0xd1: {  	[bflag:$0x3] =	sbarrier.arrive $0xFFFF  }
0xd2: {  	_ =	shalt  }

// kernel: sc_seg_sum_d64_cnt.3.cloned.1.call-start
scs
__scs_entry_jumppad:
0x0: {  	(pc) =	sbr.rel $0x88, $3  }
0x1: {  	(tag) =	ssettag $0x0;
	lr =	simm.s32 $0x1  }
0x2: {  	[smem:$0x3F97] =	sst lr;
	_ =	strace $0xD0000000  }
0x3: {  	_ = 	snop  }
0x4: {  	_ = 	snop  }
0x5: {  	_ = 	snop  }
0x6: {  	_ = 	snop  }
0x7: {  	_ = 	snop  }
__scs_overlays_trampoline_lowered:
0x8: {  	[smem:$0x3FA6] =	sst s0  }
0x9: {  	[smem:$0x3FA7] =	sst s1  }
0xa: {  	[smem:$0x3FA8] =	sst s2  }
0xb: {  	[smem:$0x3FA9] =	sst s3  }
0xc: {  	[smem:$0x3FAA] =	sst s4  }
0xd: {  	[smem:$0x3FAB] =	sst s5  }
0xe: {  	[smem:$0x3FAC] =	sst s6  }
0xf: {  	[smem:$0x3FAD] =	sst s7  }
0x10: {  	[smem:$0x3FAE] =	sst s8  }
0x11: {  	[smem:$0x3FAF] =	sst s9;
	s0 =	simm.s32 @!p0 $0x0  }
0x12: {  	s1 =	sld [smem:$0x3F95];
	s0 =	simm.s32 @p0 $0x1  }
0x13: {  	[smem:$0x3FB0] =	sst s0;
	s0 =	simm.s32 @!p1 $0x0  }
0x14: {  	s2 =	sld [smem:$0x3F94];
	s0 =	simm.s32 @p1 $0x1  }
0x15: {  	[smem:$0x3FB1] =	sst s0;
	s0 =	simm.s32 @!p2 $0x0  }
0x16: {  	s3 =	sld [smem:$0x3FDB];
	s0 =	simm.s32 @p2 $0x1  }
0x17: {  	s4 =	simm.s32 $0x1BF5;
	[smem:$0x3FB3] =	sst s0  }
0x18: {  	s0 =	sld [smem:$0x3F96];
	_ =	swait.ge [sflag:s4], $0x0  }
0x19: {  	s7 =	sld [smem:$0x3F97]  }
0x1a: {  	s8 =	sadd.s32 $0xFFFFE003, lr  }
0x1b: {  	s9 =	sadd.s32 $0xFFFFFEF7, lr;
	s5 =	simm.s32 $0xFFFFFFFF;
	p2 =	slt.u32 s8, $0xFFFFF086  }
0x1c: {  	p1 =	slt.u32 s9, $0xF7A;
	s5 =	simm.s32 @!p2 $0x0  }
0x1d: {  	s5 =	simm.s32 @p1 $0x1;
	p0 =	seq.s32 s7, s2  }
0x1e: {  	s7 =	smul.u32 @!p0 $0xF7A, s2;
	p2 =	seq.s32 @!p0 s5, $0x0  }
0x1f: {  	s9 =	smul.u32 $0xF7A, s1;
	s8 =	simm.s32 @!p0 $0x1BF5;
	p2 =	por !p2, p0  }
0x20: {  	[sflag:s8] =	ssyncset.s32 @!p0 $0xFFFFF086;
	s6 =	sadd.s32 @!p0 s3, s7;
	s7 =	simm.s32 @!p0 $0x108  }
0x21: {  	s3 =	sadd.s32 s3, s9;
	s6 =	sadd.s32 @!p0 $0x88, s6;
	s7 =	simm.s32 @p2 $0x1082  }
0x22: {  	[simem:s7], [sflag:s8] =	dma.local @!p0 [hbm:s6], $0xF7A  }
0x23: {  	s9 =	sor.u32 $0xD0000000, s2;
	s6 =	simm.s32 $0x108;
	_ =	swait.ge @!p0 [sflag:s8], $0x0  }
0x24: {  	s3 =	sadd.s32 $0x88, s3;
	s6 =	simm.s32 @!p1 $0x1082;
	[sflag:s4] =	ssyncset.s32 $0xFFFFF086  }
0x25: {  	[simem:s6], [sflag:s4] =	dma.local [hbm:s3], $0xF7A  }
0x26: {  	[smem:$0x3F97] =	sst s1;
	(tag) =	ssettag s2;
	_ =	strace s9  }
0x27: {  	s1 =	sld [smem:$0x3FA7]  }
0x28: {  	s2 =	sld [smem:$0x3FA8]  }
0x29: {  	s4 =	sld [smem:$0x3FAA]  }
0x2a: {  	p0 =	seq.s32 s5, $0x0;
	s5 =	sld [smem:$0x3FAB]  }
0x2b: {  	s6 =	sld [smem:$0x3FAC]  }
0x2c: {  	s7 =	sld [smem:$0x3FAD]  }
0x2d: {  	s3 =	simm.s32 $0x108;
	s8 =	sld [smem:$0x3FAE]  }
0x2e: {  	s3 =	simm.s32 @!p0 $0x1082;
	s9 =	sld [smem:$0x3FAF]  }
0x2f: {  	lr =	sadd.s32 s0, s3;
	s0 =	sld [smem:$0x3FA6]  }
0x30: {  	s3 =	sld [smem:$0x3FA9]  }
0x31: {  	[smem:$0x3FB2] =	sst s10  }
0x32: {  	s10 =	sld [smem:$0x3FB0];
	_ =	sdelay $0x3  }
0x33: {  	p0 =	seq.s32 s10, $0x1;
	s10 =	sld [smem:$0x3FB2];
	_ =	sdelay $0x3  }
0x34: {  	[smem:$0x3FB2] =	sst s10  }
0x35: {  	s10 =	sld [smem:$0x3FB1];
	_ =	sdelay $0x3  }
0x36: {  	p1 =	seq.s32 s10, $0x1;
	s10 =	sld [smem:$0x3FB2];
	_ =	sdelay $0x3  }
0x37: {  	[smem:$0x3FB2] =	sst s10  }
0x38: {  	s10 =	sld [smem:$0x3FB3]  }
0x39: {  	_ = 	snop;
	(pc) =	sbr.ind lr, $3  }
0x3a: {  	_ = 	snop  }
0x3b: {  	_ = 	snop  }
0x3c: {  	p2 =	seq.s32 s10, $0x1;
	s10 =	sld [smem:$0x3FB2]  }
0x3d: {  	_ =	shalt  }
0x3e: {  	_ =	shalt  }
0x3f: {  	_ =	shalt  }
0x40: {  	_ =	shalt  }
0x41: {  	_ =	shalt  }
0x42: {  	_ =	shalt  }
0x43: {  	_ =	shalt  }
0x44: {  	_ =	shalt  }
0x45: {  	_ =	shalt  }
0x46: {  	_ =	shalt  }
0x47: {  	_ =	shalt  }
0x48: {  	_ =	shalt  }
0x49: {  	_ =	shalt  }
0x4a: {  	_ =	shalt  }
0x4b: {  	_ =	shalt  }
0x4c: {  	_ =	shalt  }
0x4d: {  	_ =	shalt  }
0x4e: {  	_ =	shalt  }
0x4f: {  	_ =	shalt  }
0x50: {  	_ =	shalt  }
0x51: {  	_ =	shalt  }
0x52: {  	_ =	shalt  }
0x53: {  	_ =	shalt  }
0x54: {  	_ =	shalt  }
0x55: {  	_ =	shalt  }
0x56: {  	_ =	shalt  }
0x57: {  	_ =	shalt  }
0x58: {  	_ =	shalt  }
0x59: {  	_ =	shalt  }
0x5a: {  	_ =	shalt  }
0x5b: {  	_ =	shalt  }
0x5c: {  	_ =	shalt  }
0x5d: {  	_ =	shalt  }
0x5e: {  	_ =	shalt  }
0x5f: {  	_ =	shalt  }
0x60: {  	_ =	shalt  }
0x61: {  	_ =	shalt  }
0x62: {  	_ =	shalt  }
0x63: {  	_ =	shalt  }
0x64: {  	_ =	shalt  }
0x65: {  	_ =	shalt  }
0x66: {  	_ =	shalt  }
0x67: {  	_ =	shalt  }
0x68: {  	_ =	shalt  }
0x69: {  	_ =	shalt  }
0x6a: {  	_ =	shalt  }
0x6b: {  	_ =	shalt  }
0x6c: {  	_ =	shalt  }
0x6d: {  	_ =	shalt  }
0x6e: {  	_ =	shalt  }
0x6f: {  	_ =	shalt  }
0x70: {  	_ =	shalt  }
0x71: {  	_ =	shalt  }
0x72: {  	_ =	shalt  }
0x73: {  	_ =	shalt  }
0x74: {  	_ =	shalt  }
0x75: {  	_ =	shalt  }
0x76: {  	_ =	shalt  }
0x77: {  	_ =	shalt  }
0x78: {  	_ =	shalt  }
0x79: {  	_ =	shalt  }
0x7a: {  	_ =	shalt  }
0x7b: {  	_ =	shalt  }
0x7c: {  	_ =	shalt  }
0x7d: {  	_ =	shalt  }
0x7e: {  	_ =	shalt  }
0x7f: {  	_ =	shalt  }
0x80: {  	_ =	shalt  }
0x81: {  	_ =	shalt  }
0x82: {  	_ =	shalt  }
0x83: {  	_ =	shalt  }
0x84: {  	_ =	shalt  }
0x85: {  	_ =	shalt  }
0x86: {  	_ =	shalt  }
0x87: {  	_ =	shalt  }
.Lfunc_end0:
.L_simem_size_0:
called_computation_lowered:
.L_overlay_start_0:
0x88: {  	s2 =	sld [smem:$0x3FD9]  }
0x89: {  	s3 =	sld [smem:$0x3FFE];
	_ =	sdelay $0x1  }
0x8a: {  	s1 =	srdreg.scid  }
0x8b: {  	s0 =	sand.u32 $0x1, s1  }
0x8c: {  	s17 =	sshll.u32 s0, $0xA;
	s2 =	sadd.s32 s3, s2  }
0x8d: {  	s2 =	sadd.s32 s2, s17  }
0x8e: {  	[smem:$0x3FBE] =	sst s2  }
0x8f: {  	_ = 	snop  }
0x90: {  	s18 =	sld [smem:$0x3FD0];
	(tm) =	ssettm $0x1  }
0x91: {  	s19 =	sld [smem:$0x3FFB];
	_ =	sdelay $0x3  }
0x92: {  	_ =	strace s19  }
0x93: {  	s2 =	sld [smem:$0x3FFC];
	_ =	sdelay $0x3  }
0x94: {  	_ =	strace s2  }
0x95: {  	s2 =	sld [smem:$0x3FFD];
	_ =	sdelay $0x3  }
0x96: {  	_ =	strace s2  }
0x97: {  	_ =	strace $0x8FFFFFFF  }
0x98: {  	s20 =	sld [smem:$0x3FDB];
	_ =	sdelay $0x1  }
0x99: {  	s4 =	simm.s32 $_scs_section_size  }
0x9a: {  	s5 =	simm.s32 $_size__tile_overlayer_lowered;
	s6 =	simm.s32 $_tile_overlayer_lowered  }
0x9b: {  	s7 =	simm.s32 $0x1BFF;
	s21 =	sshll.u32 s6, $0x1;
	s4 =	sadd.s32 s4, s20  }
0x9c: {  	s22 =	simm.s32 $0x0;
	s5 =	sshll.u32 s5, $0x1;
	s6 =	sadd.s32 s21, s4  }
0x9d: {  	[timem:s22], [sflag:s7] =	dma.local [hbm:s6], s5  }
0x9e: {  	_ =	swait.ge [sflag:s7], s5  }
0x9f: {  	s5 =	ssub.s32 $0x0, s5;
	[sflag:s7] =	ssyncset.done $0x0  }
0xa0: {  	[sflag:s7] =	ssyncadd.s32 s5;
	_ =	sdelay $0x1  }
0xa1: {  	s23 =	simm.s32 $0x1B8B  }
0xa2: {  	_ =	swait.ge [sflag:s23], $0x1  }
0xa3: {  	[sflag:s23] =	ssyncset.done $0x0  }
0xa4: {  	[sflag:s23] =	ssyncadd.s32 $0xFFFFFFFF  }
0xa5: {  	s5 =	sld [smem:$0x0]  }
0xa6: {  	s6 =	sand.u32 $0xFFFFFFFE, s1  }
0xa7: {  	p0 =	sne.s32 s1, s6  }
0xa8: {  	s6 =	sshll.u32 @p0 s6, $0xE  }
0xa9: {  	s6 =	sadd.s32 @p0 $0x11B8D, s6;
	s7 =	sshll.u32 @p0 s5, $0x11  }
0xaa: {  	s6 =	sor.u32 @p0 s7, s6  }
0xab: {  	[sflag:s6] =	ssyncadd.remote.s32 @p0 $0x1;
	_ =	sdelay $0x1  }
0xac: {  	s6 =	simm.s32 @p0 $0x1B8D  }
0xad: {  	_ =	swait.eq @p0 [sflag:s6], $0x1  }
0xae: {  	[sflag:s6] =	ssyncadd.s32 @p0 $0xFFFFFFFF  }
0xaf: {  	s7 =	sshll.u32 @!p0 s1, $0xE  }
0xb0: {  	s7 =	sor.u32 @!p0 $0x4000, s7;
	s6 =	simm.s32 @!p0 $0x1B8D  }
0xb1: {  	s5 =	sshll.u32 @!p0 s5, $0x11;
	s7 =	sadd.s32 @!p0 $0x11B8D, s7;
	_ =	swait.eq @!p0 [sflag:s6], $0x1  }
0xb2: {  	s5 =	sor.u32 @!p0 s5, s7;
	[sflag:s6] =	ssyncadd.s32 @!p0 $0xFFFFFFFF  }
0xb3: {  	s25 =	simm.s32 $0x1B8E;
	s24 =	sld [smem:$0x3FFE];
	[sflag:s5] =	ssyncadd.remote.s32 @!p0 $0x1  }
0xb4: {  	s26 =	simm.s32 $execute0_lowered;
	[smem:$0x3FD2] =	sst s25  }
0xb5: {  	s6 =	sshll.u32 s26, $0x1;
	_ =	strace $0x80000049;
	[dreg:$0x1] =	wrdreg $0xFFFFFFFF  }
0xb6: {  	s28 =	simm.s32 $_size_execute0_lowered;
	s4 =	sadd.s32 s4, s6;
	[dreg:$0x0] =	wrdreg $0x0  }
0xb7: {  	s6 =	sshll.u32 s28, $0x1;
	[dreg:$0x2] =	wrdreg s4  }
0xb8: {  	[dreg:$0x3] =	wrdreg s6  }
0xb9: {  	[dreg:$0x4] =	wrdreg $0xC0  }
0xba: {  	_ =	task [dreg:s22], $0x5FFFF  }
0xbb: {  	[dreg:$0x1] =	wrdreg $0xFFFFFFFF  }
0xbc: {  	[dreg:$0x0] =	wrdreg $0x60  }
0xbd: {  	[dreg:$0x2] =	wrdreg s24  }
0xbe: {  	[dreg:$0x3] =	wrdreg s18  }
0xbf: {  	[dreg:$0x4] =	wrdreg $0x0  }
0xc0: {  	[dreg:$0x5] =	wrdreg $0x172200  }
0xc1: {  	[dreg:$0x6] =	wrdreg $0x9  }
0xc2: {  	_ =	task.clear_ibuf [dreg:s22], $0x7FFFF;
	_ =	strace $0x90000049  }
0xc3: {  	s29 =	simm.s32 $0x9;
	_ =	strace $0x8000004B  }
0xc4: {  	_ =	swait.ge [sflag:s29], $0x1  }
0xc5: {  	[sflag:s29] =	ssyncadd.s32 $0xFFFFFFFF  }
0xc6: {  	_ =	strace $0x9000004B  }
0xc7: {  	_ =	sfence  }
0xc8: {  	s30 =	sld [smem:$0x0];
	_ =	sdelay $0x2  }
0xc9: {  	s31 =	sshll.u32 s1, $0xD;
	s1 =	sshrl.u32 s1, $0x2  }
0xca: {  	s4 =	sand.u32 $0x4000, s31;
	s1 =	sadd.s32 s1, s30  }
0xcb: {  	s0 =	sor.u32 s4, s0;
	s1 =	sshll.u32 s1, $0x11  }
0xcc: {  	s0 =	sor.u32 s1, s0  }
0xcd: {  	s0 =	sadd.s32 $0x8F2B, s0  }
0xce: {  	[sflag:s0] =	ssyncadd.remote.s32 $0x1  }
0xcf: {  	_ =	sfence.sel $0xFFFF  }
0xd0: {  	[dreg:$0x0] =	wrdreg $0xFFFFFFFF;
	(pc) =	sbr.abs _section_cstart, $3  }
0xd1: {  	[dreg:$0x1] =	wrdreg $0xFFFFFFFF  }
0xd2: {  	_ =	task.clear_ibuf [dreg:s22], $0x2FFFF;
	_ =	strace $0x9FFFFFFF  }
0xd3: {  	(tm) =	ssettm $0x7FFFFFFF  }
tec
execute0_lowered:
.L_overlay_start_1:
0x0: {  	(tag) =	ssettag $0x1  }
0x1: {  	s0 =	rddreg [dreg:$0x0]  }
0x2: {  	s15 =	rddreg [dreg:$0x1]  }
0x3: {  	s2 =	rddreg [dreg:$0x2]  }
0x4: {  	s3 =	rddreg [dreg:$0x3]  }
0x5: {  	s4 =	srdreg.scid;
	s1 =	stileid.u32;
	s18 =	simm.s32 $0x2  }
0x6: {  	s22 =	simm.s32 $0x50;
	s23 =	simm.s32 $0xEE20;
	s24 =	simm.s32 $0x10220  }
0x7: {  	s28 =	simm.s32 $0x13E20;
	s29 =	simm.s32 $0x1;
	s7 =	smul.u32 $0xA000, s1  }
0x8: {  	s30 =	simm.s32 $0x17720;
	s31 =	simm.s32 $0x0;
	s10 =	smul.u32 $0x28000, s1  }
0x9: {  	s6 =	sand.u32 $0x1, s4;
	s4 =	simm.s32 $0x0;
	s11 =	smul.u32 $0x280, s1  }
0xa: {  	s5 =	sshll.u32 s6, $0x4;
	s8 =	smul.u32 $0xA0000, s6;
	[smem:$0x7FF] =	sst s4  }
0xb: {  	s25 =	ssub.s32 $0x2, s6;
	s12 =	smul.u32 $0x2800, s6;
	s5 =	sor.u32 s1, s5  }
0xc: {  	_ =	strace $0x8000004A;
	s26 =	sshrl.u32 s25, $0x1;
	s10 =	sshrl.u32 s10, $0x2  }
0xd: {  	s6 =	sadd.s32 s7, s2;
	s9 =	smul.u32 $0x4E2, s5;
	s8 =	sadd.s32 s7, s8  }
0xe: {  	s5 =	sadd.s32 $0x51800, s0;
	s16 =	ssub.s32 s25, s26;
	s10 =	sadd.s32 s10, s2  }
0xf: {  	s14 =	sadd.s32 s11, s12;
	s11 =	sadd.s32 s11, s3;
	s25 =	simm.s32 $0x11620  }
0x10: {  	s26 =	simm.s32 $0x12A20;
	s8 =	sshrl.u32 s8, $0x3;
	s7 =	sadd.s32 $0x2000, s10  }
0x11: {  	s17 =	sshrl.u32 s14, $0x3;
	s16 =	smax.u32 s16, $0x1;
	s13 =	sadd.s32 s9, s0  }
0x12: {  	s0 =	sadd.s32 s8, s0;
	s8 =	sadd.s32 $0x4000, s10;
	s9 =	sadd.s32 $0x6000, s10  }
0x13: {  	s10 =	sadd.s32 $0x8000, s10;
	s15 =	sadd.s32 s15, s17;
	s17 =	simm.s32 $0x15220  }
0x14: {  	v0 =	vimm.f32 $0.0e+00;
	v1 =	vimm.f32 $1.000000000e+00;
	s12 =	sadd.s32 $0xC000, s13;
	s13 =	sadd.s32 $0x2200, s13;
	s14 =	sadd.s32 $0x65200, s0  }
.LBB2_1:
0x15: {  	s0 =	sand.u32 $0x7F00, s4  }
0x16: {  	s19 =	sand.u32 $0x30, s4;
	s20 =	sshrl.u32 s0, $0x2  }
0x17: {  	s0 =	simm.s32 $0x40;
	s20 =	sor.u32 s19, s20;
	s19 =	simm.s32 $0x0  }
.LBB2_2:
0x18: {  	p0 =	sne.s32 s0, $0x7FC0  }
0x19: {  	[tilespmem:s20+$0x15220] =	vst v0;
	s19 =	sadd.s32 $0x10, s19;
	s20 =	smov.u32 s0;
	s0 =	sadd.s32 $0x40, s0  }
.Ltmp0:
0x1a: {  	(pc) =	sbr.rel @p0 .LBB2_2-.Ltmp0, $4  }
0x1b: {  	_ = 	snop  }
0x1c: {  	s20 =	sand.u32 $0x7F00, s20  }
0x1d: {  	s21 =	sand.u32 $0x30, s19;
	s20 =	sshrl.u32 s20, $0x2  }
0x1e: {  	s20 =	sor.u32 s21, s20  }
0x1f: {  	[tilespmem:s20+$0x15220] =	vst v0  }
0x20: {  	[spmem:s6] =	stream.linear.scatter [tilespmem:s17], [sflag:$0x2], $0x2000, $0x38;
	[tilespmem:$0x17770] =	vst v63  }
0x21: {  	_ =	swait.ge [sflag:s18], $0x2000  }
0x22: {  	[sflag:s18] =	ssyncset.done $0x0  }
0x23: {  	[sflag:s18] =	ssyncadd.s32 $0xFFFFE000  }
0x24: {  	[spmem:s7] =	stream.linear.scatter [tilespmem:s17], [sflag:$0x2], $0x2000, $0x38;
	[tilespmem:$0x17770] =	vst v63  }
0x25: {  	_ =	swait.ge [sflag:s18], $0x2000  }
0x26: {  	[sflag:s18] =	ssyncset.done $0x0  }
0x27: {  	[sflag:s18] =	ssyncadd.s32 $0xFFFFE000  }
0x28: {  	[spmem:s8] =	stream.linear.scatter [tilespmem:s17], [sflag:$0x2], $0x2000, $0x38;
	[tilespmem:$0x17770] =	vst v63  }
0x29: {  	_ =	swait.ge [sflag:s18], $0x2000  }
0x2a: {  	[sflag:s18] =	ssyncset.done $0x0  }
0x2b: {  	[sflag:s18] =	ssyncadd.s32 $0xFFFFE000  }
0x2c: {  	[spmem:s9] =	stream.linear.scatter [tilespmem:s17], [sflag:$0x2], $0x2000, $0x38;
	[tilespmem:$0x17770] =	vst v63  }
0x2d: {  	_ =	swait.ge [sflag:s18], $0x2000  }
0x2e: {  	[sflag:s18] =	ssyncset.done $0x0  }
0x2f: {  	[sflag:s18] =	ssyncadd.s32 $0xFFFFE000  }
0x30: {  	[spmem:s10] =	stream.linear.scatter [tilespmem:s17], [sflag:$0x2], $0x2000, $0x38;
	[tilespmem:$0x17770] =	vst v63  }
0x31: {  	_ =	swait.ge [sflag:s18], $0x2000  }
0x32: {  	[sflag:s18] =	ssyncset.done $0x0  }
0x33: {  	[sflag:s18] =	ssyncadd.s32 $0xFFFFE000  }
0x34: {  	[tilespmem:$0x174A0] =	vst v0  }
0x35: {  	[tilespmem:$0x174B0] =	vst v0  }
0x36: {  	[tilespmem:$0x174C0] =	vst v0  }
0x37: {  	[tilespmem:$0x174D0] =	vst v0  }
0x38: {  	[tilespmem:$0x174E0] =	vst v0  }
0x39: {  	[tilespmem:$0x174F0] =	vst v0  }
0x3a: {  	[tilespmem:$0x17500] =	vst v0  }
0x3b: {  	[tilespmem:$0x17510] =	vst v0  }
0x3c: {  	[tilespmem:$0x17520] =	vst v0  }
0x3d: {  	[tilespmem:$0x17530] =	vst v0  }
0x3e: {  	[tilespmem:$0x17540] =	vst v0  }
0x3f: {  	[tilespmem:$0x17550] =	vst v0  }
0x40: {  	[tilespmem:$0x17560] =	vst v0  }
0x41: {  	[tilespmem:$0x17570] =	vst v0  }
0x42: {  	[tilespmem:$0x17580] =	vst v0  }
0x43: {  	[tilespmem:$0x17590] =	vst v0  }
0x44: {  	[tilespmem:$0x175A0] =	vst v0  }
0x45: {  	[tilespmem:$0x175B0] =	vst v0  }
0x46: {  	[tilespmem:$0x175C0] =	vst v0  }
0x47: {  	[tilespmem:$0x175D0] =	vst v0  }
0x48: {  	[tilespmem:$0x175E0] =	vst v0  }
0x49: {  	[tilespmem:$0x175F0] =	vst v0  }
0x4a: {  	[tilespmem:$0x17600] =	vst v0  }
0x4b: {  	[tilespmem:$0x17610] =	vst v0  }
0x4c: {  	[tilespmem:$0x17620] =	vst v0  }
0x4d: {  	[tilespmem:$0x17630] =	vst v0  }
0x4e: {  	[tilespmem:$0x17640] =	vst v0  }
0x4f: {  	[tilespmem:$0x17650] =	vst v0  }
0x50: {  	[tilespmem:$0x17660] =	vst v0  }
0x51: {  	[tilespmem:$0x17670] =	vst v0  }
0x52: {  	[tilespmem:$0x17680] =	vst v0  }
0x53: {  	[tilespmem:$0x17690] =	vst v0  }
0x54: {  	[tilespmem:$0x176A0] =	vst v0  }
0x55: {  	[tilespmem:$0x176B0] =	vst v0  }
0x56: {  	[tilespmem:$0x176C0] =	vst v0  }
0x57: {  	[tilespmem:$0x176D0] =	vst v0  }
0x58: {  	[tilespmem:$0x176E0] =	vst v0  }
0x59: {  	[tilespmem:$0x176F0] =	vst v0  }
0x5a: {  	[tilespmem:$0x17700] =	vst v0  }
0x5b: {  	s0 =	simm.s32 $0x174A0;
	[tilespmem:$0x17710] =	vst v0  }
0x5c: {  	[spmem:s11] =	stream.linear.scatter [tilespmem:s0], [sflag:$0x2], $0x280, $0x38;
	[tilespmem:$0x17770] =	vst v63  }
0x5d: {  	_ =	swait.ge [sflag:s18], $0x280  }
0x5e: {  	[sflag:s18] =	ssyncset.done $0x0  }
0x5f: {  	[sflag:s18] =	ssyncadd.s32 $0xFFFFFD80  }
0x60: {  	[tilespmem:$0x17720] =	vst v1  }
0x61: {  	[tilespmem:$0x17730] =	vst v1  }
0x62: {  	[tilespmem:$0x17740] =	vst v1  }
0x63: {  	[tilespmem:$0x17750] =	vst v1  }
0x64: {  	s21 =	simm.s32 $0x0;
	s1 =	simm.s32 $0xA000;
	[tilespmem:$0x17760] =	vst v1  }
0x65: {  	[tilespmem:s1], [sflag:$0x2] =	stream.linear.gather [hbm4b:s12+s21], $0x2710, $0x38;
	[tilespmem:$0x17770] =	vst v63  }
0x66: {  	_ =	swait.ge [sflag:s18], $0x2710  }
0x67: {  	[sflag:s18] =	ssyncset.done $0x0  }
0x68: {  	s19 =	simm.s32 $0xC710;
	[sflag:s18] =	ssyncadd.s32 $0xFFFFD8F0  }
0x69: {  	[tilespmem:s19], [sflag:$0x2] =	stream.linear.gather [hbm4b:s13+s21], $0x2710, $0x38;
	[tilespmem:$0x17770] =	vst v63  }
0x6a: {  	_ =	swait.ge [sflag:s18], $0x2710  }
0x6b: {  	[sflag:s18] =	ssyncset.done $0x0  }
0x6c: {  	[sflag:s18] =	ssyncadd.s32 $0xFFFFD8F0  }
0x6d: {  	s20 =	simm.s32 $0xA000;
	[bflag:$0x0] =	sbarrier.arrive $0xFFFF  }
0x6e: {  	[tilespmem:s23], [sflag:$0x1] =	stream.indirect.gather [hbm4b:s5+s22], $0x40, s20, s22, $0xb8;
	[tilespmem:$0x17770] =	vst v63  }
0x6f: {  	s21 =	simm.s32 $0xA050  }
0x70: {  	[tilespmem:s24], [sflag:$0x1] =	stream.indirect.gather [hbm4b:s5+s22], $0x40, s21, s22, $0xb8;
	[tilespmem:$0x17770] =	vst v63  }
0x71: {  	s1 =	simm.s32 $0xA0A0  }
0x72: {  	[tilespmem:s25], [sflag:$0x1] =	stream.indirect.gather [hbm4b:s5+s22], $0x40, s1, s22, $0xb8;
	[tilespmem:$0x17770] =	vst v63  }
0x73: {  	s19 =	simm.s32 $0xA0F0  }
0x74: {  	[tilespmem:s26], [sflag:$0x1] =	stream.indirect.gather [hbm4b:s5+s22], $0x40, s19, s22, $0xb8;
	[tilespmem:$0x17770] =	vst v63  }
0x75: {  	s20 =	simm.s32 $0xA140  }
0x76: {  	[tilespmem:s28], [sflag:$0x1] =	stream.indirect.gather [hbm4b:s5+s22], $0x40, s20, s22, $0xb8;
	[tilespmem:$0x17770] =	vst v63  }
0x77: {  	_ =	swait.ge [sflag:s29], $0x1400  }
0x78: {  	[sflag:s29] =	ssyncset.done $0x0  }
0x79: {  	[sflag:s29] =	ssyncadd.s32 $0xFFFFEC00  }
0x7a: {  	_ =	swait.ge [sflag:s29], $0x1400  }
0x7b: {  	[sflag:s29] =	ssyncset.done $0x0  }
0x7c: {  	[sflag:s29] =	ssyncadd.s32 $0xFFFFEC00  }
0x7d: {  	_ =	swait.ge [sflag:s29], $0x1400  }
0x7e: {  	[sflag:s29] =	ssyncset.done $0x0  }
0x7f: {  	[sflag:s29] =	ssyncadd.s32 $0xFFFFEC00  }
0x80: {  	_ =	swait.ge [sflag:s29], $0x1400  }
0x81: {  	[sflag:s29] =	ssyncset.done $0x0  }
0x82: {  	[sflag:s29] =	ssyncadd.s32 $0xFFFFEC00  }
0x83: {  	_ =	swait.ge [sflag:s29], $0x1400  }
0x84: {  	[sflag:s29] =	ssyncset.done $0x0  }
0x85: {  	s21 =	simm.s32 $0xC710;
	[sflag:s29] =	ssyncadd.s32 $0xFFFFEC00  }
0x86: {  	[spmem:s2] =	stream.indirect.scatter.add.f32 [tilespmem:s23], [sflag:$0x2], $0x40, s21, s22, $0xb8;
	[tilespmem:$0x17770] =	vst v63  }
0x87: {  	_ =	swait.ge [sflag:s18], $0x1400  }
0x88: {  	[sflag:s18] =	ssyncset.done $0x0  }
0x89: {  	[sflag:s18] =	ssyncadd.s32 $0xFFFFEC00  }
0x8a: {  	[spmem:s3] =	stream.indirect.scatter.add.f32 [tilespmem:s30], [sflag:$0x2], $0x1, s21, s22, $0xb8;
	[tilespmem:$0x17770] =	vst v63  }
0x8b: {  	_ =	swait.ge [sflag:s18], $0x50  }
0x8c: {  	[sflag:s18] =	ssyncset.done $0x0  }
0x8d: {  	s1 =	simm.s32 $0xC760;
	[sflag:s18] =	ssyncadd.s32 $0xFFFFFFB0  }
0x8e: {  	[spmem:s2] =	stream.indirect.scatter.add.f32 [tilespmem:s24], [sflag:$0x2], $0x40, s1, s22, $0xb8;
	[tilespmem:$0x17770] =	vst v63  }
0x8f: {  	_ =	swait.ge [sflag:s18], $0x1400  }
0x90: {  	[sflag:s18] =	ssyncset.done $0x0  }
0x91: {  	[sflag:s18] =	ssyncadd.s32 $0xFFFFEC00  }
0x92: {  	[spmem:s3] =	stream.indirect.scatter.add.f32 [tilespmem:s30], [sflag:$0x2], $0x1, s1, s22, $0xb8;
	[tilespmem:$0x17770] =	vst v63  }
0x93: {  	_ =	swait.ge [sflag:s18], $0x50  }
0x94: {  	[sflag:s18] =	ssyncset.done $0x0  }
0x95: {  	s19 =	simm.s32 $0xC7B0;
	[sflag:s18] =	ssyncadd.s32 $0xFFFFFFB0  }
0x96: {  	[spmem:s2] =	stream.indirect.scatter.add.f32 [tilespmem:s25], [sflag:$0x2], $0x40, s19, s22, $0xb8;
	[tilespmem:$0x17770] =	vst v63  }
0x97: {  	_ =	swait.ge [sflag:s18], $0x1400  }
0x98: {  	[sflag:s18] =	ssyncset.done $0x0  }
0x99: {  	[sflag:s18] =	ssyncadd.s32 $0xFFFFEC00  }
0x9a: {  	[spmem:s3] =	stream.indirect.scatter.add.f32 [tilespmem:s30], [sflag:$0x2], $0x1, s19, s22, $0xb8;
	[tilespmem:$0x17770] =	vst v63  }
0x9b: {  	_ =	swait.ge [sflag:s18], $0x50  }
0x9c: {  	[sflag:s18] =	ssyncset.done $0x0  }
0x9d: {  	s20 =	simm.s32 $0xC800;
	[sflag:s18] =	ssyncadd.s32 $0xFFFFFFB0  }
0x9e: {  	[spmem:s2] =	stream.indirect.scatter.add.f32 [tilespmem:s26], [sflag:$0x2], $0x40, s20, s22, $0xb8;
	[tilespmem:$0x17770] =	vst v63  }
0x9f: {  	_ =	swait.ge [sflag:s18], $0x1400  }
0xa0: {  	[sflag:s18] =	ssyncset.done $0x0  }
0xa1: {  	[sflag:s18] =	ssyncadd.s32 $0xFFFFEC00  }
0xa2: {  	[spmem:s3] =	stream.indirect.scatter.add.f32 [tilespmem:s30], [sflag:$0x2], $0x1, s20, s22, $0xb8;
	[tilespmem:$0x17770] =	vst v63  }
0xa3: {  	_ =	swait.ge [sflag:s18], $0x50  }
0xa4: {  	[sflag:s18] =	ssyncset.done $0x0  }
0xa5: {  	s21 =	simm.s32 $0xC850;
	[sflag:s18] =	ssyncadd.s32 $0xFFFFFFB0  }
0xa6: {  	[spmem:s2] =	stream.indirect.scatter.add.f32 [tilespmem:s28], [sflag:$0x2], $0x40, s21, s22, $0xb8;
	[tilespmem:$0x17770] =	vst v63  }
0xa7: {  	_ =	swait.ge [sflag:s18], $0x1400  }
0xa8: {  	[sflag:s18] =	ssyncset.done $0x0  }
0xa9: {  	[sflag:s18] =	ssyncadd.s32 $0xFFFFEC00  }
0xaa: {  	[spmem:s3] =	stream.indirect.scatter.add.f32 [tilespmem:s30], [sflag:$0x2], $0x1, s21, s22, $0xb8;
	[tilespmem:$0x17770] =	vst v63  }
0xab: {  	_ =	swait.ge [sflag:s18], $0x50  }
0xac: {  	s0 =	simm.s32 $0x190;
	s19 =	simm.s32 $0xC80;
	[sflag:s18] =	ssyncset.done $0x0  }
.LBB2_4:
0xad: {  	s1 =	sadd.s32 $0xA000, s0  }
0xae: {  	[sflag:s18] =	ssyncadd.s32 $0xFFFFFFB0;
	s20 =	smov.u32 s19;
	s21 =	sadd.s32 $0x640, s19  }
0xaf: {  	[tilespmem:s23], [sflag:$0x1] =	stream.indirect.gather [hbm4b:s5+s22], $0x40, s1, s22, $0xb8;
	[tilespmem:$0x17770] =	vst v63  }
0xb0: {  	p0 =	sne.s32 s19, $0x9600;
	s1 =	sadd.s32 $0xA050, s0  }
0xb1: {  	[tilespmem:s24], [sflag:$0x1] =	stream.indirect.gather [hbm4b:s5+s22], $0x40, s1, s22, $0xb8;
	[tilespmem:$0x17770] =	vst v63  }
0xb2: {  	s1 =	sadd.s32 $0xA0A0, s0  }
0xb3: {  	[tilespmem:s25], [sflag:$0x1] =	stream.indirect.gather [hbm4b:s5+s22], $0x40, s1, s22, $0xb8;
	[tilespmem:$0x17770] =	vst v63  }
0xb4: {  	s1 =	sadd.s32 $0xA0F0, s0  }
0xb5: {  	[tilespmem:s26], [sflag:$0x1] =	stream.indirect.gather [hbm4b:s5+s22], $0x40, s1, s22, $0xb8;
	[tilespmem:$0x17770] =	vst v63  }
0xb6: {  	s1 =	sadd.s32 $0xA140, s0  }
0xb7: {  	[tilespmem:s28], [sflag:$0x1] =	stream.indirect.gather [hbm4b:s5+s22], $0x40, s1, s22, $0xb8;
	[tilespmem:$0x17770] =	vst v63  }
0xb8: {  	_ =	swait.ge [sflag:s29], $0x1400  }
0xb9: {  	[sflag:s29] =	ssyncset.done $0x0  }
0xba: {  	[sflag:s29] =	ssyncadd.s32 $0xFFFFEC00  }
0xbb: {  	_ =	swait.ge [sflag:s29], $0x1400  }
0xbc: {  	[sflag:s29] =	ssyncset.done $0x0  }
0xbd: {  	[sflag:s29] =	ssyncadd.s32 $0xFFFFEC00  }
0xbe: {  	_ =	swait.ge [sflag:s29], $0x1400  }
0xbf: {  	[sflag:s29] =	ssyncset.done $0x0  }
0xc0: {  	[sflag:s29] =	ssyncadd.s32 $0xFFFFEC00  }
0xc1: {  	_ =	swait.ge [sflag:s29], $0x1400  }
0xc2: {  	[sflag:s29] =	ssyncset.done $0x0  }
0xc3: {  	[sflag:s29] =	ssyncadd.s32 $0xFFFFEC00  }
0xc4: {  	_ =	swait.ge [sflag:s29], $0x1400  }
0xc5: {  	[sflag:s29] =	ssyncset.done $0x0  }
0xc6: {  	s1 =	sadd.s32 $0xC710, s0;
	[sflag:s29] =	ssyncadd.s32 $0xFFFFEC00  }
0xc7: {  	[spmem:s2] =	stream.indirect.scatter.add.f32 [tilespmem:s23], [sflag:$0x2], $0x40, s1, s22, $0xb8;
	[tilespmem:$0x17770] =	vst v63  }
0xc8: {  	_ =	swait.ge [sflag:s18], $0x1400  }
0xc9: {  	[sflag:s18] =	ssyncset.done $0x0  }
0xca: {  	[sflag:s18] =	ssyncadd.s32 $0xFFFFEC00  }
0xcb: {  	[spmem:s3] =	stream.indirect.scatter.add.f32 [tilespmem:s30], [sflag:$0x2], $0x1, s1, s22, $0xb8;
	[tilespmem:$0x17770] =	vst v63  }
0xcc: {  	_ =	swait.ge [sflag:s18], $0x50  }
0xcd: {  	[sflag:s18] =	ssyncset.done $0x0  }
0xce: {  	s1 =	sadd.s32 $0xC760, s0;
	[sflag:s18] =	ssyncadd.s32 $0xFFFFFFB0  }
0xcf: {  	[spmem:s2] =	stream.indirect.scatter.add.f32 [tilespmem:s24], [sflag:$0x2], $0x40, s1, s22, $0xb8;
	[tilespmem:$0x17770] =	vst v63  }
0xd0: {  	_ =	swait.ge [sflag:s18], $0x1400  }
0xd1: {  	[sflag:s18] =	ssyncset.done $0x0  }
0xd2: {  	[sflag:s18] =	ssyncadd.s32 $0xFFFFEC00  }
0xd3: {  	[spmem:s3] =	stream.indirect.scatter.add.f32 [tilespmem:s30], [sflag:$0x2], $0x1, s1, s22, $0xb8;
	[tilespmem:$0x17770] =	vst v63  }
0xd4: {  	_ =	swait.ge [sflag:s18], $0x50  }
0xd5: {  	[sflag:s18] =	ssyncset.done $0x0  }
0xd6: {  	s1 =	sadd.s32 $0xC7B0, s0;
	[sflag:s18] =	ssyncadd.s32 $0xFFFFFFB0  }
0xd7: {  	[spmem:s2] =	stream.indirect.scatter.add.f32 [tilespmem:s25], [sflag:$0x2], $0x40, s1, s22, $0xb8;
	[tilespmem:$0x17770] =	vst v63  }
0xd8: {  	_ =	swait.ge [sflag:s18], $0x1400  }
0xd9: {  	[sflag:s18] =	ssyncset.done $0x0  }
0xda: {  	[sflag:s18] =	ssyncadd.s32 $0xFFFFEC00  }
0xdb: {  	[spmem:s3] =	stream.indirect.scatter.add.f32 [tilespmem:s30], [sflag:$0x2], $0x1, s1, s22, $0xb8;
	[tilespmem:$0x17770] =	vst v63  }
0xdc: {  	_ =	swait.ge [sflag:s18], $0x50  }
0xdd: {  	[sflag:s18] =	ssyncset.done $0x0  }
0xde: {  	s1 =	sadd.s32 $0xC800, s0;
	[sflag:s18] =	ssyncadd.s32 $0xFFFFFFB0  }
0xdf: {  	[spmem:s2] =	stream.indirect.scatter.add.f32 [tilespmem:s26], [sflag:$0x2], $0x40, s1, s22, $0xb8;
	[tilespmem:$0x17770] =	vst v63  }
0xe0: {  	_ =	swait.ge [sflag:s18], $0x1400  }
0xe1: {  	[sflag:s18] =	ssyncset.done $0x0  }
0xe2: {  	[sflag:s18] =	ssyncadd.s32 $0xFFFFEC00  }
0xe3: {  	[spmem:s3] =	stream.indirect.scatter.add.f32 [tilespmem:s30], [sflag:$0x2], $0x1, s1, s22, $0xb8;
	[tilespmem:$0x17770] =	vst v63  }
0xe4: {  	_ =	swait.ge [sflag:s18], $0x50  }
0xe5: {  	[sflag:s18] =	ssyncset.done $0x0  }
0xe6: {  	s0 =	sadd.s32 $0xC850, s0;
	[sflag:s18] =	ssyncadd.s32 $0xFFFFFFB0  }
0xe7: {  	[spmem:s2] =	stream.indirect.scatter.add.f32 [tilespmem:s28], [sflag:$0x2], $0x40, s0, s22, $0xb8;
	[tilespmem:$0x17770] =	vst v63  }
0xe8: {  	_ =	swait.ge [sflag:s18], $0x1400  }
.Ltmp1:
0xe9: {  	[sflag:s18] =	ssyncset.done $0x0;
	(pc) =	sbr.rel @p0 .LBB2_4-.Ltmp1, $4  }
0xea: {  	[sflag:s18] =	ssyncadd.s32 $0xFFFFEC00  }
0xeb: {  	[spmem:s3] =	stream.indirect.scatter.add.f32 [tilespmem:s30], [sflag:$0x2], $0x1, s0, s22, $0xb8;
	[tilespmem:$0x17770] =	vst v63  }
0xec: {  	_ =	swait.ge [sflag:s18], $0x50  }
0xed: {  	s19 =	smov.u32 s21;
	s0 =	sshra.s32 s20, $0x2;
	[sflag:s18] =	ssyncset.done $0x0  }
0xee: {  	s1 =	sadd.s32 $0xA000, s0;
	[sflag:s18] =	ssyncadd.s32 $0xFFFFFFB0  }
0xef: {  	[tilespmem:s23], [sflag:$0x1] =	stream.indirect.gather [hbm4b:s5+s22], $0x40, s1, s22, $0xb8;
	[tilespmem:$0x17770] =	vst v63  }
0xf0: {  	s20 =	sadd.s32 $0xA050, s0  }
0xf1: {  	[tilespmem:s24], [sflag:$0x1] =	stream.indirect.gather [hbm4b:s5+s22], $0x40, s20, s22, $0xb8;
	[tilespmem:$0x17770] =	vst v63  }
0xf2: {  	s21 =	sadd.s32 $0xA0A0, s0  }
0xf3: {  	[tilespmem:s25], [sflag:$0x1] =	stream.indirect.gather [hbm4b:s5+s22], $0x40, s21, s22, $0xb8;
	[tilespmem:$0x17770] =	vst v63  }
0xf4: {  	s19 =	sadd.s32 $0xA0F0, s0  }
0xf5: {  	[tilespmem:s26], [sflag:$0x1] =	stream.indirect.gather [hbm4b:s5+s22], $0x40, s19, s22, $0xb8;
	[tilespmem:$0x17770] =	vst v63  }
0xf6: {  	s20 =	sadd.s32 $0xA140, s0  }
0xf7: {  	[tilespmem:s28], [sflag:$0x1] =	stream.indirect.gather [hbm4b:s5+s22], $0x40, s20, s22, $0xb8;
	[tilespmem:$0x17770] =	vst v63  }
0xf8: {  	_ =	swait.ge [sflag:s29], $0x1400  }
0xf9: {  	[sflag:s29] =	ssyncset.done $0x0  }
0xfa: {  	[sflag:s29] =	ssyncadd.s32 $0xFFFFEC00  }
0xfb: {  	_ =	swait.ge [sflag:s29], $0x1400  }
0xfc: {  	[sflag:s29] =	ssyncset.done $0x0  }
0xfd: {  	[sflag:s29] =	ssyncadd.s32 $0xFFFFEC00  }
0xfe: {  	_ =	swait.ge [sflag:s29], $0x1400  }
0xff: {  	[sflag:s29] =	ssyncset.done $0x0  }
0x100: {  	[sflag:s29] =	ssyncadd.s32 $0xFFFFEC00  }
0x101: {  	_ =	swait.ge [sflag:s29], $0x1400  }
0x102: {  	[sflag:s29] =	ssyncset.done $0x0  }
0x103: {  	[sflag:s29] =	ssyncadd.s32 $0xFFFFEC00  }
0x104: {  	_ =	swait.ge [sflag:s29], $0x1400  }
0x105: {  	[sflag:s29] =	ssyncset.done $0x0  }
0x106: {  	s21 =	sadd.s32 $0xC710, s0;
	[sflag:s29] =	ssyncadd.s32 $0xFFFFEC00  }
0x107: {  	[spmem:s2] =	stream.indirect.scatter.add.f32 [tilespmem:s23], [sflag:$0x2], $0x40, s21, s22, $0xb8;
	[tilespmem:$0x17770] =	vst v63  }
0x108: {  	_ =	swait.ge [sflag:s18], $0x1400  }
0x109: {  	[sflag:s18] =	ssyncset.done $0x0  }
0x10a: {  	[sflag:s18] =	ssyncadd.s32 $0xFFFFEC00  }
0x10b: {  	[spmem:s3] =	stream.indirect.scatter.add.f32 [tilespmem:s30], [sflag:$0x2], $0x1, s21, s22, $0xb8;
	[tilespmem:$0x17770] =	vst v63  }
0x10c: {  	_ =	swait.ge [sflag:s18], $0x50  }
0x10d: {  	[sflag:s18] =	ssyncset.done $0x0  }
0x10e: {  	s19 =	sadd.s32 $0xC760, s0;
	[sflag:s18] =	ssyncadd.s32 $0xFFFFFFB0  }
0x10f: {  	[spmem:s2] =	stream.indirect.scatter.add.f32 [tilespmem:s24], [sflag:$0x2], $0x40, s19, s22, $0xb8;
	[tilespmem:$0x17770] =	vst v63  }
0x110: {  	_ =	swait.ge [sflag:s18], $0x1400  }
0x111: {  	[sflag:s18] =	ssyncset.done $0x0  }
0x112: {  	[sflag:s18] =	ssyncadd.s32 $0xFFFFEC00  }
0x113: {  	[spmem:s3] =	stream.indirect.scatter.add.f32 [tilespmem:s30], [sflag:$0x2], $0x1, s19, s22, $0xb8;
	[tilespmem:$0x17770] =	vst v63  }
0x114: {  	_ =	swait.ge [sflag:s18], $0x50  }
0x115: {  	[sflag:s18] =	ssyncset.done $0x0  }
0x116: {  	s20 =	sadd.s32 $0xC7B0, s0;
	[sflag:s18] =	ssyncadd.s32 $0xFFFFFFB0  }
0x117: {  	[spmem:s2] =	stream.indirect.scatter.add.f32 [tilespmem:s25], [sflag:$0x2], $0x40, s20, s22, $0xb8;
	[tilespmem:$0x17770] =	vst v63  }
0x118: {  	_ =	swait.ge [sflag:s18], $0x1400  }
0x119: {  	[sflag:s18] =	ssyncset.done $0x0  }
0x11a: {  	[sflag:s18] =	ssyncadd.s32 $0xFFFFEC00  }
0x11b: {  	[spmem:s3] =	stream.indirect.scatter.add.f32 [tilespmem:s30], [sflag:$0x2], $0x1, s20, s22, $0xb8;
	[tilespmem:$0x17770] =	vst v63  }
0x11c: {  	_ =	swait.ge [sflag:s18], $0x50  }
0x11d: {  	[sflag:s18] =	ssyncset.done $0x0  }
0x11e: {  	s21 =	sadd.s32 $0xC800, s0;
	[sflag:s18] =	ssyncadd.s32 $0xFFFFFFB0  }
0x11f: {  	[spmem:s2] =	stream.indirect.scatter.add.f32 [tilespmem:s26], [sflag:$0x2], $0x40, s21, s22, $0xb8;
	[tilespmem:$0x17770] =	vst v63  }
0x120: {  	_ =	swait.ge [sflag:s18], $0x1400  }
0x121: {  	[sflag:s18] =	ssyncset.done $0x0  }
0x122: {  	[sflag:s18] =	ssyncadd.s32 $0xFFFFEC00  }
0x123: {  	[spmem:s3] =	stream.indirect.scatter.add.f32 [tilespmem:s30], [sflag:$0x2], $0x1, s21, s22, $0xb8;
	[tilespmem:$0x17770] =	vst v63  }
0x124: {  	_ =	swait.ge [sflag:s18], $0x50  }
0x125: {  	[sflag:s18] =	ssyncset.done $0x0  }
0x126: {  	s1 =	sadd.s32 $0xC850, s0;
	[sflag:s18] =	ssyncadd.s32 $0xFFFFFFB0  }
0x127: {  	[spmem:s2] =	stream.indirect.scatter.add.f32 [tilespmem:s28], [sflag:$0x2], $0x40, s1, s22, $0xb8;
	[tilespmem:$0x17770] =	vst v63  }
0x128: {  	_ =	swait.ge [sflag:s18], $0x1400  }
0x129: {  	[sflag:s18] =	ssyncset.done $0x0  }
0x12a: {  	[sflag:s18] =	ssyncadd.s32 $0xFFFFEC00  }
0x12b: {  	[spmem:s3] =	stream.indirect.scatter.add.f32 [tilespmem:s30], [sflag:$0x2], $0x1, s1, s22, $0xb8;
	[tilespmem:$0x17770] =	vst v63  }
0x12c: {  	_ =	swait.ge [sflag:s18], $0x50  }
0x12d: {  	s19 =	stileid.u32;
	[sflag:s18] =	ssyncset.done $0x0  }
0x12e: {  	s0 =	sshll.u32 s19, $0x6;
	[sflag:s18] =	ssyncadd.s32 $0xFFFFFFB0  }
0x12f: {  	s0 =	sor.u32 $0x1C02, s0;
	s20 =	sshrl.u32 s6, $0x3;
	[bflag:$0x0] =	sbarrier.arrive $0xFFFF  }
0x130: {  	[hbm:s14], [sflag:s0] =	dma.local [spmem:s20], $0x1400  }
0x131: {  	s31 =	sadd.s32 $0x1, s31;
	_ =	swait.ge [sflag:s18], $0x1400  }
0x132: {  	p0 =	sne.s32 s31, s16;
	[sflag:s18] =	ssyncset.done $0x0  }
.Ltmp2:
0x133: {  	s21 =	sshrl.u32 s11, $0x3;
	[sflag:s18] =	ssyncadd.s32 $0xFFFFEC00;
	(pc) =	sbr.rel @p0 .LBB2_1-.Ltmp2, $4  }
0x134: {  	[hbm:s15], [sflag:s0] =	dma.local [spmem:s21], $0x50  }
0x135: {  	_ =	swait.ge [sflag:s18], $0x50  }
0x136: {  	[sflag:s18] =	ssyncset.done $0x0  }
0x137: {  	[sflag:s18] =	ssyncadd.s32 $0xFFFFFFB0  }
0x138: {  	_ =	sfence.sel $0x180000  }
0x139: {  	[bflag:$0x0] =	sbarrier.arrive $0xFFFF  }
0x13a: {  	_ =	strace $0x9000004A  }
0x13b: {  	s0 =	stileid.u32;
	[bflag:$0x2] =	sbarrier.arrive $0xFFFF  }
0x13c: {  	p0 =	sne.s32 s0, $0x0;
	s0 =	rddreg [dreg:$0x4]  }
0x13d: {  	s0 =	sadd.s32 @!p0 $0x100000, s0  }
0x13e: {  	[sflag:s0] =	ssyncadd.tile.s32 @!p0 $0x1;
	_ =	shalt  }
.Lfunc_end2:
_tile_overlayer_lowered:
.L_overlay_start_2:
0x13f: {  	(tag) =	ssettag $0x2  }
0x140: {  	s0 =	rddreg [dreg:$0x0];
	s2 =	stileid.u32  }
0x141: {  	s1 =	rddreg [dreg:$0x1];
	p0 =	sne.s32 s2, $0x0  }
0x142: {  	s3 =	rddreg [dreg:$0x2];
	[bflag:$0x3] =	sbarrier.arrive $0xFFFF;
	s2 =	simm.s32 @!p0 $0x1C02  }
0x143: {  	[timem:s3], [sflag:s2] =	dma.local @!p0 [hbm:s0], s1  }
0x144: {  	s0 =	simm.s32 @!p0 $0x2  }
0x145: {  	_ =	swait.ge @!p0 [sflag:s0], s1  }
0x146: {  	s1 =	ssub.s32 @!p0 $0x0, s1;
	[sflag:s0] =	ssyncset.done @!p0 $0x0  }
0x147: {  	[sflag:s0] =	ssyncadd.s32 @!p0 s1  }
0x148: {  	[bflag:$0x3] =	sbarrier.arrive $0xFFFF  }
0x149: {  	_ =	shalt  }

</sc_bundles>
